<compile_context>
chip_gen: v7x
topology: tpu7x:2x2x1
jax: 0.10.2.dev20260603
libtpu: 0.0.44.dev20260713+nightly
codegen_flags: <defaults>
</compile_context>

<pallas_src>
import functools

import jax
import jax.numpy as jnp
from jax import lax
from jax.experimental import pallas as pl
from jax.experimental.pallas import tpu as pltpu
from jax.experimental.pallas import tpu_sc as plsc

_N = 10000
_E = 320000
_EW = 80
_NCH = _E // _EW
_NT = 16
_NC = 2
_RT = 624
_TAIL0 = _N - _NT * _RT
_HALF = _NCH // 2
_PT_ALL = _NCH // _NT
_PT_HALF = _HALF // _NT


@functools.cache
def _mesh():
  return plsc.VectorSubcoreMesh(core_axis_name="c", subcore_axis_name="s",
                                num_cores=_NC, num_subcores=_NT)


def _fill_rows(ref, nrows, value):
  v16 = jnp.full((16,), value, jnp.float32)

  def row(j, _):
    for k in range(8):
      ref[j, pl.ds(k * 16, 16)] = v16
    return 0

  lax.fori_loop(0, nrows, row, 0)


def _zero_acc(buf, acc_s, base, sid):
  _fill_rows(buf, 24, 0.0)

  def zrow(i, _):
    pltpu.sync_copy(buf, acc_s.at[pl.ds(base + i * 24, 24)])
    return 0

  lax.fori_loop(0, _RT // 24, zrow, 0)
  pl.when(sid == 0)(lambda: pltpu.sync_copy(
      buf.at[pl.ds(0, _TAIL0)], acc_s.at[pl.ds(_NT * _RT, _TAIL0)]))


def _flush_acc(buf, acc_s, out_o, base, cid, sid):
  def flush(core):
    def orow(i, _):
      r0 = base + i * 24
      pltpu.sync_copy(acc_s.at[pl.ds(r0, 24)], buf)
      pltpu.sync_copy(buf, out_o.at[core].at[pl.ds(r0, 24)])
      return 0

    lax.fori_loop(0, _RT // 24, orow, 0)

    def tail():
      r0 = _NT * _RT
      pltpu.sync_copy(acc_s.at[pl.ds(r0, _TAIL0)], buf.at[pl.ds(0, _TAIL0)])
      pltpu.sync_copy(buf.at[pl.ds(0, _TAIL0)], out_o.at[core].at[pl.ds(r0, _TAIL0)])

    pl.when(sid == 0)(tail)
    return None

  pl.when(cid == 0)(lambda: flush(0))
  pl.when(cid == 1)(lambda: flush(1))


def _sc_ones_body(dst_h, out_o, didx0, didx1, vals, buf, semo0, semo1, acc_s):
  cid = lax.axis_index("c")
  sid = lax.axis_index("s")
  base = sid * _RT
  wid = cid * _NT + sid

  _zero_acc(buf, acc_s, base, sid)
  _fill_rows(vals, _EW, 1.0)
  plsc.subcore_barrier()

  didx2 = (didx0, didx1)
  sems = (semo0, semo1)

  def ag(b, c):
    pltpu.async_copy(dst_h.at[pl.ds((wid * _PT_HALF + c) * _EW, _EW)],
                     didx2[b], sems[b])

  def drain(b, c):
    pltpu.make_async_copy(dst_h.at[pl.ds((wid * _PT_HALF + c) * _EW, _EW)],
                          didx2[b], sems[b]).wait()
    pltpu.sync_copy(vals, acc_s.at[didx2[b]], add=True)

  ag(0, 0)
  nloop = (_PT_HALF - 1) // 2

  def it(i2, _):
    c0 = 2 * i2
    ag(1, c0 + 1)
    drain(0, c0)
    ag(0, c0 + 2)
    drain(1, c0 + 1)
    return 0

  lax.fori_loop(0, nloop, it, 0)
  drain(0, _PT_HALF - 1)
  plsc.subcore_barrier()
  _flush_acc(buf, acc_s, out_o, base, cid, sid)


def _pipelined_edges(nchunks, gidx_v, oidx_h, och0, oidx2, gtab, vals2, sems,
                     acc_s):
  sems_g, sems_o = sems

  def ag(b, c):
    pltpu.async_copy(oidx_h.at[pl.ds((och0 + c) * _EW, _EW)], oidx2[b],
                     sems_o[b])
    pltpu.async_copy(gtab.at[gidx_v.at[pl.ds(c * _EW, _EW)]],
                     vals2[b], sems_g[b])

  def drain(b, c):
    pltpu.make_async_copy(oidx_h.at[pl.ds((och0 + c) * _EW, _EW)], oidx2[b],
                          sems_o[b]).wait()
    pltpu.make_async_copy(gtab.at[gidx_v.at[pl.ds(c * _EW, _EW)]],
                          vals2[b], sems_g[b]).wait()
    pltpu.sync_copy(vals2[b], acc_s.at[oidx2[b]], add=True)

  ag(0, 0)
  nloop = (nchunks - 1) // 2

  def it(i2, _):
    c0 = 2 * i2
    ag(1, c0 + 1)
    drain(0, c0)
    ag(0, c0 + 2)
    drain(1, c0 + 1)
    return 0

  lax.fori_loop(0, nloop, it, 0)
  if nchunks % 2 == 1:
    drain(0, nchunks - 1)
  else:
    ag(1, nchunks - 1)
    drain(0, nchunks - 2)
    drain(1, nchunks - 1)


_EPT = _PT_HALF * _EW


def _sc_agg_split_body(src_h, dst_h, tab, dep_h, out_o,
                       gidx_v, oidx0, oidx1, vals0, vals1, buf,
                       semg0, semg1, semo0, semo1, acc_s):
  del dep_h
  cid = lax.axis_index("c")
  sid = lax.axis_index("s")
  base = sid * _RT
  wid = cid * _NT + sid

  _zero_acc(buf, acc_s, base, sid)
  pltpu.sync_copy(src_h.at[pl.ds(wid * _EPT, _EPT)], gidx_v)
  plsc.subcore_barrier()

  _pipelined_edges(_PT_HALF, gidx_v, dst_h, wid * _PT_HALF, (oidx0, oidx1),
                   tab, (vals0, vals1),
                   ((semg0, semg1), (semo0, semo1)), acc_s)
  plsc.subcore_barrier()
  _flush_acc(buf, acc_s, out_o, base, cid, sid)


def _sc_agg_cols_body(src_h, dst_h, tabl, tabr, dep_h, out_o,
                      gidx_v, oidx0, oidx1, vals0, vals1, buf,
                      semg0, semg1, semo0, semo1, acc_s):
  del dep_h
  cid = lax.axis_index("c")
  sid = lax.axis_index("s")
  base = sid * _RT

  _zero_acc(buf, acc_s, base, sid)
  pltpu.sync_copy(src_h.at[pl.ds(sid * 2 * _EPT, 2 * _EPT)], gidx_v)
  plsc.subcore_barrier()

  def run(tab):
    _pipelined_edges(_PT_ALL, gidx_v, dst_h, sid * _PT_ALL, (oidx0, oidx1),
                     tab, (vals0, vals1),
                     ((semg0, semg1), (semo0, semo1)), acc_s)
    return None

  pl.when(cid == 0)(lambda: run(tabl))
  pl.when(cid == 1)(lambda: run(tabr))
  plsc.subcore_barrier()
  _flush_acc(buf, acc_s, out_o, base, cid, sid)


def _sc_s_body(src_h, dst_h, invt, dep_h, out_o,
               gidx_v, oidx0, oidx1, vals0, vals1, buf,
               semg0, semg1, semo0, semo1, acc_s):
  del dep_h
  cid = lax.axis_index("c")
  sid = lax.axis_index("s")
  base = sid * _RT
  wid = cid * _NT + sid

  _zero_acc(buf, acc_s, base, sid)
  pltpu.sync_copy(dst_h.at[pl.ds(wid * _EPT, _EPT)], gidx_v)
  plsc.subcore_barrier()

  _pipelined_edges(_PT_HALF, gidx_v, src_h, wid * _PT_HALF, (oidx0, oidx1),
                   invt, (vals0, vals1),
                   ((semg0, semg1), (semo0, semo1)), acc_s)
  plsc.subcore_barrier()
  _flush_acc(buf, acc_s, out_o, base, cid, sid)


_SC_OUT = [jax.ShapeDtypeStruct((_NC, _N, 128), jnp.float32)]


def _pipe_scratch(nidx):
  return [
      pltpu.VMEM((nidx * _EW,), jnp.int32),
      pltpu.VMEM((_EW,), jnp.int32),
      pltpu.VMEM((_EW,), jnp.int32),
      pltpu.VMEM((_EW, 128), jnp.float32),
      pltpu.VMEM((_EW, 128), jnp.float32),
      pltpu.VMEM((24, 128), jnp.float32),
      pltpu.SemaphoreType.DMA,
      pltpu.SemaphoreType.DMA,
      pltpu.SemaphoreType.DMA,
      pltpu.SemaphoreType.DMA,
  ]


_SC_SCRATCH_IDX1 = [
    pltpu.VMEM((_EW,), jnp.int32),
    pltpu.VMEM((_EW,), jnp.int32),
    pltpu.VMEM((_EW, 128), jnp.float32),
    pltpu.VMEM((24, 128), jnp.float32),
    pltpu.SemaphoreType.DMA,
    pltpu.SemaphoreType.DMA,
]


@functools.cache
def _sc_kernels():
  shared = [pltpu.VMEM_SHARED((_N, 128), jnp.float32)]
  ones = pl.kernel(_sc_ones_body, out_type=_SC_OUT, mesh=_mesh(),
                   scratch_types=_SC_SCRATCH_IDX1 + shared)
  agg_split = pl.kernel(_sc_agg_split_body, out_type=_SC_OUT, mesh=_mesh(),
                        scratch_types=_pipe_scratch(_PT_HALF) + shared)
  agg_cols = pl.kernel(_sc_agg_cols_body, out_type=_SC_OUT, mesh=_mesh(),
                       scratch_types=_pipe_scratch(_PT_ALL) + shared)
  s_pass = pl.kernel(_sc_s_body, out_type=_SC_OUT, mesh=_mesh(),
                     scratch_types=_pipe_scratch(_PT_HALF) + shared)
  return ones, agg_split, agg_cols, s_pass


_R = 400
_G = _N // _R


def _elu(y):
  return jnp.where(y > 0.0, y, jnp.exp(jnp.minimum(y, 0.0)) - 1.0)


def _layer_norm(y, g, b):
  m = jnp.mean(y, axis=-1, keepdims=True)
  v = jnp.mean((y - m) * (y - m), axis=-1, keepdims=True)
  return (y - m) / jnp.sqrt(v + 1e-5) * g + b


def _t0_body(cnt, inv_o):
  inv_o[...] = 1.0 / (cnt[0] + cnt[1] + 1e-8)


def _t1_body(x, agg, inv128, w1t, b1, g1, be1, h1l_o, h1r_o):
  inv = inv128[:, 0:1]
  a = (agg[0] + agg[1]) * inv
  y = jnp.dot(x[...] + a, w1t[...], preferred_element_type=jnp.float32) + b1[...]
  h = _elu(_layer_norm(y, g1[...], be1[...]))
  h1l_o[...] = h[:, :128]
  h1r_o[...] = h[:, 128:]


def _t2_body(h1l, h1r, agg, inv128, s128, w2t, b2, g2, be2, tp_o):
  inv = inv128[:, 0:1]
  h1 = jnp.concatenate([h1l[...], h1r[...]], axis=1)
  a = jnp.concatenate([agg[0], agg[1]], axis=1) * inv
  y = jnp.dot(h1 + a, w2t[...], preferred_element_type=jnp.float32) + b2[...]
  h2 = _elu(_layer_norm(y, g2[...], be2[...]))
  w = (1.0 + s128[0, :, 0] + s128[1, :, 0]) * (1.0 / _N)
  tp_o[...] = jnp.sum(h2 * w[:, None], axis=0)[None, None, :]


def _t3_body(tp, w3t, b3, wm1at, wm1bt, bm1, wm2t, bm2, out_o):
  t = jnp.sum(tp[...][:, 0, :], axis=0, keepdims=True)
  g = jnp.dot(t, w3t[...], preferred_element_type=jnp.float32) + b3[...]
  z = jnp.maximum(
      jnp.dot(g, wm1at[...], preferred_element_type=jnp.float32)
      + jnp.dot(g, wm1bt[...], preferred_element_type=jnp.float32)
      + bm1[...], 0.0)
  out_o[...] = jnp.dot(z, wm2t[...], preferred_element_type=jnp.float32) + bm2[...]


_tc0 = pl.pallas_call(
    _t0_body,
    grid=(_G,),
    in_specs=[pl.BlockSpec((_NC, _R, 128), lambda i: (0, i, 0))],
    out_specs=pl.BlockSpec((_R, 128), lambda i: (i, 0)),
    out_shape=jax.ShapeDtypeStruct((_N, 128), jnp.float32),
)

_tc1_in_specs = [
    pl.BlockSpec((_R, 128), lambda i: (i, 0)),
    pl.BlockSpec((_NC, _R, 128), lambda i: (0, i, 0)),
    pl.BlockSpec((_R, 128), lambda i: (i, 0)),
    pl.BlockSpec((128, 256), lambda i: (0, 0)),
    pl.BlockSpec((1, 256), lambda i: (0, 0)),
    pl.BlockSpec((1, 256), lambda i: (0, 0)),
    pl.BlockSpec((1, 256), lambda i: (0, 0)),
]
_tc1_out_specs = [
    pl.BlockSpec((_R, 128), lambda i: (i, 0)),
    pl.BlockSpec((_R, 128), lambda i: (i, 0)),
]

_tc1 = pl.pallas_call(
    _t1_body,
    grid=(_G,),
    in_specs=_tc1_in_specs,
    out_specs=_tc1_out_specs,
    out_shape=[jax.ShapeDtypeStruct((_N, 128), jnp.float32)] * 2,
)

_tc2_in_specs = [
    pl.BlockSpec((_R, 128), lambda i: (i, 0)),
    pl.BlockSpec((_R, 128), lambda i: (i, 0)),
    pl.BlockSpec((_NC, _R, 128), lambda i: (0, i, 0)),
    pl.BlockSpec((_R, 128), lambda i: (i, 0)),
    pl.BlockSpec((_NC, _R, 128), lambda i: (0, i, 0)),
    pl.BlockSpec((256, 256), lambda i: (0, 0)),
    pl.BlockSpec((1, 256), lambda i: (0, 0)),
    pl.BlockSpec((1, 256), lambda i: (0, 0)),
    pl.BlockSpec((1, 256), lambda i: (0, 0)),
]

_tc2 = pl.pallas_call(
    _t2_body,
    grid=(_G,),
    in_specs=_tc2_in_specs,
    out_specs=pl.BlockSpec((1, 1, 256), lambda i: (i, 0, 0)),
    out_shape=jax.ShapeDtypeStruct((_G, 1, 256), jnp.float32),
)

_tc3_in_specs = [
    pl.BlockSpec((_G, 1, 256), lambda i: (0, 0, 0)),
    pl.BlockSpec((256, 256), lambda i: (0, 0)),
    pl.BlockSpec((1, 256), lambda i: (0, 0)),
    pl.BlockSpec((256, 256), lambda i: (0, 0)),
    pl.BlockSpec((256, 256), lambda i: (0, 0)),
    pl.BlockSpec((1, 256), lambda i: (0, 0)),
    pl.BlockSpec((256, 256), lambda i: (0, 0)),
    pl.BlockSpec((1, 256), lambda i: (0, 0)),
]

_tc3 = pl.pallas_call(
    _t3_body,
    grid=(1,),
    in_specs=_tc3_in_specs,
    out_specs=pl.BlockSpec((1, 256), lambda i: (0, 0)),
    out_shape=jax.ShapeDtypeStruct((1, 256), jnp.float32),
)


@jax.jit
def kernel(x, edge_index, W1, b1, ln1_g, ln1_b, W2, b2, ln2_g, ln2_b,
           W3, b3, Wm1, bm1, Wm2, bm2):
  src = edge_index[0]
  dst = edge_index[1]
  ones_k, agg_split_k, agg_cols_k, s_k = _sc_kernels()

  (cnt2,) = ones_k(dst)
  inv128 = _tc0(cnt2)
  (agg0,) = agg_split_k(src, dst, x, cnt2)
  (s2,) = s_k(src, dst, inv128, agg0)
  h1l, h1r = _tc1(x, agg0, inv128, W1.T, b1[None], ln1_g[None], ln1_b[None])
  (agg1,) = agg_cols_k(src, dst, h1l, h1r, s2)
  tp = _tc2(h1l, h1r, agg1, inv128, s2, W2.T, b2[None], ln2_g[None],
            ln2_b[None])
  out = _tc3(tp, W3.T, b3[None], Wm1[:, :256].T, Wm1[:, 256:].T, bm1[None],
             Wm2.T, bm2[None])
  return out

# --- scband reference (transcript-rebuilt; emitter-appended) ---
"""Pipeline reference for scband-cell-graph-net-73186242723983 (READ-ONLY COPY).

The authoritative reference and input builder live on the scoring server;
editing this copy changes nothing except your own understanding.
"""

import jax, jax.numpy as jnp
import numpy as np

N = 10000
E = 320000
D = 128
HEADS = 4
HID = 64
HH = HID * HEADS  # 256
EMB = 256


def setup_inputs(seed: int = 0) -> dict:
    key = jax.random.key(seed)
    ks = jax.random.split(key, 20)

    def p(k, shape, s=0.02):
        return jax.random.normal(k, shape, dtype=jnp.float32) * s

    return {
        "x": jax.random.normal(ks[0], (N, D), dtype=jnp.float32),
        "edge_index": jax.random.randint(ks[1], (2, E), 0, N, dtype=jnp.int32),
        # conv1: Linear(D, HID*HEADS)
        "W1": p(ks[2], (HH, D)), "b1": jnp.zeros((HH,), jnp.float32),
        "ln1_g": jnp.ones((HH,), jnp.float32), "ln1_b": jnp.zeros((HH,), jnp.float32),
        # conv2: Linear(HH, HID*HEADS)
        "W2": p(ks[3], (HH, HH)), "b2": jnp.zeros((HH,), jnp.float32),
        "ln2_g": jnp.ones((HH,), jnp.float32), "ln2_b": jnp.zeros((HH,), jnp.float32),
        # conv3: Linear(HH, EMB) (heads=1)
        "W3": p(ks[4], (EMB, HH)), "b3": jnp.zeros((EMB,), jnp.float32),
        # mlp: Linear(2*EMB, EMB) -> ReLU -> Linear(EMB, EMB)
        "Wm1": p(ks[5], (EMB, 2 * EMB)), "bm1": jnp.zeros((EMB,), jnp.float32),
        "Wm2": p(ks[6], (EMB, EMB)), "bm2": jnp.zeros((EMB,), jnp.float32),
    }


def _layer_norm(x, g, b, eps=1e-5):
    m = jnp.mean(x, axis=-1, keepdims=True)
    v = jnp.var(x, axis=-1, keepdims=True)
    return (x - m) / jnp.sqrt(v + eps) * g + b


def reference(x, edge_index, W1, b1, ln1_g, ln1_b, W2, b2, ln2_g, ln2_b, W3, b3, Wm1, bm1, Wm2, bm2):
    # eval mode: dropout is identity
    src = edge_index[0]
    dst = edge_index[1]

    def conv(h, W, b):
        # mean aggregation over incoming edges (fallback GATConv)
        agg = jax.ops.segment_sum(h[src], dst, num_segments=N)
        cnt = jax.ops.segment_sum(jnp.ones((src.shape[0], 1), jnp.float32), dst, num_segments=N)
        agg = agg / (cnt + 1e-8)
        return (h + agg) @ W.T + b

    h = jax.nn.elu(_layer_norm(conv(x, W1, b1), ln1_g, ln1_b))
    h = jax.nn.elu(_layer_norm(conv(h, W2, b2), ln2_g, ln2_b))
    h = conv(h, W3, b3)
    # batch=None fallback pooling: both mean and "max" branches use mean(0, keepdim)
    g_mean = jnp.mean(h, axis=0, keepdims=True)
    g_max = jnp.mean(h, axis=0, keepdims=True)
    z = jnp.concatenate([g_mean, g_max], axis=1)
    z = jax.nn.relu(z @ Wm1.T + bm1)
    return z @ Wm2.T + bm2

if __name__ == "__main__":
    import jax
    _d = setup_inputs()
    print(jax.jit(kernel)(*tuple(_d.values())))

</pallas_src>

<mosaic_0001>
#map = affine_map<(d0, d1) -> (0)>
#map1 = affine_map<(d0, d1) -> (0, 0)>
#map2 = affine_map<(d0, d1) -> (0, 0, 0)>
module attributes {stable_mosaic.version = 14 : i64} {
  func.func @_sc_s_body(%arg0: i32, %arg1: i32, %arg2: memref<320000xi32, #tpu.memory_space<hbm>>, %arg3: memref<320000xi32, #tpu.memory_space<hbm>>, %arg4: memref<10000x128xf32, #tpu.memory_space<hbm>>, %arg5: memref<2x10000x128xf32, #tpu.memory_space<hbm>>, %arg6: memref<2x10000x128xf32, #tpu.memory_space<hbm>>, %arg7: memref<10000xi32, #tpu.memory_space<vmem>>, %arg8: memref<80xi32, #tpu.memory_space<vmem>>, %arg9: memref<80xi32, #tpu.memory_space<vmem>>, %arg10: memref<80x128xf32, #tpu.memory_space<vmem>>, %arg11: memref<80x128xf32, #tpu.memory_space<vmem>>, %arg12: memref<24x128xf32, #tpu.memory_space<vmem>>, %arg13: memref<!tpu.dma_semaphore, #tpu.memory_space<semaphore_mem>>, %arg14: memref<!tpu.dma_semaphore, #tpu.memory_space<semaphore_mem>>, %arg15: memref<!tpu.dma_semaphore, #tpu.memory_space<semaphore_mem>>, %arg16: memref<!tpu.dma_semaphore, #tpu.memory_space<semaphore_mem>>, %arg17: memref<10000x128xf32, #tpu.memory_space<vmem_shared>>) attributes {dimension_semantics = [#tpu.dimension_semantics<core_parallel>, #tpu.dimension_semantics<subcore_parallel>], iteration_bounds = array<i64: 2, 16>, scalar_prefetch = 0 : i64, scratch_operands = 11 : i64, tpu.core_type = #tpu.core_type<sc_vector_subcore>, window_params = [{transform_indices = #map}, {transform_indices = #map}, {transform_indices = #map1}, {transform_indices = #map2}, {transform_indices = #map2}]} {
    %mul3A = arith.constant 624 : i32
    %mul3A_0 = arith.muli %arg1, %mul3A : i32
    %mul3A_1 = arith.constant 16 : i32
    %mul3A_2 = arith.muli %arg0, %mul3A_1 : i32
    %add3A = arith.addi %mul3A_2, %arg1 : i32
    %broadcast_in_dim3A = arith.constant 0.000000e+00 : f32
    %broadcast_in_dim3A_3 = vector.broadcast %broadcast_in_dim3A : f32 to vector<16xf32>
    %scan3A = arith.constant 0 : i32
    %scan3A_4 = arith.constant 0 : i32
    %scan3A_5 = arith.constant 24 : i32
    %scan3A_6 = arith.addi %scan3A_4, %scan3A_5 : i32
    %scan3A_7 = arith.constant 1 : i32
    %scan3A_8 = scf.for %scan3A_61 = %scan3A_4 to %scan3A_6 step %scan3A_7 iter_args(%scan3A_62 = %scan3A) -> (i32)  : i32 {
      %swap3A = arith.index_cast %scan3A_61 : i32 to index
      %swap3A_63 = arith.constant 0 : index
      %swap3A_64 = tpu.vector_load %arg12[%swap3A, %swap3A_63] {strides = array<i32>} : memref<24x128xf32, #tpu.memory_space<vmem>>, vector<1x16xf32>,
      %swap3A_65 = vector.shape_cast %swap3A_64 : vector<1x16xf32> to vector<16xf32>
      %swap3A_66 = vector.shape_cast %broadcast_in_dim3A_3 : vector<16xf32> to vector<1x16xf32>
      tpu.vector_store %arg12[%swap3A, %swap3A_63], %swap3A_66 {strides = array<i32>} : memref<24x128xf32, #tpu.memory_space<vmem>>, vector<1x16xf32>,
      %swap3A_67 = arith.index_cast %scan3A_61 : i32 to index
      %swap3A_68 = arith.constant 16 : index
      %swap3A_69 = tpu.vector_load %arg12[%swap3A_67, %swap3A_68] {strides = array<i32>} : memref<24x128xf32, #tpu.memory_space<vmem>>, vector<1x16xf32>,
      %swap3A_70 = vector.shape_cast %swap3A_69 : vector<1x16xf32> to vector<16xf32>
      %swap3A_71 = vector.shape_cast %broadcast_in_dim3A_3 : vector<16xf32> to vector<1x16xf32>
      tpu.vector_store %arg12[%swap3A_67, %swap3A_68], %swap3A_71 {strides = array<i32>} : memref<24x128xf32, #tpu.memory_space<vmem>>, vector<1x16xf32>,
      %swap3A_72 = arith.index_cast %scan3A_61 : i32 to index
      %swap3A_73 = arith.constant 32 : index
      %swap3A_74 = tpu.vector_load %arg12[%swap3A_72, %swap3A_73] {strides = array<i32>} : memref<24x128xf32, #tpu.memory_space<vmem>>, vector<1x16xf32>,
      %swap3A_75 = vector.shape_cast %swap3A_74 : vector<1x16xf32> to vector<16xf32>
      %swap3A_76 = vector.shape_cast %broadcast_in_dim3A_3 : vector<16xf32> to vector<1x16xf32>
      tpu.vector_store %arg12[%swap3A_72, %swap3A_73], %swap3A_76 {strides = array<i32>} : memref<24x128xf32, #tpu.memory_space<vmem>>, vector<1x16xf32>,
      %swap3A_77 = arith.index_cast %scan3A_61 : i32 to index
      %swap3A_78 = arith.constant 48 : index
      %swap3A_79 = tpu.vector_load %arg12[%swap3A_77, %swap3A_78] {strides = array<i32>} : memref<24x128xf32, #tpu.memory_space<vmem>>, vector<1x16xf32>,
      %swap3A_80 = vector.shape_cast %swap3A_79 : vector<1x16xf32> to vector<16xf32>
      %swap3A_81 = vector.shape_cast %broadcast_in_dim3A_3 : vector<16xf32> to vector<1x16xf32>
      tpu.vector_store %arg12[%swap3A_77, %swap3A_78], %swap3A_81 {strides = array<i32>} : memref<24x128xf32, #tpu.memory_space<vmem>>, vector<1x16xf32>,
      %swap3A_82 = arith.index_cast %scan3A_61 : i32 to index
      %swap3A_83 = arith.constant 64 : index
      %swap3A_84 = tpu.vector_load %arg12[%swap3A_82, %swap3A_83] {strides = array<i32>} : memref<24x128xf32, #tpu.memory_space<vmem>>, vector<1x16xf32>,
      %swap3A_85 = vector.shape_cast %swap3A_84 : vector<1x16xf32> to vector<16xf32>
      %swap3A_86 = vector.shape_cast %broadcast_in_dim3A_3 : vector<16xf32> to vector<1x16xf32>
      tpu.vector_store %arg12[%swap3A_82, %swap3A_83], %swap3A_86 {strides = array<i32>} : memref<24x128xf32, #tpu.memory_space<vmem>>, vector<1x16xf32>,
      %swap3A_87 = arith.index_cast %scan3A_61 : i32 to index
      %swap3A_88 = arith.constant 80 : index
      %swap3A_89 = tpu.vector_load %arg12[%swap3A_87, %swap3A_88] {strides = array<i32>} : memref<24x128xf32, #tpu.memory_space<vmem>>, vector<1x16xf32>,
      %swap3A_90 = vector.shape_cast %swap3A_89 : vector<1x16xf32> to vector<16xf32>
      %swap3A_91 = vector.shape_cast %broadcast_in_dim3A_3 : vector<16xf32> to vector<1x16xf32>
      tpu.vector_store %arg12[%swap3A_87, %swap3A_88], %swap3A_91 {strides = array<i32>} : memref<24x128xf32, #tpu.memory_space<vmem>>, vector<1x16xf32>,
      %swap3A_92 = arith.index_cast %scan3A_61 : i32 to index
      %swap3A_93 = arith.constant 96 : index
      %swap3A_94 = tpu.vector_load %arg12[%swap3A_92, %swap3A_93] {strides = array<i32>} : memref<24x128xf32, #tpu.memory_space<vmem>>, vector<1x16xf32>,
      %swap3A_95 = vector.shape_cast %swap3A_94 : vector<1x16xf32> to vector<16xf32>
      %swap3A_96 = vector.shape_cast %broadcast_in_dim3A_3 : vector<16xf32> to vector<1x16xf32>
      tpu.vector_store %arg12[%swap3A_92, %swap3A_93], %swap3A_96 {strides = array<i32>} : memref<24x128xf32, #tpu.memory_space<vmem>>, vector<1x16xf32>,
      %swap3A_97 = arith.index_cast %scan3A_61 : i32 to index
      %swap3A_98 = arith.constant 112 : index
      %swap3A_99 = tpu.vector_load %arg12[%swap3A_97, %swap3A_98] {strides = array<i32>} : memref<24x128xf32, #tpu.memory_space<vmem>>, vector<1x16xf32>,
      %swap3A_100 = vector.shape_cast %swap3A_99 : vector<1x16xf32> to vector<16xf32>
      %swap3A_101 = vector.shape_cast %broadcast_in_dim3A_3 : vector<16xf32> to vector<1x16xf32>
      tpu.vector_store %arg12[%swap3A_97, %swap3A_98], %swap3A_101 {strides = array<i32>} : memref<24x128xf32, #tpu.memory_space<vmem>>, vector<1x16xf32>,
      %scan3A_102 = arith.constant 0 : i32
      scf.yield %scan3A_102 : i32
    }
    %scan3A_9 = arith.constant 24 : i32
    %scan3A_10 = arith.constant 0 : i32
    %scan3A_11 = arith.constant 0 : i32
    %scan3A_12 = arith.constant 26 : i32
    %scan3A_13 = arith.addi %scan3A_11, %scan3A_12 : i32
    %scan3A_14 = arith.constant 1 : i32
    %scan3A_15 = scf.for %scan3A_61 = %scan3A_11 to %scan3A_13 step %scan3A_14 iter_args(%scan3A_62 = %scan3A_10) -> (i32)  : i32 {
      %mul3A_63 = arith.constant 24 : i32
      %mul3A_64 = arith.muli %scan3A_61, %mul3A_63 : i32
      %add3A_65 = arith.addi %mul3A_0, %mul3A_64 : i32
      "tpu.region"() ({
        %run_scoped3A = tpu.sem_alloc : memref<!tpu.dma_semaphore, #tpu.memory_space<semaphore_mem>>
        %dma_start3A_67 = arith.constant 0 : i32
        %dma_start3A_68 = tpu.memref_slice %arg17[%add3A_65, %dma_start3A_67] : memref<10000x128xf32, #tpu.memory_space<vmem_shared>> -> memref<24x128xf32, #tpu.memory_space<vmem_shared>>
        %dma_start3A_69 = arith.constant 0 : i32
        %dma_start3A_70 = tpu.memref_slice %arg17[%add3A_65, %dma_start3A_69] : memref<10000x128xf32, #tpu.memory_space<vmem_shared>> -> memref<24x128xf32, #tpu.memory_space<vmem_shared>>
        tpu.enqueue_dma source(%arg12 : memref<24x128xf32, #tpu.memory_space<vmem>>) target(%dma_start3A_70 : memref<24x128xf32, #tpu.memory_space<vmem_shared>>) target_semaphore(%run_scoped3A : memref<!tpu.dma_semaphore, #tpu.memory_space<semaphore_mem>>)
        %dma_wait3A_71 = arith.constant 0 : i32
        %dma_wait3A_72 = tpu.memref_slice %arg17[%add3A_65, %dma_wait3A_71] : memref<10000x128xf32, #tpu.memory_space<vmem_shared>> -> memref<24x128xf32, #tpu.memory_space<vmem_shared>>
        %dma_wait3A_73 = arith.constant 0 : i32
        %dma_wait3A_74 = tpu.memref_slice %arg17[%add3A_65, %dma_wait3A_73] : memref<10000x128xf32, #tpu.memory_space<vmem_shared>> -> memref<24x128xf32, #tpu.memory_space<vmem_shared>>
        tpu.wait_dma2 semaphore(%run_scoped3A : memref<!tpu.dma_semaphore, #tpu.memory_space<semaphore_mem>>) src(%arg12 : memref<24x128xf32, #tpu.memory_space<vmem>>) dst(%dma_wait3A_74 : memref<24x128xf32, #tpu.memory_space<vmem_shared>>)
        tpu.yield
      }) : () -> ()
      %scan3A_66 = arith.constant 0 : i32
      scf.yield %scan3A_66 : i32
    }
    %scan3A_16 = arith.constant 26 : i32
    %eq3A = arith.constant 0 : i32
    %eq3A_17 = arith.cmpi eq, %arg1, %eq3A : i32
    %convert_element_type3A = arith.extui %eq3A_17 : i1 to i32
    %cond3A = arith.constant 0 : i32
    %cond3A_18 = arith.cmpi ne, %convert_element_type3A, %cond3A : i32
    scf.if %cond3A_18 {
      "tpu.region"() ({
        %run_scoped3A = tpu.sem_alloc : memref<!tpu.dma_semaphore, #tpu.memory_space<semaphore_mem>>
        %dma_start3A_61 = arith.constant 0 : i32
        %dma_start3A_62 = arith.constant 0 : i32
        %dma_start3A_63 = tpu.memref_slice %arg12[%dma_start3A_61, %dma_start3A_62] : memref<24x128xf32, #tpu.memory_space<vmem>> -> memref<16x128xf32, #tpu.memory_space<vmem>>
        %dma_start3A_64 = arith.constant 9984 : i32
        %dma_start3A_65 = arith.constant 0 : i32
        %dma_start3A_66 = tpu.memref_slice %arg17[%dma_start3A_64, %dma_start3A_65] : memref<10000x128xf32, #tpu.memory_space<vmem_shared>> -> memref<16x128xf32, #tpu.memory_space<vmem_shared>>
        %dma_start3A_67 = arith.constant 9984 : i32
        %dma_start3A_68 = arith.constant 0 : i32
        %dma_start3A_69 = tpu.memref_slice %arg17[%dma_start3A_67, %dma_start3A_68] : memref<10000x128xf32, #tpu.memory_space<vmem_shared>> -> memref<16x128xf32, #tpu.memory_space<vmem_shared>>
        %dma_start3A_70 = arith.constant 0 : i32
        %dma_start3A_71 = arith.constant 0 : i32
        %dma_start3A_72 = tpu.memref_slice %arg12[%dma_start3A_70, %dma_start3A_71] : memref<24x128xf32, #tpu.memory_space<vmem>> -> memref<16x128xf32, #tpu.memory_space<vmem>>
        tpu.enqueue_dma source(%dma_start3A_72 : memref<16x128xf32, #tpu.memory_space<vmem>>) target(%dma_start3A_69 : memref<16x128xf32, #tpu.memory_space<vmem_shared>>) target_semaphore(%run_scoped3A : memref<!tpu.dma_semaphore, #tpu.memory_space<semaphore_mem>>)
        %dma_wait3A_73 = arith.constant 0 : i32
        %dma_wait3A_74 = arith.constant 0 : i32
        %dma_wait3A_75 = tpu.memref_slice %arg12[%dma_wait3A_73, %dma_wait3A_74] : memref<24x128xf32, #tpu.memory_space<vmem>> -> memref<16x128xf32, #tpu.memory_space<vmem>>
        %dma_wait3A_76 = arith.constant 9984 : i32
        %dma_wait3A_77 = arith.constant 0 : i32
        %dma_wait3A_78 = tpu.memref_slice %arg17[%dma_wait3A_76, %dma_wait3A_77] : memref<10000x128xf32, #tpu.memory_space<vmem_shared>> -> memref<16x128xf32, #tpu.memory_space<vmem_shared>>
        %dma_wait3A_79 = arith.constant 9984 : i32
        %dma_wait3A_80 = arith.constant 0 : i32
        %dma_wait3A_81 = tpu.memref_slice %arg17[%dma_wait3A_79, %dma_wait3A_80] : memref<10000x128xf32, #tpu.memory_space<vmem_shared>> -> memref<16x128xf32, #tpu.memory_space<vmem_shared>>
        %dma_wait3A_82 = arith.constant 0 : i32
        %dma_wait3A_83 = arith.constant 0 : i32
        %dma_wait3A_84 = tpu.memref_slice %arg12[%dma_wait3A_82, %dma_wait3A_83] : memref<24x128xf32, #tpu.memory_space<vmem>> -> memref<16x128xf32, #tpu.memory_space<vmem>>
        tpu.wait_dma2 semaphore(%run_scoped3A : memref<!tpu.dma_semaphore, #tpu.memory_space<semaphore_mem>>) src(%dma_wait3A_84 : memref<16x128xf32, #tpu.memory_space<vmem>>) dst(%dma_wait3A_81 : memref<16x128xf32, #tpu.memory_space<vmem_shared>>)
        tpu.yield
      }) : () -> ()
    } else {
    }
    %mul3A_19 = arith.constant 10000 : i32
    %mul3A_20 = arith.muli %add3A, %mul3A_19 : i32
    "tpu.region"() ({
      %run_scoped3A = tpu.sem_alloc : memref<!tpu.dma_semaphore, #tpu.memory_space<semaphore_mem>>
      %dma_start3A_61 = tpu.memref_slice %arg3[%mul3A_20] : memref<320000xi32, #tpu.memory_space<hbm>> -> memref<10000xi32, #tpu.memory_space<hbm>>
      %dma_start3A_62 = tpu.memref_slice %arg3[%mul3A_20] : memref<320000xi32, #tpu.memory_space<hbm>> -> memref<10000xi32, #tpu.memory_space<hbm>>
      tpu.enqueue_dma source(%dma_start3A_62 : memref<10000xi32, #tpu.memory_space<hbm>>) target(%arg7 : memref<10000xi32, #tpu.memory_space<vmem>>) target_semaphore(%run_scoped3A : memref<!tpu.dma_semaphore, #tpu.memory_space<semaphore_mem>>)
      %dma_wait3A_63 = tpu.memref_slice %arg3[%mul3A_20] : memref<320000xi32, #tpu.memory_space<hbm>> -> memref<10000xi32, #tpu.memory_space<hbm>>
      %dma_wait3A_64 = tpu.memref_slice %arg3[%mul3A_20] : memref<320000xi32, #tpu.memory_space<hbm>> -> memref<10000xi32, #tpu.memory_space<hbm>>
      tpu.wait_dma2 semaphore(%run_scoped3A : memref<!tpu.dma_semaphore, #tpu.memory_space<semaphore_mem>>) src(%dma_wait3A_64 : memref<10000xi32, #tpu.memory_space<hbm>>) dst(%arg7 : memref<10000xi32, #tpu.memory_space<vmem>>)
      tpu.yield
    }) : () -> ()
    %barrier3A = arith.constant 0 : index
    tpu.barrier barrier_id(%barrier3A)
    %mul3A_21 = arith.constant 125 : i32
    %mul3A_22 = arith.muli %add3A, %mul3A_21 : i32
    %add3A_23 = arith.constant 0 : i32
    %add3A_24 = arith.addi %mul3A_22, %add3A_23 : i32
    %mul3A_25 = arith.constant 80 : i32
    %mul3A_26 = arith.muli %add3A_24, %mul3A_25 : i32
    %dma_start3A = tpu.memref_slice %arg2[%mul3A_26] : memref<320000xi32, #tpu.memory_space<hbm>> -> memref<80xi32, #tpu.memory_space<hbm>>
    %dma_start3A_27 = tpu.memref_slice %arg2[%mul3A_26] : memref<320000xi32, #tpu.memory_space<hbm>> -> memref<80xi32, #tpu.memory_space<hbm>>
    tpu.enqueue_dma source(%dma_start3A_27 : memref<80xi32, #tpu.memory_space<hbm>>) target(%arg8 : memref<80xi32, #tpu.memory_space<vmem>>) target_semaphore(%arg15 : memref<!tpu.dma_semaphore, #tpu.memory_space<semaphore_mem>>)
    %dma_start3A_28 = arith.constant 0 : i32
    %dma_start3A_29 = tpu.memref_slice %arg7[%dma_start3A_28] : memref<10000xi32, #tpu.memory_space<vmem>> -> memref<80xi32, #tpu.memory_space<vmem>>
    %dma_start3A_30 = arith.constant 0 : i32
    %dma_start3A_31 = arith.constant 0 : i32
    %dma_start3A_32 = tpu.memref_slice %arg4[%dma_start3A_30, %dma_start3A_31] : memref<10000x128xf32, #tpu.memory_space<hbm>> -> memref<10000x128xf32, #tpu.memory_space<hbm>>
    tpu.enqueue_indirect_dma source(%dma_start3A_32 : memref<10000x128xf32, #tpu.memory_space<hbm>>) target(%arg10 : memref<80x128xf32, #tpu.memory_space<vmem>>) offsets(%dma_start3A_29 : memref<80xi32, #tpu.memory_space<vmem>>) semaphore(%arg13 : memref<!tpu.dma_semaphore, #tpu.memory_space<semaphore_mem>>)
    %scan3A_33 = arith.constant 0 : i32
    %scan3A_34 = arith.constant 0 : i32
    %scan3A_35 = arith.constant 62 : i32
    %scan3A_36 = arith.addi %scan3A_34, %scan3A_35 : i32
    %scan3A_37 = arith.constant 1 : i32
    %scan3A_38 = scf.for %scan3A_61 = %scan3A_34 to %scan3A_36 step %scan3A_37 iter_args(%scan3A_62 = %scan3A_33) -> (i32)  : i32 {
      %mul3A_63 = arith.constant 2 : i32
      %mul3A_64 = arith.muli %mul3A_63, %scan3A_61 : i32
      %add3A_65 = arith.constant 1 : i32
      %add3A_66 = arith.addi %mul3A_64, %add3A_65 : i32
      %add3A_67 = arith.addi %mul3A_22, %add3A_66 : i32
      %mul3A_68 = arith.constant 80 : i32
      %mul3A_69 = arith.muli %add3A_67, %mul3A_68 : i32
      %dma_start3A_70 = tpu.memref_slice %arg2[%mul3A_69] : memref<320000xi32, #tpu.memory_space<hbm>> -> memref<80xi32, #tpu.memory_space<hbm>>
      %dma_start3A_71 = tpu.memref_slice %arg2[%mul3A_69] : memref<320000xi32, #tpu.memory_space<hbm>> -> memref<80xi32, #tpu.memory_space<hbm>>
      tpu.enqueue_dma source(%dma_start3A_71 : memref<80xi32, #tpu.memory_space<hbm>>) target(%arg9 : memref<80xi32, #tpu.memory_space<vmem>>) target_semaphore(%arg16 : memref<!tpu.dma_semaphore, #tpu.memory_space<semaphore_mem>>)
      %mul3A_72 = arith.constant 80 : i32
      %mul3A_73 = arith.muli %add3A_66, %mul3A_72 : i32
      %dma_start3A_74 = tpu.memref_slice %arg7[%mul3A_73] : memref<10000xi32, #tpu.memory_space<vmem>> -> memref<80xi32, #tpu.memory_space<vmem>>
      %dma_start3A_75 = arith.constant 0 : i32
      %dma_start3A_76 = arith.constant 0 : i32
      %dma_start3A_77 = tpu.memref_slice %arg4[%dma_start3A_75, %dma_start3A_76] : memref<10000x128xf32, #tpu.memory_space<hbm>> -> memref<10000x128xf32, #tpu.memory_space<hbm>>
      tpu.enqueue_indirect_dma source(%dma_start3A_77 : memref<10000x128xf32, #tpu.memory_space<hbm>>) target(%arg11 : memref<80x128xf32, #tpu.memory_space<vmem>>) offsets(%dma_start3A_74 : memref<80xi32, #tpu.memory_space<vmem>>) semaphore(%arg14 : memref<!tpu.dma_semaphore, #tpu.memory_space<semaphore_mem>>)
      %add3A_78 = arith.addi %mul3A_22, %mul3A_64 : i32
      %mul3A_79 = arith.constant 80 : i32
      %mul3A_80 = arith.muli %add3A_78, %mul3A_79 : i32
      %dma_wait3A_81 = tpu.memref_slice %arg2[%mul3A_80] : memref<320000xi32, #tpu.memory_space<hbm>> -> memref<80xi32, #tpu.memory_space<hbm>>
      %dma_wait3A_82 = tpu.memref_slice %arg2[%mul3A_80] : memref<320000xi32, #tpu.memory_space<hbm>> -> memref<80xi32, #tpu.memory_space<hbm>>
      tpu.wait_dma2 semaphore(%arg15 : memref<!tpu.dma_semaphore, #tpu.memory_space<semaphore_mem>>) src(%dma_wait3A_82 : memref<80xi32, #tpu.memory_space<hbm>>) dst(%arg8 : memref<80xi32, #tpu.memory_space<vmem>>)
      %mul3A_83 = arith.constant 80 : i32
      %mul3A_84 = arith.muli %mul3A_64, %mul3A_83 : i32
      %dma_wait3A_85 = tpu.memref_slice %arg7[%mul3A_84] : memref<10000xi32, #tpu.memory_space<vmem>> -> memref<80xi32, #tpu.memory_space<vmem>>
      %dma_wait3A_86 = arith.constant 0 : i32
      %dma_wait3A_87 = arith.constant 0 : i32
      %dma_wait3A_88 = tpu.memref_slice %arg4[%dma_wait3A_86, %dma_wait3A_87] : memref<10000x128xf32, #tpu.memory_space<hbm>> -> memref<10000x128xf32, #tpu.memory_space<hbm>>
      tpu.wait_indirect_dma semaphore(%arg13 : memref<!tpu.dma_semaphore, #tpu.memory_space<semaphore_mem>>) src(%dma_wait3A_88 : memref<10000x128xf32, #tpu.memory_space<hbm>>) dst(%arg10 : memref<80x128xf32, #tpu.memory_space<vmem>>)
      "tpu.region"() ({
        %run_scoped3A = tpu.sem_alloc : memref<!tpu.dma_semaphore, #tpu.memory_space<semaphore_mem>>
        %dma_start3A_116 = arith.constant 0 : i32
        %dma_start3A_117 = arith.constant 0 : i32
        %dma_start3A_118 = tpu.memref_slice %arg17[%dma_start3A_116, %dma_start3A_117] : memref<10000x128xf32, #tpu.memory_space<vmem_shared>> -> memref<10000x128xf32, #tpu.memory_space<vmem_shared>>
        tpu.enqueue_indirect_dma source(%arg10 : memref<80x128xf32, #tpu.memory_space<vmem>>) target(%dma_start3A_118 : memref<10000x128xf32, #tpu.memory_space<vmem_shared>>) offsets(%arg8 : memref<80xi32, #tpu.memory_space<vmem>>) semaphore(%run_scoped3A : memref<!tpu.dma_semaphore, #tpu.memory_space<semaphore_mem>>) {add = true}
        %dma_wait3A_119 = arith.constant 0 : i32
        %dma_wait3A_120 = arith.constant 0 : i32
        %dma_wait3A_121 = tpu.memref_slice %arg17[%dma_wait3A_119, %dma_wait3A_120] : memref<10000x128xf32, #tpu.memory_space<vmem_shared>> -> memref<10000x128xf32, #tpu.memory_space<vmem_shared>>
        tpu.wait_indirect_dma semaphore(%run_scoped3A : memref<!tpu.dma_semaphore, #tpu.memory_space<semaphore_mem>>) src(%arg10 : memref<80x128xf32, #tpu.memory_space<vmem>>) dst(%dma_wait3A_121 : memref<10000x128xf32, #tpu.memory_space<vmem_shared>>)
        tpu.yield
      }) : () -> ()
      %add3A_89 = arith.constant 2 : i32
      %add3A_90 = arith.addi %mul3A_64, %add3A_89 : i32
      %add3A_91 = arith.addi %mul3A_22, %add3A_90 : i32
      %mul3A_92 = arith.constant 80 : i32
      %mul3A_93 = arith.muli %add3A_91, %mul3A_92 : i32
      %dma_start3A_94 = tpu.memref_slice %arg2[%mul3A_93] : memref<320000xi32, #tpu.memory_space<hbm>> -> memref<80xi32, #tpu.memory_space<hbm>>
      %dma_start3A_95 = tpu.memref_slice %arg2[%mul3A_93] : memref<320000xi32, #tpu.memory_space<hbm>> -> memref<80xi32, #tpu.memory_space<hbm>>
      tpu.enqueue_dma source(%dma_start3A_95 : memref<80xi32, #tpu.memory_space<hbm>>) target(%arg8 : memref<80xi32, #tpu.memory_space<vmem>>) target_semaphore(%arg15 : memref<!tpu.dma_semaphore, #tpu.memory_space<semaphore_mem>>)
      %mul3A_96 = arith.constant 80 : i32
      %mul3A_97 = arith.muli %add3A_90, %mul3A_96 : i32
      %dma_start3A_98 = tpu.memref_slice %arg7[%mul3A_97] : memref<10000xi32, #tpu.memory_space<vmem>> -> memref<80xi32, #tpu.memory_space<vmem>>
      %dma_start3A_99 = arith.constant 0 : i32
      %dma_start3A_100 = arith.constant 0 : i32
      %dma_start3A_101 = tpu.memref_slice %arg4[%dma_start3A_99, %dma_start3A_100] : memref<10000x128xf32, #tpu.memory_space<hbm>> -> memref<10000x128xf32, #tpu.memory_space<hbm>>
      tpu.enqueue_indirect_dma source(%dma_start3A_101 : memref<10000x128xf32, #tpu.memory_space<hbm>>) target(%arg10 : memref<80x128xf32, #tpu.memory_space<vmem>>) offsets(%dma_start3A_98 : memref<80xi32, #tpu.memory_space<vmem>>) semaphore(%arg13 : memref<!tpu.dma_semaphore, #tpu.memory_space<semaphore_mem>>)
      %add3A_102 = arith.constant 1 : i32
      %add3A_103 = arith.addi %mul3A_64, %add3A_102 : i32
      %add3A_104 = arith.addi %mul3A_22, %add3A_103 : i32
      %mul3A_105 = arith.constant 80 : i32
      %mul3A_106 = arith.muli %add3A_104, %mul3A_105 : i32
      %dma_wait3A_107 = tpu.memref_slice %arg2[%mul3A_106] : memref<320000xi32, #tpu.memory_space<hbm>> -> memref<80xi32, #tpu.memory_space<hbm>>
      %dma_wait3A_108 = tpu.memref_slice %arg2[%mul3A_106] : memref<320000xi32, #tpu.memory_space<hbm>> -> memref<80xi32, #tpu.memory_space<hbm>>
      tpu.wait_dma2 semaphore(%arg16 : memref<!tpu.dma_semaphore, #tpu.memory_space<semaphore_mem>>) src(%dma_wait3A_108 : memref<80xi32, #tpu.memory_space<hbm>>) dst(%arg9 : memref<80xi32, #tpu.memory_space<vmem>>)
      %mul3A_109 = arith.constant 80 : i32
      %mul3A_110 = arith.muli %add3A_103, %mul3A_109 : i32
      %dma_wait3A_111 = tpu.memref_slice %arg7[%mul3A_110] : memref<10000xi32, #tpu.memory_space<vmem>> -> memref<80xi32, #tpu.memory_space<vmem>>
      %dma_wait3A_112 = arith.constant 0 : i32
      %dma_wait3A_113 = arith.constant 0 : i32
      %dma_wait3A_114 = tpu.memref_slice %arg4[%dma_wait3A_112, %dma_wait3A_113] : memref<10000x128xf32, #tpu.memory_space<hbm>> -> memref<10000x128xf32, #tpu.memory_space<hbm>>
      tpu.wait_indirect_dma semaphore(%arg14 : memref<!tpu.dma_semaphore, #tpu.memory_space<semaphore_mem>>) src(%dma_wait3A_114 : memref<10000x128xf32, #tpu.memory_space<hbm>>) dst(%arg11 : memref<80x128xf32, #tpu.memory_space<vmem>>)
      "tpu.region"() ({
        %run_scoped3A = tpu.sem_alloc : memref<!tpu.dma_semaphore, #tpu.memory_space<semaphore_mem>>
        %dma_start3A_116 = arith.constant 0 : i32
        %dma_start3A_117 = arith.constant 0 : i32
        %dma_start3A_118 = tpu.memref_slice %arg17[%dma_start3A_116, %dma_start3A_117] : memref<10000x128xf32, #tpu.memory_space<vmem_shared>> -> memref<10000x128xf32, #tpu.memory_space<vmem_shared>>
        tpu.enqueue_indirect_dma source(%arg11 : memref<80x128xf32, #tpu.memory_space<vmem>>) target(%dma_start3A_118 : memref<10000x128xf32, #tpu.memory_space<vmem_shared>>) offsets(%arg9 : memref<80xi32, #tpu.memory_space<vmem>>) semaphore(%run_scoped3A : memref<!tpu.dma_semaphore, #tpu.memory_space<semaphore_mem>>) {add = true}
        %dma_wait3A_119 = arith.constant 0 : i32
        %dma_wait3A_120 = arith.constant 0 : i32
        %dma_wait3A_121 = tpu.memref_slice %arg17[%dma_wait3A_119, %dma_wait3A_120] : memref<10000x128xf32, #tpu.memory_space<vmem_shared>> -> memref<10000x128xf32, #tpu.memory_space<vmem_shared>>
        tpu.wait_indirect_dma semaphore(%run_scoped3A : memref<!tpu.dma_semaphore, #tpu.memory_space<semaphore_mem>>) src(%arg11 : memref<80x128xf32, #tpu.memory_space<vmem>>) dst(%dma_wait3A_121 : memref<10000x128xf32, #tpu.memory_space<vmem_shared>>)
        tpu.yield
      }) : () -> ()
      %scan3A_115 = arith.constant 0 : i32
      scf.yield %scan3A_115 : i32
    }
    %scan3A_39 = arith.constant 62 : i32
    %add3A_40 = arith.constant 124 : i32
    %add3A_41 = arith.addi %mul3A_22, %add3A_40 : i32
    %mul3A_42 = arith.constant 80 : i32
    %mul3A_43 = arith.muli %add3A_41, %mul3A_42 : i32
    %dma_wait3A = tpu.memref_slice %arg2[%mul3A_43] : memref<320000xi32, #tpu.memory_space<hbm>> -> memref<80xi32, #tpu.memory_space<hbm>>
    %dma_wait3A_44 = tpu.memref_slice %arg2[%mul3A_43] : memref<320000xi32, #tpu.memory_space<hbm>> -> memref<80xi32, #tpu.memory_space<hbm>>
    tpu.wait_dma2 semaphore(%arg15 : memref<!tpu.dma_semaphore, #tpu.memory_space<semaphore_mem>>) src(%dma_wait3A_44 : memref<80xi32, #tpu.memory_space<hbm>>) dst(%arg8 : memref<80xi32, #tpu.memory_space<vmem>>)
    %dma_wait3A_45 = arith.constant 9920 : i32
    %dma_wait3A_46 = tpu.memref_slice %arg7[%dma_wait3A_45] : memref<10000xi32, #tpu.memory_space<vmem>> -> memref<80xi32, #tpu.memory_space<vmem>>
    %dma_wait3A_47 = arith.constant 0 : i32
    %dma_wait3A_48 = arith.constant 0 : i32
    %dma_wait3A_49 = tpu.memref_slice %arg4[%dma_wait3A_47, %dma_wait3A_48] : memref<10000x128xf32, #tpu.memory_space<hbm>> -> memref<10000x128xf32, #tpu.memory_space<hbm>>
    tpu.wait_indirect_dma semaphore(%arg13 : memref<!tpu.dma_semaphore, #tpu.memory_space<semaphore_mem>>) src(%dma_wait3A_49 : memref<10000x128xf32, #tpu.memory_space<hbm>>) dst(%arg10 : memref<80x128xf32, #tpu.memory_space<vmem>>)
    "tpu.region"() ({
      %run_scoped3A = tpu.sem_alloc : memref<!tpu.dma_semaphore, #tpu.memory_space<semaphore_mem>>
      %dma_start3A_61 = arith.constant 0 : i32
      %dma_start3A_62 = arith.constant 0 : i32
      %dma_start3A_63 = tpu.memref_slice %arg17[%dma_start3A_61, %dma_start3A_62] : memref<10000x128xf32, #tpu.memory_space<vmem_shared>> -> memref<10000x128xf32, #tpu.memory_space<vmem_shared>>
      tpu.enqueue_indirect_dma source(%arg10 : memref<80x128xf32, #tpu.memory_space<vmem>>) target(%dma_start3A_63 : memref<10000x128xf32, #tpu.memory_space<vmem_shared>>) offsets(%arg8 : memref<80xi32, #tpu.memory_space<vmem>>) semaphore(%run_scoped3A : memref<!tpu.dma_semaphore, #tpu.memory_space<semaphore_mem>>) {add = true}
      %dma_wait3A_64 = arith.constant 0 : i32
      %dma_wait3A_65 = arith.constant 0 : i32
      %dma_wait3A_66 = tpu.memref_slice %arg17[%dma_wait3A_64, %dma_wait3A_65] : memref<10000x128xf32, #tpu.memory_space<vmem_shared>> -> memref<10000x128xf32, #tpu.memory_space<vmem_shared>>
      tpu.wait_indirect_dma semaphore(%run_scoped3A : memref<!tpu.dma_semaphore, #tpu.memory_space<semaphore_mem>>) src(%arg10 : memref<80x128xf32, #tpu.memory_space<vmem>>) dst(%dma_wait3A_66 : memref<10000x128xf32, #tpu.memory_space<vmem_shared>>)
      tpu.yield
    }) : () -> ()
    %barrier3A_50 = arith.constant 0 : index
    tpu.barrier barrier_id(%barrier3A_50)
    %eq3A_51 = arith.constant 0 : i32
    %eq3A_52 = arith.cmpi eq, %arg0, %eq3A_51 : i32
    %convert_element_type3A_53 = arith.extui %eq3A_52 : i1 to i32
    %cond3A_54 = arith.constant 0 : i32
    %cond3A_55 = arith.cmpi ne, %convert_element_type3A_53, %cond3A_54 : i32
    scf.if %cond3A_55 {
      %scan3A_61 = arith.constant 0 : i32
      %scan3A_62 = arith.constant 0 : i32
      %scan3A_63 = arith.constant 26 : i32
      %scan3A_64 = arith.addi %scan3A_62, %scan3A_63 : i32
      %scan3A_65 = arith.constant 1 : i32
      %scan3A_66 = scf.for %scan3A_73 = %scan3A_62 to %scan3A_64 step %scan3A_65 iter_args(%scan3A_74 = %scan3A_61) -> (i32)  : i32 {
        %mul3A_75 = arith.constant 24 : i32
        %mul3A_76 = arith.muli %scan3A_73, %mul3A_75 : i32
        %add3A_77 = arith.addi %mul3A_0, %mul3A_76 : i32
        "tpu.region"() ({
          %run_scoped3A_79 = tpu.sem_alloc : memref<!tpu.dma_semaphore, #tpu.memory_space<semaphore_mem>>
          %dma_start3A_80 = arith.constant 0 : i32
          %dma_start3A_81 = tpu.memref_slice %arg17[%add3A_77, %dma_start3A_80] : memref<10000x128xf32, #tpu.memory_space<vmem_shared>> -> memref<24x128xf32, #tpu.memory_space<vmem_shared>>
          %dma_start3A_82 = arith.constant 0 : i32
          %dma_start3A_83 = tpu.memref_slice %arg17[%add3A_77, %dma_start3A_82] : memref<10000x128xf32, #tpu.memory_space<vmem_shared>> -> memref<24x128xf32, #tpu.memory_space<vmem_shared>>
          tpu.enqueue_dma source(%dma_start3A_83 : memref<24x128xf32, #tpu.memory_space<vmem_shared>>) target(%arg12 : memref<24x128xf32, #tpu.memory_space<vmem>>) target_semaphore(%run_scoped3A_79 : memref<!tpu.dma_semaphore, #tpu.memory_space<semaphore_mem>>)
          %dma_wait3A_84 = arith.constant 0 : i32
          %dma_wait3A_85 = tpu.memref_slice %arg17[%add3A_77, %dma_wait3A_84] : memref<10000x128xf32, #tpu.memory_space<vmem_shared>> -> memref<24x128xf32, #tpu.memory_space<vmem_shared>>
          %dma_wait3A_86 = arith.constant 0 : i32
          %dma_wait3A_87 = tpu.memref_slice %arg17[%add3A_77, %dma_wait3A_86] : memref<10000x128xf32, #tpu.memory_space<vmem_shared>> -> memref<24x128xf32, #tpu.memory_space<vmem_shared>>
          tpu.wait_dma2 semaphore(%run_scoped3A_79 : memref<!tpu.dma_semaphore, #tpu.memory_space<semaphore_mem>>) src(%dma_wait3A_87 : memref<24x128xf32, #tpu.memory_space<vmem_shared>>) dst(%arg12 : memref<24x128xf32, #tpu.memory_space<vmem>>)
          tpu.yield
        }) : () -> ()
        %run_scoped3A = arith.constant 0 : i32
        "tpu.region"() ({
          %run_scoped3A_79 = tpu.sem_alloc : memref<!tpu.dma_semaphore, #tpu.memory_space<semaphore_mem>>
          %dma_start3A_80 = arith.constant 0 : i32
          %dma_start3A_81 = arith.constant 0 : i32
          %dma_start3A_82 = tpu.memref_slice %arg6[%run_scoped3A, %dma_start3A_80, %dma_start3A_81] : memref<2x10000x128xf32, #tpu.memory_space<hbm>> -> memref<1x10000x128xf32, #tpu.memory_space<hbm>>
          %dma_start3A_83 = tpu.memref_squeeze %dma_start3A_82 : memref<1x10000x128xf32, #tpu.memory_space<hbm>> -> memref<10000x128xf32, #tpu.memory_space<hbm>>
          %dma_start3A_84 = arith.constant 0 : i32
          %dma_start3A_85 = tpu.memref_slice %dma_start3A_83[%add3A_77, %dma_start3A_84] : memref<10000x128xf32, #tpu.memory_space<hbm>> -> memref<24x128xf32, #tpu.memory_space<hbm>>
          %dma_start3A_86 = arith.constant 0 : i32
          %dma_start3A_87 = arith.constant 0 : i32
          %dma_start3A_88 = tpu.memref_slice %arg6[%run_scoped3A, %dma_start3A_86, %dma_start3A_87] : memref<2x10000x128xf32, #tpu.memory_space<hbm>> -> memref<1x10000x128xf32, #tpu.memory_space<hbm>>
          %dma_start3A_89 = tpu.memref_squeeze %dma_start3A_88 : memref<1x10000x128xf32, #tpu.memory_space<hbm>> -> memref<10000x128xf32, #tpu.memory_space<hbm>>
          %dma_start3A_90 = arith.constant 0 : i32
          %dma_start3A_91 = tpu.memref_slice %dma_start3A_89[%add3A_77, %dma_start3A_90] : memref<10000x128xf32, #tpu.memory_space<hbm>> -> memref<24x128xf32, #tpu.memory_space<hbm>>
          tpu.enqueue_dma source(%arg12 : memref<24x128xf32, #tpu.memory_space<vmem>>) target(%dma_start3A_91 : memref<24x128xf32, #tpu.memory_space<hbm>>) target_semaphore(%run_scoped3A_79 : memref<!tpu.dma_semaphore, #tpu.memory_space<semaphore_mem>>)
          %dma_wait3A_92 = arith.constant 0 : i32
          %dma_wait3A_93 = arith.constant 0 : i32
          %dma_wait3A_94 = tpu.memref_slice %arg6[%run_scoped3A, %dma_wait3A_92, %dma_wait3A_93] : memref<2x10000x128xf32, #tpu.memory_space<hbm>> -> memref<1x10000x128xf32, #tpu.memory_space<hbm>>
          %dma_wait3A_95 = tpu.memref_squeeze %dma_wait3A_94 : memref<1x10000x128xf32, #tpu.memory_space<hbm>> -> memref<10000x128xf32, #tpu.memory_space<hbm>>
          %dma_wait3A_96 = arith.constant 0 : i32
          %dma_wait3A_97 = tpu.memref_slice %dma_wait3A_95[%add3A_77, %dma_wait3A_96] : memref<10000x128xf32, #tpu.memory_space<hbm>> -> memref<24x128xf32, #tpu.memory_space<hbm>>
          %dma_wait3A_98 = arith.constant 0 : i32
          %dma_wait3A_99 = arith.constant 0 : i32
          %dma_wait3A_100 = tpu.memref_slice %arg6[%run_scoped3A, %dma_wait3A_98, %dma_wait3A_99] : memref<2x10000x128xf32, #tpu.memory_space<hbm>> -> memref<1x10000x128xf32, #tpu.memory_space<hbm>>
          %dma_wait3A_101 = tpu.memref_squeeze %dma_wait3A_100 : memref<1x10000x128xf32, #tpu.memory_space<hbm>> -> memref<10000x128xf32, #tpu.memory_space<hbm>>
          %dma_wait3A_102 = arith.constant 0 : i32
          %dma_wait3A_103 = tpu.memref_slice %dma_wait3A_101[%add3A_77, %dma_wait3A_102] : memref<10000x128xf32, #tpu.memory_space<hbm>> -> memref<24x128xf32, #tpu.memory_space<hbm>>
          tpu.wait_dma2 semaphore(%run_scoped3A_79 : memref<!tpu.dma_semaphore, #tpu.memory_space<semaphore_mem>>) src(%arg12 : memref<24x128xf32, #tpu.memory_space<vmem>>) dst(%dma_wait3A_103 : memref<24x128xf32, #tpu.memory_space<hbm>>)
          tpu.yield
        }) : () -> ()
        %scan3A_78 = arith.constant 0 : i32
        scf.yield %scan3A_78 : i32
      }
      %scan3A_67 = arith.constant 26 : i32
      %eq3A_68 = arith.constant 0 : i32
      %eq3A_69 = arith.cmpi eq, %arg1, %eq3A_68 : i32
      %convert_element_type3A_70 = arith.extui %eq3A_69 : i1 to i32
      %cond3A_71 = arith.constant 0 : i32
      %cond3A_72 = arith.cmpi ne, %convert_element_type3A_70, %cond3A_71 : i32
      scf.if %cond3A_72 {
        "tpu.region"() ({
          %run_scoped3A_73 = tpu.sem_alloc : memref<!tpu.dma_semaphore, #tpu.memory_space<semaphore_mem>>
          %dma_start3A_74 = arith.constant 0 : i32
          %dma_start3A_75 = arith.constant 0 : i32
          %dma_start3A_76 = tpu.memref_slice %arg12[%dma_start3A_74, %dma_start3A_75] : memref<24x128xf32, #tpu.memory_space<vmem>> -> memref<16x128xf32, #tpu.memory_space<vmem>>
          %dma_start3A_77 = arith.constant 9984 : i32
          %dma_start3A_78 = arith.constant 0 : i32
          %dma_start3A_79 = tpu.memref_slice %arg17[%dma_start3A_77, %dma_start3A_78] : memref<10000x128xf32, #tpu.memory_space<vmem_shared>> -> memref<16x128xf32, #tpu.memory_space<vmem_shared>>
          %dma_start3A_80 = arith.constant 0 : i32
          %dma_start3A_81 = arith.constant 0 : i32
          %dma_start3A_82 = tpu.memref_slice %arg12[%dma_start3A_80, %dma_start3A_81] : memref<24x128xf32, #tpu.memory_space<vmem>> -> memref<16x128xf32, #tpu.memory_space<vmem>>
          %dma_start3A_83 = arith.constant 9984 : i32
          %dma_start3A_84 = arith.constant 0 : i32
          %dma_start3A_85 = tpu.memref_slice %arg17[%dma_start3A_83, %dma_start3A_84] : memref<10000x128xf32, #tpu.memory_space<vmem_shared>> -> memref<16x128xf32, #tpu.memory_space<vmem_shared>>
          tpu.enqueue_dma source(%dma_start3A_85 : memref<16x128xf32, #tpu.memory_space<vmem_shared>>) target(%dma_start3A_82 : memref<16x128xf32, #tpu.memory_space<vmem>>) target_semaphore(%run_scoped3A_73 : memref<!tpu.dma_semaphore, #tpu.memory_space<semaphore_mem>>)
          %dma_wait3A_86 = arith.constant 0 : i32
          %dma_wait3A_87 = arith.constant 0 : i32
          %dma_wait3A_88 = tpu.memref_slice %arg12[%dma_wait3A_86, %dma_wait3A_87] : memref<24x128xf32, #tpu.memory_space<vmem>> -> memref<16x128xf32, #tpu.memory_space<vmem>>
          %dma_wait3A_89 = arith.constant 9984 : i32
          %dma_wait3A_90 = arith.constant 0 : i32
          %dma_wait3A_91 = tpu.memref_slice %arg17[%dma_wait3A_89, %dma_wait3A_90] : memref<10000x128xf32, #tpu.memory_space<vmem_shared>> -> memref<16x128xf32, #tpu.memory_space<vmem_shared>>
          %dma_wait3A_92 = arith.constant 0 : i32
          %dma_wait3A_93 = arith.constant 0 : i32
          %dma_wait3A_94 = tpu.memref_slice %arg12[%dma_wait3A_92, %dma_wait3A_93] : memref<24x128xf32, #tpu.memory_space<vmem>> -> memref<16x128xf32, #tpu.memory_space<vmem>>
          %dma_wait3A_95 = arith.constant 9984 : i32
          %dma_wait3A_96 = arith.constant 0 : i32
          %dma_wait3A_97 = tpu.memref_slice %arg17[%dma_wait3A_95, %dma_wait3A_96] : memref<10000x128xf32, #tpu.memory_space<vmem_shared>> -> memref<16x128xf32, #tpu.memory_space<vmem_shared>>
          tpu.wait_dma2 semaphore(%run_scoped3A_73 : memref<!tpu.dma_semaphore, #tpu.memory_space<semaphore_mem>>) src(%dma_wait3A_97 : memref<16x128xf32, #tpu.memory_space<vmem_shared>>) dst(%dma_wait3A_94 : memref<16x128xf32, #tpu.memory_space<vmem>>)
          tpu.yield
        }) : () -> ()
        %run_scoped3A = arith.constant 0 : i32
        "tpu.region"() ({
          %run_scoped3A_73 = tpu.sem_alloc : memref<!tpu.dma_semaphore, #tpu.memory_space<semaphore_mem>>
          %dma_start3A_74 = arith.constant 0 : i32
          %dma_start3A_75 = arith.constant 0 : i32
          %dma_start3A_76 = tpu.memref_slice %arg12[%dma_start3A_74, %dma_start3A_75] : memref<24x128xf32, #tpu.memory_space<vmem>> -> memref<16x128xf32, #tpu.memory_space<vmem>>
          %dma_start3A_77 = arith.constant 0 : i32
          %dma_start3A_78 = arith.constant 0 : i32
          %dma_start3A_79 = tpu.memref_slice %arg6[%run_scoped3A, %dma_start3A_77, %dma_start3A_78] : memref<2x10000x128xf32, #tpu.memory_space<hbm>> -> memref<1x10000x128xf32, #tpu.memory_space<hbm>>
          %dma_start3A_80 = tpu.memref_squeeze %dma_start3A_79 : memref<1x10000x128xf32, #tpu.memory_space<hbm>> -> memref<10000x128xf32, #tpu.memory_space<hbm>>
          %dma_start3A_81 = arith.constant 9984 : i32
          %dma_start3A_82 = arith.constant 0 : i32
          %dma_start3A_83 = tpu.memref_slice %dma_start3A_80[%dma_start3A_81, %dma_start3A_82] : memref<10000x128xf32, #tpu.memory_space<hbm>> -> memref<16x128xf32, #tpu.memory_space<hbm>>
          %dma_start3A_84 = arith.constant 0 : i32
          %dma_start3A_85 = arith.constant 0 : i32
          %dma_start3A_86 = tpu.memref_slice %arg6[%run_scoped3A, %dma_start3A_84, %dma_start3A_85] : memref<2x10000x128xf32, #tpu.memory_space<hbm>> -> memref<1x10000x128xf32, #tpu.memory_space<hbm>>
          %dma_start3A_87 = tpu.memref_squeeze %dma_start3A_86 : memref<1x10000x128xf32, #tpu.memory_space<hbm>> -> memref<10000x128xf32, #tpu.memory_space<hbm>>
          %dma_start3A_88 = arith.constant 9984 : i32
          %dma_start3A_89 = arith.constant 0 : i32
          %dma_start3A_90 = tpu.memref_slice %dma_start3A_87[%dma_start3A_88, %dma_start3A_89] : memref<10000x128xf32, #tpu.memory_space<hbm>> -> memref<16x128xf32, #tpu.memory_space<hbm>>
          %dma_start3A_91 = arith.constant 0 : i32
          %dma_start3A_92 = arith.constant 0 : i32
          %dma_start3A_93 = tpu.memref_slice %arg12[%dma_start3A_91, %dma_start3A_92] : memref<24x128xf32, #tpu.memory_space<vmem>> -> memref<16x128xf32, #tpu.memory_space<vmem>>
          tpu.enqueue_dma source(%dma_start3A_93 : memref<16x128xf32, #tpu.memory_space<vmem>>) target(%dma_start3A_90 : memref<16x128xf32, #tpu.memory_space<hbm>>) target_semaphore(%run_scoped3A_73 : memref<!tpu.dma_semaphore, #tpu.memory_space<semaphore_mem>>)
          %dma_wait3A_94 = arith.constant 0 : i32
          %dma_wait3A_95 = arith.constant 0 : i32
          %dma_wait3A_96 = tpu.memref_slice %arg12[%dma_wait3A_94, %dma_wait3A_95] : memref<24x128xf32, #tpu.memory_space<vmem>> -> memref<16x128xf32, #tpu.memory_space<vmem>>
          %dma_wait3A_97 = arith.constant 0 : i32
          %dma_wait3A_98 = arith.constant 0 : i32
          %dma_wait3A_99 = tpu.memref_slice %arg6[%run_scoped3A, %dma_wait3A_97, %dma_wait3A_98] : memref<2x10000x128xf32, #tpu.memory_space<hbm>> -> memref<1x10000x128xf32, #tpu.memory_space<hbm>>
          %dma_wait3A_100 = tpu.memref_squeeze %dma_wait3A_99 : memref<1x10000x128xf32, #tpu.memory_space<hbm>> -> memref<10000x128xf32, #tpu.memory_space<hbm>>
          %dma_wait3A_101 = arith.constant 9984 : i32
          %dma_wait3A_102 = arith.constant 0 : i32
          %dma_wait3A_103 = tpu.memref_slice %dma_wait3A_100[%dma_wait3A_101, %dma_wait3A_102] : memref<10000x128xf32, #tpu.memory_space<hbm>> -> memref<16x128xf32, #tpu.memory_space<hbm>>
          %dma_wait3A_104 = arith.constant 0 : i32
          %dma_wait3A_105 = arith.constant 0 : i32
          %dma_wait3A_106 = tpu.memref_slice %arg6[%run_scoped3A, %dma_wait3A_104, %dma_wait3A_105] : memref<2x10000x128xf32, #tpu.memory_space<hbm>> -> memref<1x10000x128xf32, #tpu.memory_space<hbm>>
          %dma_wait3A_107 = tpu.memref_squeeze %dma_wait3A_106 : memref<1x10000x128xf32, #tpu.memory_space<hbm>> -> memref<10000x128xf32, #tpu.memory_space<hbm>>
          %dma_wait3A_108 = arith.constant 9984 : i32
          %dma_wait3A_109 = arith.constant 0 : i32
          %dma_wait3A_110 = tpu.memref_slice %dma_wait3A_107[%dma_wait3A_108, %dma_wait3A_109] : memref<10000x128xf32, #tpu.memory_space<hbm>> -> memref<16x128xf32, #tpu.memory_space<hbm>>
          %dma_wait3A_111 = arith.constant 0 : i32
          %dma_wait3A_112 = arith.constant 0 : i32
          %dma_wait3A_113 = tpu.memref_slice %arg12[%dma_wait3A_111, %dma_wait3A_112] : memref<24x128xf32, #tpu.memory_space<vmem>> -> memref<16x128xf32, #tpu.memory_space<vmem>>
          tpu.wait_dma2 semaphore(%run_scoped3A_73 : memref<!tpu.dma_semaphore, #tpu.memory_space<semaphore_mem>>) src(%dma_wait3A_113 : memref<16x128xf32, #tpu.memory_space<vmem>>) dst(%dma_wait3A_110 : memref<16x128xf32, #tpu.memory_space<hbm>>)
          tpu.yield
        }) : () -> ()
      } else {
      }
    } else {
    }
    %eq3A_56 = arith.constant 1 : i32
    %eq3A_57 = arith.cmpi eq, %arg0, %eq3A_56 : i32
    %convert_element_type3A_58 = arith.extui %eq3A_57 : i1 to i32
    %cond3A_59 = arith.constant 0 : i32
    %cond3A_60 = arith.cmpi ne, %convert_element_type3A_58, %cond3A_59 : i32
    scf.if %cond3A_60 {
      %scan3A_61 = arith.constant 0 : i32
      %scan3A_62 = arith.constant 0 : i32
      %scan3A_63 = arith.constant 26 : i32
      %scan3A_64 = arith.addi %scan3A_62, %scan3A_63 : i32
      %scan3A_65 = arith.constant 1 : i32
      %scan3A_66 = scf.for %scan3A_73 = %scan3A_62 to %scan3A_64 step %scan3A_65 iter_args(%scan3A_74 = %scan3A_61) -> (i32)  : i32 {
        %mul3A_75 = arith.constant 24 : i32
        %mul3A_76 = arith.muli %scan3A_73, %mul3A_75 : i32
        %add3A_77 = arith.addi %mul3A_0, %mul3A_76 : i32
        "tpu.region"() ({
          %run_scoped3A_79 = tpu.sem_alloc : memref<!tpu.dma_semaphore, #tpu.memory_space<semaphore_mem>>
          %dma_start3A_80 = arith.constant 0 : i32
          %dma_start3A_81 = tpu.memref_slice %arg17[%add3A_77, %dma_start3A_80] : memref<10000x128xf32, #tpu.memory_space<vmem_shared>> -> memref<24x128xf32, #tpu.memory_space<vmem_shared>>
          %dma_start3A_82 = arith.constant 0 : i32
          %dma_start3A_83 = tpu.memref_slice %arg17[%add3A_77, %dma_start3A_82] : memref<10000x128xf32, #tpu.memory_space<vmem_shared>> -> memref<24x128xf32, #tpu.memory_space<vmem_shared>>
          tpu.enqueue_dma source(%dma_start3A_83 : memref<24x128xf32, #tpu.memory_space<vmem_shared>>) target(%arg12 : memref<24x128xf32, #tpu.memory_space<vmem>>) target_semaphore(%run_scoped3A_79 : memref<!tpu.dma_semaphore, #tpu.memory_space<semaphore_mem>>)
          %dma_wait3A_84 = arith.constant 0 : i32
          %dma_wait3A_85 = tpu.memref_slice %arg17[%add3A_77, %dma_wait3A_84] : memref<10000x128xf32, #tpu.memory_space<vmem_shared>> -> memref<24x128xf32, #tpu.memory_space<vmem_shared>>
          %dma_wait3A_86 = arith.constant 0 : i32
          %dma_wait3A_87 = tpu.memref_slice %arg17[%add3A_77, %dma_wait3A_86] : memref<10000x128xf32, #tpu.memory_space<vmem_shared>> -> memref<24x128xf32, #tpu.memory_space<vmem_shared>>
          tpu.wait_dma2 semaphore(%run_scoped3A_79 : memref<!tpu.dma_semaphore, #tpu.memory_space<semaphore_mem>>) src(%dma_wait3A_87 : memref<24x128xf32, #tpu.memory_space<vmem_shared>>) dst(%arg12 : memref<24x128xf32, #tpu.memory_space<vmem>>)
          tpu.yield
        }) : () -> ()
        %run_scoped3A = arith.constant 1 : i32
        "tpu.region"() ({
          %run_scoped3A_79 = tpu.sem_alloc : memref<!tpu.dma_semaphore, #tpu.memory_space<semaphore_mem>>
          %dma_start3A_80 = arith.constant 0 : i32
          %dma_start3A_81 = arith.constant 0 : i32
          %dma_start3A_82 = tpu.memref_slice %arg6[%run_scoped3A, %dma_start3A_80, %dma_start3A_81] : memref<2x10000x128xf32, #tpu.memory_space<hbm>> -> memref<1x10000x128xf32, #tpu.memory_space<hbm>>
          %dma_start3A_83 = tpu.memref_squeeze %dma_start3A_82 : memref<1x10000x128xf32, #tpu.memory_space<hbm>> -> memref<10000x128xf32, #tpu.memory_space<hbm>>
          %dma_start3A_84 = arith.constant 0 : i32
          %dma_start3A_85 = tpu.memref_slice %dma_start3A_83[%add3A_77, %dma_start3A_84] : memref<10000x128xf32, #tpu.memory_space<hbm>> -> memref<24x128xf32, #tpu.memory_space<hbm>>
          %dma_start3A_86 = arith.constant 0 : i32
          %dma_start3A_87 = arith.constant 0 : i32
          %dma_start3A_88 = tpu.memref_slice %arg6[%run_scoped3A, %dma_start3A_86, %dma_start3A_87] : memref<2x10000x128xf32, #tpu.memory_space<hbm>> -> memref<1x10000x128xf32, #tpu.memory_space<hbm>>
          %dma_start3A_89 = tpu.memref_squeeze %dma_start3A_88 : memref<1x10000x128xf32, #tpu.memory_space<hbm>> -> memref<10000x128xf32, #tpu.memory_space<hbm>>
          %dma_start3A_90 = arith.constant 0 : i32
          %dma_start3A_91 = tpu.memref_slice %dma_start3A_89[%add3A_77, %dma_start3A_90] : memref<10000x128xf32, #tpu.memory_space<hbm>> -> memref<24x128xf32, #tpu.memory_space<hbm>>
          tpu.enqueue_dma source(%arg12 : memref<24x128xf32, #tpu.memory_space<vmem>>) target(%dma_start3A_91 : memref<24x128xf32, #tpu.memory_space<hbm>>) target_semaphore(%run_scoped3A_79 : memref<!tpu.dma_semaphore, #tpu.memory_space<semaphore_mem>>)
          %dma_wait3A_92 = arith.constant 0 : i32
          %dma_wait3A_93 = arith.constant 0 : i32
          %dma_wait3A_94 = tpu.memref_slice %arg6[%run_scoped3A, %dma_wait3A_92, %dma_wait3A_93] : memref<2x10000x128xf32, #tpu.memory_space<hbm>> -> memref<1x10000x128xf32, #tpu.memory_space<hbm>>
          %dma_wait3A_95 = tpu.memref_squeeze %dma_wait3A_94 : memref<1x10000x128xf32, #tpu.memory_space<hbm>> -> memref<10000x128xf32, #tpu.memory_space<hbm>>
          %dma_wait3A_96 = arith.constant 0 : i32
          %dma_wait3A_97 = tpu.memref_slice %dma_wait3A_95[%add3A_77, %dma_wait3A_96] : memref<10000x128xf32, #tpu.memory_space<hbm>> -> memref<24x128xf32, #tpu.memory_space<hbm>>
          %dma_wait3A_98 = arith.constant 0 : i32
          %dma_wait3A_99 = arith.constant 0 : i32
          %dma_wait3A_100 = tpu.memref_slice %arg6[%run_scoped3A, %dma_wait3A_98, %dma_wait3A_99] : memref<2x10000x128xf32, #tpu.memory_space<hbm>> -> memref<1x10000x128xf32, #tpu.memory_space<hbm>>
          %dma_wait3A_101 = tpu.memref_squeeze %dma_wait3A_100 : memref<1x10000x128xf32, #tpu.memory_space<hbm>> -> memref<10000x128xf32, #tpu.memory_space<hbm>>
          %dma_wait3A_102 = arith.constant 0 : i32
          %dma_wait3A_103 = tpu.memref_slice %dma_wait3A_101[%add3A_77, %dma_wait3A_102] : memref<10000x128xf32, #tpu.memory_space<hbm>> -> memref<24x128xf32, #tpu.memory_space<hbm>>
          tpu.wait_dma2 semaphore(%run_scoped3A_79 : memref<!tpu.dma_semaphore, #tpu.memory_space<semaphore_mem>>) src(%arg12 : memref<24x128xf32, #tpu.memory_space<vmem>>) dst(%dma_wait3A_103 : memref<24x128xf32, #tpu.memory_space<hbm>>)
          tpu.yield
        }) : () -> ()
        %scan3A_78 = arith.constant 0 : i32
        scf.yield %scan3A_78 : i32
      }
      %scan3A_67 = arith.constant 26 : i32
      %eq3A_68 = arith.constant 0 : i32
      %eq3A_69 = arith.cmpi eq, %arg1, %eq3A_68 : i32
      %convert_element_type3A_70 = arith.extui %eq3A_69 : i1 to i32
      %cond3A_71 = arith.constant 0 : i32
      %cond3A_72 = arith.cmpi ne, %convert_element_type3A_70, %cond3A_71 : i32
      scf.if %cond3A_72 {
        "tpu.region"() ({
          %run_scoped3A_73 = tpu.sem_alloc : memref<!tpu.dma_semaphore, #tpu.memory_space<semaphore_mem>>
          %dma_start3A_74 = arith.constant 0 : i32
          %dma_start3A_75 = arith.constant 0 : i32
          %dma_start3A_76 = tpu.memref_slice %arg12[%dma_start3A_74, %dma_start3A_75] : memref<24x128xf32, #tpu.memory_space<vmem>> -> memref<16x128xf32, #tpu.memory_space<vmem>>
          %dma_start3A_77 = arith.constant 9984 : i32
          %dma_start3A_78 = arith.constant 0 : i32
          %dma_start3A_79 = tpu.memref_slice %arg17[%dma_start3A_77, %dma_start3A_78] : memref<10000x128xf32, #tpu.memory_space<vmem_shared>> -> memref<16x128xf32, #tpu.memory_space<vmem_shared>>
          %dma_start3A_80 = arith.constant 0 : i32
          %dma_start3A_81 = arith.constant 0 : i32
          %dma_start3A_82 = tpu.memref_slice %arg12[%dma_start3A_80, %dma_start3A_81] : memref<24x128xf32, #tpu.memory_space<vmem>> -> memref<16x128xf32, #tpu.memory_space<vmem>>
          %dma_start3A_83 = arith.constant 9984 : i32
          %dma_start3A_84 = arith.constant 0 : i32
          %dma_start3A_85 = tpu.memref_slice %arg17[%dma_start3A_83, %dma_start3A_84] : memref<10000x128xf32, #tpu.memory_space<vmem_shared>> -> memref<16x128xf32, #tpu.memory_space<vmem_shared>>
          tpu.enqueue_dma source(%dma_start3A_85 : memref<16x128xf32, #tpu.memory_space<vmem_shared>>) target(%dma_start3A_82 : memref<16x128xf32, #tpu.memory_space<vmem>>) target_semaphore(%run_scoped3A_73 : memref<!tpu.dma_semaphore, #tpu.memory_space<semaphore_mem>>)
          %dma_wait3A_86 = arith.constant 0 : i32
          %dma_wait3A_87 = arith.constant 0 : i32
          %dma_wait3A_88 = tpu.memref_slice %arg12[%dma_wait3A_86, %dma_wait3A_87] : memref<24x128xf32, #tpu.memory_space<vmem>> -> memref<16x128xf32, #tpu.memory_space<vmem>>
          %dma_wait3A_89 = arith.constant 9984 : i32
          %dma_wait3A_90 = arith.constant 0 : i32
          %dma_wait3A_91 = tpu.memref_slice %arg17[%dma_wait3A_89, %dma_wait3A_90] : memref<10000x128xf32, #tpu.memory_space<vmem_shared>> -> memref<16x128xf32, #tpu.memory_space<vmem_shared>>
          %dma_wait3A_92 = arith.constant 0 : i32
          %dma_wait3A_93 = arith.constant 0 : i32
          %dma_wait3A_94 = tpu.memref_slice %arg12[%dma_wait3A_92, %dma_wait3A_93] : memref<24x128xf32, #tpu.memory_space<vmem>> -> memref<16x128xf32, #tpu.memory_space<vmem>>
          %dma_wait3A_95 = arith.constant 9984 : i32
          %dma_wait3A_96 = arith.constant 0 : i32
          %dma_wait3A_97 = tpu.memref_slice %arg17[%dma_wait3A_95, %dma_wait3A_96] : memref<10000x128xf32, #tpu.memory_space<vmem_shared>> -> memref<16x128xf32, #tpu.memory_space<vmem_shared>>
          tpu.wait_dma2 semaphore(%run_scoped3A_73 : memref<!tpu.dma_semaphore, #tpu.memory_space<semaphore_mem>>) src(%dma_wait3A_97 : memref<16x128xf32, #tpu.memory_space<vmem_shared>>) dst(%dma_wait3A_94 : memref<16x128xf32, #tpu.memory_space<vmem>>)
          tpu.yield
        }) : () -> ()
        %run_scoped3A = arith.constant 1 : i32
        "tpu.region"() ({
          %run_scoped3A_73 = tpu.sem_alloc : memref<!tpu.dma_semaphore, #tpu.memory_space<semaphore_mem>>
          %dma_start3A_74 = arith.constant 0 : i32
          %dma_start3A_75 = arith.constant 0 : i32
          %dma_start3A_76 = tpu.memref_slice %arg12[%dma_start3A_74, %dma_start3A_75] : memref<24x128xf32, #tpu.memory_space<vmem>> -> memref<16x128xf32, #tpu.memory_space<vmem>>
          %dma_start3A_77 = arith.constant 0 : i32
          %dma_start3A_78 = arith.constant 0 : i32
          %dma_start3A_79 = tpu.memref_slice %arg6[%run_scoped3A, %dma_start3A_77, %dma_start3A_78] : memref<2x10000x128xf32, #tpu.memory_space<hbm>> -> memref<1x10000x128xf32, #tpu.memory_space<hbm>>
          %dma_start3A_80 = tpu.memref_squeeze %dma_start3A_79 : memref<1x10000x128xf32, #tpu.memory_space<hbm>> -> memref<10000x128xf32, #tpu.memory_space<hbm>>
          %dma_start3A_81 = arith.constant 9984 : i32
          %dma_start3A_82 = arith.constant 0 : i32
          %dma_start3A_83 = tpu.memref_slice %dma_start3A_80[%dma_start3A_81, %dma_start3A_82] : memref<10000x128xf32, #tpu.memory_space<hbm>> -> memref<16x128xf32, #tpu.memory_space<hbm>>
          %dma_start3A_84 = arith.constant 0 : i32
          %dma_start3A_85 = arith.constant 0 : i32
          %dma_start3A_86 = tpu.memref_slice %arg6[%run_scoped3A, %dma_start3A_84, %dma_start3A_85] : memref<2x10000x128xf32, #tpu.memory_space<hbm>> -> memref<1x10000x128xf32, #tpu.memory_space<hbm>>
          %dma_start3A_87 = tpu.memref_squeeze %dma_start3A_86 : memref<1x10000x128xf32, #tpu.memory_space<hbm>> -> memref<10000x128xf32, #tpu.memory_space<hbm>>
          %dma_start3A_88 = arith.constant 9984 : i32
          %dma_start3A_89 = arith.constant 0 : i32
          %dma_start3A_90 = tpu.memref_slice %dma_start3A_87[%dma_start3A_88, %dma_start3A_89] : memref<10000x128xf32, #tpu.memory_space<hbm>> -> memref<16x128xf32, #tpu.memory_space<hbm>>
          %dma_start3A_91 = arith.constant 0 : i32
          %dma_start3A_92 = arith.constant 0 : i32
          %dma_start3A_93 = tpu.memref_slice %arg12[%dma_start3A_91, %dma_start3A_92] : memref<24x128xf32, #tpu.memory_space<vmem>> -> memref<16x128xf32, #tpu.memory_space<vmem>>
          tpu.enqueue_dma source(%dma_start3A_93 : memref<16x128xf32, #tpu.memory_space<vmem>>) target(%dma_start3A_90 : memref<16x128xf32, #tpu.memory_space<hbm>>) target_semaphore(%run_scoped3A_73 : memref<!tpu.dma_semaphore, #tpu.memory_space<semaphore_mem>>)
          %dma_wait3A_94 = arith.constant 0 : i32
          %dma_wait3A_95 = arith.constant 0 : i32
          %dma_wait3A_96 = tpu.memref_slice %arg12[%dma_wait3A_94, %dma_wait3A_95] : memref<24x128xf32, #tpu.memory_space<vmem>> -> memref<16x128xf32, #tpu.memory_space<vmem>>
          %dma_wait3A_97 = arith.constant 0 : i32
          %dma_wait3A_98 = arith.constant 0 : i32
          %dma_wait3A_99 = tpu.memref_slice %arg6[%run_scoped3A, %dma_wait3A_97, %dma_wait3A_98] : memref<2x10000x128xf32, #tpu.memory_space<hbm>> -> memref<1x10000x128xf32, #tpu.memory_space<hbm>>
          %dma_wait3A_100 = tpu.memref_squeeze %dma_wait3A_99 : memref<1x10000x128xf32, #tpu.memory_space<hbm>> -> memref<10000x128xf32, #tpu.memory_space<hbm>>
          %dma_wait3A_101 = arith.constant 9984 : i32
          %dma_wait3A_102 = arith.constant 0 : i32
          %dma_wait3A_103 = tpu.memref_slice %dma_wait3A_100[%dma_wait3A_101, %dma_wait3A_102] : memref<10000x128xf32, #tpu.memory_space<hbm>> -> memref<16x128xf32, #tpu.memory_space<hbm>>
          %dma_wait3A_104 = arith.constant 0 : i32
          %dma_wait3A_105 = arith.constant 0 : i32
          %dma_wait3A_106 = tpu.memref_slice %arg6[%run_scoped3A, %dma_wait3A_104, %dma_wait3A_105] : memref<2x10000x128xf32, #tpu.memory_space<hbm>> -> memref<1x10000x128xf32, #tpu.memory_space<hbm>>
          %dma_wait3A_107 = tpu.memref_squeeze %dma_wait3A_106 : memref<1x10000x128xf32, #tpu.memory_space<hbm>> -> memref<10000x128xf32, #tpu.memory_space<hbm>>
          %dma_wait3A_108 = arith.constant 9984 : i32
          %dma_wait3A_109 = arith.constant 0 : i32
          %dma_wait3A_110 = tpu.memref_slice %dma_wait3A_107[%dma_wait3A_108, %dma_wait3A_109] : memref<10000x128xf32, #tpu.memory_space<hbm>> -> memref<16x128xf32, #tpu.memory_space<hbm>>
          %dma_wait3A_111 = arith.constant 0 : i32
          %dma_wait3A_112 = arith.constant 0 : i32
          %dma_wait3A_113 = tpu.memref_slice %arg12[%dma_wait3A_111, %dma_wait3A_112] : memref<24x128xf32, #tpu.memory_space<vmem>> -> memref<16x128xf32, #tpu.memory_space<vmem>>
          tpu.wait_dma2 semaphore(%run_scoped3A_73 : memref<!tpu.dma_semaphore, #tpu.memory_space<semaphore_mem>>) src(%dma_wait3A_113 : memref<16x128xf32, #tpu.memory_space<vmem>>) dst(%dma_wait3A_110 : memref<16x128xf32, #tpu.memory_space<hbm>>)
          tpu.yield
        }) : () -> ()
      } else {
      }
    } else {
    }
    return
  }
}

#map = affine_map<(d0, d1) -> (0)>
#map1 = affine_map<(d0, d1) -> (0, 0)>
#map2 = affine_map<(d0, d1) -> (0, 0, 0)>
module attributes {stable_mosaic.version = 14 : i64} {
  func.func @_sc_agg_cols_body(%arg0: i32, %arg1: i32, %arg2: memref<320000xi32, #tpu.memory_space<hbm>>, %arg3: memref<320000xi32, #tpu.memory_space<hbm>>, %arg4: memref<10000x128xf32, #tpu.memory_space<hbm>>, %arg5: memref<10000x128xf32, #tpu.memory_space<hbm>>, %arg6: memref<2x10000x128xf32, #tpu.memory_space<hbm>>, %arg7: memref<2x10000x128xf32, #tpu.memory_space<hbm>>, %arg8: memref<20000xi32, #tpu.memory_space<vmem>>, %arg9: memref<80xi32, #tpu.memory_space<vmem>>, %arg10: memref<80xi32, #tpu.memory_space<vmem>>, %arg11: memref<80x128xf32, #tpu.memory_space<vmem>>, %arg12: memref<80x128xf32, #tpu.memory_space<vmem>>, %arg13: memref<24x128xf32, #tpu.memory_space<vmem>>, %arg14: memref<!tpu.dma_semaphore, #tpu.memory_space<semaphore_mem>>, %arg15: memref<!tpu.dma_semaphore, #tpu.memory_space<semaphore_mem>>, %arg16: memref<!tpu.dma_semaphore, #tpu.memory_space<semaphore_mem>>, %arg17: memref<!tpu.dma_semaphore, #tpu.memory_space<semaphore_mem>>, %arg18: memref<10000x128xf32, #tpu.memory_space<vmem_shared>>) attributes {dimension_semantics = [#tpu.dimension_semantics<core_parallel>, #tpu.dimension_semantics<subcore_parallel>], iteration_bounds = array<i64: 2, 16>, scalar_prefetch = 0 : i64, scratch_operands = 11 : i64, tpu.core_type = #tpu.core_type<sc_vector_subcore>, window_params = [{transform_indices = #map}, {transform_indices = #map}, {transform_indices = #map1}, {transform_indices = #map1}, {transform_indices = #map2}, {transform_indices = #map2}]} {
    %mul3A = arith.constant 624 : i32
    %mul3A_0 = arith.muli %arg1, %mul3A : i32
    %broadcast_in_dim3A = arith.constant 0.000000e+00 : f32
    %broadcast_in_dim3A_1 = vector.broadcast %broadcast_in_dim3A : f32 to vector<16xf32>
    %scan3A = arith.constant 0 : i32
    %scan3A_2 = arith.constant 0 : i32
    %scan3A_3 = arith.constant 24 : i32
    %scan3A_4 = arith.addi %scan3A_2, %scan3A_3 : i32
    %scan3A_5 = arith.constant 1 : i32
    %scan3A_6 = scf.for %scan3A_42 = %scan3A_2 to %scan3A_4 step %scan3A_5 iter_args(%scan3A_43 = %scan3A) -> (i32)  : i32 {
      %swap3A = arith.index_cast %scan3A_42 : i32 to index
      %swap3A_44 = arith.constant 0 : index
      %swap3A_45 = tpu.vector_load %arg13[%swap3A, %swap3A_44] {strides = array<i32>} : memref<24x128xf32, #tpu.memory_space<vmem>>, vector<1x16xf32>,
      %swap3A_46 = vector.shape_cast %swap3A_45 : vector<1x16xf32> to vector<16xf32>
      %swap3A_47 = vector.shape_cast %broadcast_in_dim3A_1 : vector<16xf32> to vector<1x16xf32>
      tpu.vector_store %arg13[%swap3A, %swap3A_44], %swap3A_47 {strides = array<i32>} : memref<24x128xf32, #tpu.memory_space<vmem>>, vector<1x16xf32>,
      %swap3A_48 = arith.index_cast %scan3A_42 : i32 to index
      %swap3A_49 = arith.constant 16 : index
      %swap3A_50 = tpu.vector_load %arg13[%swap3A_48, %swap3A_49] {strides = array<i32>} : memref<24x128xf32, #tpu.memory_space<vmem>>, vector<1x16xf32>,
      %swap3A_51 = vector.shape_cast %swap3A_50 : vector<1x16xf32> to vector<16xf32>
      %swap3A_52 = vector.shape_cast %broadcast_in_dim3A_1 : vector<16xf32> to vector<1x16xf32>
      tpu.vector_store %arg13[%swap3A_48, %swap3A_49], %swap3A_52 {strides = array<i32>} : memref<24x128xf32, #tpu.memory_space<vmem>>, vector<1x16xf32>,
      %swap3A_53 = arith.index_cast %scan3A_42 : i32 to index
      %swap3A_54 = arith.constant 32 : index
      %swap3A_55 = tpu.vector_load %arg13[%swap3A_53, %swap3A_54] {strides = array<i32>} : memref<24x128xf32, #tpu.memory_space<vmem>>, vector<1x16xf32>,
      %swap3A_56 = vector.shape_cast %swap3A_55 : vector<1x16xf32> to vector<16xf32>
      %swap3A_57 = vector.shape_cast %broadcast_in_dim3A_1 : vector<16xf32> to vector<1x16xf32>
      tpu.vector_store %arg13[%swap3A_53, %swap3A_54], %swap3A_57 {strides = array<i32>} : memref<24x128xf32, #tpu.memory_space<vmem>>, vector<1x16xf32>,
      %swap3A_58 = arith.index_cast %scan3A_42 : i32 to index
      %swap3A_59 = arith.constant 48 : index
      %swap3A_60 = tpu.vector_load %arg13[%swap3A_58, %swap3A_59] {strides = array<i32>} : memref<24x128xf32, #tpu.memory_space<vmem>>, vector<1x16xf32>,
      %swap3A_61 = vector.shape_cast %swap3A_60 : vector<1x16xf32> to vector<16xf32>
      %swap3A_62 = vector.shape_cast %broadcast_in_dim3A_1 : vector<16xf32> to vector<1x16xf32>
      tpu.vector_store %arg13[%swap3A_58, %swap3A_59], %swap3A_62 {strides = array<i32>} : memref<24x128xf32, #tpu.memory_space<vmem>>, vector<1x16xf32>,
      %swap3A_63 = arith.index_cast %scan3A_42 : i32 to index
      %swap3A_64 = arith.constant 64 : index
      %swap3A_65 = tpu.vector_load %arg13[%swap3A_63, %swap3A_64] {strides = array<i32>} : memref<24x128xf32, #tpu.memory_space<vmem>>, vector<1x16xf32>,
      %swap3A_66 = vector.shape_cast %swap3A_65 : vector<1x16xf32> to vector<16xf32>
      %swap3A_67 = vector.shape_cast %broadcast_in_dim3A_1 : vector<16xf32> to vector<1x16xf32>
      tpu.vector_store %arg13[%swap3A_63, %swap3A_64], %swap3A_67 {strides = array<i32>} : memref<24x128xf32, #tpu.memory_space<vmem>>, vector<1x16xf32>,
      %swap3A_68 = arith.index_cast %scan3A_42 : i32 to index
      %swap3A_69 = arith.constant 80 : index
      %swap3A_70 = tpu.vector_load %arg13[%swap3A_68, %swap3A_69] {strides = array<i32>} : memref<24x128xf32, #tpu.memory_space<vmem>>, vector<1x16xf32>,
      %swap3A_71 = vector.shape_cast %swap3A_70 : vector<1x16xf32> to vector<16xf32>
      %swap3A_72 = vector.shape_cast %broadcast_in_dim3A_1 : vector<16xf32> to vector<1x16xf32>
      tpu.vector_store %arg13[%swap3A_68, %swap3A_69], %swap3A_72 {strides = array<i32>} : memref<24x128xf32, #tpu.memory_space<vmem>>, vector<1x16xf32>,
      %swap3A_73 = arith.index_cast %scan3A_42 : i32 to index
      %swap3A_74 = arith.constant 96 : index
      %swap3A_75 = tpu.vector_load %arg13[%swap3A_73, %swap3A_74] {strides = array<i32>} : memref<24x128xf32, #tpu.memory_space<vmem>>, vector<1x16xf32>,
      %swap3A_76 = vector.shape_cast %swap3A_75 : vector<1x16xf32> to vector<16xf32>
      %swap3A_77 = vector.shape_cast %broadcast_in_dim3A_1 : vector<16xf32> to vector<1x16xf32>
      tpu.vector_store %arg13[%swap3A_73, %swap3A_74], %swap3A_77 {strides = array<i32>} : memref<24x128xf32, #tpu.memory_space<vmem>>, vector<1x16xf32>,
      %swap3A_78 = arith.index_cast %scan3A_42 : i32 to index
      %swap3A_79 = arith.constant 112 : index
      %swap3A_80 = tpu.vector_load %arg13[%swap3A_78, %swap3A_79] {strides = array<i32>} : memref<24x128xf32, #tpu.memory_space<vmem>>, vector<1x16xf32>,
      %swap3A_81 = vector.shape_cast %swap3A_80 : vector<1x16xf32> to vector<16xf32>
      %swap3A_82 = vector.shape_cast %broadcast_in_dim3A_1 : vector<16xf32> to vector<1x16xf32>
      tpu.vector_store %arg13[%swap3A_78, %swap3A_79], %swap3A_82 {strides = array<i32>} : memref<24x128xf32, #tpu.memory_space<vmem>>, vector<1x16xf32>,
      %scan3A_83 = arith.constant 0 : i32
      scf.yield %scan3A_83 : i32
    }
    %scan3A_7 = arith.constant 24 : i32
    %scan3A_8 = arith.constant 0 : i32
    %scan3A_9 = arith.constant 0 : i32
    %scan3A_10 = arith.constant 26 : i32
    %scan3A_11 = arith.addi %scan3A_9, %scan3A_10 : i32
    %scan3A_12 = arith.constant 1 : i32
    %scan3A_13 = scf.for %scan3A_42 = %scan3A_9 to %scan3A_11 step %scan3A_12 iter_args(%scan3A_43 = %scan3A_8) -> (i32)  : i32 {
      %mul3A_44 = arith.constant 24 : i32
      %mul3A_45 = arith.muli %scan3A_42, %mul3A_44 : i32
      %add3A = arith.addi %mul3A_0, %mul3A_45 : i32
      "tpu.region"() ({
        %run_scoped3A = tpu.sem_alloc : memref<!tpu.dma_semaphore, #tpu.memory_space<semaphore_mem>>
        %dma_start3A = arith.constant 0 : i32
        %dma_start3A_47 = tpu.memref_slice %arg18[%add3A, %dma_start3A] : memref<10000x128xf32, #tpu.memory_space<vmem_shared>> -> memref<24x128xf32, #tpu.memory_space<vmem_shared>>
        %dma_start3A_48 = arith.constant 0 : i32
        %dma_start3A_49 = tpu.memref_slice %arg18[%add3A, %dma_start3A_48] : memref<10000x128xf32, #tpu.memory_space<vmem_shared>> -> memref<24x128xf32, #tpu.memory_space<vmem_shared>>
        tpu.enqueue_dma source(%arg13 : memref<24x128xf32, #tpu.memory_space<vmem>>) target(%dma_start3A_49 : memref<24x128xf32, #tpu.memory_space<vmem_shared>>) target_semaphore(%run_scoped3A : memref<!tpu.dma_semaphore, #tpu.memory_space<semaphore_mem>>)
        %dma_wait3A = arith.constant 0 : i32
        %dma_wait3A_50 = tpu.memref_slice %arg18[%add3A, %dma_wait3A] : memref<10000x128xf32, #tpu.memory_space<vmem_shared>> -> memref<24x128xf32, #tpu.memory_space<vmem_shared>>
        %dma_wait3A_51 = arith.constant 0 : i32
        %dma_wait3A_52 = tpu.memref_slice %arg18[%add3A, %dma_wait3A_51] : memref<10000x128xf32, #tpu.memory_space<vmem_shared>> -> memref<24x128xf32, #tpu.memory_space<vmem_shared>>
        tpu.wait_dma2 semaphore(%run_scoped3A : memref<!tpu.dma_semaphore, #tpu.memory_space<semaphore_mem>>) src(%arg13 : memref<24x128xf32, #tpu.memory_space<vmem>>) dst(%dma_wait3A_52 : memref<24x128xf32, #tpu.memory_space<vmem_shared>>)
        tpu.yield
      }) : () -> ()
      %scan3A_46 = arith.constant 0 : i32
      scf.yield %scan3A_46 : i32
    }
    %scan3A_14 = arith.constant 26 : i32
    %eq3A = arith.constant 0 : i32
    %eq3A_15 = arith.cmpi eq, %arg1, %eq3A : i32
    %convert_element_type3A = arith.extui %eq3A_15 : i1 to i32
    %cond3A = arith.constant 0 : i32
    %cond3A_16 = arith.cmpi ne, %convert_element_type3A, %cond3A : i32
    scf.if %cond3A_16 {
      "tpu.region"() ({
        %run_scoped3A = tpu.sem_alloc : memref<!tpu.dma_semaphore, #tpu.memory_space<semaphore_mem>>
        %dma_start3A = arith.constant 0 : i32
        %dma_start3A_42 = arith.constant 0 : i32
        %dma_start3A_43 = tpu.memref_slice %arg13[%dma_start3A, %dma_start3A_42] : memref<24x128xf32, #tpu.memory_space<vmem>> -> memref<16x128xf32, #tpu.memory_space<vmem>>
        %dma_start3A_44 = arith.constant 9984 : i32
        %dma_start3A_45 = arith.constant 0 : i32
        %dma_start3A_46 = tpu.memref_slice %arg18[%dma_start3A_44, %dma_start3A_45] : memref<10000x128xf32, #tpu.memory_space<vmem_shared>> -> memref<16x128xf32, #tpu.memory_space<vmem_shared>>
        %dma_start3A_47 = arith.constant 9984 : i32
        %dma_start3A_48 = arith.constant 0 : i32
        %dma_start3A_49 = tpu.memref_slice %arg18[%dma_start3A_47, %dma_start3A_48] : memref<10000x128xf32, #tpu.memory_space<vmem_shared>> -> memref<16x128xf32, #tpu.memory_space<vmem_shared>>
        %dma_start3A_50 = arith.constant 0 : i32
        %dma_start3A_51 = arith.constant 0 : i32
        %dma_start3A_52 = tpu.memref_slice %arg13[%dma_start3A_50, %dma_start3A_51] : memref<24x128xf32, #tpu.memory_space<vmem>> -> memref<16x128xf32, #tpu.memory_space<vmem>>
        tpu.enqueue_dma source(%dma_start3A_52 : memref<16x128xf32, #tpu.memory_space<vmem>>) target(%dma_start3A_49 : memref<16x128xf32, #tpu.memory_space<vmem_shared>>) target_semaphore(%run_scoped3A : memref<!tpu.dma_semaphore, #tpu.memory_space<semaphore_mem>>)
        %dma_wait3A = arith.constant 0 : i32
        %dma_wait3A_53 = arith.constant 0 : i32
        %dma_wait3A_54 = tpu.memref_slice %arg13[%dma_wait3A, %dma_wait3A_53] : memref<24x128xf32, #tpu.memory_space<vmem>> -> memref<16x128xf32, #tpu.memory_space<vmem>>
        %dma_wait3A_55 = arith.constant 9984 : i32
        %dma_wait3A_56 = arith.constant 0 : i32
        %dma_wait3A_57 = tpu.memref_slice %arg18[%dma_wait3A_55, %dma_wait3A_56] : memref<10000x128xf32, #tpu.memory_space<vmem_shared>> -> memref<16x128xf32, #tpu.memory_space<vmem_shared>>
        %dma_wait3A_58 = arith.constant 9984 : i32
        %dma_wait3A_59 = arith.constant 0 : i32
        %dma_wait3A_60 = tpu.memref_slice %arg18[%dma_wait3A_58, %dma_wait3A_59] : memref<10000x128xf32, #tpu.memory_space<vmem_shared>> -> memref<16x128xf32, #tpu.memory_space<vmem_shared>>
        %dma_wait3A_61 = arith.constant 0 : i32
        %dma_wait3A_62 = arith.constant 0 : i32
        %dma_wait3A_63 = tpu.memref_slice %arg13[%dma_wait3A_61, %dma_wait3A_62] : memref<24x128xf32, #tpu.memory_space<vmem>> -> memref<16x128xf32, #tpu.memory_space<vmem>>
        tpu.wait_dma2 semaphore(%run_scoped3A : memref<!tpu.dma_semaphore, #tpu.memory_space<semaphore_mem>>) src(%dma_wait3A_63 : memref<16x128xf32, #tpu.memory_space<vmem>>) dst(%dma_wait3A_60 : memref<16x128xf32, #tpu.memory_space<vmem_shared>>)
        tpu.yield
      }) : () -> ()
    } else {
    }
    %mul3A_17 = arith.constant 2 : i32
    %mul3A_18 = arith.muli %arg1, %mul3A_17 : i32
    %mul3A_19 = arith.constant 10000 : i32
    %mul3A_20 = arith.muli %mul3A_18, %mul3A_19 : i32
    "tpu.region"() ({
      %run_scoped3A = tpu.sem_alloc : memref<!tpu.dma_semaphore, #tpu.memory_space<semaphore_mem>>
      %dma_start3A = tpu.memref_slice %arg2[%mul3A_20] : memref<320000xi32, #tpu.memory_space<hbm>> -> memref<20000xi32, #tpu.memory_space<hbm>>
      %dma_start3A_42 = tpu.memref_slice %arg2[%mul3A_20] : memref<320000xi32, #tpu.memory_space<hbm>> -> memref<20000xi32, #tpu.memory_space<hbm>>
      tpu.enqueue_dma source(%dma_start3A_42 : memref<20000xi32, #tpu.memory_space<hbm>>) target(%arg8 : memref<20000xi32, #tpu.memory_space<vmem>>) target_semaphore(%run_scoped3A : memref<!tpu.dma_semaphore, #tpu.memory_space<semaphore_mem>>)
      %dma_wait3A = tpu.memref_slice %arg2[%mul3A_20] : memref<320000xi32, #tpu.memory_space<hbm>> -> memref<20000xi32, #tpu.memory_space<hbm>>
      %dma_wait3A_43 = tpu.memref_slice %arg2[%mul3A_20] : memref<320000xi32, #tpu.memory_space<hbm>> -> memref<20000xi32, #tpu.memory_space<hbm>>
      tpu.wait_dma2 semaphore(%run_scoped3A : memref<!tpu.dma_semaphore, #tpu.memory_space<semaphore_mem>>) src(%dma_wait3A_43 : memref<20000xi32, #tpu.memory_space<hbm>>) dst(%arg8 : memref<20000xi32, #tpu.memory_space<vmem>>)
      tpu.yield
    }) : () -> ()
    %barrier3A = arith.constant 0 : index
    tpu.barrier barrier_id(%barrier3A)
    %eq3A_21 = arith.constant 0 : i32
    %eq3A_22 = arith.cmpi eq, %arg0, %eq3A_21 : i32
    %convert_element_type3A_23 = arith.extui %eq3A_22 : i1 to i32
    %cond3A_24 = arith.constant 0 : i32
    %cond3A_25 = arith.cmpi ne, %convert_element_type3A_23, %cond3A_24 : i32
    scf.if %cond3A_25 {
      %mul3A_42 = arith.constant 250 : i32
      %mul3A_43 = arith.muli %arg1, %mul3A_42 : i32
      %add3A = arith.constant 0 : i32
      %add3A_44 = arith.addi %mul3A_43, %add3A : i32
      %mul3A_45 = arith.constant 80 : i32
      %mul3A_46 = arith.muli %add3A_44, %mul3A_45 : i32
      %dma_start3A = tpu.memref_slice %arg3[%mul3A_46] : memref<320000xi32, #tpu.memory_space<hbm>> -> memref<80xi32, #tpu.memory_space<hbm>>
      %dma_start3A_47 = tpu.memref_slice %arg3[%mul3A_46] : memref<320000xi32, #tpu.memory_space<hbm>> -> memref<80xi32, #tpu.memory_space<hbm>>
      tpu.enqueue_dma source(%dma_start3A_47 : memref<80xi32, #tpu.memory_space<hbm>>) target(%arg9 : memref<80xi32, #tpu.memory_space<vmem>>) target_semaphore(%arg16 : memref<!tpu.dma_semaphore, #tpu.memory_space<semaphore_mem>>)
      %dma_start3A_48 = arith.constant 0 : i32
      %dma_start3A_49 = tpu.memref_slice %arg8[%dma_start3A_48] : memref<20000xi32, #tpu.memory_space<vmem>> -> memref<80xi32, #tpu.memory_space<vmem>>
      %dma_start3A_50 = arith.constant 0 : i32
      %dma_start3A_51 = arith.constant 0 : i32
      %dma_start3A_52 = tpu.memref_slice %arg4[%dma_start3A_50, %dma_start3A_51] : memref<10000x128xf32, #tpu.memory_space<hbm>> -> memref<10000x128xf32, #tpu.memory_space<hbm>>
      tpu.enqueue_indirect_dma source(%dma_start3A_52 : memref<10000x128xf32, #tpu.memory_space<hbm>>) target(%arg11 : memref<80x128xf32, #tpu.memory_space<vmem>>) offsets(%dma_start3A_49 : memref<80xi32, #tpu.memory_space<vmem>>) semaphore(%arg14 : memref<!tpu.dma_semaphore, #tpu.memory_space<semaphore_mem>>)
      %scan3A_53 = arith.constant 0 : i32
      %scan3A_54 = arith.constant 0 : i32
      %scan3A_55 = arith.constant 124 : i32
      %scan3A_56 = arith.addi %scan3A_54, %scan3A_55 : i32
      %scan3A_57 = arith.constant 1 : i32
      %scan3A_58 = scf.for %scan3A_92 = %scan3A_54 to %scan3A_56 step %scan3A_57 iter_args(%scan3A_93 = %scan3A_53) -> (i32)  : i32 {
        %mul3A_94 = arith.constant 2 : i32
        %mul3A_95 = arith.muli %mul3A_94, %scan3A_92 : i32
        %add3A_96 = arith.constant 1 : i32
        %add3A_97 = arith.addi %mul3A_95, %add3A_96 : i32
        %add3A_98 = arith.addi %mul3A_43, %add3A_97 : i32
        %mul3A_99 = arith.constant 80 : i32
        %mul3A_100 = arith.muli %add3A_98, %mul3A_99 : i32
        %dma_start3A_101 = tpu.memref_slice %arg3[%mul3A_100] : memref<320000xi32, #tpu.memory_space<hbm>> -> memref<80xi32, #tpu.memory_space<hbm>>
        %dma_start3A_102 = tpu.memref_slice %arg3[%mul3A_100] : memref<320000xi32, #tpu.memory_space<hbm>> -> memref<80xi32, #tpu.memory_space<hbm>>
        tpu.enqueue_dma source(%dma_start3A_102 : memref<80xi32, #tpu.memory_space<hbm>>) target(%arg10 : memref<80xi32, #tpu.memory_space<vmem>>) target_semaphore(%arg17 : memref<!tpu.dma_semaphore, #tpu.memory_space<semaphore_mem>>)
        %mul3A_103 = arith.constant 80 : i32
        %mul3A_104 = arith.muli %add3A_97, %mul3A_103 : i32
        %dma_start3A_105 = tpu.memref_slice %arg8[%mul3A_104] : memref<20000xi32, #tpu.memory_space<vmem>> -> memref<80xi32, #tpu.memory_space<vmem>>
        %dma_start3A_106 = arith.constant 0 : i32
        %dma_start3A_107 = arith.constant 0 : i32
        %dma_start3A_108 = tpu.memref_slice %arg4[%dma_start3A_106, %dma_start3A_107] : memref<10000x128xf32, #tpu.memory_space<hbm>> -> memref<10000x128xf32, #tpu.memory_space<hbm>>
        tpu.enqueue_indirect_dma source(%dma_start3A_108 : memref<10000x128xf32, #tpu.memory_space<hbm>>) target(%arg12 : memref<80x128xf32, #tpu.memory_space<vmem>>) offsets(%dma_start3A_105 : memref<80xi32, #tpu.memory_space<vmem>>) semaphore(%arg15 : memref<!tpu.dma_semaphore, #tpu.memory_space<semaphore_mem>>)
        %add3A_109 = arith.addi %mul3A_43, %mul3A_95 : i32
        %mul3A_110 = arith.constant 80 : i32
        %mul3A_111 = arith.muli %add3A_109, %mul3A_110 : i32
        %dma_wait3A_112 = tpu.memref_slice %arg3[%mul3A_111] : memref<320000xi32, #tpu.memory_space<hbm>> -> memref<80xi32, #tpu.memory_space<hbm>>
        %dma_wait3A_113 = tpu.memref_slice %arg3[%mul3A_111] : memref<320000xi32, #tpu.memory_space<hbm>> -> memref<80xi32, #tpu.memory_space<hbm>>
        tpu.wait_dma2 semaphore(%arg16 : memref<!tpu.dma_semaphore, #tpu.memory_space<semaphore_mem>>) src(%dma_wait3A_113 : memref<80xi32, #tpu.memory_space<hbm>>) dst(%arg9 : memref<80xi32, #tpu.memory_space<vmem>>)
        %mul3A_114 = arith.constant 80 : i32
        %mul3A_115 = arith.muli %mul3A_95, %mul3A_114 : i32
        %dma_wait3A_116 = tpu.memref_slice %arg8[%mul3A_115] : memref<20000xi32, #tpu.memory_space<vmem>> -> memref<80xi32, #tpu.memory_space<vmem>>
        %dma_wait3A_117 = arith.constant 0 : i32
        %dma_wait3A_118 = arith.constant 0 : i32
        %dma_wait3A_119 = tpu.memref_slice %arg4[%dma_wait3A_117, %dma_wait3A_118] : memref<10000x128xf32, #tpu.memory_space<hbm>> -> memref<10000x128xf32, #tpu.memory_space<hbm>>
        tpu.wait_indirect_dma semaphore(%arg14 : memref<!tpu.dma_semaphore, #tpu.memory_space<semaphore_mem>>) src(%dma_wait3A_119 : memref<10000x128xf32, #tpu.memory_space<hbm>>) dst(%arg11 : memref<80x128xf32, #tpu.memory_space<vmem>>)
        "tpu.region"() ({
          %run_scoped3A = tpu.sem_alloc : memref<!tpu.dma_semaphore, #tpu.memory_space<semaphore_mem>>
          %dma_start3A_147 = arith.constant 0 : i32
          %dma_start3A_148 = arith.constant 0 : i32
          %dma_start3A_149 = tpu.memref_slice %arg18[%dma_start3A_147, %dma_start3A_148] : memref<10000x128xf32, #tpu.memory_space<vmem_shared>> -> memref<10000x128xf32, #tpu.memory_space<vmem_shared>>
          tpu.enqueue_indirect_dma source(%arg11 : memref<80x128xf32, #tpu.memory_space<vmem>>) target(%dma_start3A_149 : memref<10000x128xf32, #tpu.memory_space<vmem_shared>>) offsets(%arg9 : memref<80xi32, #tpu.memory_space<vmem>>) semaphore(%run_scoped3A : memref<!tpu.dma_semaphore, #tpu.memory_space<semaphore_mem>>) {add = true}
          %dma_wait3A_150 = arith.constant 0 : i32
          %dma_wait3A_151 = arith.constant 0 : i32
          %dma_wait3A_152 = tpu.memref_slice %arg18[%dma_wait3A_150, %dma_wait3A_151] : memref<10000x128xf32, #tpu.memory_space<vmem_shared>> -> memref<10000x128xf32, #tpu.memory_space<vmem_shared>>
          tpu.wait_indirect_dma semaphore(%run_scoped3A : memref<!tpu.dma_semaphore, #tpu.memory_space<semaphore_mem>>) src(%arg11 : memref<80x128xf32, #tpu.memory_space<vmem>>) dst(%dma_wait3A_152 : memref<10000x128xf32, #tpu.memory_space<vmem_shared>>)
          tpu.yield
        }) : () -> ()
        %add3A_120 = arith.constant 2 : i32
        %add3A_121 = arith.addi %mul3A_95, %add3A_120 : i32
        %add3A_122 = arith.addi %mul3A_43, %add3A_121 : i32
        %mul3A_123 = arith.constant 80 : i32
        %mul3A_124 = arith.muli %add3A_122, %mul3A_123 : i32
        %dma_start3A_125 = tpu.memref_slice %arg3[%mul3A_124] : memref<320000xi32, #tpu.memory_space<hbm>> -> memref<80xi32, #tpu.memory_space<hbm>>
        %dma_start3A_126 = tpu.memref_slice %arg3[%mul3A_124] : memref<320000xi32, #tpu.memory_space<hbm>> -> memref<80xi32, #tpu.memory_space<hbm>>
        tpu.enqueue_dma source(%dma_start3A_126 : memref<80xi32, #tpu.memory_space<hbm>>) target(%arg9 : memref<80xi32, #tpu.memory_space<vmem>>) target_semaphore(%arg16 : memref<!tpu.dma_semaphore, #tpu.memory_space<semaphore_mem>>)
        %mul3A_127 = arith.constant 80 : i32
        %mul3A_128 = arith.muli %add3A_121, %mul3A_127 : i32
        %dma_start3A_129 = tpu.memref_slice %arg8[%mul3A_128] : memref<20000xi32, #tpu.memory_space<vmem>> -> memref<80xi32, #tpu.memory_space<vmem>>
        %dma_start3A_130 = arith.constant 0 : i32
        %dma_start3A_131 = arith.constant 0 : i32
        %dma_start3A_132 = tpu.memref_slice %arg4[%dma_start3A_130, %dma_start3A_131] : memref<10000x128xf32, #tpu.memory_space<hbm>> -> memref<10000x128xf32, #tpu.memory_space<hbm>>
        tpu.enqueue_indirect_dma source(%dma_start3A_132 : memref<10000x128xf32, #tpu.memory_space<hbm>>) target(%arg11 : memref<80x128xf32, #tpu.memory_space<vmem>>) offsets(%dma_start3A_129 : memref<80xi32, #tpu.memory_space<vmem>>) semaphore(%arg14 : memref<!tpu.dma_semaphore, #tpu.memory_space<semaphore_mem>>)
        %add3A_133 = arith.constant 1 : i32
        %add3A_134 = arith.addi %mul3A_95, %add3A_133 : i32
        %add3A_135 = arith.addi %mul3A_43, %add3A_134 : i32
        %mul3A_136 = arith.constant 80 : i32
        %mul3A_137 = arith.muli %add3A_135, %mul3A_136 : i32
        %dma_wait3A_138 = tpu.memref_slice %arg3[%mul3A_137] : memref<320000xi32, #tpu.memory_space<hbm>> -> memref<80xi32, #tpu.memory_space<hbm>>
        %dma_wait3A_139 = tpu.memref_slice %arg3[%mul3A_137] : memref<320000xi32, #tpu.memory_space<hbm>> -> memref<80xi32, #tpu.memory_space<hbm>>
        tpu.wait_dma2 semaphore(%arg17 : memref<!tpu.dma_semaphore, #tpu.memory_space<semaphore_mem>>) src(%dma_wait3A_139 : memref<80xi32, #tpu.memory_space<hbm>>) dst(%arg10 : memref<80xi32, #tpu.memory_space<vmem>>)
        %mul3A_140 = arith.constant 80 : i32
        %mul3A_141 = arith.muli %add3A_134, %mul3A_140 : i32
        %dma_wait3A_142 = tpu.memref_slice %arg8[%mul3A_141] : memref<20000xi32, #tpu.memory_space<vmem>> -> memref<80xi32, #tpu.memory_space<vmem>>
        %dma_wait3A_143 = arith.constant 0 : i32
        %dma_wait3A_144 = arith.constant 0 : i32
        %dma_wait3A_145 = tpu.memref_slice %arg4[%dma_wait3A_143, %dma_wait3A_144] : memref<10000x128xf32, #tpu.memory_space<hbm>> -> memref<10000x128xf32, #tpu.memory_space<hbm>>
        tpu.wait_indirect_dma semaphore(%arg15 : memref<!tpu.dma_semaphore, #tpu.memory_space<semaphore_mem>>) src(%dma_wait3A_145 : memref<10000x128xf32, #tpu.memory_space<hbm>>) dst(%arg12 : memref<80x128xf32, #tpu.memory_space<vmem>>)
        "tpu.region"() ({
          %run_scoped3A = tpu.sem_alloc : memref<!tpu.dma_semaphore, #tpu.memory_space<semaphore_mem>>
          %dma_start3A_147 = arith.constant 0 : i32
          %dma_start3A_148 = arith.constant 0 : i32
          %dma_start3A_149 = tpu.memref_slice %arg18[%dma_start3A_147, %dma_start3A_148] : memref<10000x128xf32, #tpu.memory_space<vmem_shared>> -> memref<10000x128xf32, #tpu.memory_space<vmem_shared>>
          tpu.enqueue_indirect_dma source(%arg12 : memref<80x128xf32, #tpu.memory_space<vmem>>) target(%dma_start3A_149 : memref<10000x128xf32, #tpu.memory_space<vmem_shared>>) offsets(%arg10 : memref<80xi32, #tpu.memory_space<vmem>>) semaphore(%run_scoped3A : memref<!tpu.dma_semaphore, #tpu.memory_space<semaphore_mem>>) {add = true}
          %dma_wait3A_150 = arith.constant 0 : i32
          %dma_wait3A_151 = arith.constant 0 : i32
          %dma_wait3A_152 = tpu.memref_slice %arg18[%dma_wait3A_150, %dma_wait3A_151] : memref<10000x128xf32, #tpu.memory_space<vmem_shared>> -> memref<10000x128xf32, #tpu.memory_space<vmem_shared>>
          tpu.wait_indirect_dma semaphore(%run_scoped3A : memref<!tpu.dma_semaphore, #tpu.memory_space<semaphore_mem>>) src(%arg12 : memref<80x128xf32, #tpu.memory_space<vmem>>) dst(%dma_wait3A_152 : memref<10000x128xf32, #tpu.memory_space<vmem_shared>>)
          tpu.yield
        }) : () -> ()
        %scan3A_146 = arith.constant 0 : i32
        scf.yield %scan3A_146 : i32
      }
      %scan3A_59 = arith.constant 124 : i32
      %add3A_60 = arith.constant 249 : i32
      %add3A_61 = arith.addi %mul3A_43, %add3A_60 : i32
      %mul3A_62 = arith.constant 80 : i32
      %mul3A_63 = arith.muli %add3A_61, %mul3A_62 : i32
      %dma_start3A_64 = tpu.memref_slice %arg3[%mul3A_63] : memref<320000xi32, #tpu.memory_space<hbm>> -> memref<80xi32, #tpu.memory_space<hbm>>
      %dma_start3A_65 = tpu.memref_slice %arg3[%mul3A_63] : memref<320000xi32, #tpu.memory_space<hbm>> -> memref<80xi32, #tpu.memory_space<hbm>>
      tpu.enqueue_dma source(%dma_start3A_65 : memref<80xi32, #tpu.memory_space<hbm>>) target(%arg10 : memref<80xi32, #tpu.memory_space<vmem>>) target_semaphore(%arg17 : memref<!tpu.dma_semaphore, #tpu.memory_space<semaphore_mem>>)
      %dma_start3A_66 = arith.constant 19920 : i32
      %dma_start3A_67 = tpu.memref_slice %arg8[%dma_start3A_66] : memref<20000xi32, #tpu.memory_space<vmem>> -> memref<80xi32, #tpu.memory_space<vmem>>
      %dma_start3A_68 = arith.constant 0 : i32
      %dma_start3A_69 = arith.constant 0 : i32
      %dma_start3A_70 = tpu.memref_slice %arg4[%dma_start3A_68, %dma_start3A_69] : memref<10000x128xf32, #tpu.memory_space<hbm>> -> memref<10000x128xf32, #tpu.memory_space<hbm>>
      tpu.enqueue_indirect_dma source(%dma_start3A_70 : memref<10000x128xf32, #tpu.memory_space<hbm>>) target(%arg12 : memref<80x128xf32, #tpu.memory_space<vmem>>) offsets(%dma_start3A_67 : memref<80xi32, #tpu.memory_space<vmem>>) semaphore(%arg15 : memref<!tpu.dma_semaphore, #tpu.memory_space<semaphore_mem>>)
      %add3A_71 = arith.constant 248 : i32
      %add3A_72 = arith.addi %mul3A_43, %add3A_71 : i32
      %mul3A_73 = arith.constant 80 : i32
      %mul3A_74 = arith.muli %add3A_72, %mul3A_73 : i32
      %dma_wait3A = tpu.memref_slice %arg3[%mul3A_74] : memref<320000xi32, #tpu.memory_space<hbm>> -> memref<80xi32, #tpu.memory_space<hbm>>
      %dma_wait3A_75 = tpu.memref_slice %arg3[%mul3A_74] : memref<320000xi32, #tpu.memory_space<hbm>> -> memref<80xi32, #tpu.memory_space<hbm>>
      tpu.wait_dma2 semaphore(%arg16 : memref<!tpu.dma_semaphore, #tpu.memory_space<semaphore_mem>>) src(%dma_wait3A_75 : memref<80xi32, #tpu.memory_space<hbm>>) dst(%arg9 : memref<80xi32, #tpu.memory_space<vmem>>)
      %dma_wait3A_76 = arith.constant 19840 : i32
      %dma_wait3A_77 = tpu.memref_slice %arg8[%dma_wait3A_76] : memref<20000xi32, #tpu.memory_space<vmem>> -> memref<80xi32, #tpu.memory_space<vmem>>
      %dma_wait3A_78 = arith.constant 0 : i32
      %dma_wait3A_79 = arith.constant 0 : i32
      %dma_wait3A_80 = tpu.memref_slice %arg4[%dma_wait3A_78, %dma_wait3A_79] : memref<10000x128xf32, #tpu.memory_space<hbm>> -> memref<10000x128xf32, #tpu.memory_space<hbm>>
      tpu.wait_indirect_dma semaphore(%arg14 : memref<!tpu.dma_semaphore, #tpu.memory_space<semaphore_mem>>) src(%dma_wait3A_80 : memref<10000x128xf32, #tpu.memory_space<hbm>>) dst(%arg11 : memref<80x128xf32, #tpu.memory_space<vmem>>)
      "tpu.region"() ({
        %run_scoped3A = tpu.sem_alloc : memref<!tpu.dma_semaphore, #tpu.memory_space<semaphore_mem>>
        %dma_start3A_92 = arith.constant 0 : i32
        %dma_start3A_93 = arith.constant 0 : i32
        %dma_start3A_94 = tpu.memref_slice %arg18[%dma_start3A_92, %dma_start3A_93] : memref<10000x128xf32, #tpu.memory_space<vmem_shared>> -> memref<10000x128xf32, #tpu.memory_space<vmem_shared>>
        tpu.enqueue_indirect_dma source(%arg11 : memref<80x128xf32, #tpu.memory_space<vmem>>) target(%dma_start3A_94 : memref<10000x128xf32, #tpu.memory_space<vmem_shared>>) offsets(%arg9 : memref<80xi32, #tpu.memory_space<vmem>>) semaphore(%run_scoped3A : memref<!tpu.dma_semaphore, #tpu.memory_space<semaphore_mem>>) {add = true}
        %dma_wait3A_95 = arith.constant 0 : i32
        %dma_wait3A_96 = arith.constant 0 : i32
        %dma_wait3A_97 = tpu.memref_slice %arg18[%dma_wait3A_95, %dma_wait3A_96] : memref<10000x128xf32, #tpu.memory_space<vmem_shared>> -> memref<10000x128xf32, #tpu.memory_space<vmem_shared>>
        tpu.wait_indirect_dma semaphore(%run_scoped3A : memref<!tpu.dma_semaphore, #tpu.memory_space<semaphore_mem>>) src(%arg11 : memref<80x128xf32, #tpu.memory_space<vmem>>) dst(%dma_wait3A_97 : memref<10000x128xf32, #tpu.memory_space<vmem_shared>>)
        tpu.yield
      }) : () -> ()
      %add3A_81 = arith.constant 249 : i32
      %add3A_82 = arith.addi %mul3A_43, %add3A_81 : i32
      %mul3A_83 = arith.constant 80 : i32
      %mul3A_84 = arith.muli %add3A_82, %mul3A_83 : i32
      %dma_wait3A_85 = tpu.memref_slice %arg3[%mul3A_84] : memref<320000xi32, #tpu.memory_space<hbm>> -> memref<80xi32, #tpu.memory_space<hbm>>
      %dma_wait3A_86 = tpu.memref_slice %arg3[%mul3A_84] : memref<320000xi32, #tpu.memory_space<hbm>> -> memref<80xi32, #tpu.memory_space<hbm>>
      tpu.wait_dma2 semaphore(%arg17 : memref<!tpu.dma_semaphore, #tpu.memory_space<semaphore_mem>>) src(%dma_wait3A_86 : memref<80xi32, #tpu.memory_space<hbm>>) dst(%arg10 : memref<80xi32, #tpu.memory_space<vmem>>)
      %dma_wait3A_87 = arith.constant 19920 : i32
      %dma_wait3A_88 = tpu.memref_slice %arg8[%dma_wait3A_87] : memref<20000xi32, #tpu.memory_space<vmem>> -> memref<80xi32, #tpu.memory_space<vmem>>
      %dma_wait3A_89 = arith.constant 0 : i32
      %dma_wait3A_90 = arith.constant 0 : i32
      %dma_wait3A_91 = tpu.memref_slice %arg4[%dma_wait3A_89, %dma_wait3A_90] : memref<10000x128xf32, #tpu.memory_space<hbm>> -> memref<10000x128xf32, #tpu.memory_space<hbm>>
      tpu.wait_indirect_dma semaphore(%arg15 : memref<!tpu.dma_semaphore, #tpu.memory_space<semaphore_mem>>) src(%dma_wait3A_91 : memref<10000x128xf32, #tpu.memory_space<hbm>>) dst(%arg12 : memref<80x128xf32, #tpu.memory_space<vmem>>)
      "tpu.region"() ({
        %run_scoped3A = tpu.sem_alloc : memref<!tpu.dma_semaphore, #tpu.memory_space<semaphore_mem>>
        %dma_start3A_92 = arith.constant 0 : i32
        %dma_start3A_93 = arith.constant 0 : i32
        %dma_start3A_94 = tpu.memref_slice %arg18[%dma_start3A_92, %dma_start3A_93] : memref<10000x128xf32, #tpu.memory_space<vmem_shared>> -> memref<10000x128xf32, #tpu.memory_space<vmem_shared>>
        tpu.enqueue_indirect_dma source(%arg12 : memref<80x128xf32, #tpu.memory_space<vmem>>) target(%dma_start3A_94 : memref<10000x128xf32, #tpu.memory_space<vmem_shared>>) offsets(%arg10 : memref<80xi32, #tpu.memory_space<vmem>>) semaphore(%run_scoped3A : memref<!tpu.dma_semaphore, #tpu.memory_space<semaphore_mem>>) {add = true}
        %dma_wait3A_95 = arith.constant 0 : i32
        %dma_wait3A_96 = arith.constant 0 : i32
        %dma_wait3A_97 = tpu.memref_slice %arg18[%dma_wait3A_95, %dma_wait3A_96] : memref<10000x128xf32, #tpu.memory_space<vmem_shared>> -> memref<10000x128xf32, #tpu.memory_space<vmem_shared>>
        tpu.wait_indirect_dma semaphore(%run_scoped3A : memref<!tpu.dma_semaphore, #tpu.memory_space<semaphore_mem>>) src(%arg12 : memref<80x128xf32, #tpu.memory_space<vmem>>) dst(%dma_wait3A_97 : memref<10000x128xf32, #tpu.memory_space<vmem_shared>>)
        tpu.yield
      }) : () -> ()
    } else {
    }
    %eq3A_26 = arith.constant 1 : i32
    %eq3A_27 = arith.cmpi eq, %arg0, %eq3A_26 : i32
    %convert_element_type3A_28 = arith.extui %eq3A_27 : i1 to i32
    %cond3A_29 = arith.constant 0 : i32
    %cond3A_30 = arith.cmpi ne, %convert_element_type3A_28, %cond3A_29 : i32
    scf.if %cond3A_30 {
      %mul3A_42 = arith.constant 250 : i32
      %mul3A_43 = arith.muli %arg1, %mul3A_42 : i32
      %add3A = arith.constant 0 : i32
      %add3A_44 = arith.addi %mul3A_43, %add3A : i32
      %mul3A_45 = arith.constant 80 : i32
      %mul3A_46 = arith.muli %add3A_44, %mul3A_45 : i32
      %dma_start3A = tpu.memref_slice %arg3[%mul3A_46] : memref<320000xi32, #tpu.memory_space<hbm>> -> memref<80xi32, #tpu.memory_space<hbm>>
      %dma_start3A_47 = tpu.memref_slice %arg3[%mul3A_46] : memref<320000xi32, #tpu.memory_space<hbm>> -> memref<80xi32, #tpu.memory_space<hbm>>
      tpu.enqueue_dma source(%dma_start3A_47 : memref<80xi32, #tpu.memory_space<hbm>>) target(%arg9 : memref<80xi32, #tpu.memory_space<vmem>>) target_semaphore(%arg16 : memref<!tpu.dma_semaphore, #tpu.memory_space<semaphore_mem>>)
      %dma_start3A_48 = arith.constant 0 : i32
      %dma_start3A_49 = tpu.memref_slice %arg8[%dma_start3A_48] : memref<20000xi32, #tpu.memory_space<vmem>> -> memref<80xi32, #tpu.memory_space<vmem>>
      %dma_start3A_50 = arith.constant 0 : i32
      %dma_start3A_51 = arith.constant 0 : i32
      %dma_start3A_52 = tpu.memref_slice %arg5[%dma_start3A_50, %dma_start3A_51] : memref<10000x128xf32, #tpu.memory_space<hbm>> -> memref<10000x128xf32, #tpu.memory_space<hbm>>
      tpu.enqueue_indirect_dma source(%dma_start3A_52 : memref<10000x128xf32, #tpu.memory_space<hbm>>) target(%arg11 : memref<80x128xf32, #tpu.memory_space<vmem>>) offsets(%dma_start3A_49 : memref<80xi32, #tpu.memory_space<vmem>>) semaphore(%arg14 : memref<!tpu.dma_semaphore, #tpu.memory_space<semaphore_mem>>)
      %scan3A_53 = arith.constant 0 : i32
      %scan3A_54 = arith.constant 0 : i32
      %scan3A_55 = arith.constant 124 : i32
      %scan3A_56 = arith.addi %scan3A_54, %scan3A_55 : i32
      %scan3A_57 = arith.constant 1 : i32
      %scan3A_58 = scf.for %scan3A_92 = %scan3A_54 to %scan3A_56 step %scan3A_57 iter_args(%scan3A_93 = %scan3A_53) -> (i32)  : i32 {
        %mul3A_94 = arith.constant 2 : i32
        %mul3A_95 = arith.muli %mul3A_94, %scan3A_92 : i32
        %add3A_96 = arith.constant 1 : i32
        %add3A_97 = arith.addi %mul3A_95, %add3A_96 : i32
        %add3A_98 = arith.addi %mul3A_43, %add3A_97 : i32
        %mul3A_99 = arith.constant 80 : i32
        %mul3A_100 = arith.muli %add3A_98, %mul3A_99 : i32
        %dma_start3A_101 = tpu.memref_slice %arg3[%mul3A_100] : memref<320000xi32, #tpu.memory_space<hbm>> -> memref<80xi32, #tpu.memory_space<hbm>>
        %dma_start3A_102 = tpu.memref_slice %arg3[%mul3A_100] : memref<320000xi32, #tpu.memory_space<hbm>> -> memref<80xi32, #tpu.memory_space<hbm>>
        tpu.enqueue_dma source(%dma_start3A_102 : memref<80xi32, #tpu.memory_space<hbm>>) target(%arg10 : memref<80xi32, #tpu.memory_space<vmem>>) target_semaphore(%arg17 : memref<!tpu.dma_semaphore, #tpu.memory_space<semaphore_mem>>)
        %mul3A_103 = arith.constant 80 : i32
        %mul3A_104 = arith.muli %add3A_97, %mul3A_103 : i32
        %dma_start3A_105 = tpu.memref_slice %arg8[%mul3A_104] : memref<20000xi32, #tpu.memory_space<vmem>> -> memref<80xi32, #tpu.memory_space<vmem>>
        %dma_start3A_106 = arith.constant 0 : i32
        %dma_start3A_107 = arith.constant 0 : i32
        %dma_start3A_108 = tpu.memref_slice %arg5[%dma_start3A_106, %dma_start3A_107] : memref<10000x128xf32, #tpu.memory_space<hbm>> -> memref<10000x128xf32, #tpu.memory_space<hbm>>
        tpu.enqueue_indirect_dma source(%dma_start3A_108 : memref<10000x128xf32, #tpu.memory_space<hbm>>) target(%arg12 : memref<80x128xf32, #tpu.memory_space<vmem>>) offsets(%dma_start3A_105 : memref<80xi32, #tpu.memory_space<vmem>>) semaphore(%arg15 : memref<!tpu.dma_semaphore, #tpu.memory_space<semaphore_mem>>)
        %add3A_109 = arith.addi %mul3A_43, %mul3A_95 : i32
        %mul3A_110 = arith.constant 80 : i32
        %mul3A_111 = arith.muli %add3A_109, %mul3A_110 : i32
        %dma_wait3A_112 = tpu.memref_slice %arg3[%mul3A_111] : memref<320000xi32, #tpu.memory_space<hbm>> -> memref<80xi32, #tpu.memory_space<hbm>>
        %dma_wait3A_113 = tpu.memref_slice %arg3[%mul3A_111] : memref<320000xi32, #tpu.memory_space<hbm>> -> memref<80xi32, #tpu.memory_space<hbm>>
        tpu.wait_dma2 semaphore(%arg16 : memref<!tpu.dma_semaphore, #tpu.memory_space<semaphore_mem>>) src(%dma_wait3A_113 : memref<80xi32, #tpu.memory_space<hbm>>) dst(%arg9 : memref<80xi32, #tpu.memory_space<vmem>>)
        %mul3A_114 = arith.constant 80 : i32
        %mul3A_115 = arith.muli %mul3A_95, %mul3A_114 : i32
        %dma_wait3A_116 = tpu.memref_slice %arg8[%mul3A_115] : memref<20000xi32, #tpu.memory_space<vmem>> -> memref<80xi32, #tpu.memory_space<vmem>>
        %dma_wait3A_117 = arith.constant 0 : i32
        %dma_wait3A_118 = arith.constant 0 : i32
        %dma_wait3A_119 = tpu.memref_slice %arg5[%dma_wait3A_117, %dma_wait3A_118] : memref<10000x128xf32, #tpu.memory_space<hbm>> -> memref<10000x128xf32, #tpu.memory_space<hbm>>
        tpu.wait_indirect_dma semaphore(%arg14 : memref<!tpu.dma_semaphore, #tpu.memory_space<semaphore_mem>>) src(%dma_wait3A_119 : memref<10000x128xf32, #tpu.memory_space<hbm>>) dst(%arg11 : memref<80x128xf32, #tpu.memory_space<vmem>>)
        "tpu.region"() ({
          %run_scoped3A = tpu.sem_alloc : memref<!tpu.dma_semaphore, #tpu.memory_space<semaphore_mem>>
          %dma_start3A_147 = arith.constant 0 : i32
          %dma_start3A_148 = arith.constant 0 : i32
          %dma_start3A_149 = tpu.memref_slice %arg18[%dma_start3A_147, %dma_start3A_148] : memref<10000x128xf32, #tpu.memory_space<vmem_shared>> -> memref<10000x128xf32, #tpu.memory_space<vmem_shared>>
          tpu.enqueue_indirect_dma source(%arg11 : memref<80x128xf32, #tpu.memory_space<vmem>>) target(%dma_start3A_149 : memref<10000x128xf32, #tpu.memory_space<vmem_shared>>) offsets(%arg9 : memref<80xi32, #tpu.memory_space<vmem>>) semaphore(%run_scoped3A : memref<!tpu.dma_semaphore, #tpu.memory_space<semaphore_mem>>) {add = true}
          %dma_wait3A_150 = arith.constant 0 : i32
          %dma_wait3A_151 = arith.constant 0 : i32
          %dma_wait3A_152 = tpu.memref_slice %arg18[%dma_wait3A_150, %dma_wait3A_151] : memref<10000x128xf32, #tpu.memory_space<vmem_shared>> -> memref<10000x128xf32, #tpu.memory_space<vmem_shared>>
          tpu.wait_indirect_dma semaphore(%run_scoped3A : memref<!tpu.dma_semaphore, #tpu.memory_space<semaphore_mem>>) src(%arg11 : memref<80x128xf32, #tpu.memory_space<vmem>>) dst(%dma_wait3A_152 : memref<10000x128xf32, #tpu.memory_space<vmem_shared>>)
          tpu.yield
        }) : () -> ()
        %add3A_120 = arith.constant 2 : i32
        %add3A_121 = arith.addi %mul3A_95, %add3A_120 : i32
        %add3A_122 = arith.addi %mul3A_43, %add3A_121 : i32
        %mul3A_123 = arith.constant 80 : i32
        %mul3A_124 = arith.muli %add3A_122, %mul3A_123 : i32
        %dma_start3A_125 = tpu.memref_slice %arg3[%mul3A_124] : memref<320000xi32, #tpu.memory_space<hbm>> -> memref<80xi32, #tpu.memory_space<hbm>>
        %dma_start3A_126 = tpu.memref_slice %arg3[%mul3A_124] : memref<320000xi32, #tpu.memory_space<hbm>> -> memref<80xi32, #tpu.memory_space<hbm>>
        tpu.enqueue_dma source(%dma_start3A_126 : memref<80xi32, #tpu.memory_space<hbm>>) target(%arg9 : memref<80xi32, #tpu.memory_space<vmem>>) target_semaphore(%arg16 : memref<!tpu.dma_semaphore, #tpu.memory_space<semaphore_mem>>)
        %mul3A_127 = arith.constant 80 : i32
        %mul3A_128 = arith.muli %add3A_121, %mul3A_127 : i32
        %dma_start3A_129 = tpu.memref_slice %arg8[%mul3A_128] : memref<20000xi32, #tpu.memory_space<vmem>> -> memref<80xi32, #tpu.memory_space<vmem>>
        %dma_start3A_130 = arith.constant 0 : i32
        %dma_start3A_131 = arith.constant 0 : i32
        %dma_start3A_132 = tpu.memref_slice %arg5[%dma_start3A_130, %dma_start3A_131] : memref<10000x128xf32, #tpu.memory_space<hbm>> -> memref<10000x128xf32, #tpu.memory_space<hbm>>
        tpu.enqueue_indirect_dma source(%dma_start3A_132 : memref<10000x128xf32, #tpu.memory_space<hbm>>) target(%arg11 : memref<80x128xf32, #tpu.memory_space<vmem>>) offsets(%dma_start3A_129 : memref<80xi32, #tpu.memory_space<vmem>>) semaphore(%arg14 : memref<!tpu.dma_semaphore, #tpu.memory_space<semaphore_mem>>)
        %add3A_133 = arith.constant 1 : i32
        %add3A_134 = arith.addi %mul3A_95, %add3A_133 : i32
        %add3A_135 = arith.addi %mul3A_43, %add3A_134 : i32
        %mul3A_136 = arith.constant 80 : i32
        %mul3A_137 = arith.muli %add3A_135, %mul3A_136 : i32
        %dma_wait3A_138 = tpu.memref_slice %arg3[%mul3A_137] : memref<320000xi32, #tpu.memory_space<hbm>> -> memref<80xi32, #tpu.memory_space<hbm>>
        %dma_wait3A_139 = tpu.memref_slice %arg3[%mul3A_137] : memref<320000xi32, #tpu.memory_space<hbm>> -> memref<80xi32, #tpu.memory_space<hbm>>
        tpu.wait_dma2 semaphore(%arg17 : memref<!tpu.dma_semaphore, #tpu.memory_space<semaphore_mem>>) src(%dma_wait3A_139 : memref<80xi32, #tpu.memory_space<hbm>>) dst(%arg10 : memref<80xi32, #tpu.memory_space<vmem>>)
        %mul3A_140 = arith.constant 80 : i32
        %mul3A_141 = arith.muli %add3A_134, %mul3A_140 : i32
        %dma_wait3A_142 = tpu.memref_slice %arg8[%mul3A_141] : memref<20000xi32, #tpu.memory_space<vmem>> -> memref<80xi32, #tpu.memory_space<vmem>>
        %dma_wait3A_143 = arith.constant 0 : i32
        %dma_wait3A_144 = arith.constant 0 : i32
        %dma_wait3A_145 = tpu.memref_slice %arg5[%dma_wait3A_143, %dma_wait3A_144] : memref<10000x128xf32, #tpu.memory_space<hbm>> -> memref<10000x128xf32, #tpu.memory_space<hbm>>
        tpu.wait_indirect_dma semaphore(%arg15 : memref<!tpu.dma_semaphore, #tpu.memory_space<semaphore_mem>>) src(%dma_wait3A_145 : memref<10000x128xf32, #tpu.memory_space<hbm>>) dst(%arg12 : memref<80x128xf32, #tpu.memory_space<vmem>>)
        "tpu.region"() ({
          %run_scoped3A = tpu.sem_alloc : memref<!tpu.dma_semaphore, #tpu.memory_space<semaphore_mem>>
          %dma_start3A_147 = arith.constant 0 : i32
          %dma_start3A_148 = arith.constant 0 : i32
          %dma_start3A_149 = tpu.memref_slice %arg18[%dma_start3A_147, %dma_start3A_148] : memref<10000x128xf32, #tpu.memory_space<vmem_shared>> -> memref<10000x128xf32, #tpu.memory_space<vmem_shared>>
          tpu.enqueue_indirect_dma source(%arg12 : memref<80x128xf32, #tpu.memory_space<vmem>>) target(%dma_start3A_149 : memref<10000x128xf32, #tpu.memory_space<vmem_shared>>) offsets(%arg10 : memref<80xi32, #tpu.memory_space<vmem>>) semaphore(%run_scoped3A : memref<!tpu.dma_semaphore, #tpu.memory_space<semaphore_mem>>) {add = true}
          %dma_wait3A_150 = arith.constant 0 : i32
          %dma_wait3A_151 = arith.constant 0 : i32
          %dma_wait3A_152 = tpu.memref_slice %arg18[%dma_wait3A_150, %dma_wait3A_151] : memref<10000x128xf32, #tpu.memory_space<vmem_shared>> -> memref<10000x128xf32, #tpu.memory_space<vmem_shared>>
          tpu.wait_indirect_dma semaphore(%run_scoped3A : memref<!tpu.dma_semaphore, #tpu.memory_space<semaphore_mem>>) src(%arg12 : memref<80x128xf32, #tpu.memory_space<vmem>>) dst(%dma_wait3A_152 : memref<10000x128xf32, #tpu.memory_space<vmem_shared>>)
          tpu.yield
        }) : () -> ()
        %scan3A_146 = arith.constant 0 : i32
        scf.yield %scan3A_146 : i32
      }
      %scan3A_59 = arith.constant 124 : i32
      %add3A_60 = arith.constant 249 : i32
      %add3A_61 = arith.addi %mul3A_43, %add3A_60 : i32
      %mul3A_62 = arith.constant 80 : i32
      %mul3A_63 = arith.muli %add3A_61, %mul3A_62 : i32
      %dma_start3A_64 = tpu.memref_slice %arg3[%mul3A_63] : memref<320000xi32, #tpu.memory_space<hbm>> -> memref<80xi32, #tpu.memory_space<hbm>>
      %dma_start3A_65 = tpu.memref_slice %arg3[%mul3A_63] : memref<320000xi32, #tpu.memory_space<hbm>> -> memref<80xi32, #tpu.memory_space<hbm>>
      tpu.enqueue_dma source(%dma_start3A_65 : memref<80xi32, #tpu.memory_space<hbm>>) target(%arg10 : memref<80xi32, #tpu.memory_space<vmem>>) target_semaphore(%arg17 : memref<!tpu.dma_semaphore, #tpu.memory_space<semaphore_mem>>)
      %dma_start3A_66 = arith.constant 19920 : i32
      %dma_start3A_67 = tpu.memref_slice %arg8[%dma_start3A_66] : memref<20000xi32, #tpu.memory_space<vmem>> -> memref<80xi32, #tpu.memory_space<vmem>>
      %dma_start3A_68 = arith.constant 0 : i32
      %dma_start3A_69 = arith.constant 0 : i32
      %dma_start3A_70 = tpu.memref_slice %arg5[%dma_start3A_68, %dma_start3A_69] : memref<10000x128xf32, #tpu.memory_space<hbm>> -> memref<10000x128xf32, #tpu.memory_space<hbm>>
      tpu.enqueue_indirect_dma source(%dma_start3A_70 : memref<10000x128xf32, #tpu.memory_space<hbm>>) target(%arg12 : memref<80x128xf32, #tpu.memory_space<vmem>>) offsets(%dma_start3A_67 : memref<80xi32, #tpu.memory_space<vmem>>) semaphore(%arg15 : memref<!tpu.dma_semaphore, #tpu.memory_space<semaphore_mem>>)
      %add3A_71 = arith.constant 248 : i32
      %add3A_72 = arith.addi %mul3A_43, %add3A_71 : i32
      %mul3A_73 = arith.constant 80 : i32
      %mul3A_74 = arith.muli %add3A_72, %mul3A_73 : i32
      %dma_wait3A = tpu.memref_slice %arg3[%mul3A_74] : memref<320000xi32, #tpu.memory_space<hbm>> -> memref<80xi32, #tpu.memory_space<hbm>>
      %dma_wait3A_75 = tpu.memref_slice %arg3[%mul3A_74] : memref<320000xi32, #tpu.memory_space<hbm>> -> memref<80xi32, #tpu.memory_space<hbm>>
      tpu.wait_dma2 semaphore(%arg16 : memref<!tpu.dma_semaphore, #tpu.memory_space<semaphore_mem>>) src(%dma_wait3A_75 : memref<80xi32, #tpu.memory_space<hbm>>) dst(%arg9 : memref<80xi32, #tpu.memory_space<vmem>>)
      %dma_wait3A_76 = arith.constant 19840 : i32
      %dma_wait3A_77 = tpu.memref_slice %arg8[%dma_wait3A_76] : memref<20000xi32, #tpu.memory_space<vmem>> -> memref<80xi32, #tpu.memory_space<vmem>>
      %dma_wait3A_78 = arith.constant 0 : i32
      %dma_wait3A_79 = arith.constant 0 : i32
      %dma_wait3A_80 = tpu.memref_slice %arg5[%dma_wait3A_78, %dma_wait3A_79] : memref<10000x128xf32, #tpu.memory_space<hbm>> -> memref<10000x128xf32, #tpu.memory_space<hbm>>
      tpu.wait_indirect_dma semaphore(%arg14 : memref<!tpu.dma_semaphore, #tpu.memory_space<semaphore_mem>>) src(%dma_wait3A_80 : memref<10000x128xf32, #tpu.memory_space<hbm>>) dst(%arg11 : memref<80x128xf32, #tpu.memory_space<vmem>>)
      "tpu.region"() ({
        %run_scoped3A = tpu.sem_alloc : memref<!tpu.dma_semaphore, #tpu.memory_space<semaphore_mem>>
        %dma_start3A_92 = arith.constant 0 : i32
        %dma_start3A_93 = arith.constant 0 : i32
        %dma_start3A_94 = tpu.memref_slice %arg18[%dma_start3A_92, %dma_start3A_93] : memref<10000x128xf32, #tpu.memory_space<vmem_shared>> -> memref<10000x128xf32, #tpu.memory_space<vmem_shared>>
        tpu.enqueue_indirect_dma source(%arg11 : memref<80x128xf32, #tpu.memory_space<vmem>>) target(%dma_start3A_94 : memref<10000x128xf32, #tpu.memory_space<vmem_shared>>) offsets(%arg9 : memref<80xi32, #tpu.memory_space<vmem>>) semaphore(%run_scoped3A : memref<!tpu.dma_semaphore, #tpu.memory_space<semaphore_mem>>) {add = true}
        %dma_wait3A_95 = arith.constant 0 : i32
        %dma_wait3A_96 = arith.constant 0 : i32
        %dma_wait3A_97 = tpu.memref_slice %arg18[%dma_wait3A_95, %dma_wait3A_96] : memref<10000x128xf32, #tpu.memory_space<vmem_shared>> -> memref<10000x128xf32, #tpu.memory_space<vmem_shared>>
        tpu.wait_indirect_dma semaphore(%run_scoped3A : memref<!tpu.dma_semaphore, #tpu.memory_space<semaphore_mem>>) src(%arg11 : memref<80x128xf32, #tpu.memory_space<vmem>>) dst(%dma_wait3A_97 : memref<10000x128xf32, #tpu.memory_space<vmem_shared>>)
        tpu.yield
      }) : () -> ()
      %add3A_81 = arith.constant 249 : i32
      %add3A_82 = arith.addi %mul3A_43, %add3A_81 : i32
      %mul3A_83 = arith.constant 80 : i32
      %mul3A_84 = arith.muli %add3A_82, %mul3A_83 : i32
      %dma_wait3A_85 = tpu.memref_slice %arg3[%mul3A_84] : memref<320000xi32, #tpu.memory_space<hbm>> -> memref<80xi32, #tpu.memory_space<hbm>>
      %dma_wait3A_86 = tpu.memref_slice %arg3[%mul3A_84] : memref<320000xi32, #tpu.memory_space<hbm>> -> memref<80xi32, #tpu.memory_space<hbm>>
      tpu.wait_dma2 semaphore(%arg17 : memref<!tpu.dma_semaphore, #tpu.memory_space<semaphore_mem>>) src(%dma_wait3A_86 : memref<80xi32, #tpu.memory_space<hbm>>) dst(%arg10 : memref<80xi32, #tpu.memory_space<vmem>>)
      %dma_wait3A_87 = arith.constant 19920 : i32
      %dma_wait3A_88 = tpu.memref_slice %arg8[%dma_wait3A_87] : memref<20000xi32, #tpu.memory_space<vmem>> -> memref<80xi32, #tpu.memory_space<vmem>>
      %dma_wait3A_89 = arith.constant 0 : i32
      %dma_wait3A_90 = arith.constant 0 : i32
      %dma_wait3A_91 = tpu.memref_slice %arg5[%dma_wait3A_89, %dma_wait3A_90] : memref<10000x128xf32, #tpu.memory_space<hbm>> -> memref<10000x128xf32, #tpu.memory_space<hbm>>
      tpu.wait_indirect_dma semaphore(%arg15 : memref<!tpu.dma_semaphore, #tpu.memory_space<semaphore_mem>>) src(%dma_wait3A_91 : memref<10000x128xf32, #tpu.memory_space<hbm>>) dst(%arg12 : memref<80x128xf32, #tpu.memory_space<vmem>>)
      "tpu.region"() ({
        %run_scoped3A = tpu.sem_alloc : memref<!tpu.dma_semaphore, #tpu.memory_space<semaphore_mem>>
        %dma_start3A_92 = arith.constant 0 : i32
        %dma_start3A_93 = arith.constant 0 : i32
        %dma_start3A_94 = tpu.memref_slice %arg18[%dma_start3A_92, %dma_start3A_93] : memref<10000x128xf32, #tpu.memory_space<vmem_shared>> -> memref<10000x128xf32, #tpu.memory_space<vmem_shared>>
        tpu.enqueue_indirect_dma source(%arg12 : memref<80x128xf32, #tpu.memory_space<vmem>>) target(%dma_start3A_94 : memref<10000x128xf32, #tpu.memory_space<vmem_shared>>) offsets(%arg10 : memref<80xi32, #tpu.memory_space<vmem>>) semaphore(%run_scoped3A : memref<!tpu.dma_semaphore, #tpu.memory_space<semaphore_mem>>) {add = true}
        %dma_wait3A_95 = arith.constant 0 : i32
        %dma_wait3A_96 = arith.constant 0 : i32
        %dma_wait3A_97 = tpu.memref_slice %arg18[%dma_wait3A_95, %dma_wait3A_96] : memref<10000x128xf32, #tpu.memory_space<vmem_shared>> -> memref<10000x128xf32, #tpu.memory_space<vmem_shared>>
        tpu.wait_indirect_dma semaphore(%run_scoped3A : memref<!tpu.dma_semaphore, #tpu.memory_space<semaphore_mem>>) src(%arg12 : memref<80x128xf32, #tpu.memory_space<vmem>>) dst(%dma_wait3A_97 : memref<10000x128xf32, #tpu.memory_space<vmem_shared>>)
        tpu.yield
      }) : () -> ()
    } else {
    }
    %barrier3A_31 = arith.constant 0 : index
    tpu.barrier barrier_id(%barrier3A_31)
    %eq3A_32 = arith.constant 0 : i32
    %eq3A_33 = arith.cmpi eq, %arg0, %eq3A_32 : i32
    %convert_element_type3A_34 = arith.extui %eq3A_33 : i1 to i32
    %cond3A_35 = arith.constant 0 : i32
    %cond3A_36 = arith.cmpi ne, %convert_element_type3A_34, %cond3A_35 : i32
    scf.if %cond3A_36 {
      %scan3A_42 = arith.constant 0 : i32
      %scan3A_43 = arith.constant 0 : i32
      %scan3A_44 = arith.constant 26 : i32
      %scan3A_45 = arith.addi %scan3A_43, %scan3A_44 : i32
      %scan3A_46 = arith.constant 1 : i32
      %scan3A_47 = scf.for %scan3A_54 = %scan3A_43 to %scan3A_45 step %scan3A_46 iter_args(%scan3A_55 = %scan3A_42) -> (i32)  : i32 {
        %mul3A_56 = arith.constant 24 : i32
        %mul3A_57 = arith.muli %scan3A_54, %mul3A_56 : i32
        %add3A = arith.addi %mul3A_0, %mul3A_57 : i32
        "tpu.region"() ({
          %run_scoped3A_59 = tpu.sem_alloc : memref<!tpu.dma_semaphore, #tpu.memory_space<semaphore_mem>>
          %dma_start3A = arith.constant 0 : i32
          %dma_start3A_60 = tpu.memref_slice %arg18[%add3A, %dma_start3A] : memref<10000x128xf32, #tpu.memory_space<vmem_shared>> -> memref<24x128xf32, #tpu.memory_space<vmem_shared>>
          %dma_start3A_61 = arith.constant 0 : i32
          %dma_start3A_62 = tpu.memref_slice %arg18[%add3A, %dma_start3A_61] : memref<10000x128xf32, #tpu.memory_space<vmem_shared>> -> memref<24x128xf32, #tpu.memory_space<vmem_shared>>
          tpu.enqueue_dma source(%dma_start3A_62 : memref<24x128xf32, #tpu.memory_space<vmem_shared>>) target(%arg13 : memref<24x128xf32, #tpu.memory_space<vmem>>) target_semaphore(%run_scoped3A_59 : memref<!tpu.dma_semaphore, #tpu.memory_space<semaphore_mem>>)
          %dma_wait3A = arith.constant 0 : i32
          %dma_wait3A_63 = tpu.memref_slice %arg18[%add3A, %dma_wait3A] : memref<10000x128xf32, #tpu.memory_space<vmem_shared>> -> memref<24x128xf32, #tpu.memory_space<vmem_shared>>
          %dma_wait3A_64 = arith.constant 0 : i32
          %dma_wait3A_65 = tpu.memref_slice %arg18[%add3A, %dma_wait3A_64] : memref<10000x128xf32, #tpu.memory_space<vmem_shared>> -> memref<24x128xf32, #tpu.memory_space<vmem_shared>>
          tpu.wait_dma2 semaphore(%run_scoped3A_59 : memref<!tpu.dma_semaphore, #tpu.memory_space<semaphore_mem>>) src(%dma_wait3A_65 : memref<24x128xf32, #tpu.memory_space<vmem_shared>>) dst(%arg13 : memref<24x128xf32, #tpu.memory_space<vmem>>)
          tpu.yield
        }) : () -> ()
        %run_scoped3A = arith.constant 0 : i32
        "tpu.region"() ({
          %run_scoped3A_59 = tpu.sem_alloc : memref<!tpu.dma_semaphore, #tpu.memory_space<semaphore_mem>>
          %dma_start3A = arith.constant 0 : i32
          %dma_start3A_60 = arith.constant 0 : i32
          %dma_start3A_61 = tpu.memref_slice %arg7[%run_scoped3A, %dma_start3A, %dma_start3A_60] : memref<2x10000x128xf32, #tpu.memory_space<hbm>> -> memref<1x10000x128xf32, #tpu.memory_space<hbm>>
          %dma_start3A_62 = tpu.memref_squeeze %dma_start3A_61 : memref<1x10000x128xf32, #tpu.memory_space<hbm>> -> memref<10000x128xf32, #tpu.memory_space<hbm>>
          %dma_start3A_63 = arith.constant 0 : i32
          %dma_start3A_64 = tpu.memref_slice %dma_start3A_62[%add3A, %dma_start3A_63] : memref<10000x128xf32, #tpu.memory_space<hbm>> -> memref<24x128xf32, #tpu.memory_space<hbm>>
          %dma_start3A_65 = arith.constant 0 : i32
          %dma_start3A_66 = arith.constant 0 : i32
          %dma_start3A_67 = tpu.memref_slice %arg7[%run_scoped3A, %dma_start3A_65, %dma_start3A_66] : memref<2x10000x128xf32, #tpu.memory_space<hbm>> -> memref<1x10000x128xf32, #tpu.memory_space<hbm>>
          %dma_start3A_68 = tpu.memref_squeeze %dma_start3A_67 : memref<1x10000x128xf32, #tpu.memory_space<hbm>> -> memref<10000x128xf32, #tpu.memory_space<hbm>>
          %dma_start3A_69 = arith.constant 0 : i32
          %dma_start3A_70 = tpu.memref_slice %dma_start3A_68[%add3A, %dma_start3A_69] : memref<10000x128xf32, #tpu.memory_space<hbm>> -> memref<24x128xf32, #tpu.memory_space<hbm>>
          tpu.enqueue_dma source(%arg13 : memref<24x128xf32, #tpu.memory_space<vmem>>) target(%dma_start3A_70 : memref<24x128xf32, #tpu.memory_space<hbm>>) target_semaphore(%run_scoped3A_59 : memref<!tpu.dma_semaphore, #tpu.memory_space<semaphore_mem>>)
          %dma_wait3A = arith.constant 0 : i32
          %dma_wait3A_71 = arith.constant 0 : i32
          %dma_wait3A_72 = tpu.memref_slice %arg7[%run_scoped3A, %dma_wait3A, %dma_wait3A_71] : memref<2x10000x128xf32, #tpu.memory_space<hbm>> -> memref<1x10000x128xf32, #tpu.memory_space<hbm>>
          %dma_wait3A_73 = tpu.memref_squeeze %dma_wait3A_72 : memref<1x10000x128xf32, #tpu.memory_space<hbm>> -> memref<10000x128xf32, #tpu.memory_space<hbm>>
          %dma_wait3A_74 = arith.constant 0 : i32
          %dma_wait3A_75 = tpu.memref_slice %dma_wait3A_73[%add3A, %dma_wait3A_74] : memref<10000x128xf32, #tpu.memory_space<hbm>> -> memref<24x128xf32, #tpu.memory_space<hbm>>
          %dma_wait3A_76 = arith.constant 0 : i32
          %dma_wait3A_77 = arith.constant 0 : i32
          %dma_wait3A_78 = tpu.memref_slice %arg7[%run_scoped3A, %dma_wait3A_76, %dma_wait3A_77] : memref<2x10000x128xf32, #tpu.memory_space<hbm>> -> memref<1x10000x128xf32, #tpu.memory_space<hbm>>
          %dma_wait3A_79 = tpu.memref_squeeze %dma_wait3A_78 : memref<1x10000x128xf32, #tpu.memory_space<hbm>> -> memref<10000x128xf32, #tpu.memory_space<hbm>>
          %dma_wait3A_80 = arith.constant 0 : i32
          %dma_wait3A_81 = tpu.memref_slice %dma_wait3A_79[%add3A, %dma_wait3A_80] : memref<10000x128xf32, #tpu.memory_space<hbm>> -> memref<24x128xf32, #tpu.memory_space<hbm>>
          tpu.wait_dma2 semaphore(%run_scoped3A_59 : memref<!tpu.dma_semaphore, #tpu.memory_space<semaphore_mem>>) src(%arg13 : memref<24x128xf32, #tpu.memory_space<vmem>>) dst(%dma_wait3A_81 : memref<24x128xf32, #tpu.memory_space<hbm>>)
          tpu.yield
        }) : () -> ()
        %scan3A_58 = arith.constant 0 : i32
        scf.yield %scan3A_58 : i32
      }
      %scan3A_48 = arith.constant 26 : i32
      %eq3A_49 = arith.constant 0 : i32
      %eq3A_50 = arith.cmpi eq, %arg1, %eq3A_49 : i32
      %convert_element_type3A_51 = arith.extui %eq3A_50 : i1 to i32
      %cond3A_52 = arith.constant 0 : i32
      %cond3A_53 = arith.cmpi ne, %convert_element_type3A_51, %cond3A_52 : i32
      scf.if %cond3A_53 {
        "tpu.region"() ({
          %run_scoped3A_54 = tpu.sem_alloc : memref<!tpu.dma_semaphore, #tpu.memory_space<semaphore_mem>>
          %dma_start3A = arith.constant 0 : i32
          %dma_start3A_55 = arith.constant 0 : i32
          %dma_start3A_56 = tpu.memref_slice %arg13[%dma_start3A, %dma_start3A_55] : memref<24x128xf32, #tpu.memory_space<vmem>> -> memref<16x128xf32, #tpu.memory_space<vmem>>
          %dma_start3A_57 = arith.constant 9984 : i32
          %dma_start3A_58 = arith.constant 0 : i32
          %dma_start3A_59 = tpu.memref_slice %arg18[%dma_start3A_57, %dma_start3A_58] : memref<10000x128xf32, #tpu.memory_space<vmem_shared>> -> memref<16x128xf32, #tpu.memory_space<vmem_shared>>
          %dma_start3A_60 = arith.constant 0 : i32
          %dma_start3A_61 = arith.constant 0 : i32
          %dma_start3A_62 = tpu.memref_slice %arg13[%dma_start3A_60, %dma_start3A_61] : memref<24x128xf32, #tpu.memory_space<vmem>> -> memref<16x128xf32, #tpu.memory_space<vmem>>
          %dma_start3A_63 = arith.constant 9984 : i32
          %dma_start3A_64 = arith.constant 0 : i32
          %dma_start3A_65 = tpu.memref_slice %arg18[%dma_start3A_63, %dma_start3A_64] : memref<10000x128xf32, #tpu.memory_space<vmem_shared>> -> memref<16x128xf32, #tpu.memory_space<vmem_shared>>
          tpu.enqueue_dma source(%dma_start3A_65 : memref<16x128xf32, #tpu.memory_space<vmem_shared>>) target(%dma_start3A_62 : memref<16x128xf32, #tpu.memory_space<vmem>>) target_semaphore(%run_scoped3A_54 : memref<!tpu.dma_semaphore, #tpu.memory_space<semaphore_mem>>)
          %dma_wait3A = arith.constant 0 : i32
          %dma_wait3A_66 = arith.constant 0 : i32
          %dma_wait3A_67 = tpu.memref_slice %arg13[%dma_wait3A, %dma_wait3A_66] : memref<24x128xf32, #tpu.memory_space<vmem>> -> memref<16x128xf32, #tpu.memory_space<vmem>>
          %dma_wait3A_68 = arith.constant 9984 : i32
          %dma_wait3A_69 = arith.constant 0 : i32
          %dma_wait3A_70 = tpu.memref_slice %arg18[%dma_wait3A_68, %dma_wait3A_69] : memref<10000x128xf32, #tpu.memory_space<vmem_shared>> -> memref<16x128xf32, #tpu.memory_space<vmem_shared>>
          %dma_wait3A_71 = arith.constant 0 : i32
          %dma_wait3A_72 = arith.constant 0 : i32
          %dma_wait3A_73 = tpu.memref_slice %arg13[%dma_wait3A_71, %dma_wait3A_72] : memref<24x128xf32, #tpu.memory_space<vmem>> -> memref<16x128xf32, #tpu.memory_space<vmem>>
          %dma_wait3A_74 = arith.constant 9984 : i32
          %dma_wait3A_75 = arith.constant 0 : i32
          %dma_wait3A_76 = tpu.memref_slice %arg18[%dma_wait3A_74, %dma_wait3A_75] : memref<10000x128xf32, #tpu.memory_space<vmem_shared>> -> memref<16x128xf32, #tpu.memory_space<vmem_shared>>
          tpu.wait_dma2 semaphore(%run_scoped3A_54 : memref<!tpu.dma_semaphore, #tpu.memory_space<semaphore_mem>>) src(%dma_wait3A_76 : memref<16x128xf32, #tpu.memory_space<vmem_shared>>) dst(%dma_wait3A_73 : memref<16x128xf32, #tpu.memory_space<vmem>>)
          tpu.yield
        }) : () -> ()
        %run_scoped3A = arith.constant 0 : i32
        "tpu.region"() ({
          %run_scoped3A_54 = tpu.sem_alloc : memref<!tpu.dma_semaphore, #tpu.memory_space<semaphore_mem>>
          %dma_start3A = arith.constant 0 : i32
          %dma_start3A_55 = arith.constant 0 : i32
          %dma_start3A_56 = tpu.memref_slice %arg13[%dma_start3A, %dma_start3A_55] : memref<24x128xf32, #tpu.memory_space<vmem>> -> memref<16x128xf32, #tpu.memory_space<vmem>>
          %dma_start3A_57 = arith.constant 0 : i32
          %dma_start3A_58 = arith.constant 0 : i32
          %dma_start3A_59 = tpu.memref_slice %arg7[%run_scoped3A, %dma_start3A_57, %dma_start3A_58] : memref<2x10000x128xf32, #tpu.memory_space<hbm>> -> memref<1x10000x128xf32, #tpu.memory_space<hbm>>
          %dma_start3A_60 = tpu.memref_squeeze %dma_start3A_59 : memref<1x10000x128xf32, #tpu.memory_space<hbm>> -> memref<10000x128xf32, #tpu.memory_space<hbm>>
          %dma_start3A_61 = arith.constant 9984 : i32
          %dma_start3A_62 = arith.constant 0 : i32
          %dma_start3A_63 = tpu.memref_slice %dma_start3A_60[%dma_start3A_61, %dma_start3A_62] : memref<10000x128xf32, #tpu.memory_space<hbm>> -> memref<16x128xf32, #tpu.memory_space<hbm>>
          %dma_start3A_64 = arith.constant 0 : i32
          %dma_start3A_65 = arith.constant 0 : i32
          %dma_start3A_66 = tpu.memref_slice %arg7[%run_scoped3A, %dma_start3A_64, %dma_start3A_65] : memref<2x10000x128xf32, #tpu.memory_space<hbm>> -> memref<1x10000x128xf32, #tpu.memory_space<hbm>>
          %dma_start3A_67 = tpu.memref_squeeze %dma_start3A_66 : memref<1x10000x128xf32, #tpu.memory_space<hbm>> -> memref<10000x128xf32, #tpu.memory_space<hbm>>
          %dma_start3A_68 = arith.constant 9984 : i32
          %dma_start3A_69 = arith.constant 0 : i32
          %dma_start3A_70 = tpu.memref_slice %dma_start3A_67[%dma_start3A_68, %dma_start3A_69] : memref<10000x128xf32, #tpu.memory_space<hbm>> -> memref<16x128xf32, #tpu.memory_space<hbm>>
          %dma_start3A_71 = arith.constant 0 : i32
          %dma_start3A_72 = arith.constant 0 : i32
          %dma_start3A_73 = tpu.memref_slice %arg13[%dma_start3A_71, %dma_start3A_72] : memref<24x128xf32, #tpu.memory_space<vmem>> -> memref<16x128xf32, #tpu.memory_space<vmem>>
          tpu.enqueue_dma source(%dma_start3A_73 : memref<16x128xf32, #tpu.memory_space<vmem>>) target(%dma_start3A_70 : memref<16x128xf32, #tpu.memory_space<hbm>>) target_semaphore(%run_scoped3A_54 : memref<!tpu.dma_semaphore, #tpu.memory_space<semaphore_mem>>)
          %dma_wait3A = arith.constant 0 : i32
          %dma_wait3A_74 = arith.constant 0 : i32
          %dma_wait3A_75 = tpu.memref_slice %arg13[%dma_wait3A, %dma_wait3A_74] : memref<24x128xf32, #tpu.memory_space<vmem>> -> memref<16x128xf32, #tpu.memory_space<vmem>>
          %dma_wait3A_76 = arith.constant 0 : i32
          %dma_wait3A_77 = arith.constant 0 : i32
          %dma_wait3A_78 = tpu.memref_slice %arg7[%run_scoped3A, %dma_wait3A_76, %dma_wait3A_77] : memref<2x10000x128xf32, #tpu.memory_space<hbm>> -> memref<1x10000x128xf32, #tpu.memory_space<hbm>>
          %dma_wait3A_79 = tpu.memref_squeeze %dma_wait3A_78 : memref<1x10000x128xf32, #tpu.memory_space<hbm>> -> memref<10000x128xf32, #tpu.memory_space<hbm>>
          %dma_wait3A_80 = arith.constant 9984 : i32
          %dma_wait3A_81 = arith.constant 0 : i32
          %dma_wait3A_82 = tpu.memref_slice %dma_wait3A_79[%dma_wait3A_80, %dma_wait3A_81] : memref<10000x128xf32, #tpu.memory_space<hbm>> -> memref<16x128xf32, #tpu.memory_space<hbm>>
          %dma_wait3A_83 = arith.constant 0 : i32
          %dma_wait3A_84 = arith.constant 0 : i32
          %dma_wait3A_85 = tpu.memref_slice %arg7[%run_scoped3A, %dma_wait3A_83, %dma_wait3A_84] : memref<2x10000x128xf32, #tpu.memory_space<hbm>> -> memref<1x10000x128xf32, #tpu.memory_space<hbm>>
          %dma_wait3A_86 = tpu.memref_squeeze %dma_wait3A_85 : memref<1x10000x128xf32, #tpu.memory_space<hbm>> -> memref<10000x128xf32, #tpu.memory_space<hbm>>
          %dma_wait3A_87 = arith.constant 9984 : i32
          %dma_wait3A_88 = arith.constant 0 : i32
          %dma_wait3A_89 = tpu.memref_slice %dma_wait3A_86[%dma_wait3A_87, %dma_wait3A_88] : memref<10000x128xf32, #tpu.memory_space<hbm>> -> memref<16x128xf32, #tpu.memory_space<hbm>>
          %dma_wait3A_90 = arith.constant 0 : i32
          %dma_wait3A_91 = arith.constant 0 : i32
          %dma_wait3A_92 = tpu.memref_slice %arg13[%dma_wait3A_90, %dma_wait3A_91] : memref<24x128xf32, #tpu.memory_space<vmem>> -> memref<16x128xf32, #tpu.memory_space<vmem>>
          tpu.wait_dma2 semaphore(%run_scoped3A_54 : memref<!tpu.dma_semaphore, #tpu.memory_space<semaphore_mem>>) src(%dma_wait3A_92 : memref<16x128xf32, #tpu.memory_space<vmem>>) dst(%dma_wait3A_89 : memref<16x128xf32, #tpu.memory_space<hbm>>)
          tpu.yield
        }) : () -> ()
      } else {
      }
    } else {
    }
    %eq3A_37 = arith.constant 1 : i32
    %eq3A_38 = arith.cmpi eq, %arg0, %eq3A_37 : i32
    %convert_element_type3A_39 = arith.extui %eq3A_38 : i1 to i32
    %cond3A_40 = arith.constant 0 : i32
    %cond3A_41 = arith.cmpi ne, %convert_element_type3A_39, %cond3A_40 : i32
    scf.if %cond3A_41 {
      %scan3A_42 = arith.constant 0 : i32
      %scan3A_43 = arith.constant 0 : i32
      %scan3A_44 = arith.constant 26 : i32
      %scan3A_45 = arith.addi %scan3A_43, %scan3A_44 : i32
      %scan3A_46 = arith.constant 1 : i32
      %scan3A_47 = scf.for %scan3A_54 = %scan3A_43 to %scan3A_45 step %scan3A_46 iter_args(%scan3A_55 = %scan3A_42) -> (i32)  : i32 {
        %mul3A_56 = arith.constant 24 : i32
        %mul3A_57 = arith.muli %scan3A_54, %mul3A_56 : i32
        %add3A = arith.addi %mul3A_0, %mul3A_57 : i32
        "tpu.region"() ({
          %run_scoped3A_59 = tpu.sem_alloc : memref<!tpu.dma_semaphore, #tpu.memory_space<semaphore_mem>>
          %dma_start3A = arith.constant 0 : i32
          %dma_start3A_60 = tpu.memref_slice %arg18[%add3A, %dma_start3A] : memref<10000x128xf32, #tpu.memory_space<vmem_shared>> -> memref<24x128xf32, #tpu.memory_space<vmem_shared>>
          %dma_start3A_61 = arith.constant 0 : i32
          %dma_start3A_62 = tpu.memref_slice %arg18[%add3A, %dma_start3A_61] : memref<10000x128xf32, #tpu.memory_space<vmem_shared>> -> memref<24x128xf32, #tpu.memory_space<vmem_shared>>
          tpu.enqueue_dma source(%dma_start3A_62 : memref<24x128xf32, #tpu.memory_space<vmem_shared>>) target(%arg13 : memref<24x128xf32, #tpu.memory_space<vmem>>) target_semaphore(%run_scoped3A_59 : memref<!tpu.dma_semaphore, #tpu.memory_space<semaphore_mem>>)
          %dma_wait3A = arith.constant 0 : i32
          %dma_wait3A_63 = tpu.memref_slice %arg18[%add3A, %dma_wait3A] : memref<10000x128xf32, #tpu.memory_space<vmem_shared>> -> memref<24x128xf32, #tpu.memory_space<vmem_shared>>
          %dma_wait3A_64 = arith.constant 0 : i32
          %dma_wait3A_65 = tpu.memref_slice %arg18[%add3A, %dma_wait3A_64] : memref<10000x128xf32, #tpu.memory_space<vmem_shared>> -> memref<24x128xf32, #tpu.memory_space<vmem_shared>>
          tpu.wait_dma2 semaphore(%run_scoped3A_59 : memref<!tpu.dma_semaphore, #tpu.memory_space<semaphore_mem>>) src(%dma_wait3A_65 : memref<24x128xf32, #tpu.memory_space<vmem_shared>>) dst(%arg13 : memref<24x128xf32, #tpu.memory_space<vmem>>)
          tpu.yield
        }) : () -> ()
        %run_scoped3A = arith.constant 1 : i32
        "tpu.region"() ({
          %run_scoped3A_59 = tpu.sem_alloc : memref<!tpu.dma_semaphore, #tpu.memory_space<semaphore_mem>>
          %dma_start3A = arith.constant 0 : i32
          %dma_start3A_60 = arith.constant 0 : i32
          %dma_start3A_61 = tpu.memref_slice %arg7[%run_scoped3A, %dma_start3A, %dma_start3A_60] : memref<2x10000x128xf32, #tpu.memory_space<hbm>> -> memref<1x10000x128xf32, #tpu.memory_space<hbm>>
          %dma_start3A_62 = tpu.memref_squeeze %dma_start3A_61 : memref<1x10000x128xf32, #tpu.memory_space<hbm>> -> memref<10000x128xf32, #tpu.memory_space<hbm>>
          %dma_start3A_63 = arith.constant 0 : i32
          %dma_start3A_64 = tpu.memref_slice %dma_start3A_62[%add3A, %dma_start3A_63] : memref<10000x128xf32, #tpu.memory_space<hbm>> -> memref<24x128xf32, #tpu.memory_space<hbm>>
          %dma_start3A_65 = arith.constant 0 : i32
          %dma_start3A_66 = arith.constant 0 : i32
          %dma_start3A_67 = tpu.memref_slice %arg7[%run_scoped3A, %dma_start3A_65, %dma_start3A_66] : memref<2x10000x128xf32, #tpu.memory_space<hbm>> -> memref<1x10000x128xf32, #tpu.memory_space<hbm>>
          %dma_start3A_68 = tpu.memref_squeeze %dma_start3A_67 : memref<1x10000x128xf32, #tpu.memory_space<hbm>> -> memref<10000x128xf32, #tpu.memory_space<hbm>>
          %dma_start3A_69 = arith.constant 0 : i32
          %dma_start3A_70 = tpu.memref_slice %dma_start3A_68[%add3A, %dma_start3A_69] : memref<10000x128xf32, #tpu.memory_space<hbm>> -> memref<24x128xf32, #tpu.memory_space<hbm>>
          tpu.enqueue_dma source(%arg13 : memref<24x128xf32, #tpu.memory_space<vmem>>) target(%dma_start3A_70 : memref<24x128xf32, #tpu.memory_space<hbm>>) target_semaphore(%run_scoped3A_59 : memref<!tpu.dma_semaphore, #tpu.memory_space<semaphore_mem>>)
          %dma_wait3A = arith.constant 0 : i32
          %dma_wait3A_71 = arith.constant 0 : i32
          %dma_wait3A_72 = tpu.memref_slice %arg7[%run_scoped3A, %dma_wait3A, %dma_wait3A_71] : memref<2x10000x128xf32, #tpu.memory_space<hbm>> -> memref<1x10000x128xf32, #tpu.memory_space<hbm>>
          %dma_wait3A_73 = tpu.memref_squeeze %dma_wait3A_72 : memref<1x10000x128xf32, #tpu.memory_space<hbm>> -> memref<10000x128xf32, #tpu.memory_space<hbm>>
          %dma_wait3A_74 = arith.constant 0 : i32
          %dma_wait3A_75 = tpu.memref_slice %dma_wait3A_73[%add3A, %dma_wait3A_74] : memref<10000x128xf32, #tpu.memory_space<hbm>> -> memref<24x128xf32, #tpu.memory_space<hbm>>
          %dma_wait3A_76 = arith.constant 0 : i32
          %dma_wait3A_77 = arith.constant 0 : i32
          %dma_wait3A_78 = tpu.memref_slice %arg7[%run_scoped3A, %dma_wait3A_76, %dma_wait3A_77] : memref<2x10000x128xf32, #tpu.memory_space<hbm>> -> memref<1x10000x128xf32, #tpu.memory_space<hbm>>
          %dma_wait3A_79 = tpu.memref_squeeze %dma_wait3A_78 : memref<1x10000x128xf32, #tpu.memory_space<hbm>> -> memref<10000x128xf32, #tpu.memory_space<hbm>>
          %dma_wait3A_80 = arith.constant 0 : i32
          %dma_wait3A_81 = tpu.memref_slice %dma_wait3A_79[%add3A, %dma_wait3A_80] : memref<10000x128xf32, #tpu.memory_space<hbm>> -> memref<24x128xf32, #tpu.memory_space<hbm>>
          tpu.wait_dma2 semaphore(%run_scoped3A_59 : memref<!tpu.dma_semaphore, #tpu.memory_space<semaphore_mem>>) src(%arg13 : memref<24x128xf32, #tpu.memory_space<vmem>>) dst(%dma_wait3A_81 : memref<24x128xf32, #tpu.memory_space<hbm>>)
          tpu.yield
        }) : () -> ()
        %scan3A_58 = arith.constant 0 : i32
        scf.yield %scan3A_58 : i32
      }
      %scan3A_48 = arith.constant 26 : i32
      %eq3A_49 = arith.constant 0 : i32
      %eq3A_50 = arith.cmpi eq, %arg1, %eq3A_49 : i32
      %convert_element_type3A_51 = arith.extui %eq3A_50 : i1 to i32
      %cond3A_52 = arith.constant 0 : i32
      %cond3A_53 = arith.cmpi ne, %convert_element_type3A_51, %cond3A_52 : i32
      scf.if %cond3A_53 {
        "tpu.region"() ({
          %run_scoped3A_54 = tpu.sem_alloc : memref<!tpu.dma_semaphore, #tpu.memory_space<semaphore_mem>>
          %dma_start3A = arith.constant 0 : i32
          %dma_start3A_55 = arith.constant 0 : i32
          %dma_start3A_56 = tpu.memref_slice %arg13[%dma_start3A, %dma_start3A_55] : memref<24x128xf32, #tpu.memory_space<vmem>> -> memref<16x128xf32, #tpu.memory_space<vmem>>
          %dma_start3A_57 = arith.constant 9984 : i32
          %dma_start3A_58 = arith.constant 0 : i32
          %dma_start3A_59 = tpu.memref_slice %arg18[%dma_start3A_57, %dma_start3A_58] : memref<10000x128xf32, #tpu.memory_space<vmem_shared>> -> memref<16x128xf32, #tpu.memory_space<vmem_shared>>
          %dma_start3A_60 = arith.constant 0 : i32
          %dma_start3A_61 = arith.constant 0 : i32
          %dma_start3A_62 = tpu.memref_slice %arg13[%dma_start3A_60, %dma_start3A_61] : memref<24x128xf32, #tpu.memory_space<vmem>> -> memref<16x128xf32, #tpu.memory_space<vmem>>
          %dma_start3A_63 = arith.constant 9984 : i32
          %dma_start3A_64 = arith.constant 0 : i32
          %dma_start3A_65 = tpu.memref_slice %arg18[%dma_start3A_63, %dma_start3A_64] : memref<10000x128xf32, #tpu.memory_space<vmem_shared>> -> memref<16x128xf32, #tpu.memory_space<vmem_shared>>
          tpu.enqueue_dma source(%dma_start3A_65 : memref<16x128xf32, #tpu.memory_space<vmem_shared>>) target(%dma_start3A_62 : memref<16x128xf32, #tpu.memory_space<vmem>>) target_semaphore(%run_scoped3A_54 : memref<!tpu.dma_semaphore, #tpu.memory_space<semaphore_mem>>)
          %dma_wait3A = arith.constant 0 : i32
          %dma_wait3A_66 = arith.constant 0 : i32
          %dma_wait3A_67 = tpu.memref_slice %arg13[%dma_wait3A, %dma_wait3A_66] : memref<24x128xf32, #tpu.memory_space<vmem>> -> memref<16x128xf32, #tpu.memory_space<vmem>>
          %dma_wait3A_68 = arith.constant 9984 : i32
          %dma_wait3A_69 = arith.constant 0 : i32
          %dma_wait3A_70 = tpu.memref_slice %arg18[%dma_wait3A_68, %dma_wait3A_69] : memref<10000x128xf32, #tpu.memory_space<vmem_shared>> -> memref<16x128xf32, #tpu.memory_space<vmem_shared>>
          %dma_wait3A_71 = arith.constant 0 : i32
          %dma_wait3A_72 = arith.constant 0 : i32
          %dma_wait3A_73 = tpu.memref_slice %arg13[%dma_wait3A_71, %dma_wait3A_72] : memref<24x128xf32, #tpu.memory_space<vmem>> -> memref<16x128xf32, #tpu.memory_space<vmem>>
          %dma_wait3A_74 = arith.constant 9984 : i32
          %dma_wait3A_75 = arith.constant 0 : i32
          %dma_wait3A_76 = tpu.memref_slice %arg18[%dma_wait3A_74, %dma_wait3A_75] : memref<10000x128xf32, #tpu.memory_space<vmem_shared>> -> memref<16x128xf32, #tpu.memory_space<vmem_shared>>
          tpu.wait_dma2 semaphore(%run_scoped3A_54 : memref<!tpu.dma_semaphore, #tpu.memory_space<semaphore_mem>>) src(%dma_wait3A_76 : memref<16x128xf32, #tpu.memory_space<vmem_shared>>) dst(%dma_wait3A_73 : memref<16x128xf32, #tpu.memory_space<vmem>>)
          tpu.yield
        }) : () -> ()
        %run_scoped3A = arith.constant 1 : i32
        "tpu.region"() ({
          %run_scoped3A_54 = tpu.sem_alloc : memref<!tpu.dma_semaphore, #tpu.memory_space<semaphore_mem>>
          %dma_start3A = arith.constant 0 : i32
          %dma_start3A_55 = arith.constant 0 : i32
          %dma_start3A_56 = tpu.memref_slice %arg13[%dma_start3A, %dma_start3A_55] : memref<24x128xf32, #tpu.memory_space<vmem>> -> memref<16x128xf32, #tpu.memory_space<vmem>>
          %dma_start3A_57 = arith.constant 0 : i32
          %dma_start3A_58 = arith.constant 0 : i32
          %dma_start3A_59 = tpu.memref_slice %arg7[%run_scoped3A, %dma_start3A_57, %dma_start3A_58] : memref<2x10000x128xf32, #tpu.memory_space<hbm>> -> memref<1x10000x128xf32, #tpu.memory_space<hbm>>
          %dma_start3A_60 = tpu.memref_squeeze %dma_start3A_59 : memref<1x10000x128xf32, #tpu.memory_space<hbm>> -> memref<10000x128xf32, #tpu.memory_space<hbm>>
          %dma_start3A_61 = arith.constant 9984 : i32
          %dma_start3A_62 = arith.constant 0 : i32
          %dma_start3A_63 = tpu.memref_slice %dma_start3A_60[%dma_start3A_61, %dma_start3A_62] : memref<10000x128xf32, #tpu.memory_space<hbm>> -> memref<16x128xf32, #tpu.memory_space<hbm>>
          %dma_start3A_64 = arith.constant 0 : i32
          %dma_start3A_65 = arith.constant 0 : i32
          %dma_start3A_66 = tpu.memref_slice %arg7[%run_scoped3A, %dma_start3A_64, %dma_start3A_65] : memref<2x10000x128xf32, #tpu.memory_space<hbm>> -> memref<1x10000x128xf32, #tpu.memory_space<hbm>>
          %dma_start3A_67 = tpu.memref_squeeze %dma_start3A_66 : memref<1x10000x128xf32, #tpu.memory_space<hbm>> -> memref<10000x128xf32, #tpu.memory_space<hbm>>
          %dma_start3A_68 = arith.constant 9984 : i32
          %dma_start3A_69 = arith.constant 0 : i32
          %dma_start3A_70 = tpu.memref_slice %dma_start3A_67[%dma_start3A_68, %dma_start3A_69] : memref<10000x128xf32, #tpu.memory_space<hbm>> -> memref<16x128xf32, #tpu.memory_space<hbm>>
          %dma_start3A_71 = arith.constant 0 : i32
          %dma_start3A_72 = arith.constant 0 : i32
          %dma_start3A_73 = tpu.memref_slice %arg13[%dma_start3A_71, %dma_start3A_72] : memref<24x128xf32, #tpu.memory_space<vmem>> -> memref<16x128xf32, #tpu.memory_space<vmem>>
          tpu.enqueue_dma source(%dma_start3A_73 : memref<16x128xf32, #tpu.memory_space<vmem>>) target(%dma_start3A_70 : memref<16x128xf32, #tpu.memory_space<hbm>>) target_semaphore(%run_scoped3A_54 : memref<!tpu.dma_semaphore, #tpu.memory_space<semaphore_mem>>)
          %dma_wait3A = arith.constant 0 : i32
          %dma_wait3A_74 = arith.constant 0 : i32
          %dma_wait3A_75 = tpu.memref_slice %arg13[%dma_wait3A, %dma_wait3A_74] : memref<24x128xf32, #tpu.memory_space<vmem>> -> memref<16x128xf32, #tpu.memory_space<vmem>>
          %dma_wait3A_76 = arith.constant 0 : i32
          %dma_wait3A_77 = arith.constant 0 : i32
          %dma_wait3A_78 = tpu.memref_slice %arg7[%run_scoped3A, %dma_wait3A_76, %dma_wait3A_77] : memref<2x10000x128xf32, #tpu.memory_space<hbm>> -> memref<1x10000x128xf32, #tpu.memory_space<hbm>>
          %dma_wait3A_79 = tpu.memref_squeeze %dma_wait3A_78 : memref<1x10000x128xf32, #tpu.memory_space<hbm>> -> memref<10000x128xf32, #tpu.memory_space<hbm>>
          %dma_wait3A_80 = arith.constant 9984 : i32
          %dma_wait3A_81 = arith.constant 0 : i32
          %dma_wait3A_82 = tpu.memref_slice %dma_wait3A_79[%dma_wait3A_80, %dma_wait3A_81] : memref<10000x128xf32, #tpu.memory_space<hbm>> -> memref<16x128xf32, #tpu.memory_space<hbm>>
          %dma_wait3A_83 = arith.constant 0 : i32
          %dma_wait3A_84 = arith.constant 0 : i32
          %dma_wait3A_85 = tpu.memref_slice %arg7[%run_scoped3A, %dma_wait3A_83, %dma_wait3A_84] : memref<2x10000x128xf32, #tpu.memory_space<hbm>> -> memref<1x10000x128xf32, #tpu.memory_space<hbm>>
          %dma_wait3A_86 = tpu.memref_squeeze %dma_wait3A_85 : memref<1x10000x128xf32, #tpu.memory_space<hbm>> -> memref<10000x128xf32, #tpu.memory_space<hbm>>
          %dma_wait3A_87 = arith.constant 9984 : i32
          %dma_wait3A_88 = arith.constant 0 : i32
          %dma_wait3A_89 = tpu.memref_slice %dma_wait3A_86[%dma_wait3A_87, %dma_wait3A_88] : memref<10000x128xf32, #tpu.memory_space<hbm>> -> memref<16x128xf32, #tpu.memory_space<hbm>>
          %dma_wait3A_90 = arith.constant 0 : i32
          %dma_wait3A_91 = arith.constant 0 : i32
          %dma_wait3A_92 = tpu.memref_slice %arg13[%dma_wait3A_90, %dma_wait3A_91] : memref<24x128xf32, #tpu.memory_space<vmem>> -> memref<16x128xf32, #tpu.memory_space<vmem>>
          tpu.wait_dma2 semaphore(%run_scoped3A_54 : memref<!tpu.dma_semaphore, #tpu.memory_space<semaphore_mem>>) src(%dma_wait3A_92 : memref<16x128xf32, #tpu.memory_space<vmem>>) dst(%dma_wait3A_89 : memref<16x128xf32, #tpu.memory_space<hbm>>)
          tpu.yield
        }) : () -> ()
      } else {
      }
    } else {
    }
    return
  }
}

#map = affine_map<(d0, d1) -> (0)>
#map1 = affine_map<(d0, d1) -> (0, 0)>
#map2 = affine_map<(d0, d1) -> (0, 0, 0)>
module attributes {stable_mosaic.version = 14 : i64} {
  func.func @_sc_agg_split_body(%arg0: i32, %arg1: i32, %arg2: memref<320000xi32, #tpu.memory_space<hbm>>, %arg3: memref<320000xi32, #tpu.memory_space<hbm>>, %arg4: memref<10000x128xf32, #tpu.memory_space<hbm>>, %arg5: memref<2x10000x128xf32, #tpu.memory_space<hbm>>, %arg6: memref<2x10000x128xf32, #tpu.memory_space<hbm>>, %arg7: memref<10000xi32, #tpu.memory_space<vmem>>, %arg8: memref<80xi32, #tpu.memory_space<vmem>>, %arg9: memref<80xi32, #tpu.memory_space<vmem>>, %arg10: memref<80x128xf32, #tpu.memory_space<vmem>>, %arg11: memref<80x128xf32, #tpu.memory_space<vmem>>, %arg12: memref<24x128xf32, #tpu.memory_space<vmem>>, %arg13: memref<!tpu.dma_semaphore, #tpu.memory_space<semaphore_mem>>, %arg14: memref<!tpu.dma_semaphore, #tpu.memory_space<semaphore_mem>>, %arg15: memref<!tpu.dma_semaphore, #tpu.memory_space<semaphore_mem>>, %arg16: memref<!tpu.dma_semaphore, #tpu.memory_space<semaphore_mem>>, %arg17: memref<10000x128xf32, #tpu.memory_space<vmem_shared>>) attributes {dimension_semantics = [#tpu.dimension_semantics<core_parallel>, #tpu.dimension_semantics<subcore_parallel>], iteration_bounds = array<i64: 2, 16>, scalar_prefetch = 0 : i64, scratch_operands = 11 : i64, tpu.core_type = #tpu.core_type<sc_vector_subcore>, window_params = [{transform_indices = #map}, {transform_indices = #map}, {transform_indices = #map1}, {transform_indices = #map2}, {transform_indices = #map2}]} {
    %mul3A = arith.constant 624 : i32
    %mul3A_0 = arith.muli %arg1, %mul3A : i32
    %mul3A_1 = arith.constant 16 : i32
    %mul3A_2 = arith.muli %arg0, %mul3A_1 : i32
    %add3A = arith.addi %mul3A_2, %arg1 : i32
    %broadcast_in_dim3A = arith.constant 0.000000e+00 : f32
    %broadcast_in_dim3A_3 = vector.broadcast %broadcast_in_dim3A : f32 to vector<16xf32>
    %scan3A = arith.constant 0 : i32
    %scan3A_4 = arith.constant 0 : i32
    %scan3A_5 = arith.constant 24 : i32
    %scan3A_6 = arith.addi %scan3A_4, %scan3A_5 : i32
    %scan3A_7 = arith.constant 1 : i32
    %scan3A_8 = scf.for %scan3A_61 = %scan3A_4 to %scan3A_6 step %scan3A_7 iter_args(%scan3A_62 = %scan3A) -> (i32)  : i32 {
      %swap3A = arith.index_cast %scan3A_61 : i32 to index
      %swap3A_63 = arith.constant 0 : index
      %swap3A_64 = tpu.vector_load %arg12[%swap3A, %swap3A_63] {strides = array<i32>} : memref<24x128xf32, #tpu.memory_space<vmem>>, vector<1x16xf32>,
      %swap3A_65 = vector.shape_cast %swap3A_64 : vector<1x16xf32> to vector<16xf32>
      %swap3A_66 = vector.shape_cast %broadcast_in_dim3A_3 : vector<16xf32> to vector<1x16xf32>
      tpu.vector_store %arg12[%swap3A, %swap3A_63], %swap3A_66 {strides = array<i32>} : memref<24x128xf32, #tpu.memory_space<vmem>>, vector<1x16xf32>,
      %swap3A_67 = arith.index_cast %scan3A_61 : i32 to index
      %swap3A_68 = arith.constant 16 : index
      %swap3A_69 = tpu.vector_load %arg12[%swap3A_67, %swap3A_68] {strides = array<i32>} : memref<24x128xf32, #tpu.memory_space<vmem>>, vector<1x16xf32>,
      %swap3A_70 = vector.shape_cast %swap3A_69 : vector<1x16xf32> to vector<16xf32>
      %swap3A_71 = vector.shape_cast %broadcast_in_dim3A_3 : vector<16xf32> to vector<1x16xf32>
      tpu.vector_store %arg12[%swap3A_67, %swap3A_68], %swap3A_71 {strides = array<i32>} : memref<24x128xf32, #tpu.memory_space<vmem>>, vector<1x16xf32>,
      %swap3A_72 = arith.index_cast %scan3A_61 : i32 to index
      %swap3A_73 = arith.constant 32 : index
      %swap3A_74 = tpu.vector_load %arg12[%swap3A_72, %swap3A_73] {strides = array<i32>} : memref<24x128xf32, #tpu.memory_space<vmem>>, vector<1x16xf32>,
      %swap3A_75 = vector.shape_cast %swap3A_74 : vector<1x16xf32> to vector<16xf32>
      %swap3A_76 = vector.shape_cast %broadcast_in_dim3A_3 : vector<16xf32> to vector<1x16xf32>
      tpu.vector_store %arg12[%swap3A_72, %swap3A_73], %swap3A_76 {strides = array<i32>} : memref<24x128xf32, #tpu.memory_space<vmem>>, vector<1x16xf32>,
      %swap3A_77 = arith.index_cast %scan3A_61 : i32 to index
      %swap3A_78 = arith.constant 48 : index
      %swap3A_79 = tpu.vector_load %arg12[%swap3A_77, %swap3A_78] {strides = array<i32>} : memref<24x128xf32, #tpu.memory_space<vmem>>, vector<1x16xf32>,
      %swap3A_80 = vector.shape_cast %swap3A_79 : vector<1x16xf32> to vector<16xf32>
      %swap3A_81 = vector.shape_cast %broadcast_in_dim3A_3 : vector<16xf32> to vector<1x16xf32>
      tpu.vector_store %arg12[%swap3A_77, %swap3A_78], %swap3A_81 {strides = array<i32>} : memref<24x128xf32, #tpu.memory_space<vmem>>, vector<1x16xf32>,
      %swap3A_82 = arith.index_cast %scan3A_61 : i32 to index
      %swap3A_83 = arith.constant 64 : index
      %swap3A_84 = tpu.vector_load %arg12[%swap3A_82, %swap3A_83] {strides = array<i32>} : memref<24x128xf32, #tpu.memory_space<vmem>>, vector<1x16xf32>,
      %swap3A_85 = vector.shape_cast %swap3A_84 : vector<1x16xf32> to vector<16xf32>
      %swap3A_86 = vector.shape_cast %broadcast_in_dim3A_3 : vector<16xf32> to vector<1x16xf32>
      tpu.vector_store %arg12[%swap3A_82, %swap3A_83], %swap3A_86 {strides = array<i32>} : memref<24x128xf32, #tpu.memory_space<vmem>>, vector<1x16xf32>,
      %swap3A_87 = arith.index_cast %scan3A_61 : i32 to index
      %swap3A_88 = arith.constant 80 : index
      %swap3A_89 = tpu.vector_load %arg12[%swap3A_87, %swap3A_88] {strides = array<i32>} : memref<24x128xf32, #tpu.memory_space<vmem>>, vector<1x16xf32>,
      %swap3A_90 = vector.shape_cast %swap3A_89 : vector<1x16xf32> to vector<16xf32>
      %swap3A_91 = vector.shape_cast %broadcast_in_dim3A_3 : vector<16xf32> to vector<1x16xf32>
      tpu.vector_store %arg12[%swap3A_87, %swap3A_88], %swap3A_91 {strides = array<i32>} : memref<24x128xf32, #tpu.memory_space<vmem>>, vector<1x16xf32>,
      %swap3A_92 = arith.index_cast %scan3A_61 : i32 to index
      %swap3A_93 = arith.constant 96 : index
      %swap3A_94 = tpu.vector_load %arg12[%swap3A_92, %swap3A_93] {strides = array<i32>} : memref<24x128xf32, #tpu.memory_space<vmem>>, vector<1x16xf32>,
      %swap3A_95 = vector.shape_cast %swap3A_94 : vector<1x16xf32> to vector<16xf32>
      %swap3A_96 = vector.shape_cast %broadcast_in_dim3A_3 : vector<16xf32> to vector<1x16xf32>
      tpu.vector_store %arg12[%swap3A_92, %swap3A_93], %swap3A_96 {strides = array<i32>} : memref<24x128xf32, #tpu.memory_space<vmem>>, vector<1x16xf32>,
      %swap3A_97 = arith.index_cast %scan3A_61 : i32 to index
      %swap3A_98 = arith.constant 112 : index
      %swap3A_99 = tpu.vector_load %arg12[%swap3A_97, %swap3A_98] {strides = array<i32>} : memref<24x128xf32, #tpu.memory_space<vmem>>, vector<1x16xf32>,
      %swap3A_100 = vector.shape_cast %swap3A_99 : vector<1x16xf32> to vector<16xf32>
      %swap3A_101 = vector.shape_cast %broadcast_in_dim3A_3 : vector<16xf32> to vector<1x16xf32>
      tpu.vector_store %arg12[%swap3A_97, %swap3A_98], %swap3A_101 {strides = array<i32>} : memref<24x128xf32, #tpu.memory_space<vmem>>, vector<1x16xf32>,
      %scan3A_102 = arith.constant 0 : i32
      scf.yield %scan3A_102 : i32
    }
    %scan3A_9 = arith.constant 24 : i32
    %scan3A_10 = arith.constant 0 : i32
    %scan3A_11 = arith.constant 0 : i32
    %scan3A_12 = arith.constant 26 : i32
    %scan3A_13 = arith.addi %scan3A_11, %scan3A_12 : i32
    %scan3A_14 = arith.constant 1 : i32
    %scan3A_15 = scf.for %scan3A_61 = %scan3A_11 to %scan3A_13 step %scan3A_14 iter_args(%scan3A_62 = %scan3A_10) -> (i32)  : i32 {
      %mul3A_63 = arith.constant 24 : i32
      %mul3A_64 = arith.muli %scan3A_61, %mul3A_63 : i32
      %add3A_65 = arith.addi %mul3A_0, %mul3A_64 : i32
      "tpu.region"() ({
        %run_scoped3A = tpu.sem_alloc : memref<!tpu.dma_semaphore, #tpu.memory_space<semaphore_mem>>
        %dma_start3A_67 = arith.constant 0 : i32
        %dma_start3A_68 = tpu.memref_slice %arg17[%add3A_65, %dma_start3A_67] : memref<10000x128xf32, #tpu.memory_space<vmem_shared>> -> memref<24x128xf32, #tpu.memory_space<vmem_shared>>
        %dma_start3A_69 = arith.constant 0 : i32
        %dma_start3A_70 = tpu.memref_slice %arg17[%add3A_65, %dma_start3A_69] : memref<10000x128xf32, #tpu.memory_space<vmem_shared>> -> memref<24x128xf32, #tpu.memory_space<vmem_shared>>
        tpu.enqueue_dma source(%arg12 : memref<24x128xf32, #tpu.memory_space<vmem>>) target(%dma_start3A_70 : memref<24x128xf32, #tpu.memory_space<vmem_shared>>) target_semaphore(%run_scoped3A : memref<!tpu.dma_semaphore, #tpu.memory_space<semaphore_mem>>)
        %dma_wait3A_71 = arith.constant 0 : i32
        %dma_wait3A_72 = tpu.memref_slice %arg17[%add3A_65, %dma_wait3A_71] : memref<10000x128xf32, #tpu.memory_space<vmem_shared>> -> memref<24x128xf32, #tpu.memory_space<vmem_shared>>
        %dma_wait3A_73 = arith.constant 0 : i32
        %dma_wait3A_74 = tpu.memref_slice %arg17[%add3A_65, %dma_wait3A_73] : memref<10000x128xf32, #tpu.memory_space<vmem_shared>> -> memref<24x128xf32, #tpu.memory_space<vmem_shared>>
        tpu.wait_dma2 semaphore(%run_scoped3A : memref<!tpu.dma_semaphore, #tpu.memory_space<semaphore_mem>>) src(%arg12 : memref<24x128xf32, #tpu.memory_space<vmem>>) dst(%dma_wait3A_74 : memref<24x128xf32, #tpu.memory_space<vmem_shared>>)
        tpu.yield
      }) : () -> ()
      %scan3A_66 = arith.constant 0 : i32
      scf.yield %scan3A_66 : i32
    }
    %scan3A_16 = arith.constant 26 : i32
    %eq3A = arith.constant 0 : i32
    %eq3A_17 = arith.cmpi eq, %arg1, %eq3A : i32
    %convert_element_type3A = arith.extui %eq3A_17 : i1 to i32
    %cond3A = arith.constant 0 : i32
    %cond3A_18 = arith.cmpi ne, %convert_element_type3A, %cond3A : i32
    scf.if %cond3A_18 {
      "tpu.region"() ({
        %run_scoped3A = tpu.sem_alloc : memref<!tpu.dma_semaphore, #tpu.memory_space<semaphore_mem>>
        %dma_start3A_61 = arith.constant 0 : i32
        %dma_start3A_62 = arith.constant 0 : i32
        %dma_start3A_63 = tpu.memref_slice %arg12[%dma_start3A_61, %dma_start3A_62] : memref<24x128xf32, #tpu.memory_space<vmem>> -> memref<16x128xf32, #tpu.memory_space<vmem>>
        %dma_start3A_64 = arith.constant 9984 : i32
        %dma_start3A_65 = arith.constant 0 : i32
        %dma_start3A_66 = tpu.memref_slice %arg17[%dma_start3A_64, %dma_start3A_65] : memref<10000x128xf32, #tpu.memory_space<vmem_shared>> -> memref<16x128xf32, #tpu.memory_space<vmem_shared>>
        %dma_start3A_67 = arith.constant 9984 : i32
        %dma_start3A_68 = arith.constant 0 : i32
        %dma_start3A_69 = tpu.memref_slice %arg17[%dma_start3A_67, %dma_start3A_68] : memref<10000x128xf32, #tpu.memory_space<vmem_shared>> -> memref<16x128xf32, #tpu.memory_space<vmem_shared>>
        %dma_start3A_70 = arith.constant 0 : i32
        %dma_start3A_71 = arith.constant 0 : i32
        %dma_start3A_72 = tpu.memref_slice %arg12[%dma_start3A_70, %dma_start3A_71] : memref<24x128xf32, #tpu.memory_space<vmem>> -> memref<16x128xf32, #tpu.memory_space<vmem>>
        tpu.enqueue_dma source(%dma_start3A_72 : memref<16x128xf32, #tpu.memory_space<vmem>>) target(%dma_start3A_69 : memref<16x128xf32, #tpu.memory_space<vmem_shared>>) target_semaphore(%run_scoped3A : memref<!tpu.dma_semaphore, #tpu.memory_space<semaphore_mem>>)
        %dma_wait3A_73 = arith.constant 0 : i32
        %dma_wait3A_74 = arith.constant 0 : i32
        %dma_wait3A_75 = tpu.memref_slice %arg12[%dma_wait3A_73, %dma_wait3A_74] : memref<24x128xf32, #tpu.memory_space<vmem>> -> memref<16x128xf32, #tpu.memory_space<vmem>>
        %dma_wait3A_76 = arith.constant 9984 : i32
        %dma_wait3A_77 = arith.constant 0 : i32
        %dma_wait3A_78 = tpu.memref_slice %arg17[%dma_wait3A_76, %dma_wait3A_77] : memref<10000x128xf32, #tpu.memory_space<vmem_shared>> -> memref<16x128xf32, #tpu.memory_space<vmem_shared>>
        %dma_wait3A_79 = arith.constant 9984 : i32
        %dma_wait3A_80 = arith.constant 0 : i32
        %dma_wait3A_81 = tpu.memref_slice %arg17[%dma_wait3A_79, %dma_wait3A_80] : memref<10000x128xf32, #tpu.memory_space<vmem_shared>> -> memref<16x128xf32, #tpu.memory_space<vmem_shared>>
        %dma_wait3A_82 = arith.constant 0 : i32
        %dma_wait3A_83 = arith.constant 0 : i32
        %dma_wait3A_84 = tpu.memref_slice %arg12[%dma_wait3A_82, %dma_wait3A_83] : memref<24x128xf32, #tpu.memory_space<vmem>> -> memref<16x128xf32, #tpu.memory_space<vmem>>
        tpu.wait_dma2 semaphore(%run_scoped3A : memref<!tpu.dma_semaphore, #tpu.memory_space<semaphore_mem>>) src(%dma_wait3A_84 : memref<16x128xf32, #tpu.memory_space<vmem>>) dst(%dma_wait3A_81 : memref<16x128xf32, #tpu.memory_space<vmem_shared>>)
        tpu.yield
      }) : () -> ()
    } else {
    }
    %mul3A_19 = arith.constant 10000 : i32
    %mul3A_20 = arith.muli %add3A, %mul3A_19 : i32
    "tpu.region"() ({
      %run_scoped3A = tpu.sem_alloc : memref<!tpu.dma_semaphore, #tpu.memory_space<semaphore_mem>>
      %dma_start3A_61 = tpu.memref_slice %arg2[%mul3A_20] : memref<320000xi32, #tpu.memory_space<hbm>> -> memref<10000xi32, #tpu.memory_space<hbm>>
      %dma_start3A_62 = tpu.memref_slice %arg2[%mul3A_20] : memref<320000xi32, #tpu.memory_space<hbm>> -> memref<10000xi32, #tpu.memory_space<hbm>>
      tpu.enqueue_dma source(%dma_start3A_62 : memref<10000xi32, #tpu.memory_space<hbm>>) target(%arg7 : memref<10000xi32, #tpu.memory_space<vmem>>) target_semaphore(%run_scoped3A : memref<!tpu.dma_semaphore, #tpu.memory_space<semaphore_mem>>)
      %dma_wait3A_63 = tpu.memref_slice %arg2[%mul3A_20] : memref<320000xi32, #tpu.memory_space<hbm>> -> memref<10000xi32, #tpu.memory_space<hbm>>
      %dma_wait3A_64 = tpu.memref_slice %arg2[%mul3A_20] : memref<320000xi32, #tpu.memory_space<hbm>> -> memref<10000xi32, #tpu.memory_space<hbm>>
      tpu.wait_dma2 semaphore(%run_scoped3A : memref<!tpu.dma_semaphore, #tpu.memory_space<semaphore_mem>>) src(%dma_wait3A_64 : memref<10000xi32, #tpu.memory_space<hbm>>) dst(%arg7 : memref<10000xi32, #tpu.memory_space<vmem>>)
      tpu.yield
    }) : () -> ()
    %barrier3A = arith.constant 0 : index
    tpu.barrier barrier_id(%barrier3A)
    %mul3A_21 = arith.constant 125 : i32
    %mul3A_22 = arith.muli %add3A, %mul3A_21 : i32
    %add3A_23 = arith.constant 0 : i32
    %add3A_24 = arith.addi %mul3A_22, %add3A_23 : i32
    %mul3A_25 = arith.constant 80 : i32
    %mul3A_26 = arith.muli %add3A_24, %mul3A_25 : i32
    %dma_start3A = tpu.memref_slice %arg3[%mul3A_26] : memref<320000xi32, #tpu.memory_space<hbm>> -> memref<80xi32, #tpu.memory_space<hbm>>
    %dma_start3A_27 = tpu.memref_slice %arg3[%mul3A_26] : memref<320000xi32, #tpu.memory_space<hbm>> -> memref<80xi32, #tpu.memory_space<hbm>>
    tpu.enqueue_dma source(%dma_start3A_27 : memref<80xi32, #tpu.memory_space<hbm>>) target(%arg8 : memref<80xi32, #tpu.memory_space<vmem>>) target_semaphore(%arg15 : memref<!tpu.dma_semaphore, #tpu.memory_space<semaphore_mem>>)
    %dma_start3A_28 = arith.constant 0 : i32
    %dma_start3A_29 = tpu.memref_slice %arg7[%dma_start3A_28] : memref<10000xi32, #tpu.memory_space<vmem>> -> memref<80xi32, #tpu.memory_space<vmem>>
    %dma_start3A_30 = arith.constant 0 : i32
    %dma_start3A_31 = arith.constant 0 : i32
    %dma_start3A_32 = tpu.memref_slice %arg4[%dma_start3A_30, %dma_start3A_31] : memref<10000x128xf32, #tpu.memory_space<hbm>> -> memref<10000x128xf32, #tpu.memory_space<hbm>>
    tpu.enqueue_indirect_dma source(%dma_start3A_32 : memref<10000x128xf32, #tpu.memory_space<hbm>>) target(%arg10 : memref<80x128xf32, #tpu.memory_space<vmem>>) offsets(%dma_start3A_29 : memref<80xi32, #tpu.memory_space<vmem>>) semaphore(%arg13 : memref<!tpu.dma_semaphore, #tpu.memory_space<semaphore_mem>>)
    %scan3A_33 = arith.constant 0 : i32
    %scan3A_34 = arith.constant 0 : i32
    %scan3A_35 = arith.constant 62 : i32
    %scan3A_36 = arith.addi %scan3A_34, %scan3A_35 : i32
    %scan3A_37 = arith.constant 1 : i32
    %scan3A_38 = scf.for %scan3A_61 = %scan3A_34 to %scan3A_36 step %scan3A_37 iter_args(%scan3A_62 = %scan3A_33) -> (i32)  : i32 {
      %mul3A_63 = arith.constant 2 : i32
      %mul3A_64 = arith.muli %mul3A_63, %scan3A_61 : i32
      %add3A_65 = arith.constant 1 : i32
      %add3A_66 = arith.addi %mul3A_64, %add3A_65 : i32
      %add3A_67 = arith.addi %mul3A_22, %add3A_66 : i32
      %mul3A_68 = arith.constant 80 : i32
      %mul3A_69 = arith.muli %add3A_67, %mul3A_68 : i32
      %dma_start3A_70 = tpu.memref_slice %arg3[%mul3A_69] : memref<320000xi32, #tpu.memory_space<hbm>> -> memref<80xi32, #tpu.memory_space<hbm>>
      %dma_start3A_71 = tpu.memref_slice %arg3[%mul3A_69] : memref<320000xi32, #tpu.memory_space<hbm>> -> memref<80xi32, #tpu.memory_space<hbm>>
      tpu.enqueue_dma source(%dma_start3A_71 : memref<80xi32, #tpu.memory_space<hbm>>) target(%arg9 : memref<80xi32, #tpu.memory_space<vmem>>) target_semaphore(%arg16 : memref<!tpu.dma_semaphore, #tpu.memory_space<semaphore_mem>>)
      %mul3A_72 = arith.constant 80 : i32
      %mul3A_73 = arith.muli %add3A_66, %mul3A_72 : i32
      %dma_start3A_74 = tpu.memref_slice %arg7[%mul3A_73] : memref<10000xi32, #tpu.memory_space<vmem>> -> memref<80xi32, #tpu.memory_space<vmem>>
      %dma_start3A_75 = arith.constant 0 : i32
      %dma_start3A_76 = arith.constant 0 : i32
      %dma_start3A_77 = tpu.memref_slice %arg4[%dma_start3A_75, %dma_start3A_76] : memref<10000x128xf32, #tpu.memory_space<hbm>> -> memref<10000x128xf32, #tpu.memory_space<hbm>>
      tpu.enqueue_indirect_dma source(%dma_start3A_77 : memref<10000x128xf32, #tpu.memory_space<hbm>>) target(%arg11 : memref<80x128xf32, #tpu.memory_space<vmem>>) offsets(%dma_start3A_74 : memref<80xi32, #tpu.memory_space<vmem>>) semaphore(%arg14 : memref<!tpu.dma_semaphore, #tpu.memory_space<semaphore_mem>>)
      %add3A_78 = arith.addi %mul3A_22, %mul3A_64 : i32
      %mul3A_79 = arith.constant 80 : i32
      %mul3A_80 = arith.muli %add3A_78, %mul3A_79 : i32
      %dma_wait3A_81 = tpu.memref_slice %arg3[%mul3A_80] : memref<320000xi32, #tpu.memory_space<hbm>> -> memref<80xi32, #tpu.memory_space<hbm>>
      %dma_wait3A_82 = tpu.memref_slice %arg3[%mul3A_80] : memref<320000xi32, #tpu.memory_space<hbm>> -> memref<80xi32, #tpu.memory_space<hbm>>
      tpu.wait_dma2 semaphore(%arg15 : memref<!tpu.dma_semaphore, #tpu.memory_space<semaphore_mem>>) src(%dma_wait3A_82 : memref<80xi32, #tpu.memory_space<hbm>>) dst(%arg8 : memref<80xi32, #tpu.memory_space<vmem>>)
      %mul3A_83 = arith.constant 80 : i32
      %mul3A_84 = arith.muli %mul3A_64, %mul3A_83 : i32
      %dma_wait3A_85 = tpu.memref_slice %arg7[%mul3A_84] : memref<10000xi32, #tpu.memory_space<vmem>> -> memref<80xi32, #tpu.memory_space<vmem>>
      %dma_wait3A_86 = arith.constant 0 : i32
      %dma_wait3A_87 = arith.constant 0 : i32
      %dma_wait3A_88 = tpu.memref_slice %arg4[%dma_wait3A_86, %dma_wait3A_87] : memref<10000x128xf32, #tpu.memory_space<hbm>> -> memref<10000x128xf32, #tpu.memory_space<hbm>>
      tpu.wait_indirect_dma semaphore(%arg13 : memref<!tpu.dma_semaphore, #tpu.memory_space<semaphore_mem>>) src(%dma_wait3A_88 : memref<10000x128xf32, #tpu.memory_space<hbm>>) dst(%arg10 : memref<80x128xf32, #tpu.memory_space<vmem>>)
      "tpu.region"() ({
        %run_scoped3A = tpu.sem_alloc : memref<!tpu.dma_semaphore, #tpu.memory_space<semaphore_mem>>
        %dma_start3A_116 = arith.constant 0 : i32
        %dma_start3A_117 = arith.constant 0 : i32
        %dma_start3A_118 = tpu.memref_slice %arg17[%dma_start3A_116, %dma_start3A_117] : memref<10000x128xf32, #tpu.memory_space<vmem_shared>> -> memref<10000x128xf32, #tpu.memory_space<vmem_shared>>
        tpu.enqueue_indirect_dma source(%arg10 : memref<80x128xf32, #tpu.memory_space<vmem>>) target(%dma_start3A_118 : memref<10000x128xf32, #tpu.memory_space<vmem_shared>>) offsets(%arg8 : memref<80xi32, #tpu.memory_space<vmem>>) semaphore(%run_scoped3A : memref<!tpu.dma_semaphore, #tpu.memory_space<semaphore_mem>>) {add = true}
        %dma_wait3A_119 = arith.constant 0 : i32
        %dma_wait3A_120 = arith.constant 0 : i32
        %dma_wait3A_121 = tpu.memref_slice %arg17[%dma_wait3A_119, %dma_wait3A_120] : memref<10000x128xf32, #tpu.memory_space<vmem_shared>> -> memref<10000x128xf32, #tpu.memory_space<vmem_shared>>
        tpu.wait_indirect_dma semaphore(%run_scoped3A : memref<!tpu.dma_semaphore, #tpu.memory_space<semaphore_mem>>) src(%arg10 : memref<80x128xf32, #tpu.memory_space<vmem>>) dst(%dma_wait3A_121 : memref<10000x128xf32, #tpu.memory_space<vmem_shared>>)
        tpu.yield
      }) : () -> ()
      %add3A_89 = arith.constant 2 : i32
      %add3A_90 = arith.addi %mul3A_64, %add3A_89 : i32
      %add3A_91 = arith.addi %mul3A_22, %add3A_90 : i32
      %mul3A_92 = arith.constant 80 : i32
      %mul3A_93 = arith.muli %add3A_91, %mul3A_92 : i32
      %dma_start3A_94 = tpu.memref_slice %arg3[%mul3A_93] : memref<320000xi32, #tpu.memory_space<hbm>> -> memref<80xi32, #tpu.memory_space<hbm>>
      %dma_start3A_95 = tpu.memref_slice %arg3[%mul3A_93] : memref<320000xi32, #tpu.memory_space<hbm>> -> memref<80xi32, #tpu.memory_space<hbm>>
      tpu.enqueue_dma source(%dma_start3A_95 : memref<80xi32, #tpu.memory_space<hbm>>) target(%arg8 : memref<80xi32, #tpu.memory_space<vmem>>) target_semaphore(%arg15 : memref<!tpu.dma_semaphore, #tpu.memory_space<semaphore_mem>>)
      %mul3A_96 = arith.constant 80 : i32
      %mul3A_97 = arith.muli %add3A_90, %mul3A_96 : i32
      %dma_start3A_98 = tpu.memref_slice %arg7[%mul3A_97] : memref<10000xi32, #tpu.memory_space<vmem>> -> memref<80xi32, #tpu.memory_space<vmem>>
      %dma_start3A_99 = arith.constant 0 : i32
      %dma_start3A_100 = arith.constant 0 : i32
      %dma_start3A_101 = tpu.memref_slice %arg4[%dma_start3A_99, %dma_start3A_100] : memref<10000x128xf32, #tpu.memory_space<hbm>> -> memref<10000x128xf32, #tpu.memory_space<hbm>>
      tpu.enqueue_indirect_dma source(%dma_start3A_101 : memref<10000x128xf32, #tpu.memory_space<hbm>>) target(%arg10 : memref<80x128xf32, #tpu.memory_space<vmem>>) offsets(%dma_start3A_98 : memref<80xi32, #tpu.memory_space<vmem>>) semaphore(%arg13 : memref<!tpu.dma_semaphore, #tpu.memory_space<semaphore_mem>>)
      %add3A_102 = arith.constant 1 : i32
      %add3A_103 = arith.addi %mul3A_64, %add3A_102 : i32
      %add3A_104 = arith.addi %mul3A_22, %add3A_103 : i32
      %mul3A_105 = arith.constant 80 : i32
      %mul3A_106 = arith.muli %add3A_104, %mul3A_105 : i32
      %dma_wait3A_107 = tpu.memref_slice %arg3[%mul3A_106] : memref<320000xi32, #tpu.memory_space<hbm>> -> memref<80xi32, #tpu.memory_space<hbm>>
      %dma_wait3A_108 = tpu.memref_slice %arg3[%mul3A_106] : memref<320000xi32, #tpu.memory_space<hbm>> -> memref<80xi32, #tpu.memory_space<hbm>>
      tpu.wait_dma2 semaphore(%arg16 : memref<!tpu.dma_semaphore, #tpu.memory_space<semaphore_mem>>) src(%dma_wait3A_108 : memref<80xi32, #tpu.memory_space<hbm>>) dst(%arg9 : memref<80xi32, #tpu.memory_space<vmem>>)
      %mul3A_109 = arith.constant 80 : i32
      %mul3A_110 = arith.muli %add3A_103, %mul3A_109 : i32
      %dma_wait3A_111 = tpu.memref_slice %arg7[%mul3A_110] : memref<10000xi32, #tpu.memory_space<vmem>> -> memref<80xi32, #tpu.memory_space<vmem>>
      %dma_wait3A_112 = arith.constant 0 : i32
      %dma_wait3A_113 = arith.constant 0 : i32
      %dma_wait3A_114 = tpu.memref_slice %arg4[%dma_wait3A_112, %dma_wait3A_113] : memref<10000x128xf32, #tpu.memory_space<hbm>> -> memref<10000x128xf32, #tpu.memory_space<hbm>>
      tpu.wait_indirect_dma semaphore(%arg14 : memref<!tpu.dma_semaphore, #tpu.memory_space<semaphore_mem>>) src(%dma_wait3A_114 : memref<10000x128xf32, #tpu.memory_space<hbm>>) dst(%arg11 : memref<80x128xf32, #tpu.memory_space<vmem>>)
      "tpu.region"() ({
        %run_scoped3A = tpu.sem_alloc : memref<!tpu.dma_semaphore, #tpu.memory_space<semaphore_mem>>
        %dma_start3A_116 = arith.constant 0 : i32
        %dma_start3A_117 = arith.constant 0 : i32
        %dma_start3A_118 = tpu.memref_slice %arg17[%dma_start3A_116, %dma_start3A_117] : memref<10000x128xf32, #tpu.memory_space<vmem_shared>> -> memref<10000x128xf32, #tpu.memory_space<vmem_shared>>
        tpu.enqueue_indirect_dma source(%arg11 : memref<80x128xf32, #tpu.memory_space<vmem>>) target(%dma_start3A_118 : memref<10000x128xf32, #tpu.memory_space<vmem_shared>>) offsets(%arg9 : memref<80xi32, #tpu.memory_space<vmem>>) semaphore(%run_scoped3A : memref<!tpu.dma_semaphore, #tpu.memory_space<semaphore_mem>>) {add = true}
        %dma_wait3A_119 = arith.constant 0 : i32
        %dma_wait3A_120 = arith.constant 0 : i32
        %dma_wait3A_121 = tpu.memref_slice %arg17[%dma_wait3A_119, %dma_wait3A_120] : memref<10000x128xf32, #tpu.memory_space<vmem_shared>> -> memref<10000x128xf32, #tpu.memory_space<vmem_shared>>
        tpu.wait_indirect_dma semaphore(%run_scoped3A : memref<!tpu.dma_semaphore, #tpu.memory_space<semaphore_mem>>) src(%arg11 : memref<80x128xf32, #tpu.memory_space<vmem>>) dst(%dma_wait3A_121 : memref<10000x128xf32, #tpu.memory_space<vmem_shared>>)
        tpu.yield
      }) : () -> ()
      %scan3A_115 = arith.constant 0 : i32
      scf.yield %scan3A_115 : i32
    }
    %scan3A_39 = arith.constant 62 : i32
    %add3A_40 = arith.constant 124 : i32
    %add3A_41 = arith.addi %mul3A_22, %add3A_40 : i32
    %mul3A_42 = arith.constant 80 : i32
    %mul3A_43 = arith.muli %add3A_41, %mul3A_42 : i32
    %dma_wait3A = tpu.memref_slice %arg3[%mul3A_43] : memref<320000xi32, #tpu.memory_space<hbm>> -> memref<80xi32, #tpu.memory_space<hbm>>
    %dma_wait3A_44 = tpu.memref_slice %arg3[%mul3A_43] : memref<320000xi32, #tpu.memory_space<hbm>> -> memref<80xi32, #tpu.memory_space<hbm>>
    tpu.wait_dma2 semaphore(%arg15 : memref<!tpu.dma_semaphore, #tpu.memory_space<semaphore_mem>>) src(%dma_wait3A_44 : memref<80xi32, #tpu.memory_space<hbm>>) dst(%arg8 : memref<80xi32, #tpu.memory_space<vmem>>)
    %dma_wait3A_45 = arith.constant 9920 : i32
    %dma_wait3A_46 = tpu.memref_slice %arg7[%dma_wait3A_45] : memref<10000xi32, #tpu.memory_space<vmem>> -> memref<80xi32, #tpu.memory_space<vmem>>
    %dma_wait3A_47 = arith.constant 0 : i32
    %dma_wait3A_48 = arith.constant 0 : i32
    %dma_wait3A_49 = tpu.memref_slice %arg4[%dma_wait3A_47, %dma_wait3A_48] : memref<10000x128xf32, #tpu.memory_space<hbm>> -> memref<10000x128xf32, #tpu.memory_space<hbm>>
    tpu.wait_indirect_dma semaphore(%arg13 : memref<!tpu.dma_semaphore, #tpu.memory_space<semaphore_mem>>) src(%dma_wait3A_49 : memref<10000x128xf32, #tpu.memory_space<hbm>>) dst(%arg10 : memref<80x128xf32, #tpu.memory_space<vmem>>)
    "tpu.region"() ({
      %run_scoped3A = tpu.sem_alloc : memref<!tpu.dma_semaphore, #tpu.memory_space<semaphore_mem>>
      %dma_start3A_61 = arith.constant 0 : i32
      %dma_start3A_62 = arith.constant 0 : i32
      %dma_start3A_63 = tpu.memref_slice %arg17[%dma_start3A_61, %dma_start3A_62] : memref<10000x128xf32, #tpu.memory_space<vmem_shared>> -> memref<10000x128xf32, #tpu.memory_space<vmem_shared>>
      tpu.enqueue_indirect_dma source(%arg10 : memref<80x128xf32, #tpu.memory_space<vmem>>) target(%dma_start3A_63 : memref<10000x128xf32, #tpu.memory_space<vmem_shared>>) offsets(%arg8 : memref<80xi32, #tpu.memory_space<vmem>>) semaphore(%run_scoped3A : memref<!tpu.dma_semaphore, #tpu.memory_space<semaphore_mem>>) {add = true}
      %dma_wait3A_64 = arith.constant 0 : i32
      %dma_wait3A_65 = arith.constant 0 : i32
      %dma_wait3A_66 = tpu.memref_slice %arg17[%dma_wait3A_64, %dma_wait3A_65] : memref<10000x128xf32, #tpu.memory_space<vmem_shared>> -> memref<10000x128xf32, #tpu.memory_space<vmem_shared>>
      tpu.wait_indirect_dma semaphore(%run_scoped3A : memref<!tpu.dma_semaphore, #tpu.memory_space<semaphore_mem>>) src(%arg10 : memref<80x128xf32, #tpu.memory_space<vmem>>) dst(%dma_wait3A_66 : memref<10000x128xf32, #tpu.memory_space<vmem_shared>>)
      tpu.yield
    }) : () -> ()
    %barrier3A_50 = arith.constant 0 : index
    tpu.barrier barrier_id(%barrier3A_50)
    %eq3A_51 = arith.constant 0 : i32
    %eq3A_52 = arith.cmpi eq, %arg0, %eq3A_51 : i32
    %convert_element_type3A_53 = arith.extui %eq3A_52 : i1 to i32
    %cond3A_54 = arith.constant 0 : i32
    %cond3A_55 = arith.cmpi ne, %convert_element_type3A_53, %cond3A_54 : i32
    scf.if %cond3A_55 {
      %scan3A_61 = arith.constant 0 : i32
      %scan3A_62 = arith.constant 0 : i32
      %scan3A_63 = arith.constant 26 : i32
      %scan3A_64 = arith.addi %scan3A_62, %scan3A_63 : i32
      %scan3A_65 = arith.constant 1 : i32
      %scan3A_66 = scf.for %scan3A_73 = %scan3A_62 to %scan3A_64 step %scan3A_65 iter_args(%scan3A_74 = %scan3A_61) -> (i32)  : i32 {
        %mul3A_75 = arith.constant 24 : i32
        %mul3A_76 = arith.muli %scan3A_73, %mul3A_75 : i32
        %add3A_77 = arith.addi %mul3A_0, %mul3A_76 : i32
        "tpu.region"() ({
          %run_scoped3A_79 = tpu.sem_alloc : memref<!tpu.dma_semaphore, #tpu.memory_space<semaphore_mem>>
          %dma_start3A_80 = arith.constant 0 : i32
          %dma_start3A_81 = tpu.memref_slice %arg17[%add3A_77, %dma_start3A_80] : memref<10000x128xf32, #tpu.memory_space<vmem_shared>> -> memref<24x128xf32, #tpu.memory_space<vmem_shared>>
          %dma_start3A_82 = arith.constant 0 : i32
          %dma_start3A_83 = tpu.memref_slice %arg17[%add3A_77, %dma_start3A_82] : memref<10000x128xf32, #tpu.memory_space<vmem_shared>> -> memref<24x128xf32, #tpu.memory_space<vmem_shared>>
          tpu.enqueue_dma source(%dma_start3A_83 : memref<24x128xf32, #tpu.memory_space<vmem_shared>>) target(%arg12 : memref<24x128xf32, #tpu.memory_space<vmem>>) target_semaphore(%run_scoped3A_79 : memref<!tpu.dma_semaphore, #tpu.memory_space<semaphore_mem>>)
          %dma_wait3A_84 = arith.constant 0 : i32
          %dma_wait3A_85 = tpu.memref_slice %arg17[%add3A_77, %dma_wait3A_84] : memref<10000x128xf32, #tpu.memory_space<vmem_shared>> -> memref<24x128xf32, #tpu.memory_space<vmem_shared>>
          %dma_wait3A_86 = arith.constant 0 : i32
          %dma_wait3A_87 = tpu.memref_slice %arg17[%add3A_77, %dma_wait3A_86] : memref<10000x128xf32, #tpu.memory_space<vmem_shared>> -> memref<24x128xf32, #tpu.memory_space<vmem_shared>>
          tpu.wait_dma2 semaphore(%run_scoped3A_79 : memref<!tpu.dma_semaphore, #tpu.memory_space<semaphore_mem>>) src(%dma_wait3A_87 : memref<24x128xf32, #tpu.memory_space<vmem_shared>>) dst(%arg12 : memref<24x128xf32, #tpu.memory_space<vmem>>)
          tpu.yield
        }) : () -> ()
        %run_scoped3A = arith.constant 0 : i32
        "tpu.region"() ({
          %run_scoped3A_79 = tpu.sem_alloc : memref<!tpu.dma_semaphore, #tpu.memory_space<semaphore_mem>>
          %dma_start3A_80 = arith.constant 0 : i32
          %dma_start3A_81 = arith.constant 0 : i32
          %dma_start3A_82 = tpu.memref_slice %arg6[%run_scoped3A, %dma_start3A_80, %dma_start3A_81] : memref<2x10000x128xf32, #tpu.memory_space<hbm>> -> memref<1x10000x128xf32, #tpu.memory_space<hbm>>
          %dma_start3A_83 = tpu.memref_squeeze %dma_start3A_82 : memref<1x10000x128xf32, #tpu.memory_space<hbm>> -> memref<10000x128xf32, #tpu.memory_space<hbm>>
          %dma_start3A_84 = arith.constant 0 : i32
          %dma_start3A_85 = tpu.memref_slice %dma_start3A_83[%add3A_77, %dma_start3A_84] : memref<10000x128xf32, #tpu.memory_space<hbm>> -> memref<24x128xf32, #tpu.memory_space<hbm>>
          %dma_start3A_86 = arith.constant 0 : i32
          %dma_start3A_87 = arith.constant 0 : i32
          %dma_start3A_88 = tpu.memref_slice %arg6[%run_scoped3A, %dma_start3A_86, %dma_start3A_87] : memref<2x10000x128xf32, #tpu.memory_space<hbm>> -> memref<1x10000x128xf32, #tpu.memory_space<hbm>>
          %dma_start3A_89 = tpu.memref_squeeze %dma_start3A_88 : memref<1x10000x128xf32, #tpu.memory_space<hbm>> -> memref<10000x128xf32, #tpu.memory_space<hbm>>
          %dma_start3A_90 = arith.constant 0 : i32
          %dma_start3A_91 = tpu.memref_slice %dma_start3A_89[%add3A_77, %dma_start3A_90] : memref<10000x128xf32, #tpu.memory_space<hbm>> -> memref<24x128xf32, #tpu.memory_space<hbm>>
          tpu.enqueue_dma source(%arg12 : memref<24x128xf32, #tpu.memory_space<vmem>>) target(%dma_start3A_91 : memref<24x128xf32, #tpu.memory_space<hbm>>) target_semaphore(%run_scoped3A_79 : memref<!tpu.dma_semaphore, #tpu.memory_space<semaphore_mem>>)
          %dma_wait3A_92 = arith.constant 0 : i32
          %dma_wait3A_93 = arith.constant 0 : i32
          %dma_wait3A_94 = tpu.memref_slice %arg6[%run_scoped3A, %dma_wait3A_92, %dma_wait3A_93] : memref<2x10000x128xf32, #tpu.memory_space<hbm>> -> memref<1x10000x128xf32, #tpu.memory_space<hbm>>
          %dma_wait3A_95 = tpu.memref_squeeze %dma_wait3A_94 : memref<1x10000x128xf32, #tpu.memory_space<hbm>> -> memref<10000x128xf32, #tpu.memory_space<hbm>>
          %dma_wait3A_96 = arith.constant 0 : i32
          %dma_wait3A_97 = tpu.memref_slice %dma_wait3A_95[%add3A_77, %dma_wait3A_96] : memref<10000x128xf32, #tpu.memory_space<hbm>> -> memref<24x128xf32, #tpu.memory_space<hbm>>
          %dma_wait3A_98 = arith.constant 0 : i32
          %dma_wait3A_99 = arith.constant 0 : i32
          %dma_wait3A_100 = tpu.memref_slice %arg6[%run_scoped3A, %dma_wait3A_98, %dma_wait3A_99] : memref<2x10000x128xf32, #tpu.memory_space<hbm>> -> memref<1x10000x128xf32, #tpu.memory_space<hbm>>
          %dma_wait3A_101 = tpu.memref_squeeze %dma_wait3A_100 : memref<1x10000x128xf32, #tpu.memory_space<hbm>> -> memref<10000x128xf32, #tpu.memory_space<hbm>>
          %dma_wait3A_102 = arith.constant 0 : i32
          %dma_wait3A_103 = tpu.memref_slice %dma_wait3A_101[%add3A_77, %dma_wait3A_102] : memref<10000x128xf32, #tpu.memory_space<hbm>> -> memref<24x128xf32, #tpu.memory_space<hbm>>
          tpu.wait_dma2 semaphore(%run_scoped3A_79 : memref<!tpu.dma_semaphore, #tpu.memory_space<semaphore_mem>>) src(%arg12 : memref<24x128xf32, #tpu.memory_space<vmem>>) dst(%dma_wait3A_103 : memref<24x128xf32, #tpu.memory_space<hbm>>)
          tpu.yield
        }) : () -> ()
        %scan3A_78 = arith.constant 0 : i32
        scf.yield %scan3A_78 : i32
      }
      %scan3A_67 = arith.constant 26 : i32
      %eq3A_68 = arith.constant 0 : i32
      %eq3A_69 = arith.cmpi eq, %arg1, %eq3A_68 : i32
      %convert_element_type3A_70 = arith.extui %eq3A_69 : i1 to i32
      %cond3A_71 = arith.constant 0 : i32
      %cond3A_72 = arith.cmpi ne, %convert_element_type3A_70, %cond3A_71 : i32
      scf.if %cond3A_72 {
        "tpu.region"() ({
          %run_scoped3A_73 = tpu.sem_alloc : memref<!tpu.dma_semaphore, #tpu.memory_space<semaphore_mem>>
          %dma_start3A_74 = arith.constant 0 : i32
          %dma_start3A_75 = arith.constant 0 : i32
          %dma_start3A_76 = tpu.memref_slice %arg12[%dma_start3A_74, %dma_start3A_75] : memref<24x128xf32, #tpu.memory_space<vmem>> -> memref<16x128xf32, #tpu.memory_space<vmem>>
          %dma_start3A_77 = arith.constant 9984 : i32
          %dma_start3A_78 = arith.constant 0 : i32
          %dma_start3A_79 = tpu.memref_slice %arg17[%dma_start3A_77, %dma_start3A_78] : memref<10000x128xf32, #tpu.memory_space<vmem_shared>> -> memref<16x128xf32, #tpu.memory_space<vmem_shared>>
          %dma_start3A_80 = arith.constant 0 : i32
          %dma_start3A_81 = arith.constant 0 : i32
          %dma_start3A_82 = tpu.memref_slice %arg12[%dma_start3A_80, %dma_start3A_81] : memref<24x128xf32, #tpu.memory_space<vmem>> -> memref<16x128xf32, #tpu.memory_space<vmem>>
          %dma_start3A_83 = arith.constant 9984 : i32
          %dma_start3A_84 = arith.constant 0 : i32
          %dma_start3A_85 = tpu.memref_slice %arg17[%dma_start3A_83, %dma_start3A_84] : memref<10000x128xf32, #tpu.memory_space<vmem_shared>> -> memref<16x128xf32, #tpu.memory_space<vmem_shared>>
          tpu.enqueue_dma source(%dma_start3A_85 : memref<16x128xf32, #tpu.memory_space<vmem_shared>>) target(%dma_start3A_82 : memref<16x128xf32, #tpu.memory_space<vmem>>) target_semaphore(%run_scoped3A_73 : memref<!tpu.dma_semaphore, #tpu.memory_space<semaphore_mem>>)
          %dma_wait3A_86 = arith.constant 0 : i32
          %dma_wait3A_87 = arith.constant 0 : i32
          %dma_wait3A_88 = tpu.memref_slice %arg12[%dma_wait3A_86, %dma_wait3A_87] : memref<24x128xf32, #tpu.memory_space<vmem>> -> memref<16x128xf32, #tpu.memory_space<vmem>>
          %dma_wait3A_89 = arith.constant 9984 : i32
          %dma_wait3A_90 = arith.constant 0 : i32
          %dma_wait3A_91 = tpu.memref_slice %arg17[%dma_wait3A_89, %dma_wait3A_90] : memref<10000x128xf32, #tpu.memory_space<vmem_shared>> -> memref<16x128xf32, #tpu.memory_space<vmem_shared>>
          %dma_wait3A_92 = arith.constant 0 : i32
          %dma_wait3A_93 = arith.constant 0 : i32
          %dma_wait3A_94 = tpu.memref_slice %arg12[%dma_wait3A_92, %dma_wait3A_93] : memref<24x128xf32, #tpu.memory_space<vmem>> -> memref<16x128xf32, #tpu.memory_space<vmem>>
          %dma_wait3A_95 = arith.constant 9984 : i32
          %dma_wait3A_96 = arith.constant 0 : i32
          %dma_wait3A_97 = tpu.memref_slice %arg17[%dma_wait3A_95, %dma_wait3A_96] : memref<10000x128xf32, #tpu.memory_space<vmem_shared>> -> memref<16x128xf32, #tpu.memory_space<vmem_shared>>
          tpu.wait_dma2 semaphore(%run_scoped3A_73 : memref<!tpu.dma_semaphore, #tpu.memory_space<semaphore_mem>>) src(%dma_wait3A_97 : memref<16x128xf32, #tpu.memory_space<vmem_shared>>) dst(%dma_wait3A_94 : memref<16x128xf32, #tpu.memory_space<vmem>>)
          tpu.yield
        }) : () -> ()
        %run_scoped3A = arith.constant 0 : i32
        "tpu.region"() ({
          %run_scoped3A_73 = tpu.sem_alloc : memref<!tpu.dma_semaphore, #tpu.memory_space<semaphore_mem>>
          %dma_start3A_74 = arith.constant 0 : i32
          %dma_start3A_75 = arith.constant 0 : i32
          %dma_start3A_76 = tpu.memref_slice %arg12[%dma_start3A_74, %dma_start3A_75] : memref<24x128xf32, #tpu.memory_space<vmem>> -> memref<16x128xf32, #tpu.memory_space<vmem>>
          %dma_start3A_77 = arith.constant 0 : i32
          %dma_start3A_78 = arith.constant 0 : i32
          %dma_start3A_79 = tpu.memref_slice %arg6[%run_scoped3A, %dma_start3A_77, %dma_start3A_78] : memref<2x10000x128xf32, #tpu.memory_space<hbm>> -> memref<1x10000x128xf32, #tpu.memory_space<hbm>>
          %dma_start3A_80 = tpu.memref_squeeze %dma_start3A_79 : memref<1x10000x128xf32, #tpu.memory_space<hbm>> -> memref<10000x128xf32, #tpu.memory_space<hbm>>
          %dma_start3A_81 = arith.constant 9984 : i32
          %dma_start3A_82 = arith.constant 0 : i32
          %dma_start3A_83 = tpu.memref_slice %dma_start3A_80[%dma_start3A_81, %dma_start3A_82] : memref<10000x128xf32, #tpu.memory_space<hbm>> -> memref<16x128xf32, #tpu.memory_space<hbm>>
          %dma_start3A_84 = arith.constant 0 : i32
          %dma_start3A_85 = arith.constant 0 : i32
          %dma_start3A_86 = tpu.memref_slice %arg6[%run_scoped3A, %dma_start3A_84, %dma_start3A_85] : memref<2x10000x128xf32, #tpu.memory_space<hbm>> -> memref<1x10000x128xf32, #tpu.memory_space<hbm>>
          %dma_start3A_87 = tpu.memref_squeeze %dma_start3A_86 : memref<1x10000x128xf32, #tpu.memory_space<hbm>> -> memref<10000x128xf32, #tpu.memory_space<hbm>>
          %dma_start3A_88 = arith.constant 9984 : i32
          %dma_start3A_89 = arith.constant 0 : i32
          %dma_start3A_90 = tpu.memref_slice %dma_start3A_87[%dma_start3A_88, %dma_start3A_89] : memref<10000x128xf32, #tpu.memory_space<hbm>> -> memref<16x128xf32, #tpu.memory_space<hbm>>
          %dma_start3A_91 = arith.constant 0 : i32
          %dma_start3A_92 = arith.constant 0 : i32
          %dma_start3A_93 = tpu.memref_slice %arg12[%dma_start3A_91, %dma_start3A_92] : memref<24x128xf32, #tpu.memory_space<vmem>> -> memref<16x128xf32, #tpu.memory_space<vmem>>
          tpu.enqueue_dma source(%dma_start3A_93 : memref<16x128xf32, #tpu.memory_space<vmem>>) target(%dma_start3A_90 : memref<16x128xf32, #tpu.memory_space<hbm>>) target_semaphore(%run_scoped3A_73 : memref<!tpu.dma_semaphore, #tpu.memory_space<semaphore_mem>>)
          %dma_wait3A_94 = arith.constant 0 : i32
          %dma_wait3A_95 = arith.constant 0 : i32
          %dma_wait3A_96 = tpu.memref_slice %arg12[%dma_wait3A_94, %dma_wait3A_95] : memref<24x128xf32, #tpu.memory_space<vmem>> -> memref<16x128xf32, #tpu.memory_space<vmem>>
          %dma_wait3A_97 = arith.constant 0 : i32
          %dma_wait3A_98 = arith.constant 0 : i32
          %dma_wait3A_99 = tpu.memref_slice %arg6[%run_scoped3A, %dma_wait3A_97, %dma_wait3A_98] : memref<2x10000x128xf32, #tpu.memory_space<hbm>> -> memref<1x10000x128xf32, #tpu.memory_space<hbm>>
          %dma_wait3A_100 = tpu.memref_squeeze %dma_wait3A_99 : memref<1x10000x128xf32, #tpu.memory_space<hbm>> -> memref<10000x128xf32, #tpu.memory_space<hbm>>
          %dma_wait3A_101 = arith.constant 9984 : i32
          %dma_wait3A_102 = arith.constant 0 : i32
          %dma_wait3A_103 = tpu.memref_slice %dma_wait3A_100[%dma_wait3A_101, %dma_wait3A_102] : memref<10000x128xf32, #tpu.memory_space<hbm>> -> memref<16x128xf32, #tpu.memory_space<hbm>>
          %dma_wait3A_104 = arith.constant 0 : i32
          %dma_wait3A_105 = arith.constant 0 : i32
          %dma_wait3A_106 = tpu.memref_slice %arg6[%run_scoped3A, %dma_wait3A_104, %dma_wait3A_105] : memref<2x10000x128xf32, #tpu.memory_space<hbm>> -> memref<1x10000x128xf32, #tpu.memory_space<hbm>>
          %dma_wait3A_107 = tpu.memref_squeeze %dma_wait3A_106 : memref<1x10000x128xf32, #tpu.memory_space<hbm>> -> memref<10000x128xf32, #tpu.memory_space<hbm>>
          %dma_wait3A_108 = arith.constant 9984 : i32
          %dma_wait3A_109 = arith.constant 0 : i32
          %dma_wait3A_110 = tpu.memref_slice %dma_wait3A_107[%dma_wait3A_108, %dma_wait3A_109] : memref<10000x128xf32, #tpu.memory_space<hbm>> -> memref<16x128xf32, #tpu.memory_space<hbm>>
          %dma_wait3A_111 = arith.constant 0 : i32
          %dma_wait3A_112 = arith.constant 0 : i32
          %dma_wait3A_113 = tpu.memref_slice %arg12[%dma_wait3A_111, %dma_wait3A_112] : memref<24x128xf32, #tpu.memory_space<vmem>> -> memref<16x128xf32, #tpu.memory_space<vmem>>
          tpu.wait_dma2 semaphore(%run_scoped3A_73 : memref<!tpu.dma_semaphore, #tpu.memory_space<semaphore_mem>>) src(%dma_wait3A_113 : memref<16x128xf32, #tpu.memory_space<vmem>>) dst(%dma_wait3A_110 : memref<16x128xf32, #tpu.memory_space<hbm>>)
          tpu.yield
        }) : () -> ()
      } else {
      }
    } else {
    }
    %eq3A_56 = arith.constant 1 : i32
    %eq3A_57 = arith.cmpi eq, %arg0, %eq3A_56 : i32
    %convert_element_type3A_58 = arith.extui %eq3A_57 : i1 to i32
    %cond3A_59 = arith.constant 0 : i32
    %cond3A_60 = arith.cmpi ne, %convert_element_type3A_58, %cond3A_59 : i32
    scf.if %cond3A_60 {
      %scan3A_61 = arith.constant 0 : i32
      %scan3A_62 = arith.constant 0 : i32
      %scan3A_63 = arith.constant 26 : i32
      %scan3A_64 = arith.addi %scan3A_62, %scan3A_63 : i32
      %scan3A_65 = arith.constant 1 : i32
      %scan3A_66 = scf.for %scan3A_73 = %scan3A_62 to %scan3A_64 step %scan3A_65 iter_args(%scan3A_74 = %scan3A_61) -> (i32)  : i32 {
        %mul3A_75 = arith.constant 24 : i32
        %mul3A_76 = arith.muli %scan3A_73, %mul3A_75 : i32
        %add3A_77 = arith.addi %mul3A_0, %mul3A_76 : i32
        "tpu.region"() ({
          %run_scoped3A_79 = tpu.sem_alloc : memref<!tpu.dma_semaphore, #tpu.memory_space<semaphore_mem>>
          %dma_start3A_80 = arith.constant 0 : i32
          %dma_start3A_81 = tpu.memref_slice %arg17[%add3A_77, %dma_start3A_80] : memref<10000x128xf32, #tpu.memory_space<vmem_shared>> -> memref<24x128xf32, #tpu.memory_space<vmem_shared>>
          %dma_start3A_82 = arith.constant 0 : i32
          %dma_start3A_83 = tpu.memref_slice %arg17[%add3A_77, %dma_start3A_82] : memref<10000x128xf32, #tpu.memory_space<vmem_shared>> -> memref<24x128xf32, #tpu.memory_space<vmem_shared>>
          tpu.enqueue_dma source(%dma_start3A_83 : memref<24x128xf32, #tpu.memory_space<vmem_shared>>) target(%arg12 : memref<24x128xf32, #tpu.memory_space<vmem>>) target_semaphore(%run_scoped3A_79 : memref<!tpu.dma_semaphore, #tpu.memory_space<semaphore_mem>>)
          %dma_wait3A_84 = arith.constant 0 : i32
          %dma_wait3A_85 = tpu.memref_slice %arg17[%add3A_77, %dma_wait3A_84] : memref<10000x128xf32, #tpu.memory_space<vmem_shared>> -> memref<24x128xf32, #tpu.memory_space<vmem_shared>>
          %dma_wait3A_86 = arith.constant 0 : i32
          %dma_wait3A_87 = tpu.memref_slice %arg17[%add3A_77, %dma_wait3A_86] : memref<10000x128xf32, #tpu.memory_space<vmem_shared>> -> memref<24x128xf32, #tpu.memory_space<vmem_shared>>
          tpu.wait_dma2 semaphore(%run_scoped3A_79 : memref<!tpu.dma_semaphore, #tpu.memory_space<semaphore_mem>>) src(%dma_wait3A_87 : memref<24x128xf32, #tpu.memory_space<vmem_shared>>) dst(%arg12 : memref<24x128xf32, #tpu.memory_space<vmem>>)
          tpu.yield
        }) : () -> ()
        %run_scoped3A = arith.constant 1 : i32
        "tpu.region"() ({
          %run_scoped3A_79 = tpu.sem_alloc : memref<!tpu.dma_semaphore, #tpu.memory_space<semaphore_mem>>
          %dma_start3A_80 = arith.constant 0 : i32
          %dma_start3A_81 = arith.constant 0 : i32
          %dma_start3A_82 = tpu.memref_slice %arg6[%run_scoped3A, %dma_start3A_80, %dma_start3A_81] : memref<2x10000x128xf32, #tpu.memory_space<hbm>> -> memref<1x10000x128xf32, #tpu.memory_space<hbm>>
          %dma_start3A_83 = tpu.memref_squeeze %dma_start3A_82 : memref<1x10000x128xf32, #tpu.memory_space<hbm>> -> memref<10000x128xf32, #tpu.memory_space<hbm>>
          %dma_start3A_84 = arith.constant 0 : i32
          %dma_start3A_85 = tpu.memref_slice %dma_start3A_83[%add3A_77, %dma_start3A_84] : memref<10000x128xf32, #tpu.memory_space<hbm>> -> memref<24x128xf32, #tpu.memory_space<hbm>>
          %dma_start3A_86 = arith.constant 0 : i32
          %dma_start3A_87 = arith.constant 0 : i32
          %dma_start3A_88 = tpu.memref_slice %arg6[%run_scoped3A, %dma_start3A_86, %dma_start3A_87] : memref<2x10000x128xf32, #tpu.memory_space<hbm>> -> memref<1x10000x128xf32, #tpu.memory_space<hbm>>
          %dma_start3A_89 = tpu.memref_squeeze %dma_start3A_88 : memref<1x10000x128xf32, #tpu.memory_space<hbm>> -> memref<10000x128xf32, #tpu.memory_space<hbm>>
          %dma_start3A_90 = arith.constant 0 : i32
          %dma_start3A_91 = tpu.memref_slice %dma_start3A_89[%add3A_77, %dma_start3A_90] : memref<10000x128xf32, #tpu.memory_space<hbm>> -> memref<24x128xf32, #tpu.memory_space<hbm>>
          tpu.enqueue_dma source(%arg12 : memref<24x128xf32, #tpu.memory_space<vmem>>) target(%dma_start3A_91 : memref<24x128xf32, #tpu.memory_space<hbm>>) target_semaphore(%run_scoped3A_79 : memref<!tpu.dma_semaphore, #tpu.memory_space<semaphore_mem>>)
          %dma_wait3A_92 = arith.constant 0 : i32
          %dma_wait3A_93 = arith.constant 0 : i32
          %dma_wait3A_94 = tpu.memref_slice %arg6[%run_scoped3A, %dma_wait3A_92, %dma_wait3A_93] : memref<2x10000x128xf32, #tpu.memory_space<hbm>> -> memref<1x10000x128xf32, #tpu.memory_space<hbm>>
          %dma_wait3A_95 = tpu.memref_squeeze %dma_wait3A_94 : memref<1x10000x128xf32, #tpu.memory_space<hbm>> -> memref<10000x128xf32, #tpu.memory_space<hbm>>
          %dma_wait3A_96 = arith.constant 0 : i32
          %dma_wait3A_97 = tpu.memref_slice %dma_wait3A_95[%add3A_77, %dma_wait3A_96] : memref<10000x128xf32, #tpu.memory_space<hbm>> -> memref<24x128xf32, #tpu.memory_space<hbm>>
          %dma_wait3A_98 = arith.constant 0 : i32
          %dma_wait3A_99 = arith.constant 0 : i32
          %dma_wait3A_100 = tpu.memref_slice %arg6[%run_scoped3A, %dma_wait3A_98, %dma_wait3A_99] : memref<2x10000x128xf32, #tpu.memory_space<hbm>> -> memref<1x10000x128xf32, #tpu.memory_space<hbm>>
          %dma_wait3A_101 = tpu.memref_squeeze %dma_wait3A_100 : memref<1x10000x128xf32, #tpu.memory_space<hbm>> -> memref<10000x128xf32, #tpu.memory_space<hbm>>
          %dma_wait3A_102 = arith.constant 0 : i32
          %dma_wait3A_103 = tpu.memref_slice %dma_wait3A_101[%add3A_77, %dma_wait3A_102] : memref<10000x128xf32, #tpu.memory_space<hbm>> -> memref<24x128xf32, #tpu.memory_space<hbm>>
          tpu.wait_dma2 semaphore(%run_scoped3A_79 : memref<!tpu.dma_semaphore, #tpu.memory_space<semaphore_mem>>) src(%arg12 : memref<24x128xf32, #tpu.memory_space<vmem>>) dst(%dma_wait3A_103 : memref<24x128xf32, #tpu.memory_space<hbm>>)
          tpu.yield
        }) : () -> ()
        %scan3A_78 = arith.constant 0 : i32
        scf.yield %scan3A_78 : i32
      }
      %scan3A_67 = arith.constant 26 : i32
      %eq3A_68 = arith.constant 0 : i32
      %eq3A_69 = arith.cmpi eq, %arg1, %eq3A_68 : i32
      %convert_element_type3A_70 = arith.extui %eq3A_69 : i1 to i32
      %cond3A_71 = arith.constant 0 : i32
      %cond3A_72 = arith.cmpi ne, %convert_element_type3A_70, %cond3A_71 : i32
      scf.if %cond3A_72 {
        "tpu.region"() ({
          %run_scoped3A_73 = tpu.sem_alloc : memref<!tpu.dma_semaphore, #tpu.memory_space<semaphore_mem>>
          %dma_start3A_74 = arith.constant 0 : i32
          %dma_start3A_75 = arith.constant 0 : i32
          %dma_start3A_76 = tpu.memref_slice %arg12[%dma_start3A_74, %dma_start3A_75] : memref<24x128xf32, #tpu.memory_space<vmem>> -> memref<16x128xf32, #tpu.memory_space<vmem>>
          %dma_start3A_77 = arith.constant 9984 : i32
          %dma_start3A_78 = arith.constant 0 : i32
          %dma_start3A_79 = tpu.memref_slice %arg17[%dma_start3A_77, %dma_start3A_78] : memref<10000x128xf32, #tpu.memory_space<vmem_shared>> -> memref<16x128xf32, #tpu.memory_space<vmem_shared>>
          %dma_start3A_80 = arith.constant 0 : i32
          %dma_start3A_81 = arith.constant 0 : i32
          %dma_start3A_82 = tpu.memref_slice %arg12[%dma_start3A_80, %dma_start3A_81] : memref<24x128xf32, #tpu.memory_space<vmem>> -> memref<16x128xf32, #tpu.memory_space<vmem>>
          %dma_start3A_83 = arith.constant 9984 : i32
          %dma_start3A_84 = arith.constant 0 : i32
          %dma_start3A_85 = tpu.memref_slice %arg17[%dma_start3A_83, %dma_start3A_84] : memref<10000x128xf32, #tpu.memory_space<vmem_shared>> -> memref<16x128xf32, #tpu.memory_space<vmem_shared>>
          tpu.enqueue_dma source(%dma_start3A_85 : memref<16x128xf32, #tpu.memory_space<vmem_shared>>) target(%dma_start3A_82 : memref<16x128xf32, #tpu.memory_space<vmem>>) target_semaphore(%run_scoped3A_73 : memref<!tpu.dma_semaphore, #tpu.memory_space<semaphore_mem>>)
          %dma_wait3A_86 = arith.constant 0 : i32
          %dma_wait3A_87 = arith.constant 0 : i32
          %dma_wait3A_88 = tpu.memref_slice %arg12[%dma_wait3A_86, %dma_wait3A_87] : memref<24x128xf32, #tpu.memory_space<vmem>> -> memref<16x128xf32, #tpu.memory_space<vmem>>
          %dma_wait3A_89 = arith.constant 9984 : i32
          %dma_wait3A_90 = arith.constant 0 : i32
          %dma_wait3A_91 = tpu.memref_slice %arg17[%dma_wait3A_89, %dma_wait3A_90] : memref<10000x128xf32, #tpu.memory_space<vmem_shared>> -> memref<16x128xf32, #tpu.memory_space<vmem_shared>>
          %dma_wait3A_92 = arith.constant 0 : i32
          %dma_wait3A_93 = arith.constant 0 : i32
          %dma_wait3A_94 = tpu.memref_slice %arg12[%dma_wait3A_92, %dma_wait3A_93] : memref<24x128xf32, #tpu.memory_space<vmem>> -> memref<16x128xf32, #tpu.memory_space<vmem>>
          %dma_wait3A_95 = arith.constant 9984 : i32
          %dma_wait3A_96 = arith.constant 0 : i32
          %dma_wait3A_97 = tpu.memref_slice %arg17[%dma_wait3A_95, %dma_wait3A_96] : memref<10000x128xf32, #tpu.memory_space<vmem_shared>> -> memref<16x128xf32, #tpu.memory_space<vmem_shared>>
          tpu.wait_dma2 semaphore(%run_scoped3A_73 : memref<!tpu.dma_semaphore, #tpu.memory_space<semaphore_mem>>) src(%dma_wait3A_97 : memref<16x128xf32, #tpu.memory_space<vmem_shared>>) dst(%dma_wait3A_94 : memref<16x128xf32, #tpu.memory_space<vmem>>)
          tpu.yield
        }) : () -> ()
        %run_scoped3A = arith.constant 1 : i32
        "tpu.region"() ({
          %run_scoped3A_73 = tpu.sem_alloc : memref<!tpu.dma_semaphore, #tpu.memory_space<semaphore_mem>>
          %dma_start3A_74 = arith.constant 0 : i32
          %dma_start3A_75 = arith.constant 0 : i32
          %dma_start3A_76 = tpu.memref_slice %arg12[%dma_start3A_74, %dma_start3A_75] : memref<24x128xf32, #tpu.memory_space<vmem>> -> memref<16x128xf32, #tpu.memory_space<vmem>>
          %dma_start3A_77 = arith.constant 0 : i32
          %dma_start3A_78 = arith.constant 0 : i32
          %dma_start3A_79 = tpu.memref_slice %arg6[%run_scoped3A, %dma_start3A_77, %dma_start3A_78] : memref<2x10000x128xf32, #tpu.memory_space<hbm>> -> memref<1x10000x128xf32, #tpu.memory_space<hbm>>
          %dma_start3A_80 = tpu.memref_squeeze %dma_start3A_79 : memref<1x10000x128xf32, #tpu.memory_space<hbm>> -> memref<10000x128xf32, #tpu.memory_space<hbm>>
          %dma_start3A_81 = arith.constant 9984 : i32
          %dma_start3A_82 = arith.constant 0 : i32
          %dma_start3A_83 = tpu.memref_slice %dma_start3A_80[%dma_start3A_81, %dma_start3A_82] : memref<10000x128xf32, #tpu.memory_space<hbm>> -> memref<16x128xf32, #tpu.memory_space<hbm>>
          %dma_start3A_84 = arith.constant 0 : i32
          %dma_start3A_85 = arith.constant 0 : i32
          %dma_start3A_86 = tpu.memref_slice %arg6[%run_scoped3A, %dma_start3A_84, %dma_start3A_85] : memref<2x10000x128xf32, #tpu.memory_space<hbm>> -> memref<1x10000x128xf32, #tpu.memory_space<hbm>>
          %dma_start3A_87 = tpu.memref_squeeze %dma_start3A_86 : memref<1x10000x128xf32, #tpu.memory_space<hbm>> -> memref<10000x128xf32, #tpu.memory_space<hbm>>
          %dma_start3A_88 = arith.constant 9984 : i32
          %dma_start3A_89 = arith.constant 0 : i32
          %dma_start3A_90 = tpu.memref_slice %dma_start3A_87[%dma_start3A_88, %dma_start3A_89] : memref<10000x128xf32, #tpu.memory_space<hbm>> -> memref<16x128xf32, #tpu.memory_space<hbm>>
          %dma_start3A_91 = arith.constant 0 : i32
          %dma_start3A_92 = arith.constant 0 : i32
          %dma_start3A_93 = tpu.memref_slice %arg12[%dma_start3A_91, %dma_start3A_92] : memref<24x128xf32, #tpu.memory_space<vmem>> -> memref<16x128xf32, #tpu.memory_space<vmem>>
          tpu.enqueue_dma source(%dma_start3A_93 : memref<16x128xf32, #tpu.memory_space<vmem>>) target(%dma_start3A_90 : memref<16x128xf32, #tpu.memory_space<hbm>>) target_semaphore(%run_scoped3A_73 : memref<!tpu.dma_semaphore, #tpu.memory_space<semaphore_mem>>)
          %dma_wait3A_94 = arith.constant 0 : i32
          %dma_wait3A_95 = arith.constant 0 : i32
          %dma_wait3A_96 = tpu.memref_slice %arg12[%dma_wait3A_94, %dma_wait3A_95] : memref<24x128xf32, #tpu.memory_space<vmem>> -> memref<16x128xf32, #tpu.memory_space<vmem>>
          %dma_wait3A_97 = arith.constant 0 : i32
          %dma_wait3A_98 = arith.constant 0 : i32
          %dma_wait3A_99 = tpu.memref_slice %arg6[%run_scoped3A, %dma_wait3A_97, %dma_wait3A_98] : memref<2x10000x128xf32, #tpu.memory_space<hbm>> -> memref<1x10000x128xf32, #tpu.memory_space<hbm>>
          %dma_wait3A_100 = tpu.memref_squeeze %dma_wait3A_99 : memref<1x10000x128xf32, #tpu.memory_space<hbm>> -> memref<10000x128xf32, #tpu.memory_space<hbm>>
          %dma_wait3A_101 = arith.constant 9984 : i32
          %dma_wait3A_102 = arith.constant 0 : i32
          %dma_wait3A_103 = tpu.memref_slice %dma_wait3A_100[%dma_wait3A_101, %dma_wait3A_102] : memref<10000x128xf32, #tpu.memory_space<hbm>> -> memref<16x128xf32, #tpu.memory_space<hbm>>
          %dma_wait3A_104 = arith.constant 0 : i32
          %dma_wait3A_105 = arith.constant 0 : i32
          %dma_wait3A_106 = tpu.memref_slice %arg6[%run_scoped3A, %dma_wait3A_104, %dma_wait3A_105] : memref<2x10000x128xf32, #tpu.memory_space<hbm>> -> memref<1x10000x128xf32, #tpu.memory_space<hbm>>
          %dma_wait3A_107 = tpu.memref_squeeze %dma_wait3A_106 : memref<1x10000x128xf32, #tpu.memory_space<hbm>> -> memref<10000x128xf32, #tpu.memory_space<hbm>>
          %dma_wait3A_108 = arith.constant 9984 : i32
          %dma_wait3A_109 = arith.constant 0 : i32
          %dma_wait3A_110 = tpu.memref_slice %dma_wait3A_107[%dma_wait3A_108, %dma_wait3A_109] : memref<10000x128xf32, #tpu.memory_space<hbm>> -> memref<16x128xf32, #tpu.memory_space<hbm>>
          %dma_wait3A_111 = arith.constant 0 : i32
          %dma_wait3A_112 = arith.constant 0 : i32
          %dma_wait3A_113 = tpu.memref_slice %arg12[%dma_wait3A_111, %dma_wait3A_112] : memref<24x128xf32, #tpu.memory_space<vmem>> -> memref<16x128xf32, #tpu.memory_space<vmem>>
          tpu.wait_dma2 semaphore(%run_scoped3A_73 : memref<!tpu.dma_semaphore, #tpu.memory_space<semaphore_mem>>) src(%dma_wait3A_113 : memref<16x128xf32, #tpu.memory_space<vmem>>) dst(%dma_wait3A_110 : memref<16x128xf32, #tpu.memory_space<hbm>>)
          tpu.yield
        }) : () -> ()
      } else {
      }
    } else {
    }
    return
  }
}

#map = affine_map<(d0, d1) -> (0)>
#map1 = affine_map<(d0, d1) -> (0, 0, 0)>
module attributes {stable_mosaic.version = 14 : i64} {
  func.func @_sc_ones_body(%arg0: i32, %arg1: i32, %arg2: memref<320000xi32, #tpu.memory_space<hbm>>, %arg3: memref<2x10000x128xf32, #tpu.memory_space<hbm>>, %arg4: memref<80xi32, #tpu.memory_space<vmem>>, %arg5: memref<80xi32, #tpu.memory_space<vmem>>, %arg6: memref<80x128xf32, #tpu.memory_space<vmem>>, %arg7: memref<24x128xf32, #tpu.memory_space<vmem>>, %arg8: memref<!tpu.dma_semaphore, #tpu.memory_space<semaphore_mem>>, %arg9: memref<!tpu.dma_semaphore, #tpu.memory_space<semaphore_mem>>, %arg10: memref<10000x128xf32, #tpu.memory_space<vmem_shared>>) attributes {dimension_semantics = [#tpu.dimension_semantics<core_parallel>, #tpu.dimension_semantics<subcore_parallel>], iteration_bounds = array<i64: 2, 16>, scalar_prefetch = 0 : i64, scratch_operands = 7 : i64, tpu.core_type = #tpu.core_type<sc_vector_subcore>, window_params = [{transform_indices = #map}, {transform_indices = #map1}]} {
    %mul3A = arith.constant 624 : i32
    %mul3A_0 = arith.muli %arg1, %mul3A : i32
    %mul3A_1 = arith.constant 16 : i32
    %mul3A_2 = arith.muli %arg0, %mul3A_1 : i32
    %add3A = arith.addi %mul3A_2, %arg1 : i32
    %broadcast_in_dim3A = arith.constant 0.000000e+00 : f32
    %broadcast_in_dim3A_3 = vector.broadcast %broadcast_in_dim3A : f32 to vector<16xf32>
    %scan3A = arith.constant 0 : i32
    %scan3A_4 = arith.constant 0 : i32
    %scan3A_5 = arith.constant 24 : i32
    %scan3A_6 = arith.addi %scan3A_4, %scan3A_5 : i32
    %scan3A_7 = arith.constant 1 : i32
    %scan3A_8 = scf.for %scan3A_60 = %scan3A_4 to %scan3A_6 step %scan3A_7 iter_args(%scan3A_61 = %scan3A) -> (i32)  : i32 {
      %swap3A = arith.index_cast %scan3A_60 : i32 to index
      %swap3A_62 = arith.constant 0 : index
      %swap3A_63 = tpu.vector_load %arg7[%swap3A, %swap3A_62] {strides = array<i32>} : memref<24x128xf32, #tpu.memory_space<vmem>>, vector<1x16xf32>,
      %swap3A_64 = vector.shape_cast %swap3A_63 : vector<1x16xf32> to vector<16xf32>
      %swap3A_65 = vector.shape_cast %broadcast_in_dim3A_3 : vector<16xf32> to vector<1x16xf32>
      tpu.vector_store %arg7[%swap3A, %swap3A_62], %swap3A_65 {strides = array<i32>} : memref<24x128xf32, #tpu.memory_space<vmem>>, vector<1x16xf32>,
      %swap3A_66 = arith.index_cast %scan3A_60 : i32 to index
      %swap3A_67 = arith.constant 16 : index
      %swap3A_68 = tpu.vector_load %arg7[%swap3A_66, %swap3A_67] {strides = array<i32>} : memref<24x128xf32, #tpu.memory_space<vmem>>, vector<1x16xf32>,
      %swap3A_69 = vector.shape_cast %swap3A_68 : vector<1x16xf32> to vector<16xf32>
      %swap3A_70 = vector.shape_cast %broadcast_in_dim3A_3 : vector<16xf32> to vector<1x16xf32>
      tpu.vector_store %arg7[%swap3A_66, %swap3A_67], %swap3A_70 {strides = array<i32>} : memref<24x128xf32, #tpu.memory_space<vmem>>, vector<1x16xf32>,
      %swap3A_71 = arith.index_cast %scan3A_60 : i32 to index
      %swap3A_72 = arith.constant 32 : index
      %swap3A_73 = tpu.vector_load %arg7[%swap3A_71, %swap3A_72] {strides = array<i32>} : memref<24x128xf32, #tpu.memory_space<vmem>>, vector<1x16xf32>,
      %swap3A_74 = vector.shape_cast %swap3A_73 : vector<1x16xf32> to vector<16xf32>
      %swap3A_75 = vector.shape_cast %broadcast_in_dim3A_3 : vector<16xf32> to vector<1x16xf32>
      tpu.vector_store %arg7[%swap3A_71, %swap3A_72], %swap3A_75 {strides = array<i32>} : memref<24x128xf32, #tpu.memory_space<vmem>>, vector<1x16xf32>,
      %swap3A_76 = arith.index_cast %scan3A_60 : i32 to index
      %swap3A_77 = arith.constant 48 : index
      %swap3A_78 = tpu.vector_load %arg7[%swap3A_76, %swap3A_77] {strides = array<i32>} : memref<24x128xf32, #tpu.memory_space<vmem>>, vector<1x16xf32>,
      %swap3A_79 = vector.shape_cast %swap3A_78 : vector<1x16xf32> to vector<16xf32>
      %swap3A_80 = vector.shape_cast %broadcast_in_dim3A_3 : vector<16xf32> to vector<1x16xf32>
      tpu.vector_store %arg7[%swap3A_76, %swap3A_77], %swap3A_80 {strides = array<i32>} : memref<24x128xf32, #tpu.memory_space<vmem>>, vector<1x16xf32>,
      %swap3A_81 = arith.index_cast %scan3A_60 : i32 to index
      %swap3A_82 = arith.constant 64 : index
      %swap3A_83 = tpu.vector_load %arg7[%swap3A_81, %swap3A_82] {strides = array<i32>} : memref<24x128xf32, #tpu.memory_space<vmem>>, vector<1x16xf32>,
      %swap3A_84 = vector.shape_cast %swap3A_83 : vector<1x16xf32> to vector<16xf32>
      %swap3A_85 = vector.shape_cast %broadcast_in_dim3A_3 : vector<16xf32> to vector<1x16xf32>
      tpu.vector_store %arg7[%swap3A_81, %swap3A_82], %swap3A_85 {strides = array<i32>} : memref<24x128xf32, #tpu.memory_space<vmem>>, vector<1x16xf32>,
      %swap3A_86 = arith.index_cast %scan3A_60 : i32 to index
      %swap3A_87 = arith.constant 80 : index
      %swap3A_88 = tpu.vector_load %arg7[%swap3A_86, %swap3A_87] {strides = array<i32>} : memref<24x128xf32, #tpu.memory_space<vmem>>, vector<1x16xf32>,
      %swap3A_89 = vector.shape_cast %swap3A_88 : vector<1x16xf32> to vector<16xf32>
      %swap3A_90 = vector.shape_cast %broadcast_in_dim3A_3 : vector<16xf32> to vector<1x16xf32>
      tpu.vector_store %arg7[%swap3A_86, %swap3A_87], %swap3A_90 {strides = array<i32>} : memref<24x128xf32, #tpu.memory_space<vmem>>, vector<1x16xf32>,
      %swap3A_91 = arith.index_cast %scan3A_60 : i32 to index
      %swap3A_92 = arith.constant 96 : index
      %swap3A_93 = tpu.vector_load %arg7[%swap3A_91, %swap3A_92] {strides = array<i32>} : memref<24x128xf32, #tpu.memory_space<vmem>>, vector<1x16xf32>,
      %swap3A_94 = vector.shape_cast %swap3A_93 : vector<1x16xf32> to vector<16xf32>
      %swap3A_95 = vector.shape_cast %broadcast_in_dim3A_3 : vector<16xf32> to vector<1x16xf32>
      tpu.vector_store %arg7[%swap3A_91, %swap3A_92], %swap3A_95 {strides = array<i32>} : memref<24x128xf32, #tpu.memory_space<vmem>>, vector<1x16xf32>,
      %swap3A_96 = arith.index_cast %scan3A_60 : i32 to index
      %swap3A_97 = arith.constant 112 : index
      %swap3A_98 = tpu.vector_load %arg7[%swap3A_96, %swap3A_97] {strides = array<i32>} : memref<24x128xf32, #tpu.memory_space<vmem>>, vector<1x16xf32>,
      %swap3A_99 = vector.shape_cast %swap3A_98 : vector<1x16xf32> to vector<16xf32>
      %swap3A_100 = vector.shape_cast %broadcast_in_dim3A_3 : vector<16xf32> to vector<1x16xf32>
      tpu.vector_store %arg7[%swap3A_96, %swap3A_97], %swap3A_100 {strides = array<i32>} : memref<24x128xf32, #tpu.memory_space<vmem>>, vector<1x16xf32>,
      %scan3A_101 = arith.constant 0 : i32
      scf.yield %scan3A_101 : i32
    }
    %scan3A_9 = arith.constant 24 : i32
    %scan3A_10 = arith.constant 0 : i32
    %scan3A_11 = arith.constant 0 : i32
    %scan3A_12 = arith.constant 26 : i32
    %scan3A_13 = arith.addi %scan3A_11, %scan3A_12 : i32
    %scan3A_14 = arith.constant 1 : i32
    %scan3A_15 = scf.for %scan3A_60 = %scan3A_11 to %scan3A_13 step %scan3A_14 iter_args(%scan3A_61 = %scan3A_10) -> (i32)  : i32 {
      %mul3A_62 = arith.constant 24 : i32
      %mul3A_63 = arith.muli %scan3A_60, %mul3A_62 : i32
      %add3A_64 = arith.addi %mul3A_0, %mul3A_63 : i32
      "tpu.region"() ({
        %run_scoped3A = tpu.sem_alloc : memref<!tpu.dma_semaphore, #tpu.memory_space<semaphore_mem>>
        %dma_start3A_66 = arith.constant 0 : i32
        %dma_start3A_67 = tpu.memref_slice %arg10[%add3A_64, %dma_start3A_66] : memref<10000x128xf32, #tpu.memory_space<vmem_shared>> -> memref<24x128xf32, #tpu.memory_space<vmem_shared>>
        %dma_start3A_68 = arith.constant 0 : i32
        %dma_start3A_69 = tpu.memref_slice %arg10[%add3A_64, %dma_start3A_68] : memref<10000x128xf32, #tpu.memory_space<vmem_shared>> -> memref<24x128xf32, #tpu.memory_space<vmem_shared>>
        tpu.enqueue_dma source(%arg7 : memref<24x128xf32, #tpu.memory_space<vmem>>) target(%dma_start3A_69 : memref<24x128xf32, #tpu.memory_space<vmem_shared>>) target_semaphore(%run_scoped3A : memref<!tpu.dma_semaphore, #tpu.memory_space<semaphore_mem>>)
        %dma_wait3A_70 = arith.constant 0 : i32
        %dma_wait3A_71 = tpu.memref_slice %arg10[%add3A_64, %dma_wait3A_70] : memref<10000x128xf32, #tpu.memory_space<vmem_shared>> -> memref<24x128xf32, #tpu.memory_space<vmem_shared>>
        %dma_wait3A_72 = arith.constant 0 : i32
        %dma_wait3A_73 = tpu.memref_slice %arg10[%add3A_64, %dma_wait3A_72] : memref<10000x128xf32, #tpu.memory_space<vmem_shared>> -> memref<24x128xf32, #tpu.memory_space<vmem_shared>>
        tpu.wait_dma2 semaphore(%run_scoped3A : memref<!tpu.dma_semaphore, #tpu.memory_space<semaphore_mem>>) src(%arg7 : memref<24x128xf32, #tpu.memory_space<vmem>>) dst(%dma_wait3A_73 : memref<24x128xf32, #tpu.memory_space<vmem_shared>>)
        tpu.yield
      }) : () -> ()
      %scan3A_65 = arith.constant 0 : i32
      scf.yield %scan3A_65 : i32
    }
    %scan3A_16 = arith.constant 26 : i32
    %eq3A = arith.constant 0 : i32
    %eq3A_17 = arith.cmpi eq, %arg1, %eq3A : i32
    %convert_element_type3A = arith.extui %eq3A_17 : i1 to i32
    %cond3A = arith.constant 0 : i32
    %cond3A_18 = arith.cmpi ne, %convert_element_type3A, %cond3A : i32
    scf.if %cond3A_18 {
      "tpu.region"() ({
        %run_scoped3A = tpu.sem_alloc : memref<!tpu.dma_semaphore, #tpu.memory_space<semaphore_mem>>
        %dma_start3A_60 = arith.constant 0 : i32
        %dma_start3A_61 = arith.constant 0 : i32
        %dma_start3A_62 = tpu.memref_slice %arg7[%dma_start3A_60, %dma_start3A_61] : memref<24x128xf32, #tpu.memory_space<vmem>> -> memref<16x128xf32, #tpu.memory_space<vmem>>
        %dma_start3A_63 = arith.constant 9984 : i32
        %dma_start3A_64 = arith.constant 0 : i32
        %dma_start3A_65 = tpu.memref_slice %arg10[%dma_start3A_63, %dma_start3A_64] : memref<10000x128xf32, #tpu.memory_space<vmem_shared>> -> memref<16x128xf32, #tpu.memory_space<vmem_shared>>
        %dma_start3A_66 = arith.constant 9984 : i32
        %dma_start3A_67 = arith.constant 0 : i32
        %dma_start3A_68 = tpu.memref_slice %arg10[%dma_start3A_66, %dma_start3A_67] : memref<10000x128xf32, #tpu.memory_space<vmem_shared>> -> memref<16x128xf32, #tpu.memory_space<vmem_shared>>
        %dma_start3A_69 = arith.constant 0 : i32
        %dma_start3A_70 = arith.constant 0 : i32
        %dma_start3A_71 = tpu.memref_slice %arg7[%dma_start3A_69, %dma_start3A_70] : memref<24x128xf32, #tpu.memory_space<vmem>> -> memref<16x128xf32, #tpu.memory_space<vmem>>
        tpu.enqueue_dma source(%dma_start3A_71 : memref<16x128xf32, #tpu.memory_space<vmem>>) target(%dma_start3A_68 : memref<16x128xf32, #tpu.memory_space<vmem_shared>>) target_semaphore(%run_scoped3A : memref<!tpu.dma_semaphore, #tpu.memory_space<semaphore_mem>>)
        %dma_wait3A_72 = arith.constant 0 : i32
        %dma_wait3A_73 = arith.constant 0 : i32
        %dma_wait3A_74 = tpu.memref_slice %arg7[%dma_wait3A_72, %dma_wait3A_73] : memref<24x128xf32, #tpu.memory_space<vmem>> -> memref<16x128xf32, #tpu.memory_space<vmem>>
        %dma_wait3A_75 = arith.constant 9984 : i32
        %dma_wait3A_76 = arith.constant 0 : i32
        %dma_wait3A_77 = tpu.memref_slice %arg10[%dma_wait3A_75, %dma_wait3A_76] : memref<10000x128xf32, #tpu.memory_space<vmem_shared>> -> memref<16x128xf32, #tpu.memory_space<vmem_shared>>
        %dma_wait3A_78 = arith.constant 9984 : i32
        %dma_wait3A_79 = arith.constant 0 : i32
        %dma_wait3A_80 = tpu.memref_slice %arg10[%dma_wait3A_78, %dma_wait3A_79] : memref<10000x128xf32, #tpu.memory_space<vmem_shared>> -> memref<16x128xf32, #tpu.memory_space<vmem_shared>>
        %dma_wait3A_81 = arith.constant 0 : i32
        %dma_wait3A_82 = arith.constant 0 : i32
        %dma_wait3A_83 = tpu.memref_slice %arg7[%dma_wait3A_81, %dma_wait3A_82] : memref<24x128xf32, #tpu.memory_space<vmem>> -> memref<16x128xf32, #tpu.memory_space<vmem>>
        tpu.wait_dma2 semaphore(%run_scoped3A : memref<!tpu.dma_semaphore, #tpu.memory_space<semaphore_mem>>) src(%dma_wait3A_83 : memref<16x128xf32, #tpu.memory_space<vmem>>) dst(%dma_wait3A_80 : memref<16x128xf32, #tpu.memory_space<vmem_shared>>)
        tpu.yield
      }) : () -> ()
    } else {
    }
    %broadcast_in_dim3A_19 = arith.constant 1.000000e+00 : f32
    %broadcast_in_dim3A_20 = vector.broadcast %broadcast_in_dim3A_19 : f32 to vector<16xf32>
    %scan3A_21 = arith.constant 0 : i32
    %scan3A_22 = arith.constant 0 : i32
    %scan3A_23 = arith.constant 80 : i32
    %scan3A_24 = arith.addi %scan3A_22, %scan3A_23 : i32
    %scan3A_25 = arith.constant 1 : i32
    %scan3A_26 = scf.for %scan3A_60 = %scan3A_22 to %scan3A_24 step %scan3A_25 iter_args(%scan3A_61 = %scan3A_21) -> (i32)  : i32 {
      %swap3A = arith.index_cast %scan3A_60 : i32 to index
      %swap3A_62 = arith.constant 0 : index
      %swap3A_63 = tpu.vector_load %arg6[%swap3A, %swap3A_62] {strides = array<i32>} : memref<80x128xf32, #tpu.memory_space<vmem>>, vector<1x16xf32>,
      %swap3A_64 = vector.shape_cast %swap3A_63 : vector<1x16xf32> to vector<16xf32>
      %swap3A_65 = vector.shape_cast %broadcast_in_dim3A_20 : vector<16xf32> to vector<1x16xf32>
      tpu.vector_store %arg6[%swap3A, %swap3A_62], %swap3A_65 {strides = array<i32>} : memref<80x128xf32, #tpu.memory_space<vmem>>, vector<1x16xf32>,
      %swap3A_66 = arith.index_cast %scan3A_60 : i32 to index
      %swap3A_67 = arith.constant 16 : index
      %swap3A_68 = tpu.vector_load %arg6[%swap3A_66, %swap3A_67] {strides = array<i32>} : memref<80x128xf32, #tpu.memory_space<vmem>>, vector<1x16xf32>,
      %swap3A_69 = vector.shape_cast %swap3A_68 : vector<1x16xf32> to vector<16xf32>
      %swap3A_70 = vector.shape_cast %broadcast_in_dim3A_20 : vector<16xf32> to vector<1x16xf32>
      tpu.vector_store %arg6[%swap3A_66, %swap3A_67], %swap3A_70 {strides = array<i32>} : memref<80x128xf32, #tpu.memory_space<vmem>>, vector<1x16xf32>,
      %swap3A_71 = arith.index_cast %scan3A_60 : i32 to index
      %swap3A_72 = arith.constant 32 : index
      %swap3A_73 = tpu.vector_load %arg6[%swap3A_71, %swap3A_72] {strides = array<i32>} : memref<80x128xf32, #tpu.memory_space<vmem>>, vector<1x16xf32>,
      %swap3A_74 = vector.shape_cast %swap3A_73 : vector<1x16xf32> to vector<16xf32>
      %swap3A_75 = vector.shape_cast %broadcast_in_dim3A_20 : vector<16xf32> to vector<1x16xf32>
      tpu.vector_store %arg6[%swap3A_71, %swap3A_72], %swap3A_75 {strides = array<i32>} : memref<80x128xf32, #tpu.memory_space<vmem>>, vector<1x16xf32>,
      %swap3A_76 = arith.index_cast %scan3A_60 : i32 to index
      %swap3A_77 = arith.constant 48 : index
      %swap3A_78 = tpu.vector_load %arg6[%swap3A_76, %swap3A_77] {strides = array<i32>} : memref<80x128xf32, #tpu.memory_space<vmem>>, vector<1x16xf32>,
      %swap3A_79 = vector.shape_cast %swap3A_78 : vector<1x16xf32> to vector<16xf32>
      %swap3A_80 = vector.shape_cast %broadcast_in_dim3A_20 : vector<16xf32> to vector<1x16xf32>
      tpu.vector_store %arg6[%swap3A_76, %swap3A_77], %swap3A_80 {strides = array<i32>} : memref<80x128xf32, #tpu.memory_space<vmem>>, vector<1x16xf32>,
      %swap3A_81 = arith.index_cast %scan3A_60 : i32 to index
      %swap3A_82 = arith.constant 64 : index
      %swap3A_83 = tpu.vector_load %arg6[%swap3A_81, %swap3A_82] {strides = array<i32>} : memref<80x128xf32, #tpu.memory_space<vmem>>, vector<1x16xf32>,
      %swap3A_84 = vector.shape_cast %swap3A_83 : vector<1x16xf32> to vector<16xf32>
      %swap3A_85 = vector.shape_cast %broadcast_in_dim3A_20 : vector<16xf32> to vector<1x16xf32>
      tpu.vector_store %arg6[%swap3A_81, %swap3A_82], %swap3A_85 {strides = array<i32>} : memref<80x128xf32, #tpu.memory_space<vmem>>, vector<1x16xf32>,
      %swap3A_86 = arith.index_cast %scan3A_60 : i32 to index
      %swap3A_87 = arith.constant 80 : index
      %swap3A_88 = tpu.vector_load %arg6[%swap3A_86, %swap3A_87] {strides = array<i32>} : memref<80x128xf32, #tpu.memory_space<vmem>>, vector<1x16xf32>,
      %swap3A_89 = vector.shape_cast %swap3A_88 : vector<1x16xf32> to vector<16xf32>
      %swap3A_90 = vector.shape_cast %broadcast_in_dim3A_20 : vector<16xf32> to vector<1x16xf32>
      tpu.vector_store %arg6[%swap3A_86, %swap3A_87], %swap3A_90 {strides = array<i32>} : memref<80x128xf32, #tpu.memory_space<vmem>>, vector<1x16xf32>,
      %swap3A_91 = arith.index_cast %scan3A_60 : i32 to index
      %swap3A_92 = arith.constant 96 : index
      %swap3A_93 = tpu.vector_load %arg6[%swap3A_91, %swap3A_92] {strides = array<i32>} : memref<80x128xf32, #tpu.memory_space<vmem>>, vector<1x16xf32>,
      %swap3A_94 = vector.shape_cast %swap3A_93 : vector<1x16xf32> to vector<16xf32>
      %swap3A_95 = vector.shape_cast %broadcast_in_dim3A_20 : vector<16xf32> to vector<1x16xf32>
      tpu.vector_store %arg6[%swap3A_91, %swap3A_92], %swap3A_95 {strides = array<i32>} : memref<80x128xf32, #tpu.memory_space<vmem>>, vector<1x16xf32>,
      %swap3A_96 = arith.index_cast %scan3A_60 : i32 to index
      %swap3A_97 = arith.constant 112 : index
      %swap3A_98 = tpu.vector_load %arg6[%swap3A_96, %swap3A_97] {strides = array<i32>} : memref<80x128xf32, #tpu.memory_space<vmem>>, vector<1x16xf32>,
      %swap3A_99 = vector.shape_cast %swap3A_98 : vector<1x16xf32> to vector<16xf32>
      %swap3A_100 = vector.shape_cast %broadcast_in_dim3A_20 : vector<16xf32> to vector<1x16xf32>
      tpu.vector_store %arg6[%swap3A_96, %swap3A_97], %swap3A_100 {strides = array<i32>} : memref<80x128xf32, #tpu.memory_space<vmem>>, vector<1x16xf32>,
      %scan3A_101 = arith.constant 0 : i32
      scf.yield %scan3A_101 : i32
    }
    %scan3A_27 = arith.constant 80 : i32
    %barrier3A = arith.constant 0 : index
    tpu.barrier barrier_id(%barrier3A)
    %mul3A_28 = arith.constant 125 : i32
    %mul3A_29 = arith.muli %add3A, %mul3A_28 : i32
    %add3A_30 = arith.constant 0 : i32
    %add3A_31 = arith.addi %mul3A_29, %add3A_30 : i32
    %mul3A_32 = arith.constant 80 : i32
    %mul3A_33 = arith.muli %add3A_31, %mul3A_32 : i32
    %dma_start3A = tpu.memref_slice %arg2[%mul3A_33] : memref<320000xi32, #tpu.memory_space<hbm>> -> memref<80xi32, #tpu.memory_space<hbm>>
    %dma_start3A_34 = tpu.memref_slice %arg2[%mul3A_33] : memref<320000xi32, #tpu.memory_space<hbm>> -> memref<80xi32, #tpu.memory_space<hbm>>
    tpu.enqueue_dma source(%dma_start3A_34 : memref<80xi32, #tpu.memory_space<hbm>>) target(%arg4 : memref<80xi32, #tpu.memory_space<vmem>>) target_semaphore(%arg8 : memref<!tpu.dma_semaphore, #tpu.memory_space<semaphore_mem>>)
    %scan3A_35 = arith.constant 0 : i32
    %scan3A_36 = arith.constant 0 : i32
    %scan3A_37 = arith.constant 62 : i32
    %scan3A_38 = arith.addi %scan3A_36, %scan3A_37 : i32
    %scan3A_39 = arith.constant 1 : i32
    %scan3A_40 = scf.for %scan3A_60 = %scan3A_36 to %scan3A_38 step %scan3A_39 iter_args(%scan3A_61 = %scan3A_35) -> (i32)  : i32 {
      %mul3A_62 = arith.constant 2 : i32
      %mul3A_63 = arith.muli %mul3A_62, %scan3A_60 : i32
      %add3A_64 = arith.constant 1 : i32
      %add3A_65 = arith.addi %mul3A_63, %add3A_64 : i32
      %mul3A_66 = arith.constant 125 : i32
      %mul3A_67 = arith.muli %add3A, %mul3A_66 : i32
      %add3A_68 = arith.addi %mul3A_67, %add3A_65 : i32
      %mul3A_69 = arith.constant 80 : i32
      %mul3A_70 = arith.muli %add3A_68, %mul3A_69 : i32
      %dma_start3A_71 = tpu.memref_slice %arg2[%mul3A_70] : memref<320000xi32, #tpu.memory_space<hbm>> -> memref<80xi32, #tpu.memory_space<hbm>>
      %dma_start3A_72 = tpu.memref_slice %arg2[%mul3A_70] : memref<320000xi32, #tpu.memory_space<hbm>> -> memref<80xi32, #tpu.memory_space<hbm>>
      tpu.enqueue_dma source(%dma_start3A_72 : memref<80xi32, #tpu.memory_space<hbm>>) target(%arg5 : memref<80xi32, #tpu.memory_space<vmem>>) target_semaphore(%arg9 : memref<!tpu.dma_semaphore, #tpu.memory_space<semaphore_mem>>)
      %mul3A_73 = arith.constant 125 : i32
      %mul3A_74 = arith.muli %add3A, %mul3A_73 : i32
      %add3A_75 = arith.addi %mul3A_74, %mul3A_63 : i32
      %mul3A_76 = arith.constant 80 : i32
      %mul3A_77 = arith.muli %add3A_75, %mul3A_76 : i32
      %dma_wait3A_78 = tpu.memref_slice %arg2[%mul3A_77] : memref<320000xi32, #tpu.memory_space<hbm>> -> memref<80xi32, #tpu.memory_space<hbm>>
      %dma_wait3A_79 = tpu.memref_slice %arg2[%mul3A_77] : memref<320000xi32, #tpu.memory_space<hbm>> -> memref<80xi32, #tpu.memory_space<hbm>>
      tpu.wait_dma2 semaphore(%arg8 : memref<!tpu.dma_semaphore, #tpu.memory_space<semaphore_mem>>) src(%dma_wait3A_79 : memref<80xi32, #tpu.memory_space<hbm>>) dst(%arg4 : memref<80xi32, #tpu.memory_space<vmem>>)
      "tpu.region"() ({
        %run_scoped3A = tpu.sem_alloc : memref<!tpu.dma_semaphore, #tpu.memory_space<semaphore_mem>>
        %dma_start3A_99 = arith.constant 0 : i32
        %dma_start3A_100 = arith.constant 0 : i32
        %dma_start3A_101 = tpu.memref_slice %arg10[%dma_start3A_99, %dma_start3A_100] : memref<10000x128xf32, #tpu.memory_space<vmem_shared>> -> memref<10000x128xf32, #tpu.memory_space<vmem_shared>>
        tpu.enqueue_indirect_dma source(%arg6 : memref<80x128xf32, #tpu.memory_space<vmem>>) target(%dma_start3A_101 : memref<10000x128xf32, #tpu.memory_space<vmem_shared>>) offsets(%arg4 : memref<80xi32, #tpu.memory_space<vmem>>) semaphore(%run_scoped3A : memref<!tpu.dma_semaphore, #tpu.memory_space<semaphore_mem>>) {add = true}
        %dma_wait3A_102 = arith.constant 0 : i32
        %dma_wait3A_103 = arith.constant 0 : i32
        %dma_wait3A_104 = tpu.memref_slice %arg10[%dma_wait3A_102, %dma_wait3A_103] : memref<10000x128xf32, #tpu.memory_space<vmem_shared>> -> memref<10000x128xf32, #tpu.memory_space<vmem_shared>>
        tpu.wait_indirect_dma semaphore(%run_scoped3A : memref<!tpu.dma_semaphore, #tpu.memory_space<semaphore_mem>>) src(%arg6 : memref<80x128xf32, #tpu.memory_space<vmem>>) dst(%dma_wait3A_104 : memref<10000x128xf32, #tpu.memory_space<vmem_shared>>)
        tpu.yield
      }) : () -> ()
      %add3A_80 = arith.constant 2 : i32
      %add3A_81 = arith.addi %mul3A_63, %add3A_80 : i32
      %mul3A_82 = arith.constant 125 : i32
      %mul3A_83 = arith.muli %add3A, %mul3A_82 : i32
      %add3A_84 = arith.addi %mul3A_83, %add3A_81 : i32
      %mul3A_85 = arith.constant 80 : i32
      %mul3A_86 = arith.muli %add3A_84, %mul3A_85 : i32
      %dma_start3A_87 = tpu.memref_slice %arg2[%mul3A_86] : memref<320000xi32, #tpu.memory_space<hbm>> -> memref<80xi32, #tpu.memory_space<hbm>>
      %dma_start3A_88 = tpu.memref_slice %arg2[%mul3A_86] : memref<320000xi32, #tpu.memory_space<hbm>> -> memref<80xi32, #tpu.memory_space<hbm>>
      tpu.enqueue_dma source(%dma_start3A_88 : memref<80xi32, #tpu.memory_space<hbm>>) target(%arg4 : memref<80xi32, #tpu.memory_space<vmem>>) target_semaphore(%arg8 : memref<!tpu.dma_semaphore, #tpu.memory_space<semaphore_mem>>)
      %add3A_89 = arith.constant 1 : i32
      %add3A_90 = arith.addi %mul3A_63, %add3A_89 : i32
      %mul3A_91 = arith.constant 125 : i32
      %mul3A_92 = arith.muli %add3A, %mul3A_91 : i32
      %add3A_93 = arith.addi %mul3A_92, %add3A_90 : i32
      %mul3A_94 = arith.constant 80 : i32
      %mul3A_95 = arith.muli %add3A_93, %mul3A_94 : i32
      %dma_wait3A_96 = tpu.memref_slice %arg2[%mul3A_95] : memref<320000xi32, #tpu.memory_space<hbm>> -> memref<80xi32, #tpu.memory_space<hbm>>
      %dma_wait3A_97 = tpu.memref_slice %arg2[%mul3A_95] : memref<320000xi32, #tpu.memory_space<hbm>> -> memref<80xi32, #tpu.memory_space<hbm>>
      tpu.wait_dma2 semaphore(%arg9 : memref<!tpu.dma_semaphore, #tpu.memory_space<semaphore_mem>>) src(%dma_wait3A_97 : memref<80xi32, #tpu.memory_space<hbm>>) dst(%arg5 : memref<80xi32, #tpu.memory_space<vmem>>)
      "tpu.region"() ({
        %run_scoped3A = tpu.sem_alloc : memref<!tpu.dma_semaphore, #tpu.memory_space<semaphore_mem>>
        %dma_start3A_99 = arith.constant 0 : i32
        %dma_start3A_100 = arith.constant 0 : i32
        %dma_start3A_101 = tpu.memref_slice %arg10[%dma_start3A_99, %dma_start3A_100] : memref<10000x128xf32, #tpu.memory_space<vmem_shared>> -> memref<10000x128xf32, #tpu.memory_space<vmem_shared>>
        tpu.enqueue_indirect_dma source(%arg6 : memref<80x128xf32, #tpu.memory_space<vmem>>) target(%dma_start3A_101 : memref<10000x128xf32, #tpu.memory_space<vmem_shared>>) offsets(%arg5 : memref<80xi32, #tpu.memory_space<vmem>>) semaphore(%run_scoped3A : memref<!tpu.dma_semaphore, #tpu.memory_space<semaphore_mem>>) {add = true}
        %dma_wait3A_102 = arith.constant 0 : i32
        %dma_wait3A_103 = arith.constant 0 : i32
        %dma_wait3A_104 = tpu.memref_slice %arg10[%dma_wait3A_102, %dma_wait3A_103] : memref<10000x128xf32, #tpu.memory_space<vmem_shared>> -> memref<10000x128xf32, #tpu.memory_space<vmem_shared>>
        tpu.wait_indirect_dma semaphore(%run_scoped3A : memref<!tpu.dma_semaphore, #tpu.memory_space<semaphore_mem>>) src(%arg6 : memref<80x128xf32, #tpu.memory_space<vmem>>) dst(%dma_wait3A_104 : memref<10000x128xf32, #tpu.memory_space<vmem_shared>>)
        tpu.yield
      }) : () -> ()
      %scan3A_98 = arith.constant 0 : i32
      scf.yield %scan3A_98 : i32
    }
    %scan3A_41 = arith.constant 62 : i32
    %mul3A_42 = arith.constant 125 : i32
    %mul3A_43 = arith.muli %add3A, %mul3A_42 : i32
    %add3A_44 = arith.constant 124 : i32
    %add3A_45 = arith.addi %mul3A_43, %add3A_44 : i32
    %mul3A_46 = arith.constant 80 : i32
    %mul3A_47 = arith.muli %add3A_45, %mul3A_46 : i32
    %dma_wait3A = tpu.memref_slice %arg2[%mul3A_47] : memref<320000xi32, #tpu.memory_space<hbm>> -> memref<80xi32, #tpu.memory_space<hbm>>
    %dma_wait3A_48 = tpu.memref_slice %arg2[%mul3A_47] : memref<320000xi32, #tpu.memory_space<hbm>> -> memref<80xi32, #tpu.memory_space<hbm>>
    tpu.wait_dma2 semaphore(%arg8 : memref<!tpu.dma_semaphore, #tpu.memory_space<semaphore_mem>>) src(%dma_wait3A_48 : memref<80xi32, #tpu.memory_space<hbm>>) dst(%arg4 : memref<80xi32, #tpu.memory_space<vmem>>)
    "tpu.region"() ({
      %run_scoped3A = tpu.sem_alloc : memref<!tpu.dma_semaphore, #tpu.memory_space<semaphore_mem>>
      %dma_start3A_60 = arith.constant 0 : i32
      %dma_start3A_61 = arith.constant 0 : i32
      %dma_start3A_62 = tpu.memref_slice %arg10[%dma_start3A_60, %dma_start3A_61] : memref<10000x128xf32, #tpu.memory_space<vmem_shared>> -> memref<10000x128xf32, #tpu.memory_space<vmem_shared>>
      tpu.enqueue_indirect_dma source(%arg6 : memref<80x128xf32, #tpu.memory_space<vmem>>) target(%dma_start3A_62 : memref<10000x128xf32, #tpu.memory_space<vmem_shared>>) offsets(%arg4 : memref<80xi32, #tpu.memory_space<vmem>>) semaphore(%run_scoped3A : memref<!tpu.dma_semaphore, #tpu.memory_space<semaphore_mem>>) {add = true}
      %dma_wait3A_63 = arith.constant 0 : i32
      %dma_wait3A_64 = arith.constant 0 : i32
      %dma_wait3A_65 = tpu.memref_slice %arg10[%dma_wait3A_63, %dma_wait3A_64] : memref<10000x128xf32, #tpu.memory_space<vmem_shared>> -> memref<10000x128xf32, #tpu.memory_space<vmem_shared>>
      tpu.wait_indirect_dma semaphore(%run_scoped3A : memref<!tpu.dma_semaphore, #tpu.memory_space<semaphore_mem>>) src(%arg6 : memref<80x128xf32, #tpu.memory_space<vmem>>) dst(%dma_wait3A_65 : memref<10000x128xf32, #tpu.memory_space<vmem_shared>>)
      tpu.yield
    }) : () -> ()
    %barrier3A_49 = arith.constant 0 : index
    tpu.barrier barrier_id(%barrier3A_49)
    %eq3A_50 = arith.constant 0 : i32
    %eq3A_51 = arith.cmpi eq, %arg0, %eq3A_50 : i32
    %convert_element_type3A_52 = arith.extui %eq3A_51 : i1 to i32
    %cond3A_53 = arith.constant 0 : i32
    %cond3A_54 = arith.cmpi ne, %convert_element_type3A_52, %cond3A_53 : i32
    scf.if %cond3A_54 {
      %scan3A_60 = arith.constant 0 : i32
      %scan3A_61 = arith.constant 0 : i32
      %scan3A_62 = arith.constant 26 : i32
      %scan3A_63 = arith.addi %scan3A_61, %scan3A_62 : i32
      %scan3A_64 = arith.constant 1 : i32
      %scan3A_65 = scf.for %scan3A_72 = %scan3A_61 to %scan3A_63 step %scan3A_64 iter_args(%scan3A_73 = %scan3A_60) -> (i32)  : i32 {
        %mul3A_74 = arith.constant 24 : i32
        %mul3A_75 = arith.muli %scan3A_72, %mul3A_74 : i32
        %add3A_76 = arith.addi %mul3A_0, %mul3A_75 : i32
        "tpu.region"() ({
          %run_scoped3A_78 = tpu.sem_alloc : memref<!tpu.dma_semaphore, #tpu.memory_space<semaphore_mem>>
          %dma_start3A_79 = arith.constant 0 : i32
          %dma_start3A_80 = tpu.memref_slice %arg10[%add3A_76, %dma_start3A_79] : memref<10000x128xf32, #tpu.memory_space<vmem_shared>> -> memref<24x128xf32, #tpu.memory_space<vmem_shared>>
          %dma_start3A_81 = arith.constant 0 : i32
          %dma_start3A_82 = tpu.memref_slice %arg10[%add3A_76, %dma_start3A_81] : memref<10000x128xf32, #tpu.memory_space<vmem_shared>> -> memref<24x128xf32, #tpu.memory_space<vmem_shared>>
          tpu.enqueue_dma source(%dma_start3A_82 : memref<24x128xf32, #tpu.memory_space<vmem_shared>>) target(%arg7 : memref<24x128xf32, #tpu.memory_space<vmem>>) target_semaphore(%run_scoped3A_78 : memref<!tpu.dma_semaphore, #tpu.memory_space<semaphore_mem>>)
          %dma_wait3A_83 = arith.constant 0 : i32
          %dma_wait3A_84 = tpu.memref_slice %arg10[%add3A_76, %dma_wait3A_83] : memref<10000x128xf32, #tpu.memory_space<vmem_shared>> -> memref<24x128xf32, #tpu.memory_space<vmem_shared>>
          %dma_wait3A_85 = arith.constant 0 : i32
          %dma_wait3A_86 = tpu.memref_slice %arg10[%add3A_76, %dma_wait3A_85] : memref<10000x128xf32, #tpu.memory_space<vmem_shared>> -> memref<24x128xf32, #tpu.memory_space<vmem_shared>>
          tpu.wait_dma2 semaphore(%run_scoped3A_78 : memref<!tpu.dma_semaphore, #tpu.memory_space<semaphore_mem>>) src(%dma_wait3A_86 : memref<24x128xf32, #tpu.memory_space<vmem_shared>>) dst(%arg7 : memref<24x128xf32, #tpu.memory_space<vmem>>)
          tpu.yield
        }) : () -> ()
        %run_scoped3A = arith.constant 0 : i32
        "tpu.region"() ({
          %run_scoped3A_78 = tpu.sem_alloc : memref<!tpu.dma_semaphore, #tpu.memory_space<semaphore_mem>>
          %dma_start3A_79 = arith.constant 0 : i32
          %dma_start3A_80 = arith.constant 0 : i32
          %dma_start3A_81 = tpu.memref_slice %arg3[%run_scoped3A, %dma_start3A_79, %dma_start3A_80] : memref<2x10000x128xf32, #tpu.memory_space<hbm>> -> memref<1x10000x128xf32, #tpu.memory_space<hbm>>
          %dma_start3A_82 = tpu.memref_squeeze %dma_start3A_81 : memref<1x10000x128xf32, #tpu.memory_space<hbm>> -> memref<10000x128xf32, #tpu.memory_space<hbm>>
          %dma_start3A_83 = arith.constant 0 : i32
          %dma_start3A_84 = tpu.memref_slice %dma_start3A_82[%add3A_76, %dma_start3A_83] : memref<10000x128xf32, #tpu.memory_space<hbm>> -> memref<24x128xf32, #tpu.memory_space<hbm>>
          %dma_start3A_85 = arith.constant 0 : i32
          %dma_start3A_86 = arith.constant 0 : i32
          %dma_start3A_87 = tpu.memref_slice %arg3[%run_scoped3A, %dma_start3A_85, %dma_start3A_86] : memref<2x10000x128xf32, #tpu.memory_space<hbm>> -> memref<1x10000x128xf32, #tpu.memory_space<hbm>>
          %dma_start3A_88 = tpu.memref_squeeze %dma_start3A_87 : memref<1x10000x128xf32, #tpu.memory_space<hbm>> -> memref<10000x128xf32, #tpu.memory_space<hbm>>
          %dma_start3A_89 = arith.constant 0 : i32
          %dma_start3A_90 = tpu.memref_slice %dma_start3A_88[%add3A_76, %dma_start3A_89] : memref<10000x128xf32, #tpu.memory_space<hbm>> -> memref<24x128xf32, #tpu.memory_space<hbm>>
          tpu.enqueue_dma source(%arg7 : memref<24x128xf32, #tpu.memory_space<vmem>>) target(%dma_start3A_90 : memref<24x128xf32, #tpu.memory_space<hbm>>) target_semaphore(%run_scoped3A_78 : memref<!tpu.dma_semaphore, #tpu.memory_space<semaphore_mem>>)
          %dma_wait3A_91 = arith.constant 0 : i32
          %dma_wait3A_92 = arith.constant 0 : i32
          %dma_wait3A_93 = tpu.memref_slice %arg3[%run_scoped3A, %dma_wait3A_91, %dma_wait3A_92] : memref<2x10000x128xf32, #tpu.memory_space<hbm>> -> memref<1x10000x128xf32, #tpu.memory_space<hbm>>
          %dma_wait3A_94 = tpu.memref_squeeze %dma_wait3A_93 : memref<1x10000x128xf32, #tpu.memory_space<hbm>> -> memref<10000x128xf32, #tpu.memory_space<hbm>>
          %dma_wait3A_95 = arith.constant 0 : i32
          %dma_wait3A_96 = tpu.memref_slice %dma_wait3A_94[%add3A_76, %dma_wait3A_95] : memref<10000x128xf32, #tpu.memory_space<hbm>> -> memref<24x128xf32, #tpu.memory_space<hbm>>
          %dma_wait3A_97 = arith.constant 0 : i32
          %dma_wait3A_98 = arith.constant 0 : i32
          %dma_wait3A_99 = tpu.memref_slice %arg3[%run_scoped3A, %dma_wait3A_97, %dma_wait3A_98] : memref<2x10000x128xf32, #tpu.memory_space<hbm>> -> memref<1x10000x128xf32, #tpu.memory_space<hbm>>
          %dma_wait3A_100 = tpu.memref_squeeze %dma_wait3A_99 : memref<1x10000x128xf32, #tpu.memory_space<hbm>> -> memref<10000x128xf32, #tpu.memory_space<hbm>>
          %dma_wait3A_101 = arith.constant 0 : i32
          %dma_wait3A_102 = tpu.memref_slice %dma_wait3A_100[%add3A_76, %dma_wait3A_101] : memref<10000x128xf32, #tpu.memory_space<hbm>> -> memref<24x128xf32, #tpu.memory_space<hbm>>
          tpu.wait_dma2 semaphore(%run_scoped3A_78 : memref<!tpu.dma_semaphore, #tpu.memory_space<semaphore_mem>>) src(%arg7 : memref<24x128xf32, #tpu.memory_space<vmem>>) dst(%dma_wait3A_102 : memref<24x128xf32, #tpu.memory_space<hbm>>)
          tpu.yield
        }) : () -> ()
        %scan3A_77 = arith.constant 0 : i32
        scf.yield %scan3A_77 : i32
      }
      %scan3A_66 = arith.constant 26 : i32
      %eq3A_67 = arith.constant 0 : i32
      %eq3A_68 = arith.cmpi eq, %arg1, %eq3A_67 : i32
      %convert_element_type3A_69 = arith.extui %eq3A_68 : i1 to i32
      %cond3A_70 = arith.constant 0 : i32
      %cond3A_71 = arith.cmpi ne, %convert_element_type3A_69, %cond3A_70 : i32
      scf.if %cond3A_71 {
        "tpu.region"() ({
          %run_scoped3A_72 = tpu.sem_alloc : memref<!tpu.dma_semaphore, #tpu.memory_space<semaphore_mem>>
          %dma_start3A_73 = arith.constant 0 : i32
          %dma_start3A_74 = arith.constant 0 : i32
          %dma_start3A_75 = tpu.memref_slice %arg7[%dma_start3A_73, %dma_start3A_74] : memref<24x128xf32, #tpu.memory_space<vmem>> -> memref<16x128xf32, #tpu.memory_space<vmem>>
          %dma_start3A_76 = arith.constant 9984 : i32
          %dma_start3A_77 = arith.constant 0 : i32
          %dma_start3A_78 = tpu.memref_slice %arg10[%dma_start3A_76, %dma_start3A_77] : memref<10000x128xf32, #tpu.memory_space<vmem_shared>> -> memref<16x128xf32, #tpu.memory_space<vmem_shared>>
          %dma_start3A_79 = arith.constant 0 : i32
          %dma_start3A_80 = arith.constant 0 : i32
          %dma_start3A_81 = tpu.memref_slice %arg7[%dma_start3A_79, %dma_start3A_80] : memref<24x128xf32, #tpu.memory_space<vmem>> -> memref<16x128xf32, #tpu.memory_space<vmem>>
          %dma_start3A_82 = arith.constant 9984 : i32
          %dma_start3A_83 = arith.constant 0 : i32
          %dma_start3A_84 = tpu.memref_slice %arg10[%dma_start3A_82, %dma_start3A_83] : memref<10000x128xf32, #tpu.memory_space<vmem_shared>> -> memref<16x128xf32, #tpu.memory_space<vmem_shared>>
          tpu.enqueue_dma source(%dma_start3A_84 : memref<16x128xf32, #tpu.memory_space<vmem_shared>>) target(%dma_start3A_81 : memref<16x128xf32, #tpu.memory_space<vmem>>) target_semaphore(%run_scoped3A_72 : memref<!tpu.dma_semaphore, #tpu.memory_space<semaphore_mem>>)
          %dma_wait3A_85 = arith.constant 0 : i32
          %dma_wait3A_86 = arith.constant 0 : i32
          %dma_wait3A_87 = tpu.memref_slice %arg7[%dma_wait3A_85, %dma_wait3A_86] : memref<24x128xf32, #tpu.memory_space<vmem>> -> memref<16x128xf32, #tpu.memory_space<vmem>>
          %dma_wait3A_88 = arith.constant 9984 : i32
          %dma_wait3A_89 = arith.constant 0 : i32
          %dma_wait3A_90 = tpu.memref_slice %arg10[%dma_wait3A_88, %dma_wait3A_89] : memref<10000x128xf32, #tpu.memory_space<vmem_shared>> -> memref<16x128xf32, #tpu.memory_space<vmem_shared>>
          %dma_wait3A_91 = arith.constant 0 : i32
          %dma_wait3A_92 = arith.constant 0 : i32
          %dma_wait3A_93 = tpu.memref_slice %arg7[%dma_wait3A_91, %dma_wait3A_92] : memref<24x128xf32, #tpu.memory_space<vmem>> -> memref<16x128xf32, #tpu.memory_space<vmem>>
          %dma_wait3A_94 = arith.constant 9984 : i32
          %dma_wait3A_95 = arith.constant 0 : i32
          %dma_wait3A_96 = tpu.memref_slice %arg10[%dma_wait3A_94, %dma_wait3A_95] : memref<10000x128xf32, #tpu.memory_space<vmem_shared>> -> memref<16x128xf32, #tpu.memory_space<vmem_shared>>
          tpu.wait_dma2 semaphore(%run_scoped3A_72 : memref<!tpu.dma_semaphore, #tpu.memory_space<semaphore_mem>>) src(%dma_wait3A_96 : memref<16x128xf32, #tpu.memory_space<vmem_shared>>) dst(%dma_wait3A_93 : memref<16x128xf32, #tpu.memory_space<vmem>>)
          tpu.yield
        }) : () -> ()
        %run_scoped3A = arith.constant 0 : i32
        "tpu.region"() ({
          %run_scoped3A_72 = tpu.sem_alloc : memref<!tpu.dma_semaphore, #tpu.memory_space<semaphore_mem>>
          %dma_start3A_73 = arith.constant 0 : i32
          %dma_start3A_74 = arith.constant 0 : i32
          %dma_start3A_75 = tpu.memref_slice %arg7[%dma_start3A_73, %dma_start3A_74] : memref<24x128xf32, #tpu.memory_space<vmem>> -> memref<16x128xf32, #tpu.memory_space<vmem>>
          %dma_start3A_76 = arith.constant 0 : i32
          %dma_start3A_77 = arith.constant 0 : i32
          %dma_start3A_78 = tpu.memref_slice %arg3[%run_scoped3A, %dma_start3A_76, %dma_start3A_77] : memref<2x10000x128xf32, #tpu.memory_space<hbm>> -> memref<1x10000x128xf32, #tpu.memory_space<hbm>>
          %dma_start3A_79 = tpu.memref_squeeze %dma_start3A_78 : memref<1x10000x128xf32, #tpu.memory_space<hbm>> -> memref<10000x128xf32, #tpu.memory_space<hbm>>
          %dma_start3A_80 = arith.constant 9984 : i32
          %dma_start3A_81 = arith.constant 0 : i32
          %dma_start3A_82 = tpu.memref_slice %dma_start3A_79[%dma_start3A_80, %dma_start3A_81] : memref<10000x128xf32, #tpu.memory_space<hbm>> -> memref<16x128xf32, #tpu.memory_space<hbm>>
          %dma_start3A_83 = arith.constant 0 : i32
          %dma_start3A_84 = arith.constant 0 : i32
          %dma_start3A_85 = tpu.memref_slice %arg3[%run_scoped3A, %dma_start3A_83, %dma_start3A_84] : memref<2x10000x128xf32, #tpu.memory_space<hbm>> -> memref<1x10000x128xf32, #tpu.memory_space<hbm>>
          %dma_start3A_86 = tpu.memref_squeeze %dma_start3A_85 : memref<1x10000x128xf32, #tpu.memory_space<hbm>> -> memref<10000x128xf32, #tpu.memory_space<hbm>>
          %dma_start3A_87 = arith.constant 9984 : i32
          %dma_start3A_88 = arith.constant 0 : i32
          %dma_start3A_89 = tpu.memref_slice %dma_start3A_86[%dma_start3A_87, %dma_start3A_88] : memref<10000x128xf32, #tpu.memory_space<hbm>> -> memref<16x128xf32, #tpu.memory_space<hbm>>
          %dma_start3A_90 = arith.constant 0 : i32
          %dma_start3A_91 = arith.constant 0 : i32
          %dma_start3A_92 = tpu.memref_slice %arg7[%dma_start3A_90, %dma_start3A_91] : memref<24x128xf32, #tpu.memory_space<vmem>> -> memref<16x128xf32, #tpu.memory_space<vmem>>
          tpu.enqueue_dma source(%dma_start3A_92 : memref<16x128xf32, #tpu.memory_space<vmem>>) target(%dma_start3A_89 : memref<16x128xf32, #tpu.memory_space<hbm>>) target_semaphore(%run_scoped3A_72 : memref<!tpu.dma_semaphore, #tpu.memory_space<semaphore_mem>>)
          %dma_wait3A_93 = arith.constant 0 : i32
          %dma_wait3A_94 = arith.constant 0 : i32
          %dma_wait3A_95 = tpu.memref_slice %arg7[%dma_wait3A_93, %dma_wait3A_94] : memref<24x128xf32, #tpu.memory_space<vmem>> -> memref<16x128xf32, #tpu.memory_space<vmem>>
          %dma_wait3A_96 = arith.constant 0 : i32
          %dma_wait3A_97 = arith.constant 0 : i32
          %dma_wait3A_98 = tpu.memref_slice %arg3[%run_scoped3A, %dma_wait3A_96, %dma_wait3A_97] : memref<2x10000x128xf32, #tpu.memory_space<hbm>> -> memref<1x10000x128xf32, #tpu.memory_space<hbm>>
          %dma_wait3A_99 = tpu.memref_squeeze %dma_wait3A_98 : memref<1x10000x128xf32, #tpu.memory_space<hbm>> -> memref<10000x128xf32, #tpu.memory_space<hbm>>
          %dma_wait3A_100 = arith.constant 9984 : i32
          %dma_wait3A_101 = arith.constant 0 : i32
          %dma_wait3A_102 = tpu.memref_slice %dma_wait3A_99[%dma_wait3A_100, %dma_wait3A_101] : memref<10000x128xf32, #tpu.memory_space<hbm>> -> memref<16x128xf32, #tpu.memory_space<hbm>>
          %dma_wait3A_103 = arith.constant 0 : i32
          %dma_wait3A_104 = arith.constant 0 : i32
          %dma_wait3A_105 = tpu.memref_slice %arg3[%run_scoped3A, %dma_wait3A_103, %dma_wait3A_104] : memref<2x10000x128xf32, #tpu.memory_space<hbm>> -> memref<1x10000x128xf32, #tpu.memory_space<hbm>>
          %dma_wait3A_106 = tpu.memref_squeeze %dma_wait3A_105 : memref<1x10000x128xf32, #tpu.memory_space<hbm>> -> memref<10000x128xf32, #tpu.memory_space<hbm>>
          %dma_wait3A_107 = arith.constant 9984 : i32
          %dma_wait3A_108 = arith.constant 0 : i32
          %dma_wait3A_109 = tpu.memref_slice %dma_wait3A_106[%dma_wait3A_107, %dma_wait3A_108] : memref<10000x128xf32, #tpu.memory_space<hbm>> -> memref<16x128xf32, #tpu.memory_space<hbm>>
          %dma_wait3A_110 = arith.constant 0 : i32
          %dma_wait3A_111 = arith.constant 0 : i32
          %dma_wait3A_112 = tpu.memref_slice %arg7[%dma_wait3A_110, %dma_wait3A_111] : memref<24x128xf32, #tpu.memory_space<vmem>> -> memref<16x128xf32, #tpu.memory_space<vmem>>
          tpu.wait_dma2 semaphore(%run_scoped3A_72 : memref<!tpu.dma_semaphore, #tpu.memory_space<semaphore_mem>>) src(%dma_wait3A_112 : memref<16x128xf32, #tpu.memory_space<vmem>>) dst(%dma_wait3A_109 : memref<16x128xf32, #tpu.memory_space<hbm>>)
          tpu.yield
        }) : () -> ()
      } else {
      }
    } else {
    }
    %eq3A_55 = arith.constant 1 : i32
    %eq3A_56 = arith.cmpi eq, %arg0, %eq3A_55 : i32
    %convert_element_type3A_57 = arith.extui %eq3A_56 : i1 to i32
    %cond3A_58 = arith.constant 0 : i32
    %cond3A_59 = arith.cmpi ne, %convert_element_type3A_57, %cond3A_58 : i32
    scf.if %cond3A_59 {
      %scan3A_60 = arith.constant 0 : i32
      %scan3A_61 = arith.constant 0 : i32
      %scan3A_62 = arith.constant 26 : i32
      %scan3A_63 = arith.addi %scan3A_61, %scan3A_62 : i32
      %scan3A_64 = arith.constant 1 : i32
      %scan3A_65 = scf.for %scan3A_72 = %scan3A_61 to %scan3A_63 step %scan3A_64 iter_args(%scan3A_73 = %scan3A_60) -> (i32)  : i32 {
        %mul3A_74 = arith.constant 24 : i32
        %mul3A_75 = arith.muli %scan3A_72, %mul3A_74 : i32
        %add3A_76 = arith.addi %mul3A_0, %mul3A_75 : i32
        "tpu.region"() ({
          %run_scoped3A_78 = tpu.sem_alloc : memref<!tpu.dma_semaphore, #tpu.memory_space<semaphore_mem>>
          %dma_start3A_79 = arith.constant 0 : i32
          %dma_start3A_80 = tpu.memref_slice %arg10[%add3A_76, %dma_start3A_79] : memref<10000x128xf32, #tpu.memory_space<vmem_shared>> -> memref<24x128xf32, #tpu.memory_space<vmem_shared>>
          %dma_start3A_81 = arith.constant 0 : i32
          %dma_start3A_82 = tpu.memref_slice %arg10[%add3A_76, %dma_start3A_81] : memref<10000x128xf32, #tpu.memory_space<vmem_shared>> -> memref<24x128xf32, #tpu.memory_space<vmem_shared>>
          tpu.enqueue_dma source(%dma_start3A_82 : memref<24x128xf32, #tpu.memory_space<vmem_shared>>) target(%arg7 : memref<24x128xf32, #tpu.memory_space<vmem>>) target_semaphore(%run_scoped3A_78 : memref<!tpu.dma_semaphore, #tpu.memory_space<semaphore_mem>>)
          %dma_wait3A_83 = arith.constant 0 : i32
          %dma_wait3A_84 = tpu.memref_slice %arg10[%add3A_76, %dma_wait3A_83] : memref<10000x128xf32, #tpu.memory_space<vmem_shared>> -> memref<24x128xf32, #tpu.memory_space<vmem_shared>>
          %dma_wait3A_85 = arith.constant 0 : i32
          %dma_wait3A_86 = tpu.memref_slice %arg10[%add3A_76, %dma_wait3A_85] : memref<10000x128xf32, #tpu.memory_space<vmem_shared>> -> memref<24x128xf32, #tpu.memory_space<vmem_shared>>
          tpu.wait_dma2 semaphore(%run_scoped3A_78 : memref<!tpu.dma_semaphore, #tpu.memory_space<semaphore_mem>>) src(%dma_wait3A_86 : memref<24x128xf32, #tpu.memory_space<vmem_shared>>) dst(%arg7 : memref<24x128xf32, #tpu.memory_space<vmem>>)
          tpu.yield
        }) : () -> ()
        %run_scoped3A = arith.constant 1 : i32
        "tpu.region"() ({
          %run_scoped3A_78 = tpu.sem_alloc : memref<!tpu.dma_semaphore, #tpu.memory_space<semaphore_mem>>
          %dma_start3A_79 = arith.constant 0 : i32
          %dma_start3A_80 = arith.constant 0 : i32
          %dma_start3A_81 = tpu.memref_slice %arg3[%run_scoped3A, %dma_start3A_79, %dma_start3A_80] : memref<2x10000x128xf32, #tpu.memory_space<hbm>> -> memref<1x10000x128xf32, #tpu.memory_space<hbm>>
          %dma_start3A_82 = tpu.memref_squeeze %dma_start3A_81 : memref<1x10000x128xf32, #tpu.memory_space<hbm>> -> memref<10000x128xf32, #tpu.memory_space<hbm>>
          %dma_start3A_83 = arith.constant 0 : i32
          %dma_start3A_84 = tpu.memref_slice %dma_start3A_82[%add3A_76, %dma_start3A_83] : memref<10000x128xf32, #tpu.memory_space<hbm>> -> memref<24x128xf32, #tpu.memory_space<hbm>>
          %dma_start3A_85 = arith.constant 0 : i32
          %dma_start3A_86 = arith.constant 0 : i32
          %dma_start3A_87 = tpu.memref_slice %arg3[%run_scoped3A, %dma_start3A_85, %dma_start3A_86] : memref<2x10000x128xf32, #tpu.memory_space<hbm>> -> memref<1x10000x128xf32, #tpu.memory_space<hbm>>
          %dma_start3A_88 = tpu.memref_squeeze %dma_start3A_87 : memref<1x10000x128xf32, #tpu.memory_space<hbm>> -> memref<10000x128xf32, #tpu.memory_space<hbm>>
          %dma_start3A_89 = arith.constant 0 : i32
          %dma_start3A_90 = tpu.memref_slice %dma_start3A_88[%add3A_76, %dma_start3A_89] : memref<10000x128xf32, #tpu.memory_space<hbm>> -> memref<24x128xf32, #tpu.memory_space<hbm>>
          tpu.enqueue_dma source(%arg7 : memref<24x128xf32, #tpu.memory_space<vmem>>) target(%dma_start3A_90 : memref<24x128xf32, #tpu.memory_space<hbm>>) target_semaphore(%run_scoped3A_78 : memref<!tpu.dma_semaphore, #tpu.memory_space<semaphore_mem>>)
          %dma_wait3A_91 = arith.constant 0 : i32
          %dma_wait3A_92 = arith.constant 0 : i32
          %dma_wait3A_93 = tpu.memref_slice %arg3[%run_scoped3A, %dma_wait3A_91, %dma_wait3A_92] : memref<2x10000x128xf32, #tpu.memory_space<hbm>> -> memref<1x10000x128xf32, #tpu.memory_space<hbm>>
          %dma_wait3A_94 = tpu.memref_squeeze %dma_wait3A_93 : memref<1x10000x128xf32, #tpu.memory_space<hbm>> -> memref<10000x128xf32, #tpu.memory_space<hbm>>
          %dma_wait3A_95 = arith.constant 0 : i32
          %dma_wait3A_96 = tpu.memref_slice %dma_wait3A_94[%add3A_76, %dma_wait3A_95] : memref<10000x128xf32, #tpu.memory_space<hbm>> -> memref<24x128xf32, #tpu.memory_space<hbm>>
          %dma_wait3A_97 = arith.constant 0 : i32
          %dma_wait3A_98 = arith.constant 0 : i32
          %dma_wait3A_99 = tpu.memref_slice %arg3[%run_scoped3A, %dma_wait3A_97, %dma_wait3A_98] : memref<2x10000x128xf32, #tpu.memory_space<hbm>> -> memref<1x10000x128xf32, #tpu.memory_space<hbm>>
          %dma_wait3A_100 = tpu.memref_squeeze %dma_wait3A_99 : memref<1x10000x128xf32, #tpu.memory_space<hbm>> -> memref<10000x128xf32, #tpu.memory_space<hbm>>
          %dma_wait3A_101 = arith.constant 0 : i32
          %dma_wait3A_102 = tpu.memref_slice %dma_wait3A_100[%add3A_76, %dma_wait3A_101] : memref<10000x128xf32, #tpu.memory_space<hbm>> -> memref<24x128xf32, #tpu.memory_space<hbm>>
          tpu.wait_dma2 semaphore(%run_scoped3A_78 : memref<!tpu.dma_semaphore, #tpu.memory_space<semaphore_mem>>) src(%arg7 : memref<24x128xf32, #tpu.memory_space<vmem>>) dst(%dma_wait3A_102 : memref<24x128xf32, #tpu.memory_space<hbm>>)
          tpu.yield
        }) : () -> ()
        %scan3A_77 = arith.constant 0 : i32
        scf.yield %scan3A_77 : i32
      }
      %scan3A_66 = arith.constant 26 : i32
      %eq3A_67 = arith.constant 0 : i32
      %eq3A_68 = arith.cmpi eq, %arg1, %eq3A_67 : i32
      %convert_element_type3A_69 = arith.extui %eq3A_68 : i1 to i32
      %cond3A_70 = arith.constant 0 : i32
      %cond3A_71 = arith.cmpi ne, %convert_element_type3A_69, %cond3A_70 : i32
      scf.if %cond3A_71 {
        "tpu.region"() ({
          %run_scoped3A_72 = tpu.sem_alloc : memref<!tpu.dma_semaphore, #tpu.memory_space<semaphore_mem>>
          %dma_start3A_73 = arith.constant 0 : i32
          %dma_start3A_74 = arith.constant 0 : i32
          %dma_start3A_75 = tpu.memref_slice %arg7[%dma_start3A_73, %dma_start3A_74] : memref<24x128xf32, #tpu.memory_space<vmem>> -> memref<16x128xf32, #tpu.memory_space<vmem>>
          %dma_start3A_76 = arith.constant 9984 : i32
          %dma_start3A_77 = arith.constant 0 : i32
          %dma_start3A_78 = tpu.memref_slice %arg10[%dma_start3A_76, %dma_start3A_77] : memref<10000x128xf32, #tpu.memory_space<vmem_shared>> -> memref<16x128xf32, #tpu.memory_space<vmem_shared>>
          %dma_start3A_79 = arith.constant 0 : i32
          %dma_start3A_80 = arith.constant 0 : i32
          %dma_start3A_81 = tpu.memref_slice %arg7[%dma_start3A_79, %dma_start3A_80] : memref<24x128xf32, #tpu.memory_space<vmem>> -> memref<16x128xf32, #tpu.memory_space<vmem>>
          %dma_start3A_82 = arith.constant 9984 : i32
          %dma_start3A_83 = arith.constant 0 : i32
          %dma_start3A_84 = tpu.memref_slice %arg10[%dma_start3A_82, %dma_start3A_83] : memref<10000x128xf32, #tpu.memory_space<vmem_shared>> -> memref<16x128xf32, #tpu.memory_space<vmem_shared>>
          tpu.enqueue_dma source(%dma_start3A_84 : memref<16x128xf32, #tpu.memory_space<vmem_shared>>) target(%dma_start3A_81 : memref<16x128xf32, #tpu.memory_space<vmem>>) target_semaphore(%run_scoped3A_72 : memref<!tpu.dma_semaphore, #tpu.memory_space<semaphore_mem>>)
          %dma_wait3A_85 = arith.constant 0 : i32
          %dma_wait3A_86 = arith.constant 0 : i32
          %dma_wait3A_87 = tpu.memref_slice %arg7[%dma_wait3A_85, %dma_wait3A_86] : memref<24x128xf32, #tpu.memory_space<vmem>> -> memref<16x128xf32, #tpu.memory_space<vmem>>
          %dma_wait3A_88 = arith.constant 9984 : i32
          %dma_wait3A_89 = arith.constant 0 : i32
          %dma_wait3A_90 = tpu.memref_slice %arg10[%dma_wait3A_88, %dma_wait3A_89] : memref<10000x128xf32, #tpu.memory_space<vmem_shared>> -> memref<16x128xf32, #tpu.memory_space<vmem_shared>>
          %dma_wait3A_91 = arith.constant 0 : i32
          %dma_wait3A_92 = arith.constant 0 : i32
          %dma_wait3A_93 = tpu.memref_slice %arg7[%dma_wait3A_91, %dma_wait3A_92] : memref<24x128xf32, #tpu.memory_space<vmem>> -> memref<16x128xf32, #tpu.memory_space<vmem>>
          %dma_wait3A_94 = arith.constant 9984 : i32
          %dma_wait3A_95 = arith.constant 0 : i32
          %dma_wait3A_96 = tpu.memref_slice %arg10[%dma_wait3A_94, %dma_wait3A_95] : memref<10000x128xf32, #tpu.memory_space<vmem_shared>> -> memref<16x128xf32, #tpu.memory_space<vmem_shared>>
          tpu.wait_dma2 semaphore(%run_scoped3A_72 : memref<!tpu.dma_semaphore, #tpu.memory_space<semaphore_mem>>) src(%dma_wait3A_96 : memref<16x128xf32, #tpu.memory_space<vmem_shared>>) dst(%dma_wait3A_93 : memref<16x128xf32, #tpu.memory_space<vmem>>)
          tpu.yield
        }) : () -> ()
        %run_scoped3A = arith.constant 1 : i32
        "tpu.region"() ({
          %run_scoped3A_72 = tpu.sem_alloc : memref<!tpu.dma_semaphore, #tpu.memory_space<semaphore_mem>>
          %dma_start3A_73 = arith.constant 0 : i32
          %dma_start3A_74 = arith.constant 0 : i32
          %dma_start3A_75 = tpu.memref_slice %arg7[%dma_start3A_73, %dma_start3A_74] : memref<24x128xf32, #tpu.memory_space<vmem>> -> memref<16x128xf32, #tpu.memory_space<vmem>>
          %dma_start3A_76 = arith.constant 0 : i32
          %dma_start3A_77 = arith.constant 0 : i32
          %dma_start3A_78 = tpu.memref_slice %arg3[%run_scoped3A, %dma_start3A_76, %dma_start3A_77] : memref<2x10000x128xf32, #tpu.memory_space<hbm>> -> memref<1x10000x128xf32, #tpu.memory_space<hbm>>
          %dma_start3A_79 = tpu.memref_squeeze %dma_start3A_78 : memref<1x10000x128xf32, #tpu.memory_space<hbm>> -> memref<10000x128xf32, #tpu.memory_space<hbm>>
          %dma_start3A_80 = arith.constant 9984 : i32
          %dma_start3A_81 = arith.constant 0 : i32
          %dma_start3A_82 = tpu.memref_slice %dma_start3A_79[%dma_start3A_80, %dma_start3A_81] : memref<10000x128xf32, #tpu.memory_space<hbm>> -> memref<16x128xf32, #tpu.memory_space<hbm>>
          %dma_start3A_83 = arith.constant 0 : i32
          %dma_start3A_84 = arith.constant 0 : i32
          %dma_start3A_85 = tpu.memref_slice %arg3[%run_scoped3A, %dma_start3A_83, %dma_start3A_84] : memref<2x10000x128xf32, #tpu.memory_space<hbm>> -> memref<1x10000x128xf32, #tpu.memory_space<hbm>>
          %dma_start3A_86 = tpu.memref_squeeze %dma_start3A_85 : memref<1x10000x128xf32, #tpu.memory_space<hbm>> -> memref<10000x128xf32, #tpu.memory_space<hbm>>
          %dma_start3A_87 = arith.constant 9984 : i32
          %dma_start3A_88 = arith.constant 0 : i32
          %dma_start3A_89 = tpu.memref_slice %dma_start3A_86[%dma_start3A_87, %dma_start3A_88] : memref<10000x128xf32, #tpu.memory_space<hbm>> -> memref<16x128xf32, #tpu.memory_space<hbm>>
          %dma_start3A_90 = arith.constant 0 : i32
          %dma_start3A_91 = arith.constant 0 : i32
          %dma_start3A_92 = tpu.memref_slice %arg7[%dma_start3A_90, %dma_start3A_91] : memref<24x128xf32, #tpu.memory_space<vmem>> -> memref<16x128xf32, #tpu.memory_space<vmem>>
          tpu.enqueue_dma source(%dma_start3A_92 : memref<16x128xf32, #tpu.memory_space<vmem>>) target(%dma_start3A_89 : memref<16x128xf32, #tpu.memory_space<hbm>>) target_semaphore(%run_scoped3A_72 : memref<!tpu.dma_semaphore, #tpu.memory_space<semaphore_mem>>)
          %dma_wait3A_93 = arith.constant 0 : i32
          %dma_wait3A_94 = arith.constant 0 : i32
          %dma_wait3A_95 = tpu.memref_slice %arg7[%dma_wait3A_93, %dma_wait3A_94] : memref<24x128xf32, #tpu.memory_space<vmem>> -> memref<16x128xf32, #tpu.memory_space<vmem>>
          %dma_wait3A_96 = arith.constant 0 : i32
          %dma_wait3A_97 = arith.constant 0 : i32
          %dma_wait3A_98 = tpu.memref_slice %arg3[%run_scoped3A, %dma_wait3A_96, %dma_wait3A_97] : memref<2x10000x128xf32, #tpu.memory_space<hbm>> -> memref<1x10000x128xf32, #tpu.memory_space<hbm>>
          %dma_wait3A_99 = tpu.memref_squeeze %dma_wait3A_98 : memref<1x10000x128xf32, #tpu.memory_space<hbm>> -> memref<10000x128xf32, #tpu.memory_space<hbm>>
          %dma_wait3A_100 = arith.constant 9984 : i32
          %dma_wait3A_101 = arith.constant 0 : i32
          %dma_wait3A_102 = tpu.memref_slice %dma_wait3A_99[%dma_wait3A_100, %dma_wait3A_101] : memref<10000x128xf32, #tpu.memory_space<hbm>> -> memref<16x128xf32, #tpu.memory_space<hbm>>
          %dma_wait3A_103 = arith.constant 0 : i32
          %dma_wait3A_104 = arith.constant 0 : i32
          %dma_wait3A_105 = tpu.memref_slice %arg3[%run_scoped3A, %dma_wait3A_103, %dma_wait3A_104] : memref<2x10000x128xf32, #tpu.memory_space<hbm>> -> memref<1x10000x128xf32, #tpu.memory_space<hbm>>
          %dma_wait3A_106 = tpu.memref_squeeze %dma_wait3A_105 : memref<1x10000x128xf32, #tpu.memory_space<hbm>> -> memref<10000x128xf32, #tpu.memory_space<hbm>>
          %dma_wait3A_107 = arith.constant 9984 : i32
          %dma_wait3A_108 = arith.constant 0 : i32
          %dma_wait3A_109 = tpu.memref_slice %dma_wait3A_106[%dma_wait3A_107, %dma_wait3A_108] : memref<10000x128xf32, #tpu.memory_space<hbm>> -> memref<16x128xf32, #tpu.memory_space<hbm>>
          %dma_wait3A_110 = arith.constant 0 : i32
          %dma_wait3A_111 = arith.constant 0 : i32
          %dma_wait3A_112 = tpu.memref_slice %arg7[%dma_wait3A_110, %dma_wait3A_111] : memref<24x128xf32, #tpu.memory_space<vmem>> -> memref<16x128xf32, #tpu.memory_space<vmem>>
          tpu.wait_dma2 semaphore(%run_scoped3A_72 : memref<!tpu.dma_semaphore, #tpu.memory_space<semaphore_mem>>) src(%dma_wait3A_112 : memref<16x128xf32, #tpu.memory_space<vmem>>) dst(%dma_wait3A_109 : memref<16x128xf32, #tpu.memory_space<hbm>>)
          tpu.yield
        }) : () -> ()
      } else {
      }
    } else {
    }
    return
  }
}

module attributes {stable_mosaic.version = 14 : i64} {
  func.func @_t1_body(%arg0: i32, %arg1: memref<400x128xf32, #tpu.memory_space<vmem>>, %arg2: memref<2x400x128xf32, #tpu.memory_space<vmem>>, %arg3: memref<400x128xf32, #tpu.memory_space<vmem>>, %arg4: memref<128x256xf32, #tpu.memory_space<vmem>>, %arg5: memref<1x256xf32, #tpu.memory_space<vmem>>, %arg6: memref<1x256xf32, #tpu.memory_space<vmem>>, %arg7: memref<1x256xf32, #tpu.memory_space<vmem>>, %arg8: memref<400x128xf32, #tpu.memory_space<vmem>>, %arg9: memref<400x128xf32, #tpu.memory_space<vmem>>) attributes {dimension_semantics = [#tpu.dimension_semantics<arbitrary>], iteration_bounds = array<i64: 25>, scalar_prefetch = 0 : i64, scratch_operands = 0 : i64, tpu.core_type = #tpu.core_type<tc>, window_params = [{transform_indices = @transform_0, window_bounds = array<i64: 400, 128>}, {transform_indices = @transform_1, window_bounds = array<i64: 2, 400, 128>}, {transform_indices = @transform_2, window_bounds = array<i64: 400, 128>}, {pipeline_mode = #tpu.pipeline_mode<synchronous>, transform_indices = @transform_3, window_bounds = array<i64: 128, 256>}, {pipeline_mode = #tpu.pipeline_mode<synchronous>, transform_indices = @transform_4, window_bounds = array<i64: 1, 256>}, {pipeline_mode = #tpu.pipeline_mode<synchronous>, transform_indices = @transform_5, window_bounds = array<i64: 1, 256>}, {pipeline_mode = #tpu.pipeline_mode<synchronous>, transform_indices = @transform_6, window_bounds = array<i64: 1, 256>}, {transform_indices = @transform_7, window_bounds = array<i64: 400, 128>}, {transform_indices = @transform_8, window_bounds = array<i64: 400, 128>}]} {
    %get3A = arith.constant 0 : index
    %get3A_0 = arith.constant 0 : index
    %get3A_1 = vector.load %arg3[%get3A, %get3A_0] : memref<400x128xf32, #tpu.memory_space<vmem>>, vector<400x1xf32>
    %get3A_2 = arith.constant 0 : index
    %get3A_3 = arith.constant 0 : index
    %get3A_4 = arith.constant 0 : index
    %get3A_5 = vector.load %arg2[%get3A_2, %get3A_3, %get3A_4] : memref<2x400x128xf32, #tpu.memory_space<vmem>>, vector<1x400x128xf32>
    %get3A_6 = vector.shape_cast %get3A_5 : vector<1x400x128xf32> to vector<400x128xf32>
    %get3A_7 = arith.constant 1 : index
    %get3A_8 = arith.constant 0 : index
    %get3A_9 = arith.constant 0 : index
    %get3A_10 = vector.load %arg2[%get3A_7, %get3A_8, %get3A_9] : memref<2x400x128xf32, #tpu.memory_space<vmem>>, vector<1x400x128xf32>
    %get3A_11 = vector.shape_cast %get3A_10 : vector<1x400x128xf32> to vector<400x128xf32>
    %add3A = arith.addf %get3A_6, %get3A_11 : vector<400x128xf32>
    %mul3A = vector.broadcast %get3A_1 : vector<400x1xf32> to vector<400x128xf32>
    %mul3A_12 = arith.mulf %add3A, %mul3A : vector<400x128xf32>
    %get3A_13 = arith.constant 0 : index
    %get3A_14 = arith.constant 0 : index
    %get3A_15 = vector.load %arg1[%get3A_13, %get3A_14] : memref<400x128xf32, #tpu.memory_space<vmem>>, vector<400x128xf32>
    %add3A_16 = arith.addf %get3A_15, %mul3A_12 : vector<400x128xf32>
    %get3A_17 = arith.constant 0 : index
    %get3A_18 = arith.constant 0 : index
    %get3A_19 = vector.load %arg4[%get3A_17, %get3A_18] : memref<128x256xf32, #tpu.memory_space<vmem>>, vector<128x256xf32>
    %dot_general3A = arith.constant dense<0.000000e+00> : vector<400x256xf32>
    %dot_general3A_20 = tpu.matmul %add3A_16, %get3A_19, %dot_general3A {dimension_numbers = #tpu.dot_dimension_numbers<[1], [0], [0], [1], [0, 0, 1, 1], [], []>, transpose_lhs_hint = false} : vector<400x128xf32>, vector<128x256xf32>, vector<400x256xf32> -> vector<400x256xf32>
    %get3A_21 = arith.constant 0 : index
    %get3A_22 = arith.constant 0 : index
    %get3A_23 = vector.load %arg5[%get3A_21, %get3A_22] : memref<1x256xf32, #tpu.memory_space<vmem>>, vector<1x256xf32>
    %add3A_24 = vector.broadcast %get3A_23 : vector<1x256xf32> to vector<400x256xf32>
    %add3A_25 = arith.addf %dot_general3A_20, %add3A_24 : vector<400x256xf32>
    %get3A_26 = arith.constant 0 : index
    %get3A_27 = arith.constant 0 : index
    %get3A_28 = vector.load %arg6[%get3A_26, %get3A_27] : memref<1x256xf32, #tpu.memory_space<vmem>>, vector<1x256xf32>
    %get3A_29 = arith.constant 0 : index
    %get3A_30 = arith.constant 0 : index
    %get3A_31 = vector.load %arg7[%get3A_29, %get3A_30] : memref<1x256xf32, #tpu.memory_space<vmem>>, vector<1x256xf32>
    %reduce_sum3A = arith.constant dense<0.000000e+00> : vector<400xf32>
    %reduce_sum3A_32 = vector.multi_reduction <add>, %add3A_25, %reduce_sum3A [1] : vector<400x256xf32> to vector<400xf32>
    %broadcast_in_dim3A = vector.shape_cast %reduce_sum3A_32 : vector<400xf32> to vector<400x1xf32>
    %div3A = arith.constant 2.560000e+02 : f32
    %div3A_33 = vector.broadcast %div3A : f32 to vector<400x1xf32>
    %div3A_34 = arith.divf %broadcast_in_dim3A, %div3A_33 : vector<400x1xf32>
    %jit3A = arith.constant 0 : i32
    %reduce_sum3A_35 = arith.constant dense<0.000000e+00> : vector<400xf32>
    %reduce_sum3A_36 = vector.multi_reduction <add>, %add3A_25, %reduce_sum3A_35 [1] : vector<400x256xf32> to vector<400xf32>
    %broadcast_in_dim3A_37 = vector.shape_cast %reduce_sum3A_36 : vector<400xf32> to vector<400x1xf32>
    %div3A_38 = arith.constant 2.560000e+02 : f32
    %div3A_39 = vector.broadcast %div3A_38 : f32 to vector<400x1xf32>
    %div3A_40 = arith.divf %broadcast_in_dim3A_37, %div3A_39 : vector<400x1xf32>
    %sub3A = vector.broadcast %div3A_40 : vector<400x1xf32> to vector<400x256xf32>
    %sub3A_41 = arith.subf %add3A_25, %sub3A : vector<400x256xf32>
    %square3A = arith.mulf %sub3A_41, %sub3A_41 : vector<400x256xf32>
    %convert_element_type3A = arith.sitofp %jit3A : i32 to f32
    %sub3A_42 = arith.constant 2.560000e+02 : f32
    %sub3A_43 = arith.subf %sub3A_42, %convert_element_type3A : f32
    %reduce_sum3A_44 = arith.constant dense<0.000000e+00> : vector<400xf32>
    %reduce_sum3A_45 = vector.multi_reduction <add>, %square3A, %reduce_sum3A_44 [1] : vector<400x256xf32> to vector<400xf32>
    %broadcast_in_dim3A_46 = vector.shape_cast %reduce_sum3A_45 : vector<400xf32> to vector<400x1xf32>
    %div3A_47 = vector.broadcast %sub3A_43 : f32 to vector<400x1xf32>
    %div3A_48 = arith.divf %broadcast_in_dim3A_46, %div3A_47 : vector<400x1xf32>
    %gt3A = arith.constant 0.000000e+00 : f32
    %gt3A_49 = arith.cmpf ogt, %sub3A_43, %gt3A : f32
    %jit3A_50 = arith.constant 0x7FC00000 : f32
    %broadcast_in_dim3A_51 = vector.broadcast %jit3A_50 : f32 to vector<400x1xf32>
    %select_n3A = arith.select %gt3A_49, %div3A_48, %broadcast_in_dim3A_51 : vector<400x1xf32>
    %sub3A_52 = vector.broadcast %div3A_34 : vector<400x1xf32> to vector<400x256xf32>
    %sub3A_53 = arith.subf %add3A_25, %sub3A_52 : vector<400x256xf32>
    %add3A_54 = arith.constant 9.99999974E-6 : f32
    %add3A_55 = vector.broadcast %add3A_54 : f32 to vector<400x1xf32>
    %add3A_56 = arith.addf %select_n3A, %add3A_55 : vector<400x1xf32>
    %sqrt3A = math.sqrt %add3A_56 : vector<400x1xf32>
    %div3A_57 = vector.broadcast %sqrt3A : vector<400x1xf32> to vector<400x256xf32>
    %div3A_58 = arith.divf %sub3A_53, %div3A_57 : vector<400x256xf32>
    %mul3A_59 = vector.broadcast %get3A_28 : vector<1x256xf32> to vector<400x256xf32>
    %mul3A_60 = arith.mulf %div3A_58, %mul3A_59 : vector<400x256xf32>
    %add3A_61 = vector.broadcast %get3A_31 : vector<1x256xf32> to vector<400x256xf32>
    %add3A_62 = arith.addf %mul3A_60, %add3A_61 : vector<400x256xf32>
    %gt3A_63 = arith.constant 0.000000e+00 : f32
    %gt3A_64 = vector.broadcast %gt3A_63 : f32 to vector<400x256xf32>
    %gt3A_65 = arith.cmpf ogt, %add3A_62, %gt3A_64 : vector<400x256xf32>
    %min3A = arith.constant 0.000000e+00 : f32
    %min3A_66 = vector.broadcast %min3A : f32 to vector<400x256xf32>
    %min3A_67 = arith.minimumf %add3A_62, %min3A_66 : vector<400x256xf32>
    %exp3A = math.exp %min3A_67 : vector<400x256xf32>
    %sub3A_68 = arith.constant 1.000000e+00 : f32
    %sub3A_69 = vector.broadcast %sub3A_68 : f32 to vector<400x256xf32>
    %sub3A_70 = arith.subf %exp3A, %sub3A_69 : vector<400x256xf32>
    %select_n3A_71 = arith.select %gt3A_65, %add3A_62, %sub3A_70 : vector<400x256xi1>, vector<400x256xf32>
    %slice3A = vector.extract_strided_slice %select_n3A_71 {offsets = [0, 0], sizes = [400, 128], strides = [1, 1]} : vector<400x256xf32> to vector<400x128xf32>
    %swap3A = arith.constant 0 : index
    %swap3A_72 = arith.constant 0 : index
    %swap3A_73 = vector.load %arg8[%swap3A, %swap3A_72] : memref<400x128xf32, #tpu.memory_space<vmem>>, vector<400x128xf32>
    tpu.vector_store %arg8[%swap3A, %swap3A_72], %slice3A {strides = array<i32>} : memref<400x128xf32, #tpu.memory_space<vmem>>, vector<400x128xf32>,
    %slice3A_74 = vector.extract_strided_slice %select_n3A_71 {offsets = [0, 128], sizes = [400, 128], strides = [1, 1]} : vector<400x256xf32> to vector<400x128xf32>
    %swap3A_75 = arith.constant 0 : index
    %swap3A_76 = arith.constant 0 : index
    %swap3A_77 = vector.load %arg9[%swap3A_75, %swap3A_76] : memref<400x128xf32, #tpu.memory_space<vmem>>, vector<400x128xf32>
    tpu.vector_store %arg9[%swap3A_75, %swap3A_76], %slice3A_74 {strides = array<i32>} : memref<400x128xf32, #tpu.memory_space<vmem>>, vector<400x128xf32>,
    return
  }
  func.func @transform_0(%arg0: i32) -> (i32, i32) {
    %c0_i32 = arith.constant 0 : i32
    %c0_i32_0 = arith.constant 0 : i32
    return %arg0, %c0_i32 : i32, i32
  }
  func.func @transform_1(%arg0: i32) -> (i32, i32, i32) {
    %c0_i32 = arith.constant 0 : i32
    %c0_i32_0 = arith.constant 0 : i32
    %c0_i32_1 = arith.constant 0 : i32
    return %c0_i32, %arg0, %c0_i32_0 : i32, i32, i32
  }
  func.func @transform_2(%arg0: i32) -> (i32, i32) {
    %c0_i32 = arith.constant 0 : i32
    %c0_i32_0 = arith.constant 0 : i32
    return %arg0, %c0_i32 : i32, i32
  }
  func.func @transform_3(%arg0: i32) -> (i32, i32) {
    %c0_i32 = arith.constant 0 : i32
    %c0_i32_0 = arith.constant 0 : i32
    %c0_i32_1 = arith.constant 0 : i32
    return %c0_i32, %c0_i32_0 : i32, i32
  }
  func.func @transform_4(%arg0: i32) -> (i32, i32) {
    %c0_i32 = arith.constant 0 : i32
    %c0_i32_0 = arith.constant 0 : i32
    %c0_i32_1 = arith.constant 0 : i32
    return %c0_i32, %c0_i32_0 : i32, i32
  }
  func.func @transform_5(%arg0: i32) -> (i32, i32) {
    %c0_i32 = arith.constant 0 : i32
    %c0_i32_0 = arith.constant 0 : i32
    %c0_i32_1 = arith.constant 0 : i32
    return %c0_i32, %c0_i32_0 : i32, i32
  }
  func.func @transform_6(%arg0: i32) -> (i32, i32) {
    %c0_i32 = arith.constant 0 : i32
    %c0_i32_0 = arith.constant 0 : i32
    %c0_i32_1 = arith.constant 0 : i32
    return %c0_i32, %c0_i32_0 : i32, i32
  }
  func.func @transform_7(%arg0: i32) -> (i32, i32) {
    %c0_i32 = arith.constant 0 : i32
    %c0_i32_0 = arith.constant 0 : i32
    return %arg0, %c0_i32 : i32, i32
  }
  func.func @transform_8(%arg0: i32) -> (i32, i32) {
    %c0_i32 = arith.constant 0 : i32
    %c0_i32_0 = arith.constant 0 : i32
    return %arg0, %c0_i32 : i32, i32
  }
}

module attributes {stable_mosaic.version = 14 : i64} {
  func.func @_t0_body(%arg0: i32, %arg1: memref<2x400x128xf32, #tpu.memory_space<vmem>>, %arg2: memref<400x128xf32, #tpu.memory_space<vmem>>) attributes {dimension_semantics = [#tpu.dimension_semantics<arbitrary>], iteration_bounds = array<i64: 25>, scalar_prefetch = 0 : i64, scratch_operands = 0 : i64, tpu.core_type = #tpu.core_type<tc>, window_params = [{transform_indices = @transform_0, window_bounds = array<i64: 2, 400, 128>}, {transform_indices = @transform_1, window_bounds = array<i64: 400, 128>}]} {
    %get3A = arith.constant 0 : index
    %get3A_0 = arith.constant 0 : index
    %get3A_1 = arith.constant 0 : index
    %get3A_2 = vector.load %arg1[%get3A, %get3A_0, %get3A_1] : memref<2x400x128xf32, #tpu.memory_space<vmem>>, vector<1x400x128xf32>
    %get3A_3 = vector.shape_cast %get3A_2 : vector<1x400x128xf32> to vector<400x128xf32>
    %get3A_4 = arith.constant 1 : index
    %get3A_5 = arith.constant 0 : index
    %get3A_6 = arith.constant 0 : index
    %get3A_7 = vector.load %arg1[%get3A_4, %get3A_5, %get3A_6] : memref<2x400x128xf32, #tpu.memory_space<vmem>>, vector<1x400x128xf32>
    %get3A_8 = vector.shape_cast %get3A_7 : vector<1x400x128xf32> to vector<400x128xf32>
    %add3A = arith.addf %get3A_3, %get3A_8 : vector<400x128xf32>
    %add3A_9 = arith.constant 9.99999993E-9 : f32
    %add3A_10 = vector.broadcast %add3A_9 : f32 to vector<400x128xf32>
    %add3A_11 = arith.addf %add3A, %add3A_10 : vector<400x128xf32>
    %div3A = arith.constant 1.000000e+00 : f32
    %div3A_12 = vector.broadcast %div3A : f32 to vector<400x128xf32>
    %div3A_13 = arith.divf %div3A_12, %add3A_11 : vector<400x128xf32>
    %swap3A = arith.constant 0 : index
    %swap3A_14 = arith.constant 0 : index
    %swap3A_15 = vector.load %arg2[%swap3A, %swap3A_14] : memref<400x128xf32, #tpu.memory_space<vmem>>, vector<400x128xf32>
    tpu.vector_store %arg2[%swap3A, %swap3A_14], %div3A_13 {strides = array<i32>} : memref<400x128xf32, #tpu.memory_space<vmem>>, vector<400x128xf32>,
    return
  }
  func.func @transform_0(%arg0: i32) -> (i32, i32, i32) {
    %c0_i32 = arith.constant 0 : i32
    %c0_i32_0 = arith.constant 0 : i32
    %c0_i32_1 = arith.constant 0 : i32
    return %c0_i32, %arg0, %c0_i32_0 : i32, i32, i32
  }
  func.func @transform_1(%arg0: i32) -> (i32, i32) {
    %c0_i32 = arith.constant 0 : i32
    %c0_i32_0 = arith.constant 0 : i32
    return %arg0, %c0_i32 : i32, i32
  }
}

module attributes {stable_mosaic.version = 14 : i64} {
  func.func @_t2_body(%arg0: i32, %arg1: memref<400x128xf32, #tpu.memory_space<vmem>>, %arg2: memref<400x128xf32, #tpu.memory_space<vmem>>, %arg3: memref<2x400x128xf32, #tpu.memory_space<vmem>>, %arg4: memref<400x128xf32, #tpu.memory_space<vmem>>, %arg5: memref<2x400x128xf32, #tpu.memory_space<vmem>>, %arg6: memref<256x256xf32, #tpu.memory_space<vmem>>, %arg7: memref<1x256xf32, #tpu.memory_space<vmem>>, %arg8: memref<1x256xf32, #tpu.memory_space<vmem>>, %arg9: memref<1x256xf32, #tpu.memory_space<vmem>>, %arg10: memref<1x1x256xf32, #tpu.memory_space<vmem>>) attributes {dimension_semantics = [#tpu.dimension_semantics<arbitrary>], iteration_bounds = array<i64: 25>, scalar_prefetch = 0 : i64, scratch_operands = 0 : i64, tpu.core_type = #tpu.core_type<tc>, window_params = [{transform_indices = @transform_0, window_bounds = array<i64: 400, 128>}, {transform_indices = @transform_1, window_bounds = array<i64: 400, 128>}, {transform_indices = @transform_2, window_bounds = array<i64: 2, 400, 128>}, {transform_indices = @transform_3, window_bounds = array<i64: 400, 128>}, {transform_indices = @transform_4, window_bounds = array<i64: 2, 400, 128>}, {pipeline_mode = #tpu.pipeline_mode<synchronous>, transform_indices = @transform_5, window_bounds = array<i64: 256, 256>}, {pipeline_mode = #tpu.pipeline_mode<synchronous>, transform_indices = @transform_6, window_bounds = array<i64: 1, 256>}, {pipeline_mode = #tpu.pipeline_mode<synchronous>, transform_indices = @transform_7, window_bounds = array<i64: 1, 256>}, {pipeline_mode = #tpu.pipeline_mode<synchronous>, transform_indices = @transform_8, window_bounds = array<i64: 1, 256>}, {transform_indices = @transform_9, window_bounds = array<i64: 1, 1, 256>}]} {
    %get3A = arith.constant 0 : index
    %get3A_0 = arith.constant 0 : index
    %get3A_1 = vector.load %arg4[%get3A, %get3A_0] : memref<400x128xf32, #tpu.memory_space<vmem>>, vector<400x1xf32>
    %get3A_2 = arith.constant 0 : index
    %get3A_3 = arith.constant 0 : index
    %get3A_4 = vector.load %arg1[%get3A_2, %get3A_3] : memref<400x128xf32, #tpu.memory_space<vmem>>, vector<400x128xf32>
    %get3A_5 = arith.constant 0 : index
    %get3A_6 = arith.constant 0 : index
    %get3A_7 = vector.load %arg2[%get3A_5, %get3A_6] : memref<400x128xf32, #tpu.memory_space<vmem>>, vector<400x128xf32>
    %concatenate3A = tpu.concatenate %get3A_4, %get3A_7 in 1 : vector<400x128xf32>, vector<400x128xf32> -> vector<400x256xf32>
    %get3A_8 = arith.constant 0 : index
    %get3A_9 = arith.constant 0 : index
    %get3A_10 = arith.constant 0 : index
    %get3A_11 = vector.load %arg3[%get3A_8, %get3A_9, %get3A_10] : memref<2x400x128xf32, #tpu.memory_space<vmem>>, vector<1x400x128xf32>
    %get3A_12 = vector.shape_cast %get3A_11 : vector<1x400x128xf32> to vector<400x128xf32>
    %get3A_13 = arith.constant 1 : index
    %get3A_14 = arith.constant 0 : index
    %get3A_15 = arith.constant 0 : index
    %get3A_16 = vector.load %arg3[%get3A_13, %get3A_14, %get3A_15] : memref<2x400x128xf32, #tpu.memory_space<vmem>>, vector<1x400x128xf32>
    %get3A_17 = vector.shape_cast %get3A_16 : vector<1x400x128xf32> to vector<400x128xf32>
    %concatenate3A_18 = tpu.concatenate %get3A_12, %get3A_17 in 1 : vector<400x128xf32>, vector<400x128xf32> -> vector<400x256xf32>
    %mul3A = vector.broadcast %get3A_1 : vector<400x1xf32> to vector<400x256xf32>
    %mul3A_19 = arith.mulf %concatenate3A_18, %mul3A : vector<400x256xf32>
    %add3A = arith.addf %concatenate3A, %mul3A_19 : vector<400x256xf32>
    %get3A_20 = arith.constant 0 : index
    %get3A_21 = arith.constant 0 : index
    %get3A_22 = vector.load %arg6[%get3A_20, %get3A_21] : memref<256x256xf32, #tpu.memory_space<vmem>>, vector<256x256xf32>
    %dot_general3A = arith.constant dense<0.000000e+00> : vector<400x256xf32>
    %dot_general3A_23 = tpu.matmul %add3A, %get3A_22, %dot_general3A {dimension_numbers = #tpu.dot_dimension_numbers<[1], [0], [0], [1], [0, 0, 1, 1], [], []>, transpose_lhs_hint = false} : vector<400x256xf32>, vector<256x256xf32>, vector<400x256xf32> -> vector<400x256xf32>
    %get3A_24 = arith.constant 0 : index
    %get3A_25 = arith.constant 0 : index
    %get3A_26 = vector.load %arg7[%get3A_24, %get3A_25] : memref<1x256xf32, #tpu.memory_space<vmem>>, vector<1x256xf32>
    %add3A_27 = vector.broadcast %get3A_26 : vector<1x256xf32> to vector<400x256xf32>
    %add3A_28 = arith.addf %dot_general3A_23, %add3A_27 : vector<400x256xf32>
    %get3A_29 = arith.constant 0 : index
    %get3A_30 = arith.constant 0 : index
    %get3A_31 = vector.load %arg8[%get3A_29, %get3A_30] : memref<1x256xf32, #tpu.memory_space<vmem>>, vector<1x256xf32>
    %get3A_32 = arith.constant 0 : index
    %get3A_33 = arith.constant 0 : index
    %get3A_34 = vector.load %arg9[%get3A_32, %get3A_33] : memref<1x256xf32, #tpu.memory_space<vmem>>, vector<1x256xf32>
    %reduce_sum3A = arith.constant dense<0.000000e+00> : vector<400xf32>
    %reduce_sum3A_35 = vector.multi_reduction <add>, %add3A_28, %reduce_sum3A [1] : vector<400x256xf32> to vector<400xf32>
    %broadcast_in_dim3A = vector.shape_cast %reduce_sum3A_35 : vector<400xf32> to vector<400x1xf32>
    %div3A = arith.constant 2.560000e+02 : f32
    %div3A_36 = vector.broadcast %div3A : f32 to vector<400x1xf32>
    %div3A_37 = arith.divf %broadcast_in_dim3A, %div3A_36 : vector<400x1xf32>
    %jit3A = arith.constant 0 : i32
    %reduce_sum3A_38 = arith.constant dense<0.000000e+00> : vector<400xf32>
    %reduce_sum3A_39 = vector.multi_reduction <add>, %add3A_28, %reduce_sum3A_38 [1] : vector<400x256xf32> to vector<400xf32>
    %broadcast_in_dim3A_40 = vector.shape_cast %reduce_sum3A_39 : vector<400xf32> to vector<400x1xf32>
    %div3A_41 = arith.constant 2.560000e+02 : f32
    %div3A_42 = vector.broadcast %div3A_41 : f32 to vector<400x1xf32>
    %div3A_43 = arith.divf %broadcast_in_dim3A_40, %div3A_42 : vector<400x1xf32>
    %sub3A = vector.broadcast %div3A_43 : vector<400x1xf32> to vector<400x256xf32>
    %sub3A_44 = arith.subf %add3A_28, %sub3A : vector<400x256xf32>
    %square3A = arith.mulf %sub3A_44, %sub3A_44 : vector<400x256xf32>
    %convert_element_type3A = arith.sitofp %jit3A : i32 to f32
    %sub3A_45 = arith.constant 2.560000e+02 : f32
    %sub3A_46 = arith.subf %sub3A_45, %convert_element_type3A : f32
    %reduce_sum3A_47 = arith.constant dense<0.000000e+00> : vector<400xf32>
    %reduce_sum3A_48 = vector.multi_reduction <add>, %square3A, %reduce_sum3A_47 [1] : vector<400x256xf32> to vector<400xf32>
    %broadcast_in_dim3A_49 = vector.shape_cast %reduce_sum3A_48 : vector<400xf32> to vector<400x1xf32>
    %div3A_50 = vector.broadcast %sub3A_46 : f32 to vector<400x1xf32>
    %div3A_51 = arith.divf %broadcast_in_dim3A_49, %div3A_50 : vector<400x1xf32>
    %gt3A = arith.constant 0.000000e+00 : f32
    %gt3A_52 = arith.cmpf ogt, %sub3A_46, %gt3A : f32
    %jit3A_53 = arith.constant 0x7FC00000 : f32
    %broadcast_in_dim3A_54 = vector.broadcast %jit3A_53 : f32 to vector<400x1xf32>
    %select_n3A = arith.select %gt3A_52, %div3A_51, %broadcast_in_dim3A_54 : vector<400x1xf32>
    %sub3A_55 = vector.broadcast %div3A_37 : vector<400x1xf32> to vector<400x256xf32>
    %sub3A_56 = arith.subf %add3A_28, %sub3A_55 : vector<400x256xf32>
    %add3A_57 = arith.constant 9.99999974E-6 : f32
    %add3A_58 = vector.broadcast %add3A_57 : f32 to vector<400x1xf32>
    %add3A_59 = arith.addf %select_n3A, %add3A_58 : vector<400x1xf32>
    %sqrt3A = math.sqrt %add3A_59 : vector<400x1xf32>
    %div3A_60 = vector.broadcast %sqrt3A : vector<400x1xf32> to vector<400x256xf32>
    %div3A_61 = arith.divf %sub3A_56, %div3A_60 : vector<400x256xf32>
    %mul3A_62 = vector.broadcast %get3A_31 : vector<1x256xf32> to vector<400x256xf32>
    %mul3A_63 = arith.mulf %div3A_61, %mul3A_62 : vector<400x256xf32>
    %add3A_64 = vector.broadcast %get3A_34 : vector<1x256xf32> to vector<400x256xf32>
    %add3A_65 = arith.addf %mul3A_63, %add3A_64 : vector<400x256xf32>
    %gt3A_66 = arith.constant 0.000000e+00 : f32
    %gt3A_67 = vector.broadcast %gt3A_66 : f32 to vector<400x256xf32>
    %gt3A_68 = arith.cmpf ogt, %add3A_65, %gt3A_67 : vector<400x256xf32>
    %min3A = arith.constant 0.000000e+00 : f32
    %min3A_69 = vector.broadcast %min3A : f32 to vector<400x256xf32>
    %min3A_70 = arith.minimumf %add3A_65, %min3A_69 : vector<400x256xf32>
    %exp3A = math.exp %min3A_70 : vector<400x256xf32>
    %sub3A_71 = arith.constant 1.000000e+00 : f32
    %sub3A_72 = vector.broadcast %sub3A_71 : f32 to vector<400x256xf32>
    %sub3A_73 = arith.subf %exp3A, %sub3A_72 : vector<400x256xf32>
    %select_n3A_74 = arith.select %gt3A_68, %add3A_65, %sub3A_73 : vector<400x256xi1>, vector<400x256xf32>
    %get3A_75 = arith.constant 0 : index
    %get3A_76 = arith.constant 0 : index
    %get3A_77 = arith.constant 0 : index
    %get3A_78 = vector.load %arg5[%get3A_75, %get3A_76, %get3A_77] : memref<2x400x128xf32, #tpu.memory_space<vmem>>, vector<1x400x1xf32>
    %get3A_79 = vector.shape_cast %get3A_78 : vector<1x400x1xf32> to vector<400xf32>
    %add3A_80 = arith.constant 1.000000e+00 : f32
    %add3A_81 = vector.broadcast %add3A_80 : f32 to vector<400xf32>
    %add3A_82 = arith.addf %add3A_81, %get3A_79 : vector<400xf32>
    %get3A_83 = arith.constant 1 : index
    %get3A_84 = arith.constant 0 : index
    %get3A_85 = arith.constant 0 : index
    %get3A_86 = vector.load %arg5[%get3A_83, %get3A_84, %get3A_85] : memref<2x400x128xf32, #tpu.memory_space<vmem>>, vector<1x400x1xf32>
    %get3A_87 = vector.shape_cast %get3A_86 : vector<1x400x1xf32> to vector<400xf32>
    %add3A_88 = arith.addf %add3A_82, %get3A_87 : vector<400xf32>
    %mul3A_89 = arith.constant 9.99999974E-5 : f32
    %mul3A_90 = vector.broadcast %mul3A_89 : f32 to vector<400xf32>
    %mul3A_91 = arith.mulf %add3A_88, %mul3A_90 : vector<400xf32>
    %broadcast_in_dim3A_92 = vector.shape_cast %mul3A_91 : vector<400xf32> to vector<400x1xf32>
    %mul3A_93 = vector.broadcast %broadcast_in_dim3A_92 : vector<400x1xf32> to vector<400x256xf32>
    %mul3A_94 = arith.mulf %select_n3A_74, %mul3A_93 : vector<400x256xf32>
    %reduce_sum3A_95 = arith.constant dense<0.000000e+00> : vector<256xf32>
    %reduce_sum3A_96 = vector.multi_reduction <add>, %mul3A_94, %reduce_sum3A_95 [0] : vector<400x256xf32> to vector<256xf32>
    %broadcast_in_dim3A_97 = vector.shape_cast %reduce_sum3A_96 : vector<256xf32> to vector<1x1x256xf32>
    %swap3A = arith.constant 0 : index
    %swap3A_98 = arith.constant 0 : index
    %swap3A_99 = arith.constant 0 : index
    %swap3A_100 = vector.load %arg10[%swap3A, %swap3A_98, %swap3A_99] : memref<1x1x256xf32, #tpu.memory_space<vmem>>, vector<1x1x256xf32>
    tpu.vector_store %arg10[%swap3A, %swap3A_98, %swap3A_99], %broadcast_in_dim3A_97 {strides = array<i32>} : memref<1x1x256xf32, #tpu.memory_space<vmem>>, vector<1x1x256xf32>,
    return
  }
  func.func @transform_0(%arg0: i32) -> (i32, i32) {
    %c0_i32 = arith.constant 0 : i32
    %c0_i32_0 = arith.constant 0 : i32
    return %arg0, %c0_i32 : i32, i32
  }
  func.func @transform_1(%arg0: i32) -> (i32, i32) {
    %c0_i32 = arith.constant 0 : i32
    %c0_i32_0 = arith.constant 0 : i32
    return %arg0, %c0_i32 : i32, i32
  }
  func.func @transform_2(%arg0: i32) -> (i32, i32, i32) {
    %c0_i32 = arith.constant 0 : i32
    %c0_i32_0 = arith.constant 0 : i32
    %c0_i32_1 = arith.constant 0 : i32
    return %c0_i32, %arg0, %c0_i32_0 : i32, i32, i32
  }
  func.func @transform_3(%arg0: i32) -> (i32, i32) {
    %c0_i32 = arith.constant 0 : i32
    %c0_i32_0 = arith.constant 0 : i32
    return %arg0, %c0_i32 : i32, i32
  }
  func.func @transform_4(%arg0: i32) -> (i32, i32, i32) {
    %c0_i32 = arith.constant 0 : i32
    %c0_i32_0 = arith.constant 0 : i32
    %c0_i32_1 = arith.constant 0 : i32
    return %c0_i32, %arg0, %c0_i32_0 : i32, i32, i32
  }
  func.func @transform_5(%arg0: i32) -> (i32, i32) {
    %c0_i32 = arith.constant 0 : i32
    %c0_i32_0 = arith.constant 0 : i32
    %c0_i32_1 = arith.constant 0 : i32
    return %c0_i32, %c0_i32_0 : i32, i32
  }
  func.func @transform_6(%arg0: i32) -> (i32, i32) {
    %c0_i32 = arith.constant 0 : i32
    %c0_i32_0 = arith.constant 0 : i32
    %c0_i32_1 = arith.constant 0 : i32
    return %c0_i32, %c0_i32_0 : i32, i32
  }
  func.func @transform_7(%arg0: i32) -> (i32, i32) {
    %c0_i32 = arith.constant 0 : i32
    %c0_i32_0 = arith.constant 0 : i32
    %c0_i32_1 = arith.constant 0 : i32
    return %c0_i32, %c0_i32_0 : i32, i32
  }
  func.func @transform_8(%arg0: i32) -> (i32, i32) {
    %c0_i32 = arith.constant 0 : i32
    %c0_i32_0 = arith.constant 0 : i32
    %c0_i32_1 = arith.constant 0 : i32
    return %c0_i32, %c0_i32_0 : i32, i32
  }
  func.func @transform_9(%arg0: i32) -> (i32, i32, i32) {
    %c0_i32 = arith.constant 0 : i32
    %c0_i32_0 = arith.constant 0 : i32
    %c0_i32_1 = arith.constant 0 : i32
    return %arg0, %c0_i32, %c0_i32_0 : i32, i32, i32
  }
}

module attributes {stable_mosaic.version = 14 : i64} {
  func.func @_t3_body(%arg0: i32, %arg1: memref<25x1x256xf32, #tpu.memory_space<vmem>>, %arg2: memref<256x256xf32, #tpu.memory_space<vmem>>, %arg3: memref<1x256xf32, #tpu.memory_space<vmem>>, %arg4: memref<256x256xf32, #tpu.memory_space<vmem>>, %arg5: memref<256x256xf32, #tpu.memory_space<vmem>>, %arg6: memref<1x256xf32, #tpu.memory_space<vmem>>, %arg7: memref<256x256xf32, #tpu.memory_space<vmem>>, %arg8: memref<1x256xf32, #tpu.memory_space<vmem>>, %arg9: memref<1x256xf32, #tpu.memory_space<vmem>>) attributes {dimension_semantics = [#tpu.dimension_semantics<arbitrary>], iteration_bounds = array<i64: 1>, scalar_prefetch = 0 : i64, scratch_operands = 0 : i64, tpu.core_type = #tpu.core_type<tc>, window_params = [{pipeline_mode = #tpu.pipeline_mode<synchronous>, transform_indices = @transform_0, window_bounds = array<i64: 25, 1, 256>}, {pipeline_mode = #tpu.pipeline_mode<synchronous>, transform_indices = @transform_1, window_bounds = array<i64: 256, 256>}, {pipeline_mode = #tpu.pipeline_mode<synchronous>, transform_indices = @transform_2, window_bounds = array<i64: 1, 256>}, {pipeline_mode = #tpu.pipeline_mode<synchronous>, transform_indices = @transform_3, window_bounds = array<i64: 256, 256>}, {pipeline_mode = #tpu.pipeline_mode<synchronous>, transform_indices = @transform_4, window_bounds = array<i64: 256, 256>}, {pipeline_mode = #tpu.pipeline_mode<synchronous>, transform_indices = @transform_5, window_bounds = array<i64: 1, 256>}, {pipeline_mode = #tpu.pipeline_mode<synchronous>, transform_indices = @transform_6, window_bounds = array<i64: 256, 256>}, {pipeline_mode = #tpu.pipeline_mode<synchronous>, transform_indices = @transform_7, window_bounds = array<i64: 1, 256>}, {pipeline_mode = #tpu.pipeline_mode<synchronous>, transform_indices = @transform_8, window_bounds = array<i64: 1, 256>}]} {
    %get3A = arith.constant 0 : index
    %get3A_0 = arith.constant 0 : index
    %get3A_1 = arith.constant 0 : index
    %get3A_2 = vector.load %arg1[%get3A, %get3A_0, %get3A_1] : memref<25x1x256xf32, #tpu.memory_space<vmem>>, vector<25x1x256xf32>
    %squeeze3A = vector.shape_cast %get3A_2 : vector<25x1x256xf32> to vector<25x256xf32>
    %reduce_sum3A = arith.constant dense<0.000000e+00> : vector<256xf32>
    %reduce_sum3A_3 = vector.multi_reduction <add>, %squeeze3A, %reduce_sum3A [0] : vector<25x256xf32> to vector<256xf32>
    %broadcast_in_dim3A = vector.shape_cast %reduce_sum3A_3 : vector<256xf32> to vector<1x256xf32>
    %get3A_4 = arith.constant 0 : index
    %get3A_5 = arith.constant 0 : index
    %get3A_6 = vector.load %arg2[%get3A_4, %get3A_5] : memref<256x256xf32, #tpu.memory_space<vmem>>, vector<256x256xf32>
    %dot_general3A = arith.constant dense<0.000000e+00> : vector<1x256xf32>
    %dot_general3A_7 = tpu.matmul %broadcast_in_dim3A, %get3A_6, %dot_general3A {dimension_numbers = #tpu.dot_dimension_numbers<[1], [0], [0], [1], [0, 0, 1, 1], [], []>, transpose_lhs_hint = false} : vector<1x256xf32>, vector<256x256xf32>, vector<1x256xf32> -> vector<1x256xf32>
    %get3A_8 = arith.constant 0 : index
    %get3A_9 = arith.constant 0 : index
    %get3A_10 = vector.load %arg3[%get3A_8, %get3A_9] : memref<1x256xf32, #tpu.memory_space<vmem>>, vector<1x256xf32>
    %add3A = arith.addf %dot_general3A_7, %get3A_10 : vector<1x256xf32>
    %get3A_11 = arith.constant 0 : index
    %get3A_12 = arith.constant 0 : index
    %get3A_13 = vector.load %arg4[%get3A_11, %get3A_12] : memref<256x256xf32, #tpu.memory_space<vmem>>, vector<256x256xf32>
    %dot_general3A_14 = arith.constant dense<0.000000e+00> : vector<1x256xf32>
    %dot_general3A_15 = tpu.matmul %add3A, %get3A_13, %dot_general3A_14 {dimension_numbers = #tpu.dot_dimension_numbers<[1], [0], [0], [1], [0, 0, 1, 1], [], []>, transpose_lhs_hint = false} : vector<1x256xf32>, vector<256x256xf32>, vector<1x256xf32> -> vector<1x256xf32>
    %get3A_16 = arith.constant 0 : index
    %get3A_17 = arith.constant 0 : index
    %get3A_18 = vector.load %arg5[%get3A_16, %get3A_17] : memref<256x256xf32, #tpu.memory_space<vmem>>, vector<256x256xf32>
    %dot_general3A_19 = arith.constant dense<0.000000e+00> : vector<1x256xf32>
    %dot_general3A_20 = tpu.matmul %add3A, %get3A_18, %dot_general3A_19 {dimension_numbers = #tpu.dot_dimension_numbers<[1], [0], [0], [1], [0, 0, 1, 1], [], []>, transpose_lhs_hint = false} : vector<1x256xf32>, vector<256x256xf32>, vector<1x256xf32> -> vector<1x256xf32>
    %add3A_21 = arith.addf %dot_general3A_15, %dot_general3A_20 : vector<1x256xf32>
    %get3A_22 = arith.constant 0 : index
    %get3A_23 = arith.constant 0 : index
    %get3A_24 = vector.load %arg6[%get3A_22, %get3A_23] : memref<1x256xf32, #tpu.memory_space<vmem>>, vector<1x256xf32>
    %add3A_25 = arith.addf %add3A_21, %get3A_24 : vector<1x256xf32>
    %max3A = arith.constant 0.000000e+00 : f32
    %max3A_26 = vector.broadcast %max3A : f32 to vector<1x256xf32>
    %max3A_27 = arith.maximumf %add3A_25, %max3A_26 : vector<1x256xf32>
    %get3A_28 = arith.constant 0 : index
    %get3A_29 = arith.constant 0 : index
    %get3A_30 = vector.load %arg7[%get3A_28, %get3A_29] : memref<256x256xf32, #tpu.memory_space<vmem>>, vector<256x256xf32>
    %dot_general3A_31 = arith.constant dense<0.000000e+00> : vector<1x256xf32>
    %dot_general3A_32 = tpu.matmul %max3A_27, %get3A_30, %dot_general3A_31 {dimension_numbers = #tpu.dot_dimension_numbers<[1], [0], [0], [1], [0, 0, 1, 1], [], []>, transpose_lhs_hint = false} : vector<1x256xf32>, vector<256x256xf32>, vector<1x256xf32> -> vector<1x256xf32>
    %get3A_33 = arith.constant 0 : index
    %get3A_34 = arith.constant 0 : index
    %get3A_35 = vector.load %arg8[%get3A_33, %get3A_34] : memref<1x256xf32, #tpu.memory_space<vmem>>, vector<1x256xf32>
    %add3A_36 = arith.addf %dot_general3A_32, %get3A_35 : vector<1x256xf32>
    %swap3A = arith.constant 0 : index
    %swap3A_37 = arith.constant 0 : index
    %swap3A_38 = vector.load %arg9[%swap3A, %swap3A_37] : memref<1x256xf32, #tpu.memory_space<vmem>>, vector<1x256xf32>
    tpu.vector_store %arg9[%swap3A, %swap3A_37], %add3A_36 {strides = array<i32>} : memref<1x256xf32, #tpu.memory_space<vmem>>, vector<1x256xf32>,
    return
  }
  func.func @transform_0(%arg0: i32) -> (i32, i32, i32) {
    %c0_i32 = arith.constant 0 : i32
    %c0_i32_0 = arith.constant 0 : i32
    %c0_i32_1 = arith.constant 0 : i32
    %c0_i32_2 = arith.constant 0 : i32
    return %c0_i32, %c0_i32_0, %c0_i32_1 : i32, i32, i32
  }
  func.func @transform_1(%arg0: i32) -> (i32, i32) {
    %c0_i32 = arith.constant 0 : i32
    %c0_i32_0 = arith.constant 0 : i32
    %c0_i32_1 = arith.constant 0 : i32
    return %c0_i32, %c0_i32_0 : i32, i32
  }
  func.func @transform_2(%arg0: i32) -> (i32, i32) {
    %c0_i32 = arith.constant 0 : i32
    %c0_i32_0 = arith.constant 0 : i32
    %c0_i32_1 = arith.constant 0 : i32
    return %c0_i32, %c0_i32_0 : i32, i32
  }
  func.func @transform_3(%arg0: i32) -> (i32, i32) {
    %c0_i32 = arith.constant 0 : i32
    %c0_i32_0 = arith.constant 0 : i32
    %c0_i32_1 = arith.constant 0 : i32
    return %c0_i32, %c0_i32_0 : i32, i32
  }
  func.func @transform_4(%arg0: i32) -> (i32, i32) {
    %c0_i32 = arith.constant 0 : i32
    %c0_i32_0 = arith.constant 0 : i32
    %c0_i32_1 = arith.constant 0 : i32
    return %c0_i32, %c0_i32_0 : i32, i32
  }
  func.func @transform_5(%arg0: i32) -> (i32, i32) {
    %c0_i32 = arith.constant 0 : i32
    %c0_i32_0 = arith.constant 0 : i32
    %c0_i32_1 = arith.constant 0 : i32
    return %c0_i32, %c0_i32_0 : i32, i32
  }
  func.func @transform_6(%arg0: i32) -> (i32, i32) {
    %c0_i32 = arith.constant 0 : i32
    %c0_i32_0 = arith.constant 0 : i32
    %c0_i32_1 = arith.constant 0 : i32
    return %c0_i32, %c0_i32_0 : i32, i32
  }
  func.func @transform_7(%arg0: i32) -> (i32, i32) {
    %c0_i32 = arith.constant 0 : i32
    %c0_i32_0 = arith.constant 0 : i32
    %c0_i32_1 = arith.constant 0 : i32
    return %c0_i32, %c0_i32_0 : i32, i32
  }
  func.func @transform_8(%arg0: i32) -> (i32, i32) {
    %c0_i32 = arith.constant 0 : i32
    %c0_i32_0 = arith.constant 0 : i32
    %c0_i32_1 = arith.constant 0 : i32
    return %c0_i32, %c0_i32_0 : i32, i32
  }
}

</mosaic_0001>

<sc_bundles>
// kernel: kernel.10.cloned.1.call-start
scs
__scs_entry_jumppad:
0x0: {  	(pc) =	sbr.rel $0x88, $3  }
0x1: {  	(tag) =	ssettag $0x0;
	lr =	simm.s32 $0x1  }
0x2: {  	[smem:$0x3F91] =	sst lr;
	_ =	strace $0xD0000000  }
0x3: {  	_ = 	snop  }
0x4: {  	_ = 	snop  }
0x5: {  	_ = 	snop  }
0x6: {  	_ = 	snop  }
0x7: {  	_ = 	snop  }
__scs_overlays_trampoline_lowered:
0x8: {  	[smem:$0x3FA0] =	sst s0  }
0x9: {  	[smem:$0x3FA1] =	sst s1  }
0xa: {  	[smem:$0x3FA2] =	sst s2  }
0xb: {  	[smem:$0x3FA3] =	sst s3  }
0xc: {  	[smem:$0x3FA4] =	sst s4  }
0xd: {  	[smem:$0x3FA5] =	sst s5  }
0xe: {  	[smem:$0x3FA6] =	sst s6  }
0xf: {  	[smem:$0x3FA7] =	sst s7  }
0x10: {  	[smem:$0x3FA8] =	sst s8  }
0x11: {  	[smem:$0x3FA9] =	sst s9;
	s0 =	simm.s32 @!p0 $0x0  }
0x12: {  	s1 =	sld [smem:$0x3F8F];
	s0 =	simm.s32 @p0 $0x1  }
0x13: {  	[smem:$0x3FAA] =	sst s0;
	s0 =	simm.s32 @!p1 $0x0  }
0x14: {  	s2 =	sld [smem:$0x3F8E];
	s0 =	simm.s32 @p1 $0x1  }
0x15: {  	[smem:$0x3FAB] =	sst s0;
	s0 =	simm.s32 @!p2 $0x0  }
0x16: {  	s3 =	sld [smem:$0x3FDB];
	s0 =	simm.s32 @p2 $0x1  }
0x17: {  	s4 =	simm.s32 $0x1BF5;
	[smem:$0x3FAD] =	sst s0  }
0x18: {  	s0 =	sld [smem:$0x3F90];
	_ =	swait.ge [sflag:s4], $0x0  }
0x19: {  	s7 =	sld [smem:$0x3F91]  }
0x1a: {  	s8 =	sadd.s32 $0xFFFFE003, lr  }
0x1b: {  	s9 =	sadd.s32 $0xFFFFFEF7, lr;
	s5 =	simm.s32 $0xFFFFFFFF;
	p2 =	slt.u32 s8, $0xFFFFF086  }
0x1c: {  	p1 =	slt.u32 s9, $0xF7A;
	s5 =	simm.s32 @!p2 $0x0  }
0x1d: {  	s5 =	simm.s32 @p1 $0x1;
	p0 =	seq.s32 s7, s2  }
0x1e: {  	s7 =	smul.u32 @!p0 $0xF7A, s2;
	p2 =	seq.s32 @!p0 s5, $0x0  }
0x1f: {  	s9 =	smul.u32 $0xF7A, s1;
	s8 =	simm.s32 @!p0 $0x1BF5;
	p2 =	por !p2, p0  }
0x20: {  	[sflag:s8] =	ssyncset.s32 @!p0 $0xFFFFF086;
	s6 =	sadd.s32 @!p0 s3, s7;
	s7 =	simm.s32 @!p0 $0x108  }
0x21: {  	s3 =	sadd.s32 s3, s9;
	s6 =	sadd.s32 @!p0 $0x88, s6;
	s7 =	simm.s32 @p2 $0x1082  }
0x22: {  	[simem:s7], [sflag:s8] =	dma.local @!p0 [hbm:s6], $0xF7A  }
0x23: {  	s9 =	sor.u32 $0xD0000000, s2;
	s6 =	simm.s32 $0x108;
	_ =	swait.ge @!p0 [sflag:s8], $0x0  }
0x24: {  	s3 =	sadd.s32 $0x88, s3;
	s6 =	simm.s32 @!p1 $0x1082;
	[sflag:s4] =	ssyncset.s32 $0xFFFFF086  }
0x25: {  	[simem:s6], [sflag:s4] =	dma.local [hbm:s3], $0xF7A  }
0x26: {  	[smem:$0x3F91] =	sst s1;
	(tag) =	ssettag s2;
	_ =	strace s9  }
0x27: {  	s1 =	sld [smem:$0x3FA1]  }
0x28: {  	s2 =	sld [smem:$0x3FA2]  }
0x29: {  	s4 =	sld [smem:$0x3FA4]  }
0x2a: {  	p0 =	seq.s32 s5, $0x0;
	s5 =	sld [smem:$0x3FA5]  }
0x2b: {  	s6 =	sld [smem:$0x3FA6]  }
0x2c: {  	s7 =	sld [smem:$0x3FA7]  }
0x2d: {  	s3 =	simm.s32 $0x108;
	s8 =	sld [smem:$0x3FA8]  }
0x2e: {  	s3 =	simm.s32 @!p0 $0x1082;
	s9 =	sld [smem:$0x3FA9]  }
0x2f: {  	lr =	sadd.s32 s0, s3;
	s0 =	sld [smem:$0x3FA0]  }
0x30: {  	s3 =	sld [smem:$0x3FA3]  }
0x31: {  	[smem:$0x3FAC] =	sst s10  }
0x32: {  	s10 =	sld [smem:$0x3FAA];
	_ =	sdelay $0x3  }
0x33: {  	p0 =	seq.s32 s10, $0x1;
	s10 =	sld [smem:$0x3FAC];
	_ =	sdelay $0x3  }
0x34: {  	[smem:$0x3FAC] =	sst s10  }
0x35: {  	s10 =	sld [smem:$0x3FAB];
	_ =	sdelay $0x3  }
0x36: {  	p1 =	seq.s32 s10, $0x1;
	s10 =	sld [smem:$0x3FAC];
	_ =	sdelay $0x3  }
0x37: {  	[smem:$0x3FAC] =	sst s10  }
0x38: {  	s10 =	sld [smem:$0x3FAD]  }
0x39: {  	_ = 	snop;
	(pc) =	sbr.ind lr, $3  }
0x3a: {  	_ = 	snop  }
0x3b: {  	_ = 	snop  }
0x3c: {  	p2 =	seq.s32 s10, $0x1;
	s10 =	sld [smem:$0x3FAC]  }
0x3d: {  	_ =	shalt  }
0x3e: {  	_ =	shalt  }
0x3f: {  	_ =	shalt  }
0x40: {  	_ =	shalt  }
0x41: {  	_ =	shalt  }
0x42: {  	_ =	shalt  }
0x43: {  	_ =	shalt  }
0x44: {  	_ =	shalt  }
0x45: {  	_ =	shalt  }
0x46: {  	_ =	shalt  }
0x47: {  	_ =	shalt  }
0x48: {  	_ =	shalt  }
0x49: {  	_ =	shalt  }
0x4a: {  	_ =	shalt  }
0x4b: {  	_ =	shalt  }
0x4c: {  	_ =	shalt  }
0x4d: {  	_ =	shalt  }
0x4e: {  	_ =	shalt  }
0x4f: {  	_ =	shalt  }
0x50: {  	_ =	shalt  }
0x51: {  	_ =	shalt  }
0x52: {  	_ =	shalt  }
0x53: {  	_ =	shalt  }
0x54: {  	_ =	shalt  }
0x55: {  	_ =	shalt  }
0x56: {  	_ =	shalt  }
0x57: {  	_ =	shalt  }
0x58: {  	_ =	shalt  }
0x59: {  	_ =	shalt  }
0x5a: {  	_ =	shalt  }
0x5b: {  	_ =	shalt  }
0x5c: {  	_ =	shalt  }
0x5d: {  	_ =	shalt  }
0x5e: {  	_ =	shalt  }
0x5f: {  	_ =	shalt  }
0x60: {  	_ =	shalt  }
0x61: {  	_ =	shalt  }
0x62: {  	_ =	shalt  }
0x63: {  	_ =	shalt  }
0x64: {  	_ =	shalt  }
0x65: {  	_ =	shalt  }
0x66: {  	_ =	shalt  }
0x67: {  	_ =	shalt  }
0x68: {  	_ =	shalt  }
0x69: {  	_ =	shalt  }
0x6a: {  	_ =	shalt  }
0x6b: {  	_ =	shalt  }
0x6c: {  	_ =	shalt  }
0x6d: {  	_ =	shalt  }
0x6e: {  	_ =	shalt  }
0x6f: {  	_ =	shalt  }
0x70: {  	_ =	shalt  }
0x71: {  	_ =	shalt  }
0x72: {  	_ =	shalt  }
0x73: {  	_ =	shalt  }
0x74: {  	_ =	shalt  }
0x75: {  	_ =	shalt  }
0x76: {  	_ =	shalt  }
0x77: {  	_ =	shalt  }
0x78: {  	_ =	shalt  }
0x79: {  	_ =	shalt  }
0x7a: {  	_ =	shalt  }
0x7b: {  	_ =	shalt  }
0x7c: {  	_ =	shalt  }
0x7d: {  	_ =	shalt  }
0x7e: {  	_ =	shalt  }
0x7f: {  	_ =	shalt  }
0x80: {  	_ =	shalt  }
0x81: {  	_ =	shalt  }
0x82: {  	_ =	shalt  }
0x83: {  	_ =	shalt  }
0x84: {  	_ =	shalt  }
0x85: {  	_ =	shalt  }
0x86: {  	_ =	shalt  }
0x87: {  	_ =	shalt  }
.Lfunc_end0:
.L_simem_size_0:
called_computation_lowered:
.L_overlay_start_0:
0x88: {  	s2 =	sld [smem:$0x3FD9]  }
0x89: {  	s3 =	sld [smem:$0x3FFE];
	_ =	sdelay $0x1  }
0x8a: {  	s1 =	srdreg.scid  }
0x8b: {  	s0 =	sand.u32 $0x1, s1  }
0x8c: {  	s16 =	sshll.u32 s0, $0xA;
	s2 =	sadd.s32 s3, s2  }
0x8d: {  	s2 =	sadd.s32 s2, s16  }
0x8e: {  	[smem:$0x3FB8] =	sst s2  }
0x8f: {  	_ = 	snop  }
0x90: {  	(tm) =	ssettm $0x1  }
0x91: {  	s17 =	sld [smem:$0x3FFB];
	_ =	sdelay $0x3  }
0x92: {  	_ =	strace s17  }
0x93: {  	s2 =	sld [smem:$0x3FFC];
	_ =	sdelay $0x3  }
0x94: {  	_ =	strace s2  }
0x95: {  	s2 =	sld [smem:$0x3FFD];
	_ =	sdelay $0x3  }
0x96: {  	_ =	strace s2  }
0x97: {  	_ =	strace $0x8FFFFFFF  }
0x98: {  	s18 =	sld [smem:$0x3FDB];
	_ =	sdelay $0x1  }
0x99: {  	s19 =	simm.s32 $_scs_section_size  }
0x9a: {  	s4 =	simm.s32 $_size__tile_overlayer_lowered;
	s5 =	simm.s32 $_tile_overlayer_lowered  }
0x9b: {  	s22 =	simm.s32 $0x1BFF;
	s21 =	sshll.u32 s5, $0x1;
	s2 =	sadd.s32 s19, s18  }
0x9c: {  	s6 =	simm.s32 $0x0;
	s20 =	sshll.u32 s4, $0x1;
	s4 =	sadd.s32 s21, s2  }
0x9d: {  	[timem:s6], [sflag:s22] =	dma.local [hbm:s4], s20  }
0x9e: {  	_ =	swait.ge [sflag:s22], s20  }
0x9f: {  	s3 =	ssub.s32 $0x0, s20;
	[sflag:s22] =	ssyncset.done $0x0  }
0xa0: {  	[sflag:s22] =	ssyncadd.s32 s3;
	_ =	sdelay $0x1  }
0xa1: {  	s23 =	simm.s32 $0x1B8B  }
0xa2: {  	_ =	swait.ge [sflag:s23], $0x1  }
0xa3: {  	[sflag:s23] =	ssyncset.done $0x0  }
0xa4: {  	s25 =	simm.s32 $0x1B8E;
	s24 =	sld [smem:$0x3FFE];
	[sflag:s23] =	ssyncadd.s32 $0xFFFFFFFF  }
0xa5: {  	s26 =	simm.s32 $execute0_lowered;
	[smem:$0x3FD2] =	sst s25  }
0xa6: {  	s4 =	sshll.u32 s26, $0x1;
	_ =	strace $0x80000046;
	[dreg:$0x1] =	wrdreg $0xFFFFFFFF  }
0xa7: {  	s28 =	simm.s32 $_size_execute0_lowered;
	s2 =	sadd.s32 s2, s4;
	[dreg:$0x0] =	wrdreg $0x0  }
0xa8: {  	s4 =	sshll.u32 s28, $0x1;
	[dreg:$0x2] =	wrdreg s2  }
0xa9: {  	[dreg:$0x3] =	wrdreg s4  }
0xaa: {  	[dreg:$0x4] =	wrdreg $0xC0  }
0xab: {  	_ =	task [dreg:s6], $0x5FFFF  }
0xac: {  	[dreg:$0x1] =	wrdreg $0xFFFFFFFF  }
0xad: {  	[dreg:$0x0] =	wrdreg $0x60  }
0xae: {  	[dreg:$0x2] =	wrdreg s24  }
0xaf: {  	[dreg:$0x3] =	wrdreg $0x35000  }
0xb0: {  	[dreg:$0x4] =	wrdreg $0x9  }
0xb1: {  	_ =	task.clear_ibuf [dreg:s6], $0x5FFFF;
	_ =	strace $0x90000046  }
0xb2: {  	s29 =	simm.s32 $0x9;
	_ =	strace $0x80000048  }
0xb3: {  	_ =	swait.ge [sflag:s29], $0x1  }
0xb4: {  	[sflag:s29] =	ssyncadd.s32 $0xFFFFFFFF  }
0xb5: {  	_ =	strace $0x90000048  }
0xb6: {  	_ =	sfence  }
0xb7: {  	s30 =	sld [smem:$0x0];
	_ =	sdelay $0x2  }
0xb8: {  	s31 =	sshll.u32 s1, $0xD;
	s1 =	sshrl.u32 s1, $0x2  }
0xb9: {  	s3 =	sand.u32 $0x4000, s31;
	s1 =	sadd.s32 s1, s30  }
0xba: {  	s0 =	sor.u32 s3, s0;
	s1 =	sshll.u32 s1, $0x11  }
0xbb: {  	s0 =	sor.u32 s1, s0  }
0xbc: {  	s0 =	sadd.s32 $0x8F2B, s0  }
0xbd: {  	[sflag:s0] =	ssyncadd.remote.s32 $0x1  }
0xbe: {  	_ =	sfence.sel $0xFFFF  }
0xbf: {  	[dreg:$0x0] =	wrdreg $0xFFFFFFFF;
	(pc) =	sbr.abs _section_cstart, $3  }
0xc0: {  	[dreg:$0x1] =	wrdreg $0xFFFFFFFF  }
0xc1: {  	_ =	task.clear_ibuf [dreg:s6], $0x2FFFF;
	_ =	strace $0x9FFFFFFF  }
0xc2: {  	(tm) =	ssettm $0x7FFFFFFF  }
0xc3: {  	_ =	shalt  }
tec
execute0_lowered:
.L_overlay_start_1:
0x0: {  	(tag) =	ssettag $0x1  }
0x1: {  	s6 =	rddreg [dreg:$0x0]  }
0x2: {  	s1 =	rddreg [dreg:$0x1];
	s3 =	srdreg.scid  }
0x3: {  	s0 =	rddreg [dreg:$0x2];
	s2 =	simm.s32 $0x0;
	s19 =	stileid.u32  }
0x4: {  	s13 =	simm.s32 $0x3;
	s14 =	simm.s32 $0x80;
	s15 =	simm.s32 $0x1  }
0x5: {  	s16 =	simm.s32 $0x50;
	s17 =	simm.s32 $0x100;
	s18 =	simm.s32 $0x2  }
0x6: {  	s7 =	sand.u32 $0x1, s3;
	[smem:$0x7FF] =	sst s2;
	s9 =	smul.u32 $0x4E000, s19  }
0x7: {  	s10 =	sadd.s32 $0x4A00, s6;
	s12 =	smul.u32 $0x4E2, s19;
	p1 =	sne.s32 s19, $0x0  }
0x8: {  	p2 =	seq.s32 s19, $0x0;
	s3 =	sshll.u32 s7, $0x4;
	_ =	strace $0x80000047  }
0x9: {  	s4 =	ssub.s32 $0x2, s7;
	s11 =	smul.u32 $0x4E20, s7;
	p0 =	seq.s32 s7, $0x1  }
0xa: {  	s7 =	smul.u32 $0x2700, s19;
	s3 =	sor.u32 s19, s3;
	s8 =	sshrl.u32 s4, $0x1  }
.Ltmp0:
0xb: {  	s9 =	sshrl.u32 s9, $0x2;
	s19 =	simm.s32 $0x0;
	(pc) =	sbr.rel .LBB2_1-.Ltmp0, $4  }
0xc: {  	s5 =	smul.u32 $0x4E2, s3;
	s3 =	sadd.s32 $0x18600, s6;
	s8 =	ssub.s32 s4, s8  }
0xd: {  	s4 =	sadd.s32 $0x138000, s1;
	s6 =	sadd.s32 $0x3F700, s6;
	s9 =	sadd.s32 s9, s1  }
0xe: {  	s8 =	smax.u32 s8, $0x1;
	s5 =	sadd.s32 s10, s5;
	s10 =	sadd.s32 s11, s10  }
0xf: {  	v0 =	vimm.f32 $0.0e+00;
	v1 =	vimm.f32 $1.000000000e+00;
	s11 =	sadd.s32 s7, s3;
	s10 =	sadd.s32 s12, s10;
	s12 =	simm.s32 $0x2900  }
.LBB2_16:
0x10: {  	[tilespmem:s12], [sflag:$0x3] =	stream.linear.gather [spmem:s4], $0x800, $0x38;
	[tilespmem:$0x16D80] =	vst v63  }
0x11: {  	_ =	swait.ge [sflag:s13], $0x800  }
0x12: {  	[sflag:s13] =	ssyncset.done $0x0  }
0x13: {  	s20 =	sadd.s32 $0x27000, s20;
	[sflag:s13] =	ssyncadd.s32 $0xFFFFF800  }
0x14: {  	[hbm4b:s20+s2] =	stream.linear.scatter [tilespmem:s12], [sflag:$0x3], $0x800, $0x38;
	[tilespmem:$0x16D80] =	vst v63  }
0x15: {  	_ =	swait.ge [sflag:s13], $0x800  }
0x16: {  	[sflag:s13] =	ssyncset.done $0x0  }
0x17: {  	[sflag:s13] =	ssyncadd.s32 $0xFFFFF800  }
.LBB2_17:
0x18: {  	s19 =	sadd.s32 $0x1, s19  }
0x19: {  	p3 =	sne.s32 s19, s8  }
.Ltmp1:
0x1a: {  	_ = 	snop;
	(pc) =	sbr.rel @!p3 .LBB2_18-.Ltmp1, $1  }
0x1b: {  	_ =	sdelay $0x3  }
.LBB2_1:
0x1c: {  	s20 =	simm.s32 $0x0;
	s21 =	simm.s32 $0x200  }
.LBB2_2:
0x1d: {  	p3 =	sne.s32 s21, $0x2E00;
	[tilespmem:s20+$0x2970] =	vst v0  }
0x1e: {  	[tilespmem:s20+$0x2900] =	vst v0  }
0x1f: {  	[tilespmem:s20+$0x2910] =	vst v0  }
.Ltmp2:
0x20: {  	[tilespmem:s20+$0x2920] =	vst v0;
	(pc) =	sbr.rel @p3 .LBB2_2-.Ltmp2, $4  }
0x21: {  	[tilespmem:s20+$0x2930] =	vst v0  }
0x22: {  	[tilespmem:s20+$0x2940] =	vst v0  }
0x23: {  	[tilespmem:s20+$0x2950] =	vst v0  }
0x24: {  	[tilespmem:s20+$0x2960] =	vst v0;
	s20 =	sshra.s32 s21, $0x2;
	s21 =	sadd.s32 $0x200, s21  }
0x25: {  	[tilespmem:s20+$0x2970] =	vst v0  }
0x26: {  	[tilespmem:s20+$0x2900] =	vst v0  }
0x27: {  	[tilespmem:s20+$0x2910] =	vst v0  }
0x28: {  	[tilespmem:s20+$0x2920] =	vst v0  }
0x29: {  	[tilespmem:s20+$0x2930] =	vst v0  }
0x2a: {  	[tilespmem:s20+$0x2940] =	vst v0  }
0x2b: {  	[tilespmem:s20+$0x2950] =	vst v0  }
0x2c: {  	[tilespmem:s20+$0x2960] =	vst v0;
	s31 =	sadd.s32 $0x0, s9  }
0x2d: {  	[spmem:s31] =	stream.linear.scatter [tilespmem:s12], [sflag:$0x3], $0xC00, $0x38;
	[tilespmem:$0x16D80] =	vst v63  }
0x2e: {  	s20 =	simm.s32 $0x3000;
	_ =	swait.ge [sflag:s13], $0xC00  }
.LBB2_4:
0x2f: {  	s21 =	sshra.s32 s20, $0x2;
	[sflag:s13] =	ssyncset.done $0x0;
	p3 =	sne.s32 s20, $0x4B000  }
.Ltmp3:
0x30: {  	s21 =	sadd.s32 s21, s9;
	[sflag:s13] =	ssyncadd.s32 $0xFFFFF400;
	(pc) =	sbr.rel @p3 .LBB2_4-.Ltmp3, $3  }
0x31: {  	[spmem:s21] =	stream.linear.scatter [tilespmem:s12], [sflag:$0x3], $0xC00, $0x38;
	[tilespmem:$0x16D80] =	vst v63  }
0x32: {  	s20 =	sadd.s32 $0x3000, s20;
	_ =	sdelay $0x1  }
0x33: {  	_ =	swait.ge [sflag:s13], $0xC00  }
0x34: {  	[sflag:s13] =	ssyncset.done $0x0  }
0x35: {  	s20 =	simm.s32 @!p1 $0x2900;
	[sflag:s13] =	ssyncadd.s32 $0xFFFFF400  }
0x36: {  	[spmem:s4] =	stream.linear.scatter @!p1 [tilespmem:s20], [sflag:$0x3], $0x800, $0x38;
	[tilespmem:$0x16D80] =	vst v63  }
0x37: {  	s20 =	simm.s32 @!p1 $0x3  }
0x38: {  	_ =	swait.ge @!p1 [sflag:s20], $0x800  }
0x39: {  	[sflag:s20] =	ssyncset.done @!p1 $0x0  }
0x3a: {  	s21 =	simm.s32 $0x200;
	[sflag:s20] =	ssyncadd.s32 @!p1 $0xFFFFF800;
	s20 =	simm.s32 $0x0  }
.LBB2_6:
0x3b: {  	p3 =	sne.s32 s21, $0x9E00;
	[tilespmem:s20+$0x170] =	vst v1  }
0x3c: {  	[tilespmem:s20+$0x100] =	vst v1  }
0x3d: {  	[tilespmem:s20+$0x110] =	vst v1  }
.Ltmp4:
0x3e: {  	[tilespmem:s20+$0x120] =	vst v1;
	(pc) =	sbr.rel @p3 .LBB2_6-.Ltmp4, $4  }
0x3f: {  	[tilespmem:s20+$0x130] =	vst v1  }
0x40: {  	[tilespmem:s20+$0x140] =	vst v1  }
0x41: {  	[tilespmem:s20+$0x150] =	vst v1  }
0x42: {  	[tilespmem:s20+$0x160] =	vst v1;
	s20 =	sshra.s32 s21, $0x2;
	s21 =	sadd.s32 $0x200, s21  }
0x43: {  	[tilespmem:s20+$0x170] =	vst v1  }
0x44: {  	[tilespmem:s20+$0x100] =	vst v1  }
0x45: {  	[tilespmem:s20+$0x110] =	vst v1  }
0x46: {  	[tilespmem:s20+$0x120] =	vst v1  }
0x47: {  	[tilespmem:s20+$0x130] =	vst v1  }
0x48: {  	[tilespmem:s20+$0x140] =	vst v1  }
0x49: {  	[tilespmem:s20+$0x150] =	vst v1  }
0x4a: {  	[tilespmem:s20+$0x160] =	vst v1  }
0x4b: {  	s31 =	sadd.s32 $0xFFFFFB28, s10;
	[bflag:$0x0] =	sbarrier.arrive $0xFFFF  }
0x4c: {  	[tilespmem:s2], [sflag:$0x1] =	stream.linear.gather [hbm4b:s5+s2], $0x50, $0x38;
	[tilespmem:$0x16D80] =	vst v63  }
0x4d: {  	s21 =	sadd.s32 $0x4E2, s31  }
0x4e: {  	[tilespmem:s14], [sflag:$0x2] =	stream.linear.gather [hbm4b:s21+s2], $0x50, $0x38;
	[tilespmem:$0x16D80] =	vst v63  }
0x4f: {  	_ =	swait.ge [sflag:s15], $0x50  }
0x50: {  	[sflag:s15] =	ssyncset.done $0x0  }
0x51: {  	[sflag:s15] =	ssyncadd.s32 $0xFFFFFFB0  }
0x52: {  	[spmem:s1] =	stream.indirect.scatter.add.f32 [tilespmem:s17], [sflag:$0x3], $0x80, s2, s16, $0xb8;
	[tilespmem:$0x16D80] =	vst v63  }
0x53: {  	_ =	swait.ge [sflag:s13], $0x2800  }
0x54: {  	[sflag:s13] =	ssyncset.done $0x0  }
0x55: {  	s20 =	sadd.s32 $0x4EC, s31;
	[sflag:s13] =	ssyncadd.s32 $0xFFFFD800  }
0x56: {  	[tilespmem:s2], [sflag:$0x1] =	stream.linear.gather [hbm4b:s20+s2], $0x50, $0x38;
	[tilespmem:$0x16D80] =	vst v63  }
0x57: {  	_ =	swait.ge [sflag:s18], $0x50  }
0x58: {  	[sflag:s18] =	ssyncset.done $0x0  }
0x59: {  	[sflag:s18] =	ssyncadd.s32 $0xFFFFFFB0  }
0x5a: {  	[spmem:s1] =	stream.indirect.scatter.add.f32 [tilespmem:s17], [sflag:$0x3], $0x80, s14, s16, $0xb8;
	[tilespmem:$0x16D80] =	vst v63  }
0x5b: {  	_ =	swait.ge [sflag:s13], $0x2800  }
0x5c: {  	s21 =	simm.s32 $0xFFFFFB50;
	s20 =	sadd.s32 $0xFFFFFB3C, s10;
	[sflag:s13] =	ssyncset.done $0x0  }
.LBB2_8:
0x5d: {  	s22 =	sadd.s32 $0x4E2, s20  }
0x5e: {  	[sflag:s13] =	ssyncadd.s32 $0xFFFFD800;
	s23 =	smov.u32 s21;
	s24 =	sadd.s32 $0x14, s21  }
0x5f: {  	[tilespmem:s14], [sflag:$0x2] =	stream.linear.gather [hbm4b:s22+s2], $0x50, $0x38;
	[tilespmem:$0x16D80] =	vst v63  }
0x60: {  	p3 =	sne.s32 s21, $0xFFFFFFEC;
	_ =	swait.ge [sflag:s15], $0x50  }
0x61: {  	[sflag:s15] =	ssyncset.done $0x0  }
0x62: {  	[sflag:s15] =	ssyncadd.s32 $0xFFFFFFB0  }
0x63: {  	[spmem:s1] =	stream.indirect.scatter.add.f32 [tilespmem:s17], [sflag:$0x3], $0x80, s2, s16, $0xb8;
	[tilespmem:$0x16D80] =	vst v63  }
0x64: {  	_ =	swait.ge [sflag:s13], $0x2800  }
0x65: {  	[sflag:s13] =	ssyncset.done $0x0  }
0x66: {  	s20 =	sadd.s32 $0x4EC, s20;
	[sflag:s13] =	ssyncadd.s32 $0xFFFFD800  }
0x67: {  	[tilespmem:s2], [sflag:$0x1] =	stream.linear.gather [hbm4b:s20+s2], $0x50, $0x38;
	[tilespmem:$0x16D80] =	vst v63  }
0x68: {  	_ =	swait.ge [sflag:s18], $0x50  }
.Ltmp5:
0x69: {  	[sflag:s18] =	ssyncset.done $0x0;
	(pc) =	sbr.rel @p3 .LBB2_8-.Ltmp5, $4  }
0x6a: {  	[sflag:s18] =	ssyncadd.s32 $0xFFFFFFB0  }
0x6b: {  	[spmem:s1] =	stream.indirect.scatter.add.f32 [tilespmem:s17], [sflag:$0x3], $0x80, s14, s16, $0xb8;
	[tilespmem:$0x16D80] =	vst v63  }
0x6c: {  	_ =	swait.ge [sflag:s13], $0x2800  }
0x6d: {  	s21 =	smov.u32 s24;
	s20 =	sadd.s32 s23, s10;
	[sflag:s13] =	ssyncset.done $0x0  }
0x6e: {  	s21 =	sadd.s32 $0x4E2, s20;
	[sflag:s13] =	ssyncadd.s32 $0xFFFFD800  }
0x6f: {  	[tilespmem:s14], [sflag:$0x2] =	stream.linear.gather [hbm4b:s21+s2], $0x50, $0x38;
	[tilespmem:$0x16D80] =	vst v63  }
0x70: {  	_ =	swait.ge [sflag:s15], $0x50  }
0x71: {  	[sflag:s15] =	ssyncset.done $0x0  }
0x72: {  	[sflag:s15] =	ssyncadd.s32 $0xFFFFFFB0  }
0x73: {  	[spmem:s1] =	stream.indirect.scatter.add.f32 [tilespmem:s17], [sflag:$0x3], $0x80, s2, s16, $0xb8;
	[tilespmem:$0x16D80] =	vst v63  }
0x74: {  	_ =	swait.ge [sflag:s13], $0x2800  }
0x75: {  	[sflag:s13] =	ssyncset.done $0x0  }
0x76: {  	s30 =	sadd.s32 $0x4EC, s20;
	[sflag:s13] =	ssyncadd.s32 $0xFFFFD800  }
0x77: {  	[tilespmem:s2], [sflag:$0x1] =	stream.linear.gather [hbm4b:s30+s2], $0x50, $0x38;
	[tilespmem:$0x16D80] =	vst v63  }
0x78: {  	_ =	swait.ge [sflag:s18], $0x50  }
0x79: {  	[sflag:s18] =	ssyncset.done $0x0  }
0x7a: {  	[sflag:s18] =	ssyncadd.s32 $0xFFFFFFB0  }
0x7b: {  	[spmem:s1] =	stream.indirect.scatter.add.f32 [tilespmem:s17], [sflag:$0x3], $0x80, s14, s16, $0xb8;
	[tilespmem:$0x16D80] =	vst v63  }
0x7c: {  	_ =	swait.ge [sflag:s13], $0x2800  }
0x7d: {  	[sflag:s13] =	ssyncset.done $0x0  }
0x7e: {  	[sflag:s13] =	ssyncadd.s32 $0xFFFFD800  }
0x7f: {  	_ =	swait.ge [sflag:s15], $0x50  }
0x80: {  	[sflag:s15] =	ssyncset.done $0x0  }
0x81: {  	s31 =	simm.s32 $0x0;
	[sflag:s15] =	ssyncadd.s32 $0xFFFFFFB0  }
0x82: {  	[spmem:s1] =	stream.indirect.scatter.add.f32 [tilespmem:s17], [sflag:$0x3], $0x80, s31, s16, $0xb8;
	[tilespmem:$0x16D80] =	vst v63  }
.Ltmp6:
0x83: {  	_ =	swait.ge [sflag:s13], $0x2800;
	(pc) =	sbr.rel @!p0 .LBB2_10-.Ltmp6, $3  }
0x84: {  	[sflag:s13] =	ssyncset.done $0x0  }
0x85: {  	[sflag:s13] =	ssyncadd.s32 $0xFFFFD800  }
0x86: {  	[bflag:$0x0] =	sbarrier.arrive $0xFFFF;
	_ =	sdelay $0x1  }
0x87: {  	[tilespmem:s12], [sflag:$0x3] =	stream.linear.gather [spmem:s9], $0xC00, $0x38;
	[tilespmem:$0x16D80] =	vst v63  }
0x88: {  	_ =	swait.ge [sflag:s13], $0xC00  }
0x89: {  	s20 =	sadd.s32 s6, s7;
	[sflag:s13] =	ssyncset.done $0x0  }
0x8a: {  	s21 =	sadd.s32 $0x0, s20;
	[sflag:s13] =	ssyncadd.s32 $0xFFFFF400  }
0x8b: {  	[hbm4b:s21+s2] =	stream.linear.scatter [tilespmem:s12], [sflag:$0x3], $0xC00, $0x38;
	[tilespmem:$0x16D80] =	vst v63  }
0x8c: {  	_ =	swait.ge [sflag:s13], $0xC00  }
0x8d: {  	s22 =	smov.u32 s9;
	s21 =	simm.s32 $0x180;
	[sflag:s13] =	ssyncset.done $0x0  }
.LBB2_14:
0x8e: {  	p3 =	sne.s32 s21, $0x2580;
	[sflag:s13] =	ssyncadd.s32 $0xFFFFF400;
	s22 =	sadd.s32 $0xC00, s22  }
0x8f: {  	[tilespmem:s12], [sflag:$0x3] =	stream.linear.gather [spmem:s22], $0xC00, $0x38;
	[tilespmem:$0x16D80] =	vst v63  }
0x90: {  	s23 =	smov.u32 s21;
	s21 =	sadd.s32 $0x180, s21;
	_ =	swait.ge [sflag:s13], $0xC00  }
.Ltmp7:
0x91: {  	[sflag:s13] =	ssyncset.done $0x0;
	(pc) =	sbr.rel @p3 .LBB2_14-.Ltmp7, $4  }
0x92: {  	s23 =	sadd.s32 s23, s20;
	[sflag:s13] =	ssyncadd.s32 $0xFFFFF400  }
0x93: {  	[hbm4b:s23+s2] =	stream.linear.scatter [tilespmem:s12], [sflag:$0x3], $0xC00, $0x38;
	[tilespmem:$0x16D80] =	vst v63  }
0x94: {  	_ =	swait.ge [sflag:s13], $0xC00  }
0x95: {  	[sflag:s13] =	ssyncset.done $0x0  }
.Ltmp8:
0x96: {  	(pc) =	sbr.rel @p1 .LBB2_17-.Ltmp8, $4  }
.Ltmp9:
0x97: {  	(pc) =	sbr.rel @!p1 .LBB2_16-.Ltmp9, $4  }
0x98: {  	_ = 	snop  }
0x99: {  	_ = 	snop  }
0x9a: {  	[sflag:s13] =	ssyncadd.s32 $0xFFFFF400;
	s20 =	smov.u32 s6  }
0x9b: {  	_ = 	snop  }
.LBB2_10:
0x9c: {  	[tilespmem:s12], [sflag:$0x3] =	stream.linear.gather [spmem:s9], $0xC00, $0x38;
	[tilespmem:$0x16D80] =	vst v63  }
0x9d: {  	_ =	swait.ge [sflag:s13], $0xC00  }
0x9e: {  	[sflag:s13] =	ssyncset.done $0x0  }
0x9f: {  	s20 =	sadd.s32 $0x0, s11;
	[sflag:s13] =	ssyncadd.s32 $0xFFFFF400  }
0xa0: {  	[hbm4b:s20+s2] =	stream.linear.scatter [tilespmem:s12], [sflag:$0x3], $0xC00, $0x38;
	[tilespmem:$0x16D80] =	vst v63  }
0xa1: {  	_ =	swait.ge [sflag:s13], $0xC00  }
0xa2: {  	s21 =	smov.u32 s9;
	s20 =	simm.s32 $0x180;
	[sflag:s13] =	ssyncset.done $0x0  }
.LBB2_11:
0xa3: {  	p3 =	sne.s32 s20, $0x2580;
	[sflag:s13] =	ssyncadd.s32 $0xFFFFF400;
	s21 =	sadd.s32 $0xC00, s21  }
0xa4: {  	[tilespmem:s12], [sflag:$0x3] =	stream.linear.gather [spmem:s21], $0xC00, $0x38;
	[tilespmem:$0x16D80] =	vst v63  }
0xa5: {  	s22 =	smov.u32 s20;
	s20 =	sadd.s32 $0x180, s20;
	_ =	swait.ge [sflag:s13], $0xC00  }
.Ltmp10:
0xa6: {  	[sflag:s13] =	ssyncset.done $0x0;
	(pc) =	sbr.rel @p3 .LBB2_11-.Ltmp10, $4  }
0xa7: {  	s22 =	sadd.s32 s22, s11;
	[sflag:s13] =	ssyncadd.s32 $0xFFFFF400  }
0xa8: {  	[hbm4b:s22+s2] =	stream.linear.scatter [tilespmem:s12], [sflag:$0x3], $0xC00, $0x38;
	[tilespmem:$0x16D80] =	vst v63  }
0xa9: {  	_ =	swait.ge [sflag:s13], $0xC00  }
0xaa: {  	[sflag:s13] =	ssyncset.done $0x0  }
.Ltmp11:
0xab: {  	(pc) =	sbr.rel @!p2 .LBB2_17-.Ltmp11, $4  }
.Ltmp12:
0xac: {  	(pc) =	sbr.rel @p2 .LBB2_16-.Ltmp12, $4  }
0xad: {  	_ = 	snop  }
0xae: {  	_ = 	snop  }
0xaf: {  	[sflag:s13] =	ssyncadd.s32 $0xFFFFF400;
	s20 =	smov.u32 s3  }
0xb0: {  	_ = 	snop  }
.LBB2_18:
0xb1: {  	_ =	sfence.sel $0x180000  }
0xb2: {  	[bflag:$0x0] =	sbarrier.arrive $0xFFFF  }
0xb3: {  	_ =	strace $0x90000047  }
0xb4: {  	s0 =	sadd.s32 @!p1 $0x100000, s0;
	[bflag:$0x2] =	sbarrier.arrive $0xFFFF  }
0xb5: {  	[sflag:s0] =	ssyncadd.tile.s32 @!p1 $0x1;
	_ =	shalt  }
.Lfunc_end2:
_tile_overlayer_lowered:
.L_overlay_start_2:
0xb6: {  	(tag) =	ssettag $0x2  }
0xb7: {  	s0 =	rddreg [dreg:$0x0];
	s2 =	stileid.u32  }
0xb8: {  	s1 =	rddreg [dreg:$0x1];
	p0 =	sne.s32 s2, $0x0  }
0xb9: {  	s3 =	rddreg [dreg:$0x2];
	[bflag:$0x3] =	sbarrier.arrive $0xFFFF;
	s2 =	simm.s32 @!p0 $0x1C03  }
0xba: {  	[timem:s3], [sflag:s2] =	dma.local @!p0 [hbm:s0], s1  }
0xbb: {  	s0 =	simm.s32 @!p0 $0x3  }
0xbc: {  	_ =	swait.ge @!p0 [sflag:s0], s1  }
0xbd: {  	s1 =	ssub.s32 @!p0 $0x0, s1;
	[sflag:s0] =	ssyncset.done @!p0 $0x0  }
0xbe: {  	[sflag:s0] =	ssyncadd.s32 @!p0 s1  }
0xbf: {  	[bflag:$0x3] =	sbarrier.arrive $0xFFFF  }
0xc0: {  	_ =	shalt  }

// kernel: kernel.13.cloned.1.call-start
scs
__scs_entry_jumppad:
0x0: {  	(pc) =	sbr.rel $0x88, $3  }
0x1: {  	(tag) =	ssettag $0x0;
	lr =	simm.s32 $0x1  }
0x2: {  	[smem:$0x3F91] =	sst lr;
	_ =	strace $0xD0000000  }
0x3: {  	_ = 	snop  }
0x4: {  	_ = 	snop  }
0x5: {  	_ = 	snop  }
0x6: {  	_ = 	snop  }
0x7: {  	_ = 	snop  }
__scs_overlays_trampoline_lowered:
0x8: {  	[smem:$0x3FA0] =	sst s0  }
0x9: {  	[smem:$0x3FA1] =	sst s1  }
0xa: {  	[smem:$0x3FA2] =	sst s2  }
0xb: {  	[smem:$0x3FA3] =	sst s3  }
0xc: {  	[smem:$0x3FA4] =	sst s4  }
0xd: {  	[smem:$0x3FA5] =	sst s5  }
0xe: {  	[smem:$0x3FA6] =	sst s6  }
0xf: {  	[smem:$0x3FA7] =	sst s7  }
0x10: {  	[smem:$0x3FA8] =	sst s8  }
0x11: {  	[smem:$0x3FA9] =	sst s9;
	s0 =	simm.s32 @!p0 $0x0  }
0x12: {  	s1 =	sld [smem:$0x3F8F];
	s0 =	simm.s32 @p0 $0x1  }
0x13: {  	[smem:$0x3FAA] =	sst s0;
	s0 =	simm.s32 @!p1 $0x0  }
0x14: {  	s2 =	sld [smem:$0x3F8E];
	s0 =	simm.s32 @p1 $0x1  }
0x15: {  	[smem:$0x3FAB] =	sst s0;
	s0 =	simm.s32 @!p2 $0x0  }
0x16: {  	s3 =	sld [smem:$0x3FDB];
	s0 =	simm.s32 @p2 $0x1  }
0x17: {  	s4 =	simm.s32 $0x1BF5;
	[smem:$0x3FAD] =	sst s0  }
0x18: {  	s0 =	sld [smem:$0x3F90];
	_ =	swait.ge [sflag:s4], $0x0  }
0x19: {  	s7 =	sld [smem:$0x3F91]  }
0x1a: {  	s8 =	sadd.s32 $0xFFFFE003, lr  }
0x1b: {  	s9 =	sadd.s32 $0xFFFFFEF7, lr;
	s5 =	simm.s32 $0xFFFFFFFF;
	p2 =	slt.u32 s8, $0xFFFFF086  }
0x1c: {  	p1 =	slt.u32 s9, $0xF7A;
	s5 =	simm.s32 @!p2 $0x0  }
0x1d: {  	s5 =	simm.s32 @p1 $0x1;
	p0 =	seq.s32 s7, s2  }
0x1e: {  	s7 =	smul.u32 @!p0 $0xF7A, s2;
	p2 =	seq.s32 @!p0 s5, $0x0  }
0x1f: {  	s9 =	smul.u32 $0xF7A, s1;
	s8 =	simm.s32 @!p0 $0x1BF5;
	p2 =	por !p2, p0  }
0x20: {  	[sflag:s8] =	ssyncset.s32 @!p0 $0xFFFFF086;
	s6 =	sadd.s32 @!p0 s3, s7;
	s7 =	simm.s32 @!p0 $0x108  }
0x21: {  	s3 =	sadd.s32 s3, s9;
	s6 =	sadd.s32 @!p0 $0x88, s6;
	s7 =	simm.s32 @p2 $0x1082  }
0x22: {  	[simem:s7], [sflag:s8] =	dma.local @!p0 [hbm:s6], $0xF7A  }
0x23: {  	s9 =	sor.u32 $0xD0000000, s2;
	s6 =	simm.s32 $0x108;
	_ =	swait.ge @!p0 [sflag:s8], $0x0  }
0x24: {  	s3 =	sadd.s32 $0x88, s3;
	s6 =	simm.s32 @!p1 $0x1082;
	[sflag:s4] =	ssyncset.s32 $0xFFFFF086  }
0x25: {  	[simem:s6], [sflag:s4] =	dma.local [hbm:s3], $0xF7A  }
0x26: {  	[smem:$0x3F91] =	sst s1;
	(tag) =	ssettag s2;
	_ =	strace s9  }
0x27: {  	s1 =	sld [smem:$0x3FA1]  }
0x28: {  	s2 =	sld [smem:$0x3FA2]  }
0x29: {  	s4 =	sld [smem:$0x3FA4]  }
0x2a: {  	p0 =	seq.s32 s5, $0x0;
	s5 =	sld [smem:$0x3FA5]  }
0x2b: {  	s6 =	sld [smem:$0x3FA6]  }
0x2c: {  	s7 =	sld [smem:$0x3FA7]  }
0x2d: {  	s3 =	simm.s32 $0x108;
	s8 =	sld [smem:$0x3FA8]  }
0x2e: {  	s3 =	simm.s32 @!p0 $0x1082;
	s9 =	sld [smem:$0x3FA9]  }
0x2f: {  	lr =	sadd.s32 s0, s3;
	s0 =	sld [smem:$0x3FA0]  }
0x30: {  	s3 =	sld [smem:$0x3FA3]  }
0x31: {  	[smem:$0x3FAC] =	sst s10  }
0x32: {  	s10 =	sld [smem:$0x3FAA];
	_ =	sdelay $0x3  }
0x33: {  	p0 =	seq.s32 s10, $0x1;
	s10 =	sld [smem:$0x3FAC];
	_ =	sdelay $0x3  }
0x34: {  	[smem:$0x3FAC] =	sst s10  }
0x35: {  	s10 =	sld [smem:$0x3FAB];
	_ =	sdelay $0x3  }
0x36: {  	p1 =	seq.s32 s10, $0x1;
	s10 =	sld [smem:$0x3FAC];
	_ =	sdelay $0x3  }
0x37: {  	[smem:$0x3FAC] =	sst s10  }
0x38: {  	s10 =	sld [smem:$0x3FAD]  }
0x39: {  	_ = 	snop;
	(pc) =	sbr.ind lr, $3  }
0x3a: {  	_ = 	snop  }
0x3b: {  	_ = 	snop  }
0x3c: {  	p2 =	seq.s32 s10, $0x1;
	s10 =	sld [smem:$0x3FAC]  }
0x3d: {  	_ =	shalt  }
0x3e: {  	_ =	shalt  }
0x3f: {  	_ =	shalt  }
0x40: {  	_ =	shalt  }
0x41: {  	_ =	shalt  }
0x42: {  	_ =	shalt  }
0x43: {  	_ =	shalt  }
0x44: {  	_ =	shalt  }
0x45: {  	_ =	shalt  }
0x46: {  	_ =	shalt  }
0x47: {  	_ =	shalt  }
0x48: {  	_ =	shalt  }
0x49: {  	_ =	shalt  }
0x4a: {  	_ =	shalt  }
0x4b: {  	_ =	shalt  }
0x4c: {  	_ =	shalt  }
0x4d: {  	_ =	shalt  }
0x4e: {  	_ =	shalt  }
0x4f: {  	_ =	shalt  }
0x50: {  	_ =	shalt  }
0x51: {  	_ =	shalt  }
0x52: {  	_ =	shalt  }
0x53: {  	_ =	shalt  }
0x54: {  	_ =	shalt  }
0x55: {  	_ =	shalt  }
0x56: {  	_ =	shalt  }
0x57: {  	_ =	shalt  }
0x58: {  	_ =	shalt  }
0x59: {  	_ =	shalt  }
0x5a: {  	_ =	shalt  }
0x5b: {  	_ =	shalt  }
0x5c: {  	_ =	shalt  }
0x5d: {  	_ =	shalt  }
0x5e: {  	_ =	shalt  }
0x5f: {  	_ =	shalt  }
0x60: {  	_ =	shalt  }
0x61: {  	_ =	shalt  }
0x62: {  	_ =	shalt  }
0x63: {  	_ =	shalt  }
0x64: {  	_ =	shalt  }
0x65: {  	_ =	shalt  }
0x66: {  	_ =	shalt  }
0x67: {  	_ =	shalt  }
0x68: {  	_ =	shalt  }
0x69: {  	_ =	shalt  }
0x6a: {  	_ =	shalt  }
0x6b: {  	_ =	shalt  }
0x6c: {  	_ =	shalt  }
0x6d: {  	_ =	shalt  }
0x6e: {  	_ =	shalt  }
0x6f: {  	_ =	shalt  }
0x70: {  	_ =	shalt  }
0x71: {  	_ =	shalt  }
0x72: {  	_ =	shalt  }
0x73: {  	_ =	shalt  }
0x74: {  	_ =	shalt  }
0x75: {  	_ =	shalt  }
0x76: {  	_ =	shalt  }
0x77: {  	_ =	shalt  }
0x78: {  	_ =	shalt  }
0x79: {  	_ =	shalt  }
0x7a: {  	_ =	shalt  }
0x7b: {  	_ =	shalt  }
0x7c: {  	_ =	shalt  }
0x7d: {  	_ =	shalt  }
0x7e: {  	_ =	shalt  }
0x7f: {  	_ =	shalt  }
0x80: {  	_ =	shalt  }
0x81: {  	_ =	shalt  }
0x82: {  	_ =	shalt  }
0x83: {  	_ =	shalt  }
0x84: {  	_ =	shalt  }
0x85: {  	_ =	shalt  }
0x86: {  	_ =	shalt  }
0x87: {  	_ =	shalt  }
.Lfunc_end0:
.L_simem_size_0:
called_computation.1_lowered:
.L_overlay_start_0:
0x88: {  	s2 =	sld [smem:$0x3FD9]  }
0x89: {  	s3 =	sld [smem:$0x3FFE];
	_ =	sdelay $0x1  }
0x8a: {  	s1 =	srdreg.scid  }
0x8b: {  	s0 =	sand.u32 $0x1, s1  }
0x8c: {  	s17 =	sshll.u32 s0, $0xA;
	s2 =	sadd.s32 s3, s2  }
0x8d: {  	s2 =	sadd.s32 s2, s17  }
0x8e: {  	[smem:$0x3FB8] =	sst s2  }
0x8f: {  	_ = 	snop  }
0x90: {  	s2 =	sld [smem:$0x3FC9];
	(tm) =	ssettm $0x1  }
0x91: {  	s18 =	sld [smem:$0x3FFB];
	_ =	sdelay $0x3  }
0x92: {  	_ =	strace s18  }
0x93: {  	s3 =	sld [smem:$0x3FFC];
	_ =	sdelay $0x3  }
0x94: {  	_ =	strace s3  }
0x95: {  	s3 =	sld [smem:$0x3FFD];
	_ =	sdelay $0x3  }
0x96: {  	_ =	strace s3  }
0x97: {  	_ =	strace $0x8FFFFFFF  }
0x98: {  	s19 =	sld [smem:$0x3FDB];
	_ =	sdelay $0x1  }
0x99: {  	s4 =	simm.s32 $_scs_section_size  }
0x9a: {  	s5 =	simm.s32 $_size__tile_overlayer_lowered;
	s6 =	simm.s32 $_tile_overlayer_lowered  }
0x9b: {  	s22 =	simm.s32 $0x1BFF;
	s21 =	sshll.u32 s6, $0x1;
	s3 =	sadd.s32 s4, s19  }
0x9c: {  	s7 =	simm.s32 $0x0;
	s20 =	sshll.u32 s5, $0x1;
	s5 =	sadd.s32 s21, s3  }
0x9d: {  	[timem:s7], [sflag:s22] =	dma.local [hbm:s5], s20  }
0x9e: {  	_ =	swait.ge [sflag:s22], s20  }
0x9f: {  	s4 =	ssub.s32 $0x0, s20;
	[sflag:s22] =	ssyncset.done $0x0  }
0xa0: {  	[sflag:s22] =	ssyncadd.s32 s4;
	_ =	sdelay $0x1  }
0xa1: {  	s23 =	simm.s32 $0x1B8B  }
0xa2: {  	_ =	swait.ge [sflag:s23], $0x1  }
0xa3: {  	[sflag:s23] =	ssyncset.done $0x0  }
0xa4: {  	s25 =	simm.s32 $0x1B8E;
	s24 =	sld [smem:$0x3FFE];
	[sflag:s23] =	ssyncadd.s32 $0xFFFFFFFF  }
0xa5: {  	s26 =	simm.s32 $execute0_lowered;
	[smem:$0x3FD2] =	sst s25  }
0xa6: {  	s5 =	sshll.u32 s26, $0x1;
	_ =	strace $0x80000049;
	[dreg:$0x1] =	wrdreg $0xFFFFFFFF  }
0xa7: {  	s28 =	simm.s32 $_size_execute0_lowered;
	s3 =	sadd.s32 s3, s5;
	[dreg:$0x0] =	wrdreg $0x0  }
0xa8: {  	s5 =	sshll.u32 s28, $0x1;
	[dreg:$0x2] =	wrdreg s3  }
0xa9: {  	[dreg:$0x3] =	wrdreg s5  }
0xaa: {  	[dreg:$0x4] =	wrdreg $0xC0  }
0xab: {  	_ =	task [dreg:s7], $0x5FFFF  }
0xac: {  	[dreg:$0x1] =	wrdreg $0xFFFFFFFF  }
0xad: {  	[dreg:$0x0] =	wrdreg $0x60  }
0xae: {  	[dreg:$0x2] =	wrdreg s24  }
0xaf: {  	[dreg:$0x3] =	wrdreg s2  }
0xb0: {  	[dreg:$0x4] =	wrdreg $0x84800  }
0xb1: {  	[dreg:$0x5] =	wrdreg $0x9  }
0xb2: {  	_ =	task.clear_ibuf [dreg:s7], $0x6FFFF;
	_ =	strace $0x90000049  }
0xb3: {  	s29 =	simm.s32 $0x9;
	_ =	strace $0x8000004B  }
0xb4: {  	_ =	swait.ge [sflag:s29], $0x1  }
0xb5: {  	[sflag:s29] =	ssyncadd.s32 $0xFFFFFFFF  }
0xb6: {  	_ =	strace $0x9000004B  }
0xb7: {  	_ =	sfence  }
0xb8: {  	s30 =	sld [smem:$0x0];
	_ =	sdelay $0x2  }
0xb9: {  	s31 =	sshll.u32 s1, $0xD;
	s1 =	sshrl.u32 s1, $0x2  }
0xba: {  	s3 =	sand.u32 $0x4000, s31;
	s1 =	sadd.s32 s1, s30  }
0xbb: {  	s0 =	sor.u32 s3, s0;
	s1 =	sshll.u32 s1, $0x11  }
0xbc: {  	s0 =	sor.u32 s1, s0  }
0xbd: {  	s0 =	sadd.s32 $0x8F2B, s0  }
0xbe: {  	[sflag:s0] =	ssyncadd.remote.s32 $0x1  }
0xbf: {  	_ =	sfence.sel $0xFFFF  }
0xc0: {  	[dreg:$0x0] =	wrdreg $0xFFFFFFFF;
	(pc) =	sbr.abs _section_cstart, $3  }
0xc1: {  	[dreg:$0x1] =	wrdreg $0xFFFFFFFF  }
0xc2: {  	_ =	task.clear_ibuf [dreg:s7], $0x2FFFF;
	_ =	strace $0x9FFFFFFF  }
0xc3: {  	(tm) =	ssettm $0x7FFFFFFF  }
tec
execute0_lowered:
.L_overlay_start_1:
0x0: {  	(tag) =	ssettag $0x1  }
0x1: {  	s8 =	rddreg [dreg:$0x0]  }
0x2: {  	s0 =	srdreg.scid;
	s1 =	rddreg [dreg:$0x1]  }
0x3: {  	s2 =	rddreg [dreg:$0x2];
	s25 =	stileid.u32  }
0x4: {  	s3 =	simm.s32 $0x0;
	s15 =	simm.s32 $0x5;
	s16 =	simm.s32 $0x2780  }
0x5: {  	s17 =	simm.s32 $0x50;
	s18 =	simm.s32 $0x2880;
	s19 =	simm.s32 $0x2800  }
0x6: {  	s20 =	simm.s32 $0x5080;
	s21 =	simm.s32 $0x3;
	s22 =	simm.s32 $0x1  }
0x7: {  	s23 =	simm.s32 $0x4;
	s9 =	sand.u32 $0x1, s0;
	s0 =	rddreg [dreg:$0x3]  }
0x8: {  	s24 =	simm.s32 $0x2;
	[smem:$0x7FF] =	sst s3;
	s12 =	smul.u32 $0x4E000, s25  }
0x9: {  	s10 =	sadd.s32 $0x4A00, s8;
	s14 =	smul.u32 $0x4E2, s25;
	p1 =	sne.s32 s25, $0x0  }
0xa: {  	p2 =	seq.s32 s25, $0x0;
	s4 =	sshll.u32 s9, $0x4;
	_ =	strace $0x8000004A  }
0xb: {  	s5 =	ssub.s32 $0x2, s9;
	s13 =	smul.u32 $0x4E20, s9;
	p0 =	seq.s32 s9, $0x1  }
0xc: {  	s9 =	smul.u32 $0x2700, s25;
	s4 =	sor.u32 s25, s4;
	s11 =	sshrl.u32 s5, $0x1  }
0xd: {  	s12 =	sshrl.u32 s12, $0x2;
	s25 =	simm.s32 $0x0;
	s7 =	smul.u32 $0x4E2, s4  }
.Ltmp0:
0xe: {  	s4 =	sadd.s32 $0x66800, s8;
	s31 =	sadd.s32 s13, s10;
	(pc) =	sbr.rel .LBB2_1-.Ltmp0, $4  }
0xf: {  	s11 =	ssub.s32 s5, s11;
	s5 =	sadd.s32 $0x138000, s2;
	s13 =	sadd.s32 s14, s31  }
0x10: {  	s14 =	simm.s32 $0x7880;
	s6 =	sadd.s32 s7, s8;
	s7 =	sadd.s32 s10, s7  }
0x11: {  	s8 =	sadd.s32 $0x8D900, s8;
	s10 =	smax.u32 s11, $0x1;
	s11 =	sadd.s32 s12, s2  }
0x12: {  	v0 =	vimm.f32 $0.0e+00;
	s12 =	sadd.s32 $0xA, s13;
	s13 =	sadd.s32 s9, s4;
	s6 =	sadd.s32 $0xE800, s6  }
.LBB2_14:
0x13: {  	[tilespmem:s14], [sflag:$0x5] =	stream.linear.gather [spmem:s5], $0x800, $0x38;
	[tilespmem:$0x1BD00] =	vst v63  }
0x14: {  	_ =	swait.ge [sflag:s15], $0x800  }
0x15: {  	[sflag:s15] =	ssyncset.done $0x0  }
0x16: {  	s26 =	sadd.s32 $0x27000, s26;
	[sflag:s15] =	ssyncadd.s32 $0xFFFFF800  }
0x17: {  	[hbm4b:s26+s3] =	stream.linear.scatter [tilespmem:s14], [sflag:$0x5], $0x800, $0x38;
	[tilespmem:$0x1BD00] =	vst v63  }
0x18: {  	_ =	swait.ge [sflag:s15], $0x800  }
0x19: {  	[sflag:s15] =	ssyncset.done $0x0  }
0x1a: {  	[sflag:s15] =	ssyncadd.s32 $0xFFFFF800  }
.LBB2_15:
0x1b: {  	s25 =	sadd.s32 $0x1, s25  }
0x1c: {  	p3 =	sne.s32 s25, s10  }
.Ltmp1:
0x1d: {  	_ = 	snop;
	(pc) =	sbr.rel @!p3 .LBB2_16-.Ltmp1, $1  }
0x1e: {  	_ =	sdelay $0x3  }
.LBB2_1:
0x1f: {  	s26 =	simm.s32 $0x0;
	s28 =	simm.s32 $0x200  }
.LBB2_2:
0x20: {  	p3 =	sne.s32 s28, $0x2E00;
	[tilespmem:s26+$0x78F0] =	vst v0  }
0x21: {  	[tilespmem:s26+$0x7880] =	vst v0  }
0x22: {  	[tilespmem:s26+$0x7890] =	vst v0  }
.Ltmp2:
0x23: {  	[tilespmem:s26+$0x78A0] =	vst v0;
	(pc) =	sbr.rel @p3 .LBB2_2-.Ltmp2, $4  }
0x24: {  	[tilespmem:s26+$0x78B0] =	vst v0  }
0x25: {  	[tilespmem:s26+$0x78C0] =	vst v0  }
0x26: {  	[tilespmem:s26+$0x78D0] =	vst v0  }
0x27: {  	[tilespmem:s26+$0x78E0] =	vst v0;
	s26 =	sshra.s32 s28, $0x2;
	s28 =	sadd.s32 $0x200, s28  }
0x28: {  	[tilespmem:s26+$0x78F0] =	vst v0  }
0x29: {  	[tilespmem:s26+$0x7880] =	vst v0  }
0x2a: {  	[tilespmem:s26+$0x7890] =	vst v0  }
0x2b: {  	[tilespmem:s26+$0x78A0] =	vst v0  }
0x2c: {  	[tilespmem:s26+$0x78B0] =	vst v0  }
0x2d: {  	[tilespmem:s26+$0x78C0] =	vst v0  }
0x2e: {  	[tilespmem:s26+$0x78D0] =	vst v0  }
0x2f: {  	[tilespmem:s26+$0x78E0] =	vst v0;
	s31 =	sadd.s32 $0x0, s11  }
0x30: {  	[spmem:s31] =	stream.linear.scatter [tilespmem:s14], [sflag:$0x5], $0xC00, $0x38;
	[tilespmem:$0x1BD00] =	vst v63  }
0x31: {  	s26 =	simm.s32 $0x3000;
	_ =	swait.ge [sflag:s15], $0xC00  }
.LBB2_4:
0x32: {  	s28 =	sshra.s32 s26, $0x2;
	[sflag:s15] =	ssyncset.done $0x0;
	p3 =	sne.s32 s26, $0x4B000  }
.Ltmp3:
0x33: {  	s28 =	sadd.s32 s28, s11;
	[sflag:s15] =	ssyncadd.s32 $0xFFFFF400;
	(pc) =	sbr.rel @p3 .LBB2_4-.Ltmp3, $3  }
0x34: {  	[spmem:s28] =	stream.linear.scatter [tilespmem:s14], [sflag:$0x5], $0xC00, $0x38;
	[tilespmem:$0x1BD00] =	vst v63  }
0x35: {  	s26 =	sadd.s32 $0x3000, s26;
	_ =	sdelay $0x1  }
0x36: {  	_ =	swait.ge [sflag:s15], $0xC00  }
0x37: {  	[sflag:s15] =	ssyncset.done $0x0  }
0x38: {  	s26 =	simm.s32 @!p1 $0x7880;
	[sflag:s15] =	ssyncadd.s32 $0xFFFFF400  }
0x39: {  	[spmem:s5] =	stream.linear.scatter @!p1 [tilespmem:s26], [sflag:$0x5], $0x800, $0x38;
	[tilespmem:$0x1BD00] =	vst v63  }
0x3a: {  	s26 =	simm.s32 @!p1 $0x5  }
0x3b: {  	_ =	swait.ge @!p1 [sflag:s26], $0x800  }
0x3c: {  	[sflag:s26] =	ssyncset.done @!p1 $0x0  }
0x3d: {  	s31 =	simm.s32 $0x0;
	[sflag:s26] =	ssyncadd.s32 @!p1 $0xFFFFF800  }
0x3e: {  	[tilespmem:s31], [sflag:$0x5] =	stream.linear.gather [hbm4b:s6+s31], $0x2710, $0x38;
	[tilespmem:$0x1BD00] =	vst v63  }
0x3f: {  	_ =	swait.ge [sflag:s15], $0x2710  }
0x40: {  	[sflag:s15] =	ssyncset.done $0x0  }
0x41: {  	[sflag:s15] =	ssyncadd.s32 $0xFFFFD8F0  }
0x42: {  	[bflag:$0x0] =	sbarrier.arrive $0xFFFF  }
0x43: {  	[tilespmem:s16], [sflag:$0x3] =	stream.linear.gather [hbm4b:s7+s31], $0x50, $0x38;
	[tilespmem:$0x1BD00] =	vst v63  }
0x44: {  	_ = 	snop  }
0x45: {  	[tilespmem:s18], [sflag:$0x1] =	stream.indirect.gather [hbm4b:s1+s17], $0x80, s31, s17, $0xb8;
	[tilespmem:$0x1BD00] =	vst v63  }
0x46: {  	_ = 	snop  }
0x47: {  	[tilespmem:s19], [sflag:$0x4] =	stream.linear.gather [hbm4b:s12+s3], $0x50, $0x38;
	[tilespmem:$0x1BD00] =	vst v63  }
0x48: {  	s29 =	simm.s32 $0x50  }
0x49: {  	[tilespmem:s20], [sflag:$0x2] =	stream.indirect.gather [hbm4b:s1+s17], $0x80, s29, s17, $0xb8;
	[tilespmem:$0x1BD00] =	vst v63  }
0x4a: {  	_ =	swait.ge [sflag:s21], $0x50  }
0x4b: {  	[sflag:s21] =	ssyncset.done $0x0  }
0x4c: {  	[sflag:s21] =	ssyncadd.s32 $0xFFFFFFB0  }
0x4d: {  	_ =	swait.ge [sflag:s22], $0x2800  }
0x4e: {  	[sflag:s22] =	ssyncset.done $0x0  }
0x4f: {  	[sflag:s22] =	ssyncadd.s32 $0xFFFFD800  }
0x50: {  	[spmem:s2] =	stream.indirect.scatter.add.f32 [tilespmem:s18], [sflag:$0x5], $0x80, s16, s17, $0xb8;
	[tilespmem:$0x1BD00] =	vst v63  }
0x51: {  	_ =	swait.ge [sflag:s15], $0x2800  }
0x52: {  	[sflag:s15] =	ssyncset.done $0x0  }
0x53: {  	s30 =	sadd.s32 $0xA, s12;
	[sflag:s15] =	ssyncadd.s32 $0xFFFFD800  }
0x54: {  	[tilespmem:s16], [sflag:$0x3] =	stream.linear.gather [hbm4b:s30+s3], $0x50, $0x38;
	[tilespmem:$0x1BD00] =	vst v63  }
0x55: {  	s31 =	simm.s32 $0xA0  }
0x56: {  	[tilespmem:s18], [sflag:$0x1] =	stream.indirect.gather [hbm4b:s1+s17], $0x80, s31, s17, $0xb8;
	[tilespmem:$0x1BD00] =	vst v63  }
0x57: {  	_ =	swait.ge [sflag:s23], $0x50  }
0x58: {  	[sflag:s23] =	ssyncset.done $0x0  }
0x59: {  	[sflag:s23] =	ssyncadd.s32 $0xFFFFFFB0  }
0x5a: {  	_ =	swait.ge [sflag:s24], $0x2800  }
0x5b: {  	[sflag:s24] =	ssyncset.done $0x0  }
0x5c: {  	[sflag:s24] =	ssyncadd.s32 $0xFFFFD800  }
0x5d: {  	[spmem:s2] =	stream.indirect.scatter.add.f32 [tilespmem:s20], [sflag:$0x5], $0x80, s19, s17, $0xb8;
	[tilespmem:$0x1BD00] =	vst v63  }
0x5e: {  	_ =	swait.ge [sflag:s15], $0x2800  }
0x5f: {  	s28 =	simm.s32 $0x280;
	s26 =	sadd.s32 $0x14, s12;
	[sflag:s15] =	ssyncset.done $0x0  }
.LBB2_6:
0x60: {  	s30 =	smov.u32 s28  }
0x61: {  	s29 =	sshra.s32 s28, $0x2;
	[sflag:s15] =	ssyncadd.s32 $0xFFFFD800;
	s30 =	sadd.s32 $0x280, s28  }
0x62: {  	[tilespmem:s19], [sflag:$0x4] =	stream.linear.gather [hbm4b:s26+s3], $0x50, $0x38;
	[tilespmem:$0x1BD00] =	vst v63  }
0x63: {  	p3 =	sne.s32 s28, $0x9880;
	s31 =	sadd.s32 $0x50, s29  }
0x64: {  	[tilespmem:s20], [sflag:$0x2] =	stream.indirect.gather [hbm4b:s1+s17], $0x80, s31, s17, $0xb8;
	[tilespmem:$0x1BD00] =	vst v63  }
0x65: {  	_ =	swait.ge [sflag:s21], $0x50  }
0x66: {  	[sflag:s21] =	ssyncset.done $0x0  }
0x67: {  	[sflag:s21] =	ssyncadd.s32 $0xFFFFFFB0  }
0x68: {  	_ =	swait.ge [sflag:s22], $0x2800  }
0x69: {  	[sflag:s22] =	ssyncset.done $0x0  }
0x6a: {  	[sflag:s22] =	ssyncadd.s32 $0xFFFFD800  }
0x6b: {  	[spmem:s2] =	stream.indirect.scatter.add.f32 [tilespmem:s18], [sflag:$0x5], $0x80, s16, s17, $0xb8;
	[tilespmem:$0x1BD00] =	vst v63  }
0x6c: {  	_ =	swait.ge [sflag:s15], $0x2800  }
0x6d: {  	[sflag:s15] =	ssyncset.done $0x0  }
0x6e: {  	s28 =	sadd.s32 $0xA, s26;
	[sflag:s15] =	ssyncadd.s32 $0xFFFFD800  }
0x6f: {  	[tilespmem:s16], [sflag:$0x3] =	stream.linear.gather [hbm4b:s28+s3], $0x50, $0x38;
	[tilespmem:$0x1BD00] =	vst v63  }
0x70: {  	s28 =	sadd.s32 $0xA0, s29  }
0x71: {  	[tilespmem:s18], [sflag:$0x1] =	stream.indirect.gather [hbm4b:s1+s17], $0x80, s28, s17, $0xb8;
	[tilespmem:$0x1BD00] =	vst v63  }
0x72: {  	_ =	swait.ge [sflag:s23], $0x50  }
0x73: {  	[sflag:s23] =	ssyncset.done $0x0  }
0x74: {  	[sflag:s23] =	ssyncadd.s32 $0xFFFFFFB0  }
0x75: {  	_ =	swait.ge [sflag:s24], $0x2800  }
.Ltmp4:
0x76: {  	[sflag:s24] =	ssyncset.done $0x0;
	(pc) =	sbr.rel @p3 .LBB2_6-.Ltmp4, $4  }
0x77: {  	[sflag:s24] =	ssyncadd.s32 $0xFFFFD800  }
0x78: {  	[spmem:s2] =	stream.indirect.scatter.add.f32 [tilespmem:s20], [sflag:$0x5], $0x80, s19, s17, $0xb8;
	[tilespmem:$0x1BD00] =	vst v63  }
0x79: {  	_ =	swait.ge [sflag:s15], $0x2800  }
0x7a: {  	s26 =	sadd.s32 $0x14, s26;
	s28 =	smov.u32 s30;
	[sflag:s15] =	ssyncset.done $0x0  }
0x7b: {  	[sflag:s15] =	ssyncadd.s32 $0xFFFFD800  }
0x7c: {  	_ =	swait.ge [sflag:s21], $0x50  }
0x7d: {  	[sflag:s21] =	ssyncset.done $0x0  }
0x7e: {  	[sflag:s21] =	ssyncadd.s32 $0xFFFFFFB0  }
0x7f: {  	_ =	swait.ge [sflag:s22], $0x2800  }
0x80: {  	[sflag:s22] =	ssyncset.done $0x0  }
0x81: {  	[sflag:s22] =	ssyncadd.s32 $0xFFFFD800  }
0x82: {  	[spmem:s2] =	stream.indirect.scatter.add.f32 [tilespmem:s18], [sflag:$0x5], $0x80, s16, s17, $0xb8;
	[tilespmem:$0x1BD00] =	vst v63  }
.Ltmp5:
0x83: {  	_ =	swait.ge [sflag:s15], $0x2800;
	(pc) =	sbr.rel @!p0 .LBB2_8-.Ltmp5, $3  }
0x84: {  	[sflag:s15] =	ssyncset.done $0x0  }
0x85: {  	[sflag:s15] =	ssyncadd.s32 $0xFFFFD800  }
0x86: {  	[bflag:$0x0] =	sbarrier.arrive $0xFFFF;
	_ =	sdelay $0x1  }
0x87: {  	[tilespmem:s14], [sflag:$0x5] =	stream.linear.gather [spmem:s11], $0xC00, $0x38;
	[tilespmem:$0x1BD00] =	vst v63  }
0x88: {  	_ =	swait.ge [sflag:s15], $0xC00  }
0x89: {  	s26 =	sadd.s32 s8, s9;
	[sflag:s15] =	ssyncset.done $0x0  }
0x8a: {  	s28 =	sadd.s32 $0x0, s26;
	[sflag:s15] =	ssyncadd.s32 $0xFFFFF400  }
0x8b: {  	[hbm4b:s28+s3] =	stream.linear.scatter [tilespmem:s14], [sflag:$0x5], $0xC00, $0x38;
	[tilespmem:$0x1BD00] =	vst v63  }
0x8c: {  	_ =	swait.ge [sflag:s15], $0xC00  }
0x8d: {  	s29 =	smov.u32 s11;
	s28 =	simm.s32 $0x180;
	[sflag:s15] =	ssyncset.done $0x0  }
.LBB2_12:
0x8e: {  	p3 =	sne.s32 s28, $0x2580;
	[sflag:s15] =	ssyncadd.s32 $0xFFFFF400;
	s29 =	sadd.s32 $0xC00, s29  }
0x8f: {  	[tilespmem:s14], [sflag:$0x5] =	stream.linear.gather [spmem:s29], $0xC00, $0x38;
	[tilespmem:$0x1BD00] =	vst v63  }
0x90: {  	s30 =	smov.u32 s28;
	s28 =	sadd.s32 $0x180, s28;
	_ =	swait.ge [sflag:s15], $0xC00  }
.Ltmp6:
0x91: {  	[sflag:s15] =	ssyncset.done $0x0;
	(pc) =	sbr.rel @p3 .LBB2_12-.Ltmp6, $4  }
0x92: {  	s30 =	sadd.s32 s30, s26;
	[sflag:s15] =	ssyncadd.s32 $0xFFFFF400  }
0x93: {  	[hbm4b:s30+s3] =	stream.linear.scatter [tilespmem:s14], [sflag:$0x5], $0xC00, $0x38;
	[tilespmem:$0x1BD00] =	vst v63  }
0x94: {  	_ =	swait.ge [sflag:s15], $0xC00  }
0x95: {  	[sflag:s15] =	ssyncset.done $0x0  }
.Ltmp7:
0x96: {  	(pc) =	sbr.rel @p1 .LBB2_15-.Ltmp7, $4  }
.Ltmp8:
0x97: {  	(pc) =	sbr.rel @!p1 .LBB2_14-.Ltmp8, $4  }
0x98: {  	_ = 	snop  }
0x99: {  	_ = 	snop  }
0x9a: {  	[sflag:s15] =	ssyncadd.s32 $0xFFFFF400;
	s26 =	smov.u32 s8  }
0x9b: {  	_ = 	snop  }
.LBB2_8:
0x9c: {  	[tilespmem:s14], [sflag:$0x5] =	stream.linear.gather [spmem:s11], $0xC00, $0x38;
	[tilespmem:$0x1BD00] =	vst v63  }
0x9d: {  	_ =	swait.ge [sflag:s15], $0xC00  }
0x9e: {  	[sflag:s15] =	ssyncset.done $0x0  }
0x9f: {  	s26 =	sadd.s32 $0x0, s13;
	[sflag:s15] =	ssyncadd.s32 $0xFFFFF400  }
0xa0: {  	[hbm4b:s26+s3] =	stream.linear.scatter [tilespmem:s14], [sflag:$0x5], $0xC00, $0x38;
	[tilespmem:$0x1BD00] =	vst v63  }
0xa1: {  	_ =	swait.ge [sflag:s15], $0xC00  }
0xa2: {  	s28 =	smov.u32 s11;
	s26 =	simm.s32 $0x180;
	[sflag:s15] =	ssyncset.done $0x0  }
.LBB2_9:
0xa3: {  	p3 =	sne.s32 s26, $0x2580;
	[sflag:s15] =	ssyncadd.s32 $0xFFFFF400;
	s28 =	sadd.s32 $0xC00, s28  }
0xa4: {  	[tilespmem:s14], [sflag:$0x5] =	stream.linear.gather [spmem:s28], $0xC00, $0x38;
	[tilespmem:$0x1BD00] =	vst v63  }
0xa5: {  	s29 =	smov.u32 s26;
	s26 =	sadd.s32 $0x180, s26;
	_ =	swait.ge [sflag:s15], $0xC00  }
.Ltmp9:
0xa6: {  	[sflag:s15] =	ssyncset.done $0x0;
	(pc) =	sbr.rel @p3 .LBB2_9-.Ltmp9, $4  }
0xa7: {  	s29 =	sadd.s32 s29, s13;
	[sflag:s15] =	ssyncadd.s32 $0xFFFFF400  }
0xa8: {  	[hbm4b:s29+s3] =	stream.linear.scatter [tilespmem:s14], [sflag:$0x5], $0xC00, $0x38;
	[tilespmem:$0x1BD00] =	vst v63  }
0xa9: {  	_ =	swait.ge [sflag:s15], $0xC00  }
0xaa: {  	[sflag:s15] =	ssyncset.done $0x0  }
.Ltmp10:
0xab: {  	(pc) =	sbr.rel @!p2 .LBB2_15-.Ltmp10, $4  }
.Ltmp11:
0xac: {  	(pc) =	sbr.rel @p2 .LBB2_14-.Ltmp11, $4  }
0xad: {  	_ = 	snop  }
0xae: {  	_ = 	snop  }
0xaf: {  	[sflag:s15] =	ssyncadd.s32 $0xFFFFF400;
	s26 =	smov.u32 s4  }
0xb0: {  	_ = 	snop  }
.LBB2_16:
0xb1: {  	_ =	sfence.sel $0x180000  }
0xb2: {  	[bflag:$0x0] =	sbarrier.arrive $0xFFFF  }
0xb3: {  	_ =	strace $0x9000004A  }
0xb4: {  	s0 =	sadd.s32 @!p1 $0x100000, s0;
	[bflag:$0x2] =	sbarrier.arrive $0xFFFF  }
0xb5: {  	[sflag:s0] =	ssyncadd.tile.s32 @!p1 $0x1;
	_ =	shalt  }
.Lfunc_end2:
_tile_overlayer_lowered:
.L_overlay_start_2:
0xb6: {  	(tag) =	ssettag $0x2  }
0xb7: {  	s0 =	rddreg [dreg:$0x0];
	s2 =	stileid.u32  }
0xb8: {  	s1 =	rddreg [dreg:$0x1];
	p0 =	sne.s32 s2, $0x0  }
0xb9: {  	s3 =	rddreg [dreg:$0x2];
	[bflag:$0x3] =	sbarrier.arrive $0xFFFF;
	s2 =	simm.s32 @!p0 $0x1C05  }
0xba: {  	[timem:s3], [sflag:s2] =	dma.local @!p0 [hbm:s0], s1  }
0xbb: {  	s0 =	simm.s32 @!p0 $0x5  }
0xbc: {  	_ =	swait.ge @!p0 [sflag:s0], s1  }
0xbd: {  	s1 =	ssub.s32 @!p0 $0x0, s1;
	[sflag:s0] =	ssyncset.done @!p0 $0x0  }
0xbe: {  	[sflag:s0] =	ssyncadd.s32 @!p0 s1  }
0xbf: {  	[bflag:$0x3] =	sbarrier.arrive $0xFFFF  }
0xc0: {  	_ =	shalt  }

// kernel: kernel.16.cloned.1.call-start
scs
__scs_entry_jumppad:
0x0: {  	(pc) =	sbr.rel $0x88, $3  }
0x1: {  	(tag) =	ssettag $0x0;
	lr =	simm.s32 $0x1  }
0x2: {  	[smem:$0x3F91] =	sst lr;
	_ =	strace $0xD0000000  }
0x3: {  	_ = 	snop  }
0x4: {  	_ = 	snop  }
0x5: {  	_ = 	snop  }
0x6: {  	_ = 	snop  }
0x7: {  	_ = 	snop  }
__scs_overlays_trampoline_lowered:
0x8: {  	[smem:$0x3FA0] =	sst s0  }
0x9: {  	[smem:$0x3FA1] =	sst s1  }
0xa: {  	[smem:$0x3FA2] =	sst s2  }
0xb: {  	[smem:$0x3FA3] =	sst s3  }
0xc: {  	[smem:$0x3FA4] =	sst s4  }
0xd: {  	[smem:$0x3FA5] =	sst s5  }
0xe: {  	[smem:$0x3FA6] =	sst s6  }
0xf: {  	[smem:$0x3FA7] =	sst s7  }
0x10: {  	[smem:$0x3FA8] =	sst s8  }
0x11: {  	[smem:$0x3FA9] =	sst s9;
	s0 =	simm.s32 @!p0 $0x0  }
0x12: {  	s1 =	sld [smem:$0x3F8F];
	s0 =	simm.s32 @p0 $0x1  }
0x13: {  	[smem:$0x3FAA] =	sst s0;
	s0 =	simm.s32 @!p1 $0x0  }
0x14: {  	s2 =	sld [smem:$0x3F8E];
	s0 =	simm.s32 @p1 $0x1  }
0x15: {  	[smem:$0x3FAB] =	sst s0;
	s0 =	simm.s32 @!p2 $0x0  }
0x16: {  	s3 =	sld [smem:$0x3FDB];
	s0 =	simm.s32 @p2 $0x1  }
0x17: {  	s4 =	simm.s32 $0x1BF5;
	[smem:$0x3FAD] =	sst s0  }
0x18: {  	s0 =	sld [smem:$0x3F90];
	_ =	swait.ge [sflag:s4], $0x0  }
0x19: {  	s7 =	sld [smem:$0x3F91]  }
0x1a: {  	s8 =	sadd.s32 $0xFFFFE003, lr  }
0x1b: {  	s9 =	sadd.s32 $0xFFFFFEF7, lr;
	s5 =	simm.s32 $0xFFFFFFFF;
	p2 =	slt.u32 s8, $0xFFFFF086  }
0x1c: {  	p1 =	slt.u32 s9, $0xF7A;
	s5 =	simm.s32 @!p2 $0x0  }
0x1d: {  	s5 =	simm.s32 @p1 $0x1;
	p0 =	seq.s32 s7, s2  }
0x1e: {  	s7 =	smul.u32 @!p0 $0xF7A, s2;
	p2 =	seq.s32 @!p0 s5, $0x0  }
0x1f: {  	s9 =	smul.u32 $0xF7A, s1;
	s8 =	simm.s32 @!p0 $0x1BF5;
	p2 =	por !p2, p0  }
0x20: {  	[sflag:s8] =	ssyncset.s32 @!p0 $0xFFFFF086;
	s6 =	sadd.s32 @!p0 s3, s7;
	s7 =	simm.s32 @!p0 $0x108  }
0x21: {  	s3 =	sadd.s32 s3, s9;
	s6 =	sadd.s32 @!p0 $0x88, s6;
	s7 =	simm.s32 @p2 $0x1082  }
0x22: {  	[simem:s7], [sflag:s8] =	dma.local @!p0 [hbm:s6], $0xF7A  }
0x23: {  	s9 =	sor.u32 $0xD0000000, s2;
	s6 =	simm.s32 $0x108;
	_ =	swait.ge @!p0 [sflag:s8], $0x0  }
0x24: {  	s3 =	sadd.s32 $0x88, s3;
	s6 =	simm.s32 @!p1 $0x1082;
	[sflag:s4] =	ssyncset.s32 $0xFFFFF086  }
0x25: {  	[simem:s6], [sflag:s4] =	dma.local [hbm:s3], $0xF7A  }
0x26: {  	[smem:$0x3F91] =	sst s1;
	(tag) =	ssettag s2;
	_ =	strace s9  }
0x27: {  	s1 =	sld [smem:$0x3FA1]  }
0x28: {  	s2 =	sld [smem:$0x3FA2]  }
0x29: {  	s4 =	sld [smem:$0x3FA4]  }
0x2a: {  	p0 =	seq.s32 s5, $0x0;
	s5 =	sld [smem:$0x3FA5]  }
0x2b: {  	s6 =	sld [smem:$0x3FA6]  }
0x2c: {  	s7 =	sld [smem:$0x3FA7]  }
0x2d: {  	s3 =	simm.s32 $0x108;
	s8 =	sld [smem:$0x3FA8]  }
0x2e: {  	s3 =	simm.s32 @!p0 $0x1082;
	s9 =	sld [smem:$0x3FA9]  }
0x2f: {  	lr =	sadd.s32 s0, s3;
	s0 =	sld [smem:$0x3FA0]  }
0x30: {  	s3 =	sld [smem:$0x3FA3]  }
0x31: {  	[smem:$0x3FAC] =	sst s10  }
0x32: {  	s10 =	sld [smem:$0x3FAA];
	_ =	sdelay $0x3  }
0x33: {  	p0 =	seq.s32 s10, $0x1;
	s10 =	sld [smem:$0x3FAC];
	_ =	sdelay $0x3  }
0x34: {  	[smem:$0x3FAC] =	sst s10  }
0x35: {  	s10 =	sld [smem:$0x3FAB];
	_ =	sdelay $0x3  }
0x36: {  	p1 =	seq.s32 s10, $0x1;
	s10 =	sld [smem:$0x3FAC];
	_ =	sdelay $0x3  }
0x37: {  	[smem:$0x3FAC] =	sst s10  }
0x38: {  	s10 =	sld [smem:$0x3FAD]  }
0x39: {  	_ = 	snop;
	(pc) =	sbr.ind lr, $3  }
0x3a: {  	_ = 	snop  }
0x3b: {  	_ = 	snop  }
0x3c: {  	p2 =	seq.s32 s10, $0x1;
	s10 =	sld [smem:$0x3FAC]  }
0x3d: {  	_ =	shalt  }
0x3e: {  	_ =	shalt  }
0x3f: {  	_ =	shalt  }
0x40: {  	_ =	shalt  }
0x41: {  	_ =	shalt  }
0x42: {  	_ =	shalt  }
0x43: {  	_ =	shalt  }
0x44: {  	_ =	shalt  }
0x45: {  	_ =	shalt  }
0x46: {  	_ =	shalt  }
0x47: {  	_ =	shalt  }
0x48: {  	_ =	shalt  }
0x49: {  	_ =	shalt  }
0x4a: {  	_ =	shalt  }
0x4b: {  	_ =	shalt  }
0x4c: {  	_ =	shalt  }
0x4d: {  	_ =	shalt  }
0x4e: {  	_ =	shalt  }
0x4f: {  	_ =	shalt  }
0x50: {  	_ =	shalt  }
0x51: {  	_ =	shalt  }
0x52: {  	_ =	shalt  }
0x53: {  	_ =	shalt  }
0x54: {  	_ =	shalt  }
0x55: {  	_ =	shalt  }
0x56: {  	_ =	shalt  }
0x57: {  	_ =	shalt  }
0x58: {  	_ =	shalt  }
0x59: {  	_ =	shalt  }
0x5a: {  	_ =	shalt  }
0x5b: {  	_ =	shalt  }
0x5c: {  	_ =	shalt  }
0x5d: {  	_ =	shalt  }
0x5e: {  	_ =	shalt  }
0x5f: {  	_ =	shalt  }
0x60: {  	_ =	shalt  }
0x61: {  	_ =	shalt  }
0x62: {  	_ =	shalt  }
0x63: {  	_ =	shalt  }
0x64: {  	_ =	shalt  }
0x65: {  	_ =	shalt  }
0x66: {  	_ =	shalt  }
0x67: {  	_ =	shalt  }
0x68: {  	_ =	shalt  }
0x69: {  	_ =	shalt  }
0x6a: {  	_ =	shalt  }
0x6b: {  	_ =	shalt  }
0x6c: {  	_ =	shalt  }
0x6d: {  	_ =	shalt  }
0x6e: {  	_ =	shalt  }
0x6f: {  	_ =	shalt  }
0x70: {  	_ =	shalt  }
0x71: {  	_ =	shalt  }
0x72: {  	_ =	shalt  }
0x73: {  	_ =	shalt  }
0x74: {  	_ =	shalt  }
0x75: {  	_ =	shalt  }
0x76: {  	_ =	shalt  }
0x77: {  	_ =	shalt  }
0x78: {  	_ =	shalt  }
0x79: {  	_ =	shalt  }
0x7a: {  	_ =	shalt  }
0x7b: {  	_ =	shalt  }
0x7c: {  	_ =	shalt  }
0x7d: {  	_ =	shalt  }
0x7e: {  	_ =	shalt  }
0x7f: {  	_ =	shalt  }
0x80: {  	_ =	shalt  }
0x81: {  	_ =	shalt  }
0x82: {  	_ =	shalt  }
0x83: {  	_ =	shalt  }
0x84: {  	_ =	shalt  }
0x85: {  	_ =	shalt  }
0x86: {  	_ =	shalt  }
0x87: {  	_ =	shalt  }
.Lfunc_end0:
.L_simem_size_0:
called_computation.2_lowered:
.L_overlay_start_0:
0x88: {  	s2 =	sld [smem:$0x3FD9]  }
0x89: {  	s3 =	sld [smem:$0x3FFE];
	_ =	sdelay $0x1  }
0x8a: {  	s1 =	srdreg.scid  }
0x8b: {  	s0 =	sand.u32 $0x1, s1  }
0x8c: {  	s16 =	sshll.u32 s0, $0xA;
	s2 =	sadd.s32 s3, s2  }
0x8d: {  	s2 =	sadd.s32 s2, s16  }
0x8e: {  	[smem:$0x3FB8] =	sst s2  }
0x8f: {  	_ = 	snop  }
0x90: {  	(tm) =	ssettm $0x1  }
0x91: {  	s17 =	sld [smem:$0x3FFB];
	_ =	sdelay $0x3  }
0x92: {  	_ =	strace s17  }
0x93: {  	s2 =	sld [smem:$0x3FFC];
	_ =	sdelay $0x3  }
0x94: {  	_ =	strace s2  }
0x95: {  	s2 =	sld [smem:$0x3FFD];
	_ =	sdelay $0x3  }
0x96: {  	_ =	strace s2  }
0x97: {  	_ =	strace $0x8FFFFFFF  }
0x98: {  	s18 =	sld [smem:$0x3FDB];
	_ =	sdelay $0x1  }
0x99: {  	s19 =	simm.s32 $_scs_section_size  }
0x9a: {  	s4 =	simm.s32 $_size__tile_overlayer_lowered;
	s5 =	simm.s32 $_tile_overlayer_lowered  }
0x9b: {  	s22 =	simm.s32 $0x1BFF;
	s21 =	sshll.u32 s5, $0x1;
	s2 =	sadd.s32 s19, s18  }
0x9c: {  	s6 =	simm.s32 $0x0;
	s20 =	sshll.u32 s4, $0x1;
	s4 =	sadd.s32 s21, s2  }
0x9d: {  	[timem:s6], [sflag:s22] =	dma.local [hbm:s4], s20  }
0x9e: {  	_ =	swait.ge [sflag:s22], s20  }
0x9f: {  	s3 =	ssub.s32 $0x0, s20;
	[sflag:s22] =	ssyncset.done $0x0  }
0xa0: {  	[sflag:s22] =	ssyncadd.s32 s3;
	_ =	sdelay $0x1  }
0xa1: {  	s23 =	simm.s32 $0x1B8B  }
0xa2: {  	_ =	swait.ge [sflag:s23], $0x1  }
0xa3: {  	[sflag:s23] =	ssyncset.done $0x0  }
0xa4: {  	s25 =	simm.s32 $0x1B8E;
	s24 =	sld [smem:$0x3FFE];
	[sflag:s23] =	ssyncadd.s32 $0xFFFFFFFF  }
0xa5: {  	s26 =	simm.s32 $execute0_lowered;
	[smem:$0x3FD2] =	sst s25  }
0xa6: {  	s4 =	sshll.u32 s26, $0x1;
	_ =	strace $0x8000004C;
	[dreg:$0x1] =	wrdreg $0xFFFFFFFF  }
0xa7: {  	s28 =	simm.s32 $_size_execute0_lowered;
	s2 =	sadd.s32 s2, s4;
	[dreg:$0x0] =	wrdreg $0x0  }
0xa8: {  	s4 =	sshll.u32 s28, $0x1;
	[dreg:$0x2] =	wrdreg s2  }
0xa9: {  	[dreg:$0x3] =	wrdreg s4  }
0xaa: {  	[dreg:$0x4] =	wrdreg $0xC0  }
0xab: {  	_ =	task [dreg:s6], $0x5FFFF  }
0xac: {  	[dreg:$0x1] =	wrdreg $0xFFFFFFFF  }
0xad: {  	[dreg:$0x0] =	wrdreg $0x60  }
0xae: {  	[dreg:$0x2] =	wrdreg s24  }
0xaf: {  	[dreg:$0x3] =	wrdreg $0x84800  }
0xb0: {  	[dreg:$0x4] =	wrdreg $0x9  }
0xb1: {  	_ =	task.clear_ibuf [dreg:s6], $0x5FFFF;
	_ =	strace $0x9000004C  }
0xb2: {  	s29 =	simm.s32 $0x9;
	_ =	strace $0x8000004E  }
0xb3: {  	_ =	swait.ge [sflag:s29], $0x1  }
0xb4: {  	[sflag:s29] =	ssyncadd.s32 $0xFFFFFFFF  }
0xb5: {  	_ =	strace $0x9000004E  }
0xb6: {  	_ =	sfence  }
0xb7: {  	s30 =	sld [smem:$0x0];
	_ =	sdelay $0x2  }
0xb8: {  	s31 =	sshll.u32 s1, $0xD;
	s1 =	sshrl.u32 s1, $0x2  }
0xb9: {  	s3 =	sand.u32 $0x4000, s31;
	s1 =	sadd.s32 s1, s30  }
0xba: {  	s0 =	sor.u32 s3, s0;
	s1 =	sshll.u32 s1, $0x11  }
0xbb: {  	s0 =	sor.u32 s1, s0  }
0xbc: {  	s0 =	sadd.s32 $0x8F2B, s0  }
0xbd: {  	[sflag:s0] =	ssyncadd.remote.s32 $0x1  }
0xbe: {  	_ =	sfence.sel $0xFFFF  }
0xbf: {  	[dreg:$0x0] =	wrdreg $0xFFFFFFFF;
	(pc) =	sbr.abs _section_cstart, $3  }
0xc0: {  	[dreg:$0x1] =	wrdreg $0xFFFFFFFF  }
0xc1: {  	_ =	task.clear_ibuf [dreg:s6], $0x2FFFF;
	_ =	strace $0x9FFFFFFF  }
0xc2: {  	(tm) =	ssettm $0x7FFFFFFF  }
0xc3: {  	_ =	shalt  }
tec
execute0_lowered:
.L_overlay_start_1:
0x0: {  	(tag) =	ssettag $0x1  }
0x1: {  	s0 =	srdreg.scid;
	s8 =	rddreg [dreg:$0x0]  }
0x2: {  	s1 =	rddreg [dreg:$0x1];
	s25 =	stileid.u32;
	s2 =	simm.s32 $0x0  }
0x3: {  	s15 =	simm.s32 $0x5;
	s16 =	simm.s32 $0x2780;
	s17 =	simm.s32 $0x50  }
0x4: {  	s18 =	simm.s32 $0x2880;
	s19 =	simm.s32 $0x2800;
	s20 =	simm.s32 $0x5080  }
0x5: {  	s21 =	simm.s32 $0x3;
	s22 =	simm.s32 $0x1;
	s23 =	simm.s32 $0x4  }
0x6: {  	s24 =	simm.s32 $0x2;
	s9 =	sand.u32 $0x1, s0;
	s0 =	rddreg [dreg:$0x2]  }
0x7: {  	[smem:$0x7FF] =	sst s2;
	s10 =	sadd.s32 $0xE800, s8;
	s12 =	smul.u32 $0x4E000, s25  }
0x8: {  	s4 =	sadd.s32 $0x18600, s8;
	s14 =	smul.u32 $0x4E2, s25;
	p1 =	sne.s32 s25, $0x0  }
0x9: {  	p2 =	seq.s32 s25, $0x0;
	s3 =	sshll.u32 s9, $0x4;
	_ =	strace $0x8000004D  }
0xa: {  	s5 =	ssub.s32 $0x2, s9;
	s13 =	smul.u32 $0x4E20, s9;
	p0 =	seq.s32 s9, $0x1  }
0xb: {  	s9 =	smul.u32 $0x2700, s25;
	s3 =	sor.u32 s25, s3;
	s11 =	sshrl.u32 s5, $0x1  }
0xc: {  	s12 =	sshrl.u32 s12, $0x2;
	s25 =	simm.s32 $0x0;
	s7 =	smul.u32 $0x4E2, s3  }
.Ltmp0:
0xd: {  	s3 =	sadd.s32 $0xB4A00, s8;
	s31 =	sadd.s32 s13, s10;
	(pc) =	sbr.rel .LBB2_1-.Ltmp0, $4  }
0xe: {  	s11 =	ssub.s32 s5, s11;
	s5 =	sadd.s32 $0x138000, s1;
	s13 =	sadd.s32 s14, s31  }
0xf: {  	s14 =	simm.s32 $0x7880;
	s6 =	sadd.s32 s7, s8;
	s7 =	sadd.s32 s10, s7  }
0x10: {  	s8 =	sadd.s32 $0x3F700, s8;
	s10 =	smax.u32 s11, $0x1;
	s11 =	sadd.s32 s12, s1  }
0x11: {  	v0 =	vimm.f32 $0.0e+00;
	s12 =	sadd.s32 $0xA, s13;
	s13 =	sadd.s32 s9, s4;
	s6 =	sadd.s32 $0x4A00, s6  }
.LBB2_14:
0x12: {  	[tilespmem:s14], [sflag:$0x5] =	stream.linear.gather [spmem:s5], $0x800, $0x38;
	[tilespmem:$0x1BD00] =	vst v63  }
0x13: {  	_ =	swait.ge [sflag:s15], $0x800  }
0x14: {  	[sflag:s15] =	ssyncset.done $0x0  }
0x15: {  	s26 =	sadd.s32 $0x27000, s26;
	[sflag:s15] =	ssyncadd.s32 $0xFFFFF800  }
0x16: {  	[hbm4b:s26+s2] =	stream.linear.scatter [tilespmem:s14], [sflag:$0x5], $0x800, $0x38;
	[tilespmem:$0x1BD00] =	vst v63  }
0x17: {  	_ =	swait.ge [sflag:s15], $0x800  }
0x18: {  	[sflag:s15] =	ssyncset.done $0x0  }
0x19: {  	[sflag:s15] =	ssyncadd.s32 $0xFFFFF800  }
.LBB2_15:
0x1a: {  	s25 =	sadd.s32 $0x1, s25  }
0x1b: {  	p3 =	sne.s32 s25, s10  }
.Ltmp1:
0x1c: {  	_ = 	snop;
	(pc) =	sbr.rel @!p3 .LBB2_16-.Ltmp1, $1  }
0x1d: {  	_ =	sdelay $0x3  }
.LBB2_1:
0x1e: {  	s26 =	simm.s32 $0x0;
	s28 =	simm.s32 $0x200  }
.LBB2_2:
0x1f: {  	p3 =	sne.s32 s28, $0x2E00;
	[tilespmem:s26+$0x78F0] =	vst v0  }
0x20: {  	[tilespmem:s26+$0x7880] =	vst v0  }
0x21: {  	[tilespmem:s26+$0x7890] =	vst v0  }
.Ltmp2:
0x22: {  	[tilespmem:s26+$0x78A0] =	vst v0;
	(pc) =	sbr.rel @p3 .LBB2_2-.Ltmp2, $4  }
0x23: {  	[tilespmem:s26+$0x78B0] =	vst v0  }
0x24: {  	[tilespmem:s26+$0x78C0] =	vst v0  }
0x25: {  	[tilespmem:s26+$0x78D0] =	vst v0  }
0x26: {  	[tilespmem:s26+$0x78E0] =	vst v0;
	s26 =	sshra.s32 s28, $0x2;
	s28 =	sadd.s32 $0x200, s28  }
0x27: {  	[tilespmem:s26+$0x78F0] =	vst v0  }
0x28: {  	[tilespmem:s26+$0x7880] =	vst v0  }
0x29: {  	[tilespmem:s26+$0x7890] =	vst v0  }
0x2a: {  	[tilespmem:s26+$0x78A0] =	vst v0  }
0x2b: {  	[tilespmem:s26+$0x78B0] =	vst v0  }
0x2c: {  	[tilespmem:s26+$0x78C0] =	vst v0  }
0x2d: {  	[tilespmem:s26+$0x78D0] =	vst v0  }
0x2e: {  	[tilespmem:s26+$0x78E0] =	vst v0;
	s31 =	sadd.s32 $0x0, s11  }
0x2f: {  	[spmem:s31] =	stream.linear.scatter [tilespmem:s14], [sflag:$0x5], $0xC00, $0x38;
	[tilespmem:$0x1BD00] =	vst v63  }
0x30: {  	s26 =	simm.s32 $0x3000;
	_ =	swait.ge [sflag:s15], $0xC00  }
.LBB2_4:
0x31: {  	s28 =	sshra.s32 s26, $0x2;
	[sflag:s15] =	ssyncset.done $0x0;
	p3 =	sne.s32 s26, $0x4B000  }
.Ltmp3:
0x32: {  	s28 =	sadd.s32 s28, s11;
	[sflag:s15] =	ssyncadd.s32 $0xFFFFF400;
	(pc) =	sbr.rel @p3 .LBB2_4-.Ltmp3, $3  }
0x33: {  	[spmem:s28] =	stream.linear.scatter [tilespmem:s14], [sflag:$0x5], $0xC00, $0x38;
	[tilespmem:$0x1BD00] =	vst v63  }
0x34: {  	s26 =	sadd.s32 $0x3000, s26;
	_ =	sdelay $0x1  }
0x35: {  	_ =	swait.ge [sflag:s15], $0xC00  }
0x36: {  	[sflag:s15] =	ssyncset.done $0x0  }
0x37: {  	s26 =	simm.s32 @!p1 $0x7880;
	[sflag:s15] =	ssyncadd.s32 $0xFFFFF400  }
0x38: {  	[spmem:s5] =	stream.linear.scatter @!p1 [tilespmem:s26], [sflag:$0x5], $0x800, $0x38;
	[tilespmem:$0x1BD00] =	vst v63  }
0x39: {  	s26 =	simm.s32 @!p1 $0x5  }
0x3a: {  	_ =	swait.ge @!p1 [sflag:s26], $0x800  }
0x3b: {  	[sflag:s26] =	ssyncset.done @!p1 $0x0  }
0x3c: {  	s31 =	simm.s32 $0x0;
	[sflag:s26] =	ssyncadd.s32 @!p1 $0xFFFFF800  }
0x3d: {  	[tilespmem:s31], [sflag:$0x5] =	stream.linear.gather [hbm4b:s6+s31], $0x2710, $0x38;
	[tilespmem:$0x1BD00] =	vst v63  }
0x3e: {  	_ =	swait.ge [sflag:s15], $0x2710  }
0x3f: {  	[sflag:s15] =	ssyncset.done $0x0  }
0x40: {  	[sflag:s15] =	ssyncadd.s32 $0xFFFFD8F0  }
0x41: {  	[bflag:$0x0] =	sbarrier.arrive $0xFFFF  }
0x42: {  	[tilespmem:s16], [sflag:$0x3] =	stream.linear.gather [hbm4b:s7+s31], $0x50, $0x38;
	[tilespmem:$0x1BD00] =	vst v63  }
0x43: {  	_ = 	snop  }
0x44: {  	[tilespmem:s18], [sflag:$0x1] =	stream.indirect.gather [hbm4b:s3+s17], $0x80, s31, s17, $0xb8;
	[tilespmem:$0x1BD00] =	vst v63  }
0x45: {  	_ = 	snop  }
0x46: {  	[tilespmem:s19], [sflag:$0x4] =	stream.linear.gather [hbm4b:s12+s2], $0x50, $0x38;
	[tilespmem:$0x1BD00] =	vst v63  }
0x47: {  	s29 =	simm.s32 $0x50  }
0x48: {  	[tilespmem:s20], [sflag:$0x2] =	stream.indirect.gather [hbm4b:s3+s17], $0x80, s29, s17, $0xb8;
	[tilespmem:$0x1BD00] =	vst v63  }
0x49: {  	_ =	swait.ge [sflag:s21], $0x50  }
0x4a: {  	[sflag:s21] =	ssyncset.done $0x0  }
0x4b: {  	[sflag:s21] =	ssyncadd.s32 $0xFFFFFFB0  }
0x4c: {  	_ =	swait.ge [sflag:s22], $0x2800  }
0x4d: {  	[sflag:s22] =	ssyncset.done $0x0  }
0x4e: {  	[sflag:s22] =	ssyncadd.s32 $0xFFFFD800  }
0x4f: {  	[spmem:s1] =	stream.indirect.scatter.add.f32 [tilespmem:s18], [sflag:$0x5], $0x80, s16, s17, $0xb8;
	[tilespmem:$0x1BD00] =	vst v63  }
0x50: {  	_ =	swait.ge [sflag:s15], $0x2800  }
0x51: {  	[sflag:s15] =	ssyncset.done $0x0  }
0x52: {  	s30 =	sadd.s32 $0xA, s12;
	[sflag:s15] =	ssyncadd.s32 $0xFFFFD800  }
0x53: {  	[tilespmem:s16], [sflag:$0x3] =	stream.linear.gather [hbm4b:s30+s2], $0x50, $0x38;
	[tilespmem:$0x1BD00] =	vst v63  }
0x54: {  	s31 =	simm.s32 $0xA0  }
0x55: {  	[tilespmem:s18], [sflag:$0x1] =	stream.indirect.gather [hbm4b:s3+s17], $0x80, s31, s17, $0xb8;
	[tilespmem:$0x1BD00] =	vst v63  }
0x56: {  	_ =	swait.ge [sflag:s23], $0x50  }
0x57: {  	[sflag:s23] =	ssyncset.done $0x0  }
0x58: {  	[sflag:s23] =	ssyncadd.s32 $0xFFFFFFB0  }
0x59: {  	_ =	swait.ge [sflag:s24], $0x2800  }
0x5a: {  	[sflag:s24] =	ssyncset.done $0x0  }
0x5b: {  	[sflag:s24] =	ssyncadd.s32 $0xFFFFD800  }
0x5c: {  	[spmem:s1] =	stream.indirect.scatter.add.f32 [tilespmem:s20], [sflag:$0x5], $0x80, s19, s17, $0xb8;
	[tilespmem:$0x1BD00] =	vst v63  }
0x5d: {  	_ =	swait.ge [sflag:s15], $0x2800  }
0x5e: {  	s28 =	simm.s32 $0x280;
	s26 =	sadd.s32 $0x14, s12;
	[sflag:s15] =	ssyncset.done $0x0  }
.LBB2_6:
0x5f: {  	s30 =	smov.u32 s28  }
0x60: {  	s29 =	sshra.s32 s28, $0x2;
	[sflag:s15] =	ssyncadd.s32 $0xFFFFD800;
	s30 =	sadd.s32 $0x280, s28  }
0x61: {  	[tilespmem:s19], [sflag:$0x4] =	stream.linear.gather [hbm4b:s26+s2], $0x50, $0x38;
	[tilespmem:$0x1BD00] =	vst v63  }
0x62: {  	p3 =	sne.s32 s28, $0x9880;
	s31 =	sadd.s32 $0x50, s29  }
0x63: {  	[tilespmem:s20], [sflag:$0x2] =	stream.indirect.gather [hbm4b:s3+s17], $0x80, s31, s17, $0xb8;
	[tilespmem:$0x1BD00] =	vst v63  }
0x64: {  	_ =	swait.ge [sflag:s21], $0x50  }
0x65: {  	[sflag:s21] =	ssyncset.done $0x0  }
0x66: {  	[sflag:s21] =	ssyncadd.s32 $0xFFFFFFB0  }
0x67: {  	_ =	swait.ge [sflag:s22], $0x2800  }
0x68: {  	[sflag:s22] =	ssyncset.done $0x0  }
0x69: {  	[sflag:s22] =	ssyncadd.s32 $0xFFFFD800  }
0x6a: {  	[spmem:s1] =	stream.indirect.scatter.add.f32 [tilespmem:s18], [sflag:$0x5], $0x80, s16, s17, $0xb8;
	[tilespmem:$0x1BD00] =	vst v63  }
0x6b: {  	_ =	swait.ge [sflag:s15], $0x2800  }
0x6c: {  	[sflag:s15] =	ssyncset.done $0x0  }
0x6d: {  	s28 =	sadd.s32 $0xA, s26;
	[sflag:s15] =	ssyncadd.s32 $0xFFFFD800  }
0x6e: {  	[tilespmem:s16], [sflag:$0x3] =	stream.linear.gather [hbm4b:s28+s2], $0x50, $0x38;
	[tilespmem:$0x1BD00] =	vst v63  }
0x6f: {  	s28 =	sadd.s32 $0xA0, s29  }
0x70: {  	[tilespmem:s18], [sflag:$0x1] =	stream.indirect.gather [hbm4b:s3+s17], $0x80, s28, s17, $0xb8;
	[tilespmem:$0x1BD00] =	vst v63  }
0x71: {  	_ =	swait.ge [sflag:s23], $0x50  }
0x72: {  	[sflag:s23] =	ssyncset.done $0x0  }
0x73: {  	[sflag:s23] =	ssyncadd.s32 $0xFFFFFFB0  }
0x74: {  	_ =	swait.ge [sflag:s24], $0x2800  }
.Ltmp4:
0x75: {  	[sflag:s24] =	ssyncset.done $0x0;
	(pc) =	sbr.rel @p3 .LBB2_6-.Ltmp4, $4  }
0x76: {  	[sflag:s24] =	ssyncadd.s32 $0xFFFFD800  }
0x77: {  	[spmem:s1] =	stream.indirect.scatter.add.f32 [tilespmem:s20], [sflag:$0x5], $0x80, s19, s17, $0xb8;
	[tilespmem:$0x1BD00] =	vst v63  }
0x78: {  	_ =	swait.ge [sflag:s15], $0x2800  }
0x79: {  	s26 =	sadd.s32 $0x14, s26;
	s28 =	smov.u32 s30;
	[sflag:s15] =	ssyncset.done $0x0  }
0x7a: {  	[sflag:s15] =	ssyncadd.s32 $0xFFFFD800  }
0x7b: {  	_ =	swait.ge [sflag:s21], $0x50  }
0x7c: {  	[sflag:s21] =	ssyncset.done $0x0  }
0x7d: {  	[sflag:s21] =	ssyncadd.s32 $0xFFFFFFB0  }
0x7e: {  	_ =	swait.ge [sflag:s22], $0x2800  }
0x7f: {  	[sflag:s22] =	ssyncset.done $0x0  }
0x80: {  	[sflag:s22] =	ssyncadd.s32 $0xFFFFD800  }
0x81: {  	[spmem:s1] =	stream.indirect.scatter.add.f32 [tilespmem:s18], [sflag:$0x5], $0x80, s16, s17, $0xb8;
	[tilespmem:$0x1BD00] =	vst v63  }
.Ltmp5:
0x82: {  	_ =	swait.ge [sflag:s15], $0x2800;
	(pc) =	sbr.rel @!p0 .LBB2_8-.Ltmp5, $3  }
0x83: {  	[sflag:s15] =	ssyncset.done $0x0  }
0x84: {  	[sflag:s15] =	ssyncadd.s32 $0xFFFFD800  }
0x85: {  	[bflag:$0x0] =	sbarrier.arrive $0xFFFF;
	_ =	sdelay $0x1  }
0x86: {  	[tilespmem:s14], [sflag:$0x5] =	stream.linear.gather [spmem:s11], $0xC00, $0x38;
	[tilespmem:$0x1BD00] =	vst v63  }
0x87: {  	_ =	swait.ge [sflag:s15], $0xC00  }
0x88: {  	s26 =	sadd.s32 s8, s9;
	[sflag:s15] =	ssyncset.done $0x0  }
0x89: {  	s28 =	sadd.s32 $0x0, s26;
	[sflag:s15] =	ssyncadd.s32 $0xFFFFF400  }
0x8a: {  	[hbm4b:s28+s2] =	stream.linear.scatter [tilespmem:s14], [sflag:$0x5], $0xC00, $0x38;
	[tilespmem:$0x1BD00] =	vst v63  }
0x8b: {  	_ =	swait.ge [sflag:s15], $0xC00  }
0x8c: {  	s29 =	smov.u32 s11;
	s28 =	simm.s32 $0x180;
	[sflag:s15] =	ssyncset.done $0x0  }
.LBB2_12:
0x8d: {  	p3 =	sne.s32 s28, $0x2580;
	[sflag:s15] =	ssyncadd.s32 $0xFFFFF400;
	s29 =	sadd.s32 $0xC00, s29  }
0x8e: {  	[tilespmem:s14], [sflag:$0x5] =	stream.linear.gather [spmem:s29], $0xC00, $0x38;
	[tilespmem:$0x1BD00] =	vst v63  }
0x8f: {  	s30 =	smov.u32 s28;
	s28 =	sadd.s32 $0x180, s28;
	_ =	swait.ge [sflag:s15], $0xC00  }
.Ltmp6:
0x90: {  	[sflag:s15] =	ssyncset.done $0x0;
	(pc) =	sbr.rel @p3 .LBB2_12-.Ltmp6, $4  }
0x91: {  	s30 =	sadd.s32 s30, s26;
	[sflag:s15] =	ssyncadd.s32 $0xFFFFF400  }
0x92: {  	[hbm4b:s30+s2] =	stream.linear.scatter [tilespmem:s14], [sflag:$0x5], $0xC00, $0x38;
	[tilespmem:$0x1BD00] =	vst v63  }
0x93: {  	_ =	swait.ge [sflag:s15], $0xC00  }
0x94: {  	[sflag:s15] =	ssyncset.done $0x0  }
.Ltmp7:
0x95: {  	(pc) =	sbr.rel @p1 .LBB2_15-.Ltmp7, $4  }
.Ltmp8:
0x96: {  	(pc) =	sbr.rel @!p1 .LBB2_14-.Ltmp8, $4  }
0x97: {  	_ = 	snop  }
0x98: {  	_ = 	snop  }
0x99: {  	[sflag:s15] =	ssyncadd.s32 $0xFFFFF400;
	s26 =	smov.u32 s8  }
0x9a: {  	_ = 	snop  }
.LBB2_8:
0x9b: {  	[tilespmem:s14], [sflag:$0x5] =	stream.linear.gather [spmem:s11], $0xC00, $0x38;
	[tilespmem:$0x1BD00] =	vst v63  }
0x9c: {  	_ =	swait.ge [sflag:s15], $0xC00  }
0x9d: {  	[sflag:s15] =	ssyncset.done $0x0  }
0x9e: {  	s26 =	sadd.s32 $0x0, s13;
	[sflag:s15] =	ssyncadd.s32 $0xFFFFF400  }
0x9f: {  	[hbm4b:s26+s2] =	stream.linear.scatter [tilespmem:s14], [sflag:$0x5], $0xC00, $0x38;
	[tilespmem:$0x1BD00] =	vst v63  }
0xa0: {  	_ =	swait.ge [sflag:s15], $0xC00  }
0xa1: {  	s28 =	smov.u32 s11;
	s26 =	simm.s32 $0x180;
	[sflag:s15] =	ssyncset.done $0x0  }
.LBB2_9:
0xa2: {  	p3 =	sne.s32 s26, $0x2580;
	[sflag:s15] =	ssyncadd.s32 $0xFFFFF400;
	s28 =	sadd.s32 $0xC00, s28  }
0xa3: {  	[tilespmem:s14], [sflag:$0x5] =	stream.linear.gather [spmem:s28], $0xC00, $0x38;
	[tilespmem:$0x1BD00] =	vst v63  }
0xa4: {  	s29 =	smov.u32 s26;
	s26 =	sadd.s32 $0x180, s26;
	_ =	swait.ge [sflag:s15], $0xC00  }
.Ltmp9:
0xa5: {  	[sflag:s15] =	ssyncset.done $0x0;
	(pc) =	sbr.rel @p3 .LBB2_9-.Ltmp9, $4  }
0xa6: {  	s29 =	sadd.s32 s29, s13;
	[sflag:s15] =	ssyncadd.s32 $0xFFFFF400  }
0xa7: {  	[hbm4b:s29+s2] =	stream.linear.scatter [tilespmem:s14], [sflag:$0x5], $0xC00, $0x38;
	[tilespmem:$0x1BD00] =	vst v63  }
0xa8: {  	_ =	swait.ge [sflag:s15], $0xC00  }
0xa9: {  	[sflag:s15] =	ssyncset.done $0x0  }
.Ltmp10:
0xaa: {  	(pc) =	sbr.rel @!p2 .LBB2_15-.Ltmp10, $4  }
.Ltmp11:
0xab: {  	(pc) =	sbr.rel @p2 .LBB2_14-.Ltmp11, $4  }
0xac: {  	_ = 	snop  }
0xad: {  	_ = 	snop  }
0xae: {  	[sflag:s15] =	ssyncadd.s32 $0xFFFFF400;
	s26 =	smov.u32 s4  }
0xaf: {  	_ = 	snop  }
.LBB2_16:
0xb0: {  	_ =	sfence.sel $0x180000  }
0xb1: {  	[bflag:$0x0] =	sbarrier.arrive $0xFFFF  }
0xb2: {  	_ =	strace $0x9000004D  }
0xb3: {  	s0 =	sadd.s32 @!p1 $0x100000, s0;
	[bflag:$0x2] =	sbarrier.arrive $0xFFFF  }
0xb4: {  	[sflag:s0] =	ssyncadd.tile.s32 @!p1 $0x1;
	_ =	shalt  }
.Lfunc_end2:
_tile_overlayer_lowered:
.L_overlay_start_2:
0xb5: {  	(tag) =	ssettag $0x2  }
0xb6: {  	s0 =	rddreg [dreg:$0x0];
	s2 =	stileid.u32  }
0xb7: {  	s1 =	rddreg [dreg:$0x1];
	p0 =	sne.s32 s2, $0x0  }
0xb8: {  	s3 =	rddreg [dreg:$0x2];
	[bflag:$0x3] =	sbarrier.arrive $0xFFFF;
	s2 =	simm.s32 @!p0 $0x1C05  }
0xb9: {  	[timem:s3], [sflag:s2] =	dma.local @!p0 [hbm:s0], s1  }
0xba: {  	s0 =	simm.s32 @!p0 $0x5  }
0xbb: {  	_ =	swait.ge @!p0 [sflag:s0], s1  }
0xbc: {  	s1 =	ssub.s32 @!p0 $0x0, s1;
	[sflag:s0] =	ssyncset.done @!p0 $0x0  }
0xbd: {  	[sflag:s0] =	ssyncadd.s32 @!p0 s1  }
0xbe: {  	[bflag:$0x3] =	sbarrier.arrive $0xFFFF  }
0xbf: {  	_ =	shalt  }

// kernel: kernel.19.cloned.1.call-start
scs
__scs_entry_jumppad:
0x0: {  	(pc) =	sbr.rel $0x88, $3  }
0x1: {  	(tag) =	ssettag $0x0;
	lr =	simm.s32 $0x1  }
0x2: {  	[smem:$0x3F91] =	sst lr;
	_ =	strace $0xD0000000  }
0x3: {  	_ = 	snop  }
0x4: {  	_ = 	snop  }
0x5: {  	_ = 	snop  }
0x6: {  	_ = 	snop  }
0x7: {  	_ = 	snop  }
__scs_overlays_trampoline_lowered:
0x8: {  	[smem:$0x3FA0] =	sst s0  }
0x9: {  	[smem:$0x3FA1] =	sst s1  }
0xa: {  	[smem:$0x3FA2] =	sst s2  }
0xb: {  	[smem:$0x3FA3] =	sst s3  }
0xc: {  	[smem:$0x3FA4] =	sst s4  }
0xd: {  	[smem:$0x3FA5] =	sst s5  }
0xe: {  	[smem:$0x3FA6] =	sst s6  }
0xf: {  	[smem:$0x3FA7] =	sst s7  }
0x10: {  	[smem:$0x3FA8] =	sst s8  }
0x11: {  	[smem:$0x3FA9] =	sst s9;
	s0 =	simm.s32 @!p0 $0x0  }
0x12: {  	s1 =	sld [smem:$0x3F8F];
	s0 =	simm.s32 @p0 $0x1  }
0x13: {  	[smem:$0x3FAA] =	sst s0;
	s0 =	simm.s32 @!p1 $0x0  }
0x14: {  	s2 =	sld [smem:$0x3F8E];
	s0 =	simm.s32 @p1 $0x1  }
0x15: {  	[smem:$0x3FAB] =	sst s0;
	s0 =	simm.s32 @!p2 $0x0  }
0x16: {  	s3 =	sld [smem:$0x3FDB];
	s0 =	simm.s32 @p2 $0x1  }
0x17: {  	s4 =	simm.s32 $0x1BF5;
	[smem:$0x3FAD] =	sst s0  }
0x18: {  	s0 =	sld [smem:$0x3F90];
	_ =	swait.ge [sflag:s4], $0x0  }
0x19: {  	s7 =	sld [smem:$0x3F91]  }
0x1a: {  	s8 =	sadd.s32 $0xFFFFE003, lr  }
0x1b: {  	s9 =	sadd.s32 $0xFFFFFEF7, lr;
	s5 =	simm.s32 $0xFFFFFFFF;
	p2 =	slt.u32 s8, $0xFFFFF086  }
0x1c: {  	p1 =	slt.u32 s9, $0xF7A;
	s5 =	simm.s32 @!p2 $0x0  }
0x1d: {  	s5 =	simm.s32 @p1 $0x1;
	p0 =	seq.s32 s7, s2  }
0x1e: {  	s7 =	smul.u32 @!p0 $0xF7A, s2;
	p2 =	seq.s32 @!p0 s5, $0x0  }
0x1f: {  	s9 =	smul.u32 $0xF7A, s1;
	s8 =	simm.s32 @!p0 $0x1BF5;
	p2 =	por !p2, p0  }
0x20: {  	[sflag:s8] =	ssyncset.s32 @!p0 $0xFFFFF086;
	s6 =	sadd.s32 @!p0 s3, s7;
	s7 =	simm.s32 @!p0 $0x108  }
0x21: {  	s3 =	sadd.s32 s3, s9;
	s6 =	sadd.s32 @!p0 $0x88, s6;
	s7 =	simm.s32 @p2 $0x1082  }
0x22: {  	[simem:s7], [sflag:s8] =	dma.local @!p0 [hbm:s6], $0xF7A  }
0x23: {  	s9 =	sor.u32 $0xD0000000, s2;
	s6 =	simm.s32 $0x108;
	_ =	swait.ge @!p0 [sflag:s8], $0x0  }
0x24: {  	s3 =	sadd.s32 $0x88, s3;
	s6 =	simm.s32 @!p1 $0x1082;
	[sflag:s4] =	ssyncset.s32 $0xFFFFF086  }
0x25: {  	[simem:s6], [sflag:s4] =	dma.local [hbm:s3], $0xF7A  }
0x26: {  	[smem:$0x3F91] =	sst s1;
	(tag) =	ssettag s2;
	_ =	strace s9  }
0x27: {  	s1 =	sld [smem:$0x3FA1]  }
0x28: {  	s2 =	sld [smem:$0x3FA2]  }
0x29: {  	s4 =	sld [smem:$0x3FA4]  }
0x2a: {  	p0 =	seq.s32 s5, $0x0;
	s5 =	sld [smem:$0x3FA5]  }
0x2b: {  	s6 =	sld [smem:$0x3FA6]  }
0x2c: {  	s7 =	sld [smem:$0x3FA7]  }
0x2d: {  	s3 =	simm.s32 $0x108;
	s8 =	sld [smem:$0x3FA8]  }
0x2e: {  	s3 =	simm.s32 @!p0 $0x1082;
	s9 =	sld [smem:$0x3FA9]  }
0x2f: {  	lr =	sadd.s32 s0, s3;
	s0 =	sld [smem:$0x3FA0]  }
0x30: {  	s3 =	sld [smem:$0x3FA3]  }
0x31: {  	[smem:$0x3FAC] =	sst s10  }
0x32: {  	s10 =	sld [smem:$0x3FAA];
	_ =	sdelay $0x3  }
0x33: {  	p0 =	seq.s32 s10, $0x1;
	s10 =	sld [smem:$0x3FAC];
	_ =	sdelay $0x3  }
0x34: {  	[smem:$0x3FAC] =	sst s10  }
0x35: {  	s10 =	sld [smem:$0x3FAB];
	_ =	sdelay $0x3  }
0x36: {  	p1 =	seq.s32 s10, $0x1;
	s10 =	sld [smem:$0x3FAC];
	_ =	sdelay $0x3  }
0x37: {  	[smem:$0x3FAC] =	sst s10  }
0x38: {  	s10 =	sld [smem:$0x3FAD]  }
0x39: {  	_ = 	snop;
	(pc) =	sbr.ind lr, $3  }
0x3a: {  	_ = 	snop  }
0x3b: {  	_ = 	snop  }
0x3c: {  	p2 =	seq.s32 s10, $0x1;
	s10 =	sld [smem:$0x3FAC]  }
0x3d: {  	_ =	shalt  }
0x3e: {  	_ =	shalt  }
0x3f: {  	_ =	shalt  }
0x40: {  	_ =	shalt  }
0x41: {  	_ =	shalt  }
0x42: {  	_ =	shalt  }
0x43: {  	_ =	shalt  }
0x44: {  	_ =	shalt  }
0x45: {  	_ =	shalt  }
0x46: {  	_ =	shalt  }
0x47: {  	_ =	shalt  }
0x48: {  	_ =	shalt  }
0x49: {  	_ =	shalt  }
0x4a: {  	_ =	shalt  }
0x4b: {  	_ =	shalt  }
0x4c: {  	_ =	shalt  }
0x4d: {  	_ =	shalt  }
0x4e: {  	_ =	shalt  }
0x4f: {  	_ =	shalt  }
0x50: {  	_ =	shalt  }
0x51: {  	_ =	shalt  }
0x52: {  	_ =	shalt  }
0x53: {  	_ =	shalt  }
0x54: {  	_ =	shalt  }
0x55: {  	_ =	shalt  }
0x56: {  	_ =	shalt  }
0x57: {  	_ =	shalt  }
0x58: {  	_ =	shalt  }
0x59: {  	_ =	shalt  }
0x5a: {  	_ =	shalt  }
0x5b: {  	_ =	shalt  }
0x5c: {  	_ =	shalt  }
0x5d: {  	_ =	shalt  }
0x5e: {  	_ =	shalt  }
0x5f: {  	_ =	shalt  }
0x60: {  	_ =	shalt  }
0x61: {  	_ =	shalt  }
0x62: {  	_ =	shalt  }
0x63: {  	_ =	shalt  }
0x64: {  	_ =	shalt  }
0x65: {  	_ =	shalt  }
0x66: {  	_ =	shalt  }
0x67: {  	_ =	shalt  }
0x68: {  	_ =	shalt  }
0x69: {  	_ =	shalt  }
0x6a: {  	_ =	shalt  }
0x6b: {  	_ =	shalt  }
0x6c: {  	_ =	shalt  }
0x6d: {  	_ =	shalt  }
0x6e: {  	_ =	shalt  }
0x6f: {  	_ =	shalt  }
0x70: {  	_ =	shalt  }
0x71: {  	_ =	shalt  }
0x72: {  	_ =	shalt  }
0x73: {  	_ =	shalt  }
0x74: {  	_ =	shalt  }
0x75: {  	_ =	shalt  }
0x76: {  	_ =	shalt  }
0x77: {  	_ =	shalt  }
0x78: {  	_ =	shalt  }
0x79: {  	_ =	shalt  }
0x7a: {  	_ =	shalt  }
0x7b: {  	_ =	shalt  }
0x7c: {  	_ =	shalt  }
0x7d: {  	_ =	shalt  }
0x7e: {  	_ =	shalt  }
0x7f: {  	_ =	shalt  }
0x80: {  	_ =	shalt  }
0x81: {  	_ =	shalt  }
0x82: {  	_ =	shalt  }
0x83: {  	_ =	shalt  }
0x84: {  	_ =	shalt  }
0x85: {  	_ =	shalt  }
0x86: {  	_ =	shalt  }
0x87: {  	_ =	shalt  }
.Lfunc_end0:
.L_simem_size_0:
called_computation.3_lowered:
.L_overlay_start_0:
0x88: {  	s2 =	sld [smem:$0x3FD9]  }
0x89: {  	s3 =	sld [smem:$0x3FFE];
	_ =	sdelay $0x1  }
0x8a: {  	s1 =	srdreg.scid  }
0x8b: {  	s0 =	sand.u32 $0x1, s1  }
0x8c: {  	s16 =	sshll.u32 s0, $0xA;
	s2 =	sadd.s32 s3, s2  }
0x8d: {  	s2 =	sadd.s32 s2, s16  }
0x8e: {  	[smem:$0x3FB8] =	sst s2  }
0x8f: {  	_ = 	snop  }
0x90: {  	(tm) =	ssettm $0x1  }
0x91: {  	s17 =	sld [smem:$0x3FFB];
	_ =	sdelay $0x3  }
0x92: {  	_ =	strace s17  }
0x93: {  	s2 =	sld [smem:$0x3FFC];
	_ =	sdelay $0x3  }
0x94: {  	_ =	strace s2  }
0x95: {  	s2 =	sld [smem:$0x3FFD];
	_ =	sdelay $0x3  }
0x96: {  	_ =	strace s2  }
0x97: {  	_ =	strace $0x8FFFFFFF  }
0x98: {  	s18 =	sld [smem:$0x3FDB];
	_ =	sdelay $0x1  }
0x99: {  	s19 =	simm.s32 $_scs_section_size  }
0x9a: {  	s4 =	simm.s32 $_size__tile_overlayer_lowered;
	s5 =	simm.s32 $_tile_overlayer_lowered  }
0x9b: {  	s22 =	simm.s32 $0x1BFF;
	s21 =	sshll.u32 s5, $0x1;
	s2 =	sadd.s32 s19, s18  }
0x9c: {  	s6 =	simm.s32 $0x0;
	s20 =	sshll.u32 s4, $0x1;
	s4 =	sadd.s32 s21, s2  }
0x9d: {  	[timem:s6], [sflag:s22] =	dma.local [hbm:s4], s20  }
0x9e: {  	_ =	swait.ge [sflag:s22], s20  }
0x9f: {  	s3 =	ssub.s32 $0x0, s20;
	[sflag:s22] =	ssyncset.done $0x0  }
0xa0: {  	[sflag:s22] =	ssyncadd.s32 s3;
	_ =	sdelay $0x1  }
0xa1: {  	s23 =	simm.s32 $0x1B8B  }
0xa2: {  	_ =	swait.ge [sflag:s23], $0x1  }
0xa3: {  	[sflag:s23] =	ssyncset.done $0x0  }
0xa4: {  	s25 =	simm.s32 $0x1B8E;
	s24 =	sld [smem:$0x3FFE];
	[sflag:s23] =	ssyncadd.s32 $0xFFFFFFFF  }
0xa5: {  	s26 =	simm.s32 $execute0_lowered;
	[smem:$0x3FD2] =	sst s25  }
0xa6: {  	s4 =	sshll.u32 s26, $0x1;
	_ =	strace $0x8000004F;
	[dreg:$0x1] =	wrdreg $0xFFFFFFFF  }
0xa7: {  	s28 =	simm.s32 $_size_execute0_lowered;
	s2 =	sadd.s32 s2, s4;
	[dreg:$0x0] =	wrdreg $0x0  }
0xa8: {  	s4 =	sshll.u32 s28, $0x1;
	[dreg:$0x2] =	wrdreg s2  }
0xa9: {  	[dreg:$0x3] =	wrdreg s4  }
0xaa: {  	[dreg:$0x4] =	wrdreg $0xC0  }
0xab: {  	_ =	task [dreg:s6], $0x5FFFF  }
0xac: {  	[dreg:$0x1] =	wrdreg $0xFFFFFFFF  }
0xad: {  	[dreg:$0x0] =	wrdreg $0x60  }
0xae: {  	[dreg:$0x2] =	wrdreg s24  }
0xaf: {  	[dreg:$0x3] =	wrdreg $0xAB800  }
0xb0: {  	[dreg:$0x4] =	wrdreg $0x9  }
0xb1: {  	_ =	task.clear_ibuf [dreg:s6], $0x5FFFF;
	_ =	strace $0x9000004F  }
0xb2: {  	s29 =	simm.s32 $0x9;
	_ =	strace $0x80000051  }
0xb3: {  	_ =	swait.ge [sflag:s29], $0x1  }
0xb4: {  	[sflag:s29] =	ssyncadd.s32 $0xFFFFFFFF  }
0xb5: {  	_ =	strace $0x90000051  }
0xb6: {  	_ =	sfence  }
0xb7: {  	s30 =	sld [smem:$0x0];
	_ =	sdelay $0x2  }
0xb8: {  	s31 =	sshll.u32 s1, $0xD;
	s1 =	sshrl.u32 s1, $0x2  }
0xb9: {  	s3 =	sand.u32 $0x4000, s31;
	s1 =	sadd.s32 s1, s30  }
0xba: {  	s0 =	sor.u32 s3, s0;
	s1 =	sshll.u32 s1, $0x11  }
0xbb: {  	s0 =	sor.u32 s1, s0  }
0xbc: {  	s0 =	sadd.s32 $0x8F2B, s0  }
0xbd: {  	[sflag:s0] =	ssyncadd.remote.s32 $0x1  }
0xbe: {  	_ =	sfence.sel $0xFFFF  }
0xbf: {  	[dreg:$0x0] =	wrdreg $0xFFFFFFFF;
	(pc) =	sbr.abs _section_cstart, $3  }
0xc0: {  	[dreg:$0x1] =	wrdreg $0xFFFFFFFF  }
0xc1: {  	_ =	task.clear_ibuf [dreg:s6], $0x2FFFF;
	_ =	strace $0x9FFFFFFF  }
0xc2: {  	(tm) =	ssettm $0x7FFFFFFF  }
0xc3: {  	_ =	shalt  }
tec
execute0_lowered:
.L_overlay_start_1:
0x0: {  	(tag) =	ssettag $0x1  }
0x1: {  	s0 =	rddreg [dreg:$0x0]  }
0x2: {  	s1 =	rddreg [dreg:$0x1];
	s2 =	simm.s32 $0x0;
	s13 =	stileid.u32  }
0x3: {  	s3 =	srdreg.scid;
	s16 =	simm.s32 $0x9F80;
	s17 =	simm.s32 $0x5  }
0x4: {  	s19 =	simm.s32 $0x50;
	s20 =	simm.s32 $0x4F80;
	s21 =	simm.s32 $0x4F00  }
0x5: {  	s22 =	simm.s32 $0x7780;
	s23 =	simm.s32 $0x3;
	s24 =	simm.s32 $0x1  }
0x6: {  	s25 =	simm.s32 $0x4;
	s26 =	simm.s32 $0x2;
	s29 =	simm.s32 $0x0  }
0x7: {  	[smem:$0x7FF] =	sst s2;
	s8 =	smul.u32 $0x9C4, s13;
	s18 =	sand.u32 $0x1, s3  }
0x8: {  	s9 =	sadd.s32 $0x4A00, s0;
	s3 =	sadd.s32 $0xDBC00, s0;
	s11 =	smul.u32 $0x4E20, s13  }
0x9: {  	s4 =	sadd.s32 $0x102E00, s0;
	s5 =	sadd.s32 $0x66800, s0;
	s31 =	smul.u32 $0x4E000, s13  }
0xa: {  	p0 =	sne.s32 s13, $0x0;
	p2 =	seq.s32 s13, $0x0;
	_ =	strace $0x80000050  }
0xb: {  	s6 =	ssub.s32 $0x2, s18;
	[dreg:$0x3] =	wrdreg s5;
	p1 =	sne.s32 s18, $0x0  }
0xc: {  	s18 =	simm.s32 $0x4E80;
	s7 =	sadd.s32 s8, s0;
	s10 =	sshrl.u32 s6, $0x1  }
.Ltmp0:
0xd: {  	s30 =	sshrl.u32 s11, $0x3;
	s8 =	sadd.s32 s9, s8;
	(pc) =	sbr.rel .LBB2_1-.Ltmp0, $4  }
0xe: {  	s14 =	sshrl.u32 s31, $0x2;
	s11 =	sadd.s32 $0x8D900, s0;
	s12 =	ssub.s32 s6, s10  }
0xf: {  	s6 =	sadd.s32 $0x138000, s1;
	s7 =	sadd.s32 $0xE800, s7;
	s10 =	smul.u32 $0x2700, s13  }
0x10: {  	s9 =	sadd.s32 s9, s30;
	s0 =	sadd.s32 s14, s1;
	s14 =	sadd.s32 $0xA, s8  }
0x11: {  	v0 =	vimm.f32 $0.0e+00;
	s9 =	sadd.s32 $0x9BA, s9;
	s12 =	smax.u32 s12, $0x1;
	s15 =	sadd.s32 s10, s5  }
.LBB2_16:
0x12: {  	[tilespmem:s16], [sflag:$0x5] =	stream.linear.gather [spmem:s6], $0x800, $0x38;
	[tilespmem:$0x1E400] =	vst v63  }
0x13: {  	_ =	swait.ge [sflag:s17], $0x800  }
0x14: {  	[sflag:s17] =	ssyncset.done $0x0  }
0x15: {  	s5 =	sadd.s32 $0x27000, s13;
	[sflag:s17] =	ssyncadd.s32 $0xFFFFF800  }
0x16: {  	[hbm4b:s5+s2] =	stream.linear.scatter [tilespmem:s16], [sflag:$0x5], $0x800, $0x38;
	[tilespmem:$0x1E400] =	vst v63  }
0x17: {  	_ =	swait.ge [sflag:s17], $0x800  }
0x18: {  	[sflag:s17] =	ssyncset.done $0x0  }
0x19: {  	[sflag:s17] =	ssyncadd.s32 $0xFFFFF800  }
.LBB2_17:
0x1a: {  	s29 =	sadd.s32 $0x1, s29  }
0x1b: {  	p3 =	sne.s32 s29, s12  }
.Ltmp1:
0x1c: {  	_ = 	snop;
	(pc) =	sbr.rel @!p3 .LBB2_18-.Ltmp1, $1  }
0x1d: {  	_ =	sdelay $0x3  }
.LBB2_1:
0x1e: {  	s30 =	simm.s32 $0x0;
	s13 =	simm.s32 $0x200  }
.LBB2_2:
0x1f: {  	p3 =	sne.s32 s13, $0x2E00;
	[tilespmem:s30+$0x9FF0] =	vst v0  }
0x20: {  	[tilespmem:s30+$0x9F80] =	vst v0  }
0x21: {  	[tilespmem:s30+$0x9F90] =	vst v0  }
.Ltmp2:
0x22: {  	[tilespmem:s30+$0x9FA0] =	vst v0;
	(pc) =	sbr.rel @p3 .LBB2_2-.Ltmp2, $4  }
0x23: {  	[tilespmem:s30+$0x9FB0] =	vst v0  }
0x24: {  	[tilespmem:s30+$0x9FC0] =	vst v0  }
0x25: {  	[tilespmem:s30+$0x9FD0] =	vst v0  }
0x26: {  	[tilespmem:s30+$0x9FE0] =	vst v0;
	s30 =	sshra.s32 s13, $0x2;
	s13 =	sadd.s32 $0x200, s13  }
0x27: {  	[tilespmem:s30+$0x9FF0] =	vst v0  }
0x28: {  	[tilespmem:s30+$0x9F80] =	vst v0  }
0x29: {  	[tilespmem:s30+$0x9F90] =	vst v0  }
0x2a: {  	[tilespmem:s30+$0x9FA0] =	vst v0  }
0x2b: {  	[tilespmem:s30+$0x9FB0] =	vst v0  }
0x2c: {  	[tilespmem:s30+$0x9FC0] =	vst v0  }
0x2d: {  	[tilespmem:s30+$0x9FD0] =	vst v0  }
0x2e: {  	[tilespmem:s30+$0x9FE0] =	vst v0;
	s13 =	sadd.s32 $0x0, s0  }
0x2f: {  	[spmem:s13] =	stream.linear.scatter [tilespmem:s16], [sflag:$0x5], $0xC00, $0x38;
	[tilespmem:$0x1E400] =	vst v63  }
0x30: {  	s13 =	simm.s32 $0x3000;
	_ =	swait.ge [sflag:s17], $0xC00  }
.LBB2_4:
0x31: {  	s30 =	sshra.s32 s13, $0x2;
	[sflag:s17] =	ssyncset.done $0x0;
	p3 =	sne.s32 s13, $0x4B000  }
.Ltmp3:
0x32: {  	s30 =	sadd.s32 s30, s0;
	[sflag:s17] =	ssyncadd.s32 $0xFFFFF400;
	(pc) =	sbr.rel @p3 .LBB2_4-.Ltmp3, $3  }
0x33: {  	[spmem:s30] =	stream.linear.scatter [tilespmem:s16], [sflag:$0x5], $0xC00, $0x38;
	[tilespmem:$0x1E400] =	vst v63  }
0x34: {  	s13 =	sadd.s32 $0x3000, s13;
	_ =	sdelay $0x1  }
0x35: {  	_ =	swait.ge [sflag:s17], $0xC00  }
0x36: {  	[sflag:s17] =	ssyncset.done $0x0  }
0x37: {  	s13 =	simm.s32 @!p0 $0x9F80;
	[sflag:s17] =	ssyncadd.s32 $0xFFFFF400  }
0x38: {  	[spmem:s6] =	stream.linear.scatter @!p0 [tilespmem:s13], [sflag:$0x5], $0x800, $0x38;
	[tilespmem:$0x1E400] =	vst v63  }
0x39: {  	s13 =	simm.s32 @!p0 $0x5  }
0x3a: {  	_ =	swait.ge @!p0 [sflag:s13], $0x800  }
0x3b: {  	[sflag:s13] =	ssyncset.done @!p0 $0x0  }
0x3c: {  	[sflag:s13] =	ssyncadd.s32 @!p0 $0xFFFFF800  }
0x3d: {  	[tilespmem:s2], [sflag:$0x5] =	stream.linear.gather [hbm4b:s7+s2], $0x4E20, $0x38;
	[tilespmem:$0x1E400] =	vst v63  }
.Ltmp4:
0x3e: {  	_ =	swait.ge [sflag:s17], $0x4E20;
	(pc) =	sbr.rel @p1 .LBB2_11-.Ltmp4, $4  }
0x3f: {  	[sflag:s17] =	ssyncset.done $0x0  }
0x40: {  	[sflag:s17] =	ssyncadd.s32 $0xFFFFB1E0  }
0x41: {  	[bflag:$0x0] =	sbarrier.arrive $0xFFFF  }
0x42: {  	[tilespmem:s18], [sflag:$0x3] =	stream.linear.gather [hbm4b:s8+s2], $0x50, $0x38;
	[tilespmem:$0x1E400] =	vst v63  }
0x43: {  	[tilespmem:s20], [sflag:$0x1] =	stream.indirect.gather [hbm4b:s3+s19], $0x80, s2, s19, $0xb8;
	[tilespmem:$0x1E400] =	vst v63  }
0x44: {  	_ = 	snop  }
0x45: {  	[tilespmem:s21], [sflag:$0x4] =	stream.linear.gather [hbm4b:s14+s2], $0x50, $0x38;
	[tilespmem:$0x1E400] =	vst v63  }
0x46: {  	s13 =	simm.s32 $0x50  }
0x47: {  	[tilespmem:s22], [sflag:$0x2] =	stream.indirect.gather [hbm4b:s3+s19], $0x80, s13, s19, $0xb8;
	[tilespmem:$0x1E400] =	vst v63  }
0x48: {  	_ =	swait.ge [sflag:s23], $0x50  }
0x49: {  	[sflag:s23] =	ssyncset.done $0x0  }
0x4a: {  	[sflag:s23] =	ssyncadd.s32 $0xFFFFFFB0  }
0x4b: {  	_ =	swait.ge [sflag:s24], $0x2800  }
0x4c: {  	[sflag:s24] =	ssyncset.done $0x0  }
0x4d: {  	[sflag:s24] =	ssyncadd.s32 $0xFFFFD800  }
0x4e: {  	[spmem:s1] =	stream.indirect.scatter.add.f32 [tilespmem:s20], [sflag:$0x5], $0x80, s18, s19, $0xb8;
	[tilespmem:$0x1E400] =	vst v63  }
0x4f: {  	_ =	swait.ge [sflag:s17], $0x2800  }
0x50: {  	[sflag:s17] =	ssyncset.done $0x0  }
0x51: {  	s28 =	sadd.s32 $0xA, s14;
	[sflag:s17] =	ssyncadd.s32 $0xFFFFD800  }
0x52: {  	[tilespmem:s18], [sflag:$0x3] =	stream.linear.gather [hbm4b:s28+s2], $0x50, $0x38;
	[tilespmem:$0x1E400] =	vst v63  }
0x53: {  	s31 =	simm.s32 $0xA0  }
0x54: {  	[tilespmem:s20], [sflag:$0x1] =	stream.indirect.gather [hbm4b:s3+s19], $0x80, s31, s19, $0xb8;
	[tilespmem:$0x1E400] =	vst v63  }
0x55: {  	_ =	swait.ge [sflag:s25], $0x50  }
0x56: {  	[sflag:s25] =	ssyncset.done $0x0  }
0x57: {  	[sflag:s25] =	ssyncadd.s32 $0xFFFFFFB0  }
0x58: {  	_ =	swait.ge [sflag:s26], $0x2800  }
0x59: {  	[sflag:s26] =	ssyncset.done $0x0  }
0x5a: {  	[sflag:s26] =	ssyncadd.s32 $0xFFFFD800  }
0x5b: {  	[spmem:s1] =	stream.indirect.scatter.add.f32 [tilespmem:s22], [sflag:$0x5], $0x80, s21, s19, $0xb8;
	[tilespmem:$0x1E400] =	vst v63  }
0x5c: {  	_ =	swait.ge [sflag:s17], $0x2800  }
0x5d: {  	s30 =	sadd.s32 $0x14, s14;
	s13 =	simm.s32 $0xFFFECC80;
	[sflag:s17] =	ssyncset.done $0x0  }
.LBB2_7:
0x5e: {  	s28 =	smov.u32 s13  }
0x5f: {  	s31 =	sshra.s32 s13, $0x2;
	[sflag:s17] =	ssyncadd.s32 $0xFFFFD800;
	s28 =	sadd.s32 $0x280, s13  }
0x60: {  	[tilespmem:s21], [sflag:$0x4] =	stream.linear.gather [hbm4b:s30+s2], $0x50, $0x38;
	[tilespmem:$0x1E400] =	vst v63  }
0x61: {  	p3 =	sne.s32 s13, $0xFFFFFD80;
	s5 =	sadd.s32 $0x4DD0, s31  }
0x62: {  	[tilespmem:s22], [sflag:$0x2] =	stream.indirect.gather [hbm4b:s3+s19], $0x80, s5, s19, $0xb8;
	[tilespmem:$0x1E400] =	vst v63  }
0x63: {  	_ =	swait.ge [sflag:s23], $0x50  }
0x64: {  	[sflag:s23] =	ssyncset.done $0x0  }
0x65: {  	[sflag:s23] =	ssyncadd.s32 $0xFFFFFFB0  }
0x66: {  	_ =	swait.ge [sflag:s24], $0x2800  }
0x67: {  	[sflag:s24] =	ssyncset.done $0x0  }
0x68: {  	[sflag:s24] =	ssyncadd.s32 $0xFFFFD800  }
0x69: {  	[spmem:s1] =	stream.indirect.scatter.add.f32 [tilespmem:s20], [sflag:$0x5], $0x80, s18, s19, $0xb8;
	[tilespmem:$0x1E400] =	vst v63  }
0x6a: {  	_ =	swait.ge [sflag:s17], $0x2800  }
0x6b: {  	[sflag:s17] =	ssyncset.done $0x0  }
0x6c: {  	s5 =	sadd.s32 $0xA, s30;
	[sflag:s17] =	ssyncadd.s32 $0xFFFFD800  }
0x6d: {  	[tilespmem:s18], [sflag:$0x3] =	stream.linear.gather [hbm4b:s5+s2], $0x50, $0x38;
	[tilespmem:$0x1E400] =	vst v63  }
0x6e: {  	s5 =	sadd.s32 $0x4E20, s31  }
0x6f: {  	[tilespmem:s20], [sflag:$0x1] =	stream.indirect.gather [hbm4b:s3+s19], $0x80, s5, s19, $0xb8;
	[tilespmem:$0x1E400] =	vst v63  }
0x70: {  	_ =	swait.ge [sflag:s25], $0x50  }
0x71: {  	[sflag:s25] =	ssyncset.done $0x0  }
0x72: {  	[sflag:s25] =	ssyncadd.s32 $0xFFFFFFB0  }
0x73: {  	_ =	swait.ge [sflag:s26], $0x2800  }
.Ltmp5:
0x74: {  	[sflag:s26] =	ssyncset.done $0x0;
	(pc) =	sbr.rel @p3 .LBB2_7-.Ltmp5, $4  }
0x75: {  	[sflag:s26] =	ssyncadd.s32 $0xFFFFD800  }
0x76: {  	[spmem:s1] =	stream.indirect.scatter.add.f32 [tilespmem:s22], [sflag:$0x5], $0x80, s21, s19, $0xb8;
	[tilespmem:$0x1E400] =	vst v63  }
0x77: {  	_ =	swait.ge [sflag:s17], $0x2800  }
0x78: {  	s13 =	smov.u32 s28;
	s30 =	sadd.s32 $0x14, s30;
	[sflag:s17] =	ssyncset.done $0x0  }
0x79: {  	[sflag:s17] =	ssyncadd.s32 $0xFFFFD800;
	s5 =	simm.s32 $0x0  }
0x7a: {  	[tilespmem:s21], [sflag:$0x4] =	stream.linear.gather [hbm4b:s9+s5], $0x50, $0x38;
	[tilespmem:$0x1E400] =	vst v63  }
0x7b: {  	s13 =	simm.s32 $0x4DD0  }
0x7c: {  	[tilespmem:s22], [sflag:$0x2] =	stream.indirect.gather [hbm4b:s3+s19], $0x80, s13, s19, $0xb8;
	[tilespmem:$0x1E400] =	vst v63  }
0x7d: {  	_ =	swait.ge [sflag:s23], $0x50  }
0x7e: {  	[sflag:s23] =	ssyncset.done $0x0  }
0x7f: {  	[sflag:s23] =	ssyncadd.s32 $0xFFFFFFB0  }
0x80: {  	_ =	swait.ge [sflag:s24], $0x2800  }
0x81: {  	[sflag:s24] =	ssyncset.done $0x0  }
0x82: {  	[sflag:s24] =	ssyncadd.s32 $0xFFFFD800  }
0x83: {  	[spmem:s1] =	stream.indirect.scatter.add.f32 [tilespmem:s20], [sflag:$0x5], $0x80, s18, s19, $0xb8;
	[tilespmem:$0x1E400] =	vst v63  }
0x84: {  	_ =	swait.ge [sflag:s17], $0x2800  }
0x85: {  	[sflag:s17] =	ssyncset.done $0x0  }
0x86: {  	[sflag:s17] =	ssyncadd.s32 $0xFFFFD800  }
0x87: {  	_ =	swait.ge [sflag:s25], $0x50  }
0x88: {  	[sflag:s25] =	ssyncset.done $0x0  }
0x89: {  	[sflag:s25] =	ssyncadd.s32 $0xFFFFFFB0  }
0x8a: {  	_ =	swait.ge [sflag:s26], $0x2800  }
0x8b: {  	[sflag:s26] =	ssyncset.done $0x0  }
0x8c: {  	[sflag:s26] =	ssyncadd.s32 $0xFFFFD800  }
0x8d: {  	[spmem:s1] =	stream.indirect.scatter.add.f32 [tilespmem:s22], [sflag:$0x5], $0x80, s21, s19, $0xb8;
	[tilespmem:$0x1E400] =	vst v63  }
0x8e: {  	_ =	swait.ge [sflag:s17], $0x2800  }
0x8f: {  	[sflag:s17] =	ssyncset.done $0x0  }
0x90: {  	[sflag:s17] =	ssyncadd.s32 $0xFFFFD800  }
0x91: {  	[bflag:$0x0] =	sbarrier.arrive $0xFFFF  }
0x92: {  	[tilespmem:s16], [sflag:$0x5] =	stream.linear.gather [spmem:s0], $0xC00, $0x38;
	[tilespmem:$0x1E400] =	vst v63  }
0x93: {  	_ =	swait.ge [sflag:s17], $0xC00  }
0x94: {  	[sflag:s17] =	ssyncset.done $0x0  }
0x95: {  	s28 =	sadd.s32 $0x0, s15;
	[sflag:s17] =	ssyncadd.s32 $0xFFFFF400  }
0x96: {  	[hbm4b:s28+s2] =	stream.linear.scatter [tilespmem:s16], [sflag:$0x5], $0xC00, $0x38;
	[tilespmem:$0x1E400] =	vst v63  }
0x97: {  	_ =	swait.ge [sflag:s17], $0xC00  }
0x98: {  	s30 =	simm.s32 $0x180;
	s31 =	smov.u32 s0;
	[sflag:s17] =	ssyncset.done $0x0  }
.LBB2_9:
0x99: {  	p3 =	sne.s32 s30, $0x2580;
	[sflag:s17] =	ssyncadd.s32 $0xFFFFF400;
	s31 =	sadd.s32 $0xC00, s31  }
0x9a: {  	[tilespmem:s16], [sflag:$0x5] =	stream.linear.gather [spmem:s31], $0xC00, $0x38;
	[tilespmem:$0x1E400] =	vst v63  }
0x9b: {  	s5 =	smov.u32 s30;
	s30 =	sadd.s32 $0x180, s30;
	_ =	swait.ge [sflag:s17], $0xC00  }
.Ltmp6:
0x9c: {  	[sflag:s17] =	ssyncset.done $0x0;
	(pc) =	sbr.rel @p3 .LBB2_9-.Ltmp6, $4  }
0x9d: {  	s5 =	sadd.s32 s5, s15;
	[sflag:s17] =	ssyncadd.s32 $0xFFFFF400  }
0x9e: {  	[hbm4b:s5+s2] =	stream.linear.scatter [tilespmem:s16], [sflag:$0x5], $0xC00, $0x38;
	[tilespmem:$0x1E400] =	vst v63  }
0x9f: {  	_ =	swait.ge [sflag:s17], $0xC00  }
0xa0: {  	[sflag:s17] =	ssyncset.done $0x0  }
.Ltmp7:
0xa1: {  	(pc) =	sbr.rel @!p2 .LBB2_17-.Ltmp7, $4  }
.Ltmp8:
0xa2: {  	(pc) =	sbr.rel @p2 .LBB2_16-.Ltmp8, $4  }
0xa3: {  	_ = 	snop  }
0xa4: {  	_ = 	snop  }
0xa5: {  	[sflag:s17] =	ssyncadd.s32 $0xFFFFF400;
	s13 =	rddreg [dreg:$0x3]  }
0xa6: {  	_ = 	snop  }
.LBB2_11:
0xa7: {  	[tilespmem:s20], [sflag:$0x1] =	stream.indirect.gather [hbm4b:s4+s19], $0x80, s2, s19, $0xb8;
	[tilespmem:$0x1E400] =	vst v63  }
0xa8: {  	_ = 	snop  }
0xa9: {  	[tilespmem:s21], [sflag:$0x4] =	stream.linear.gather [hbm4b:s14+s2], $0x50, $0x38;
	[tilespmem:$0x1E400] =	vst v63  }
0xaa: {  	s5 =	simm.s32 $0x50  }
0xab: {  	[tilespmem:s22], [sflag:$0x2] =	stream.indirect.gather [hbm4b:s4+s19], $0x80, s5, s19, $0xb8;
	[tilespmem:$0x1E400] =	vst v63  }
0xac: {  	_ =	swait.ge [sflag:s23], $0x50  }
0xad: {  	[sflag:s23] =	ssyncset.done $0x0  }
0xae: {  	[sflag:s23] =	ssyncadd.s32 $0xFFFFFFB0  }
0xaf: {  	_ =	swait.ge [sflag:s24], $0x2800  }
0xb0: {  	[sflag:s24] =	ssyncset.done $0x0  }
0xb1: {  	[sflag:s24] =	ssyncadd.s32 $0xFFFFD800  }
0xb2: {  	[spmem:s1] =	stream.indirect.scatter.add.f32 [tilespmem:s20], [sflag:$0x5], $0x80, s18, s19, $0xb8;
	[tilespmem:$0x1E400] =	vst v63  }
0xb3: {  	_ =	swait.ge [sflag:s17], $0x2800  }
0xb4: {  	[sflag:s17] =	ssyncset.done $0x0  }
0xb5: {  	s28 =	sadd.s32 $0xA, s14;
	[sflag:s17] =	ssyncadd.s32 $0xFFFFD800  }
0xb6: {  	[tilespmem:s18], [sflag:$0x3] =	stream.linear.gather [hbm4b:s28+s2], $0x50, $0x38;
	[tilespmem:$0x1E400] =	vst v63  }
0xb7: {  	s31 =	simm.s32 $0xA0  }
0xb8: {  	[tilespmem:s20], [sflag:$0x1] =	stream.indirect.gather [hbm4b:s4+s19], $0x80, s31, s19, $0xb8;
	[tilespmem:$0x1E400] =	vst v63  }
0xb9: {  	_ =	swait.ge [sflag:s25], $0x50  }
0xba: {  	[sflag:s25] =	ssyncset.done $0x0  }
0xbb: {  	[sflag:s25] =	ssyncadd.s32 $0xFFFFFFB0  }
0xbc: {  	_ =	swait.ge [sflag:s26], $0x2800  }
0xbd: {  	[sflag:s26] =	ssyncset.done $0x0  }
0xbe: {  	[sflag:s26] =	ssyncadd.s32 $0xFFFFD800  }
0xbf: {  	[spmem:s1] =	stream.indirect.scatter.add.f32 [tilespmem:s22], [sflag:$0x5], $0x80, s21, s19, $0xb8;
	[tilespmem:$0x1E400] =	vst v63  }
0xc0: {  	_ =	swait.ge [sflag:s17], $0x2800  }
0xc1: {  	s13 =	simm.s32 $0xFFFECC80;
	s30 =	sadd.s32 $0x14, s14;
	[sflag:s17] =	ssyncset.done $0x0  }
.LBB2_12:
0xc2: {  	s28 =	smov.u32 s13  }
0xc3: {  	s5 =	sshra.s32 s13, $0x2;
	[sflag:s17] =	ssyncadd.s32 $0xFFFFD800;
	s28 =	sadd.s32 $0x280, s13  }
0xc4: {  	[tilespmem:s21], [sflag:$0x4] =	stream.linear.gather [hbm4b:s30+s2], $0x50, $0x38;
	[tilespmem:$0x1E400] =	vst v63  }
0xc5: {  	p3 =	seq.s32 s13, $0xFFFFFD80;
	s31 =	sadd.s32 $0x4DD0, s5  }
0xc6: {  	[tilespmem:s22], [sflag:$0x2] =	stream.indirect.gather [hbm4b:s4+s19], $0x80, s31, s19, $0xb8;
	[tilespmem:$0x1E400] =	vst v63  }
0xc7: {  	_ =	swait.ge [sflag:s23], $0x50  }
0xc8: {  	[sflag:s23] =	ssyncset.done $0x0  }
0xc9: {  	[sflag:s23] =	ssyncadd.s32 $0xFFFFFFB0  }
0xca: {  	_ =	swait.ge [sflag:s24], $0x2800  }
0xcb: {  	[sflag:s24] =	ssyncset.done $0x0  }
0xcc: {  	[sflag:s24] =	ssyncadd.s32 $0xFFFFD800  }
0xcd: {  	[spmem:s1] =	stream.indirect.scatter.add.f32 [tilespmem:s20], [sflag:$0x5], $0x80, s18, s19, $0xb8;
	[tilespmem:$0x1E400] =	vst v63  }
0xce: {  	_ =	swait.ge [sflag:s17], $0x2800  }
0xcf: {  	[sflag:s17] =	ssyncset.done $0x0  }
0xd0: {  	s13 =	sadd.s32 $0xA, s30;
	[sflag:s17] =	ssyncadd.s32 $0xFFFFD800  }
0xd1: {  	[tilespmem:s18], [sflag:$0x3] =	stream.linear.gather [hbm4b:s13+s2], $0x50, $0x38;
	[tilespmem:$0x1E400] =	vst v63  }
0xd2: {  	s5 =	sadd.s32 $0x4E20, s5  }
0xd3: {  	[tilespmem:s20], [sflag:$0x1] =	stream.indirect.gather [hbm4b:s4+s19], $0x80, s5, s19, $0xb8;
	[tilespmem:$0x1E400] =	vst v63  }
0xd4: {  	_ =	swait.ge [sflag:s25], $0x50  }
0xd5: {  	[sflag:s25] =	ssyncset.done $0x0  }
0xd6: {  	[sflag:s25] =	ssyncadd.s32 $0xFFFFFFB0  }
0xd7: {  	_ =	swait.ge [sflag:s26], $0x2800  }
.Ltmp9:
0xd8: {  	[sflag:s26] =	ssyncset.done $0x0;
	(pc) =	sbr.rel @!p3 .LBB2_12-.Ltmp9, $4  }
0xd9: {  	[sflag:s26] =	ssyncadd.s32 $0xFFFFD800  }
0xda: {  	[spmem:s1] =	stream.indirect.scatter.add.f32 [tilespmem:s22], [sflag:$0x5], $0x80, s21, s19, $0xb8;
	[tilespmem:$0x1E400] =	vst v63  }
0xdb: {  	_ =	swait.ge [sflag:s17], $0x2800  }
0xdc: {  	s30 =	sadd.s32 $0x14, s30;
	s13 =	smov.u32 s28;
	[sflag:s17] =	ssyncset.done $0x0  }
0xdd: {  	[sflag:s17] =	ssyncadd.s32 $0xFFFFD800;
	s5 =	simm.s32 $0x0  }
0xde: {  	[tilespmem:s21], [sflag:$0x4] =	stream.linear.gather [hbm4b:s9+s5], $0x50, $0x38;
	[tilespmem:$0x1E400] =	vst v63  }
0xdf: {  	s13 =	simm.s32 $0x4DD0  }
0xe0: {  	[tilespmem:s22], [sflag:$0x2] =	stream.indirect.gather [hbm4b:s4+s19], $0x80, s13, s19, $0xb8;
	[tilespmem:$0x1E400] =	vst v63  }
0xe1: {  	_ =	swait.ge [sflag:s23], $0x50  }
0xe2: {  	[sflag:s23] =	ssyncset.done $0x0  }
0xe3: {  	[sflag:s23] =	ssyncadd.s32 $0xFFFFFFB0  }
0xe4: {  	_ =	swait.ge [sflag:s24], $0x2800  }
0xe5: {  	[sflag:s24] =	ssyncset.done $0x0  }
0xe6: {  	[sflag:s24] =	ssyncadd.s32 $0xFFFFD800  }
0xe7: {  	[spmem:s1] =	stream.indirect.scatter.add.f32 [tilespmem:s20], [sflag:$0x5], $0x80, s18, s19, $0xb8;
	[tilespmem:$0x1E400] =	vst v63  }
0xe8: {  	_ =	swait.ge [sflag:s17], $0x2800  }
0xe9: {  	[sflag:s17] =	ssyncset.done $0x0  }
0xea: {  	[sflag:s17] =	ssyncadd.s32 $0xFFFFD800  }
0xeb: {  	_ =	swait.ge [sflag:s25], $0x50  }
0xec: {  	[sflag:s25] =	ssyncset.done $0x0  }
0xed: {  	[sflag:s25] =	ssyncadd.s32 $0xFFFFFFB0  }
0xee: {  	_ =	swait.ge [sflag:s26], $0x2800  }
0xef: {  	[sflag:s26] =	ssyncset.done $0x0  }
0xf0: {  	[sflag:s26] =	ssyncadd.s32 $0xFFFFD800  }
0xf1: {  	[spmem:s1] =	stream.indirect.scatter.add.f32 [tilespmem:s22], [sflag:$0x5], $0x80, s21, s19, $0xb8;
	[tilespmem:$0x1E400] =	vst v63  }
0xf2: {  	_ =	swait.ge [sflag:s17], $0x2800  }
0xf3: {  	[sflag:s17] =	ssyncset.done $0x0  }
0xf4: {  	[sflag:s17] =	ssyncadd.s32 $0xFFFFD800  }
0xf5: {  	[bflag:$0x0] =	sbarrier.arrive $0xFFFF  }
0xf6: {  	[tilespmem:s16], [sflag:$0x5] =	stream.linear.gather [spmem:s0], $0xC00, $0x38;
	[tilespmem:$0x1E400] =	vst v63  }
0xf7: {  	_ =	swait.ge [sflag:s17], $0xC00  }
0xf8: {  	s30 =	sadd.s32 s11, s10;
	[sflag:s17] =	ssyncset.done $0x0  }
0xf9: {  	s28 =	sadd.s32 $0x0, s30;
	[sflag:s17] =	ssyncadd.s32 $0xFFFFF400  }
0xfa: {  	[hbm4b:s28+s2] =	stream.linear.scatter [tilespmem:s16], [sflag:$0x5], $0xC00, $0x38;
	[tilespmem:$0x1E400] =	vst v63  }
0xfb: {  	_ =	swait.ge [sflag:s17], $0xC00  }
0xfc: {  	s31 =	simm.s32 $0x180;
	s13 =	smov.u32 s0;
	[sflag:s17] =	ssyncset.done $0x0  }
.LBB2_14:
0xfd: {  	p3 =	sne.s32 s31, $0x2580;
	[sflag:s17] =	ssyncadd.s32 $0xFFFFF400;
	s13 =	sadd.s32 $0xC00, s13  }
0xfe: {  	[tilespmem:s16], [sflag:$0x5] =	stream.linear.gather [spmem:s13], $0xC00, $0x38;
	[tilespmem:$0x1E400] =	vst v63  }
0xff: {  	s5 =	smov.u32 s31;
	s31 =	sadd.s32 $0x180, s31;
	_ =	swait.ge [sflag:s17], $0xC00  }
.Ltmp10:
0x100: {  	[sflag:s17] =	ssyncset.done $0x0;
	(pc) =	sbr.rel @p3 .LBB2_14-.Ltmp10, $4  }
0x101: {  	s5 =	sadd.s32 s5, s30;
	[sflag:s17] =	ssyncadd.s32 $0xFFFFF400  }
0x102: {  	[hbm4b:s5+s2] =	stream.linear.scatter [tilespmem:s16], [sflag:$0x5], $0xC00, $0x38;
	[tilespmem:$0x1E400] =	vst v63  }
0x103: {  	_ =	swait.ge [sflag:s17], $0xC00  }
0x104: {  	[sflag:s17] =	ssyncset.done $0x0  }
.Ltmp11:
0x105: {  	(pc) =	sbr.rel @p0 .LBB2_17-.Ltmp11, $4  }
.Ltmp12:
0x106: {  	(pc) =	sbr.rel @!p0 .LBB2_16-.Ltmp12, $4  }
0x107: {  	_ = 	snop  }
0x108: {  	_ = 	snop  }
0x109: {  	[sflag:s17] =	ssyncadd.s32 $0xFFFFF400;
	s13 =	smov.u32 s11  }
0x10a: {  	_ = 	snop  }
.LBB2_18:
0x10b: {  	_ =	sfence.sel $0x180000  }
0x10c: {  	[bflag:$0x0] =	sbarrier.arrive $0xFFFF  }
0x10d: {  	_ =	strace $0x90000050  }
0x10e: {  	[bflag:$0x2] =	sbarrier.arrive $0xFFFF  }
0x10f: {  	s0 =	rddreg [dreg:$0x2]  }
0x110: {  	s0 =	sadd.s32 @!p0 $0x100000, s0  }
0x111: {  	[sflag:s0] =	ssyncadd.tile.s32 @!p0 $0x1;
	_ =	shalt  }
.Lfunc_end2:
_tile_overlayer_lowered:
.L_overlay_start_2:
0x112: {  	(tag) =	ssettag $0x2  }
0x113: {  	s0 =	rddreg [dreg:$0x0];
	s2 =	stileid.u32  }
0x114: {  	s1 =	rddreg [dreg:$0x1];
	p0 =	sne.s32 s2, $0x0  }
0x115: {  	s3 =	rddreg [dreg:$0x2];
	[bflag:$0x3] =	sbarrier.arrive $0xFFFF;
	s2 =	simm.s32 @!p0 $0x1C05  }
0x116: {  	[timem:s3], [sflag:s2] =	dma.local @!p0 [hbm:s0], s1  }
0x117: {  	s0 =	simm.s32 @!p0 $0x5  }
0x118: {  	_ =	swait.ge @!p0 [sflag:s0], s1  }
0x119: {  	s1 =	ssub.s32 @!p0 $0x0, s1;
	[sflag:s0] =	ssyncset.done @!p0 $0x0  }
0x11a: {  	[sflag:s0] =	ssyncadd.s32 @!p0 s1  }
0x11b: {  	[bflag:$0x3] =	sbarrier.arrive $0xFFFF  }
0x11c: {  	_ =	shalt  }

</sc_bundles>
